<compile_context>
chip_gen: v7x
topology: tpu7x:2x2x1
jax: 0.10.2.dev20260603
libtpu: 0.0.44.dev20260713+nightly
codegen_flags: <defaults>
</compile_context>

<pallas_src>
import functools

import jax
import jax.numpy as jnp
from jax import lax
from jax.experimental import pallas as pl
from jax.experimental.pallas import tpu as pltpu
from jax.experimental.pallas import tpu_sc as plsc

N = 10000
E = 320000
FD = 128
FDP = 64
MROW = 128
NB = 2000
EB = 2000
EPT = E // 16
GCH = 128
NFULL = EPT // GCH
GTAIL = EPT - NFULL * GCH
MCH = 2000
SCH = 80
SNF = EPT // SCH
NPAD = 10240
NPT = NPAD // 16
NHALF = N // 2
NBF = 1000

_f32 = jnp.float32

_SC_MESH = plsc.VectorSubcoreMesh(core_axis_name="c", subcore_axis_name="s")


def _leaky(x):
    return jnp.where(x >= 0, x, 0.2 * x)


def _proj_body(nf_ref, w_ref, o0, o1, o2, o3):
    p = jnp.dot(nf_ref[...], w_ref[...], preferred_element_type=_f32)
    o0[...] = p[:, 0:128]
    o1[...] = p[:, 128:256]
    o2[...] = p[:, 256:384]
    o3[...] = p[:, 384:512]


def _proj(nf, wp):
    return pl.pallas_call(
        _proj_body,
        grid=(N // NB,),
        in_specs=[
            pl.BlockSpec((NB, FD), lambda i: (i, 0)),
            pl.BlockSpec((FD, 512), lambda i: (0, 0)),
        ],
        out_specs=[pl.BlockSpec((NB, FD), lambda i: (i, 0))] * 4,
        out_shape=[jax.ShapeDtypeStruct((N, FD), _f32)] * 4,
    )(nf, wp)


def _gather(pcs, pcd, pns, pnd, csrc, cdst, nsrc, ndst):
    @functools.partial(
        pl.kernel,
        out_type=[jax.ShapeDtypeStruct((E, FD), _f32)] * 4,
        mesh=_SC_MESH,
        scratch_types=[
            pltpu.VMEM((GCH,), jnp.int32),
            pltpu.VMEM((GCH,), jnp.int32),
            pltpu.VMEM((GCH,), jnp.int32),
            pltpu.VMEM((GCH,), jnp.int32),
            pltpu.VMEM((GCH,), jnp.int32),
            pltpu.VMEM((GCH,), jnp.int32),
            pltpu.VMEM((GTAIL,), jnp.int32),
            pltpu.VMEM((GTAIL,), jnp.int32),
            pltpu.VMEM((GCH, FD), _f32),
            pltpu.VMEM((GCH, FD), _f32),
            pltpu.VMEM((GCH, FD), _f32),
            pltpu.VMEM((GCH, FD), _f32),
            pltpu.VMEM((GCH, FD), _f32),
            pltpu.VMEM((GCH, FD), _f32),
            pltpu.SemaphoreType.DMA,
            pltpu.SemaphoreType.DMA,
            pltpu.SemaphoreType.DMA,
            pltpu.SemaphoreType.DMA,
            pltpu.SemaphoreType.DMA,
            pltpu.SemaphoreType.DMA,
        ],
    )
    def k(pcs_h, pcd_h, pns_h, pnd_h, cs_h, cd_h, ns_h, nd_h,
          ocs_h, ocd_h, ons_h, ond_h,
          ia0, ia1, ia2, ib0, ib1, ib2, ta, tb,
          ba0, ba1, ba2, bb0, bb1, bb2,
          sg0, sg1, sg2, sw0, sw1, sw2):
        c = lax.axis_index("c")
        s = lax.axis_index("s")
        ias = (ia0, ia1, ia2)
        ibs = (ib0, ib1, ib2)
        bas = (ba0, ba1, ba2)
        bbs = (bb0, bb1, bb2)
        sg = (sg0, sg1, sg2)
        sw = (sw0, sw1, sw2)

        def run(src_h, dst_h, tsrc_h, tdst_h, osrc_h, odst_h):
            def lsync(i, b):
                base = s * EPT + i * GCH
                pltpu.sync_copy(src_h.at[pl.ds(base, GCH)], ias[b])
                pltpu.sync_copy(dst_h.at[pl.ds(base, GCH)], ibs[b])

            def gissue(b):
                pltpu.async_copy(tsrc_h.at[ias[b]], bas[b], sg[b])
                pltpu.async_copy(tdst_h.at[ibs[b]], bbs[b], sg[b])

            def gwait(b):
                pltpu.make_async_copy(tsrc_h.at[ias[b]], bas[b], sg[b]).wait()
                pltpu.make_async_copy(tdst_h.at[ibs[b]], bbs[b], sg[b]).wait()

            def wissue(i, b):
                base = s * EPT + i * GCH
                pltpu.async_copy(bas[b], osrc_h.at[pl.ds(base, GCH)], sw[b])
                pltpu.async_copy(bbs[b], odst_h.at[pl.ds(base, GCH)], sw[b])

            def wwait(i, b):
                base = s * EPT + i * GCH
                pltpu.make_async_copy(bas[b], osrc_h.at[pl.ds(base, GCH)],
                                      sw[b]).wait()
                pltpu.make_async_copy(bbs[b], odst_h.at[pl.ds(base, GCH)],
                                      sw[b]).wait()

            for b in range(3):
                lsync(b, b)
                gissue(b)

            def outer(g, _):
                for b in range(3):
                    i = g * 3 + b
                    gwait(b)
                    wissue(i, b)
                    lsync(i + 3, b)
                    wwait(i, b)
                    gissue(b)
                return 0
            lax.fori_loop(0, NFULL // 3 - 1, outer, 0)
            for b in range(3):
                i = NFULL - 3 + b
                gwait(b)
                wissue(i, b)
                wwait(i, b)
            base = s * EPT + NFULL * GCH
            pltpu.sync_copy(src_h.at[pl.ds(base, GTAIL)], ta)
            pltpu.sync_copy(dst_h.at[pl.ds(base, GTAIL)], tb)
            da = pltpu.async_copy(tsrc_h.at[ta], bas[0].at[pl.ds(0, GTAIL)], sg[0])
            db = pltpu.async_copy(tdst_h.at[tb], bbs[0].at[pl.ds(0, GTAIL)], sg[0])
            da.wait()
            db.wait()
            pltpu.sync_copy(bas[0].at[pl.ds(0, GTAIL)], osrc_h.at[pl.ds(base, GTAIL)])
            pltpu.sync_copy(bbs[0].at[pl.ds(0, GTAIL)], odst_h.at[pl.ds(base, GTAIL)])

        @pl.when(c == 0)
        def _():
            run(cs_h, cd_h, pcs_h, pcd_h, ocs_h, ocd_h)

        @pl.when(c == 1)
        def _():
            run(ns_h, nd_h, pns_h, pnd_h, ons_h, ond_h)

    return k(pcs, pcd, pns, pnd, csrc, cdst, nsrc, ndst)


def _cell_body(gs_ref, gd_ref, ef_ref,
               wef_f, b1f, w2f, b2f, w3k, b3k, w3f1, b3f1, w3f2, b3f2,
               wef_b, b1b, w2b, b2b, w3b, b3b,
               out_ref, f2t_ref):
    pre = gs_ref[...] + gd_ref[...]
    x_pre = pre[:, 0:64]
    y_pre = pre[:, 64:128]
    ef = ef_ref[...]
    x = x_pre + jnp.dot(ef[:, 6:10], wef_f[...],
                               preferred_element_type=_f32) + b1f[...]
    x = _leaky(x)
    x = _leaky(jnp.dot(x, w2f[...], preferred_element_type=_f32) + b2f[...])
    gate = jnp.dot(x, w3k[...], preferred_element_type=_f32) + b3k[...]
    gate = 1.0 / (1.0 + jnp.exp(-gate))
    f1 = (jnp.dot(x, w3f1[...], preferred_element_type=_f32) + b3f1[...]) * gate
    f2t = lax.dot_general(w3f2[...], x, (((0,), (1,)), ((), ())),
                          preferred_element_type=_f32)
    f2t = (f2t + b3f2[...]) * jnp.reshape(gate, (1, EB))
    y = y_pre + jnp.dot(ef[:, 0:6], wef_b[...],
                                 preferred_element_type=_f32) + b1b[...]
    y = _leaky(y)
    y = _leaky(jnp.dot(y, w2b[...], preferred_element_type=_f32) + b2b[...])
    msgb = jnp.dot(y, w3b[...], preferred_element_type=_f32) + b3b[...]
    ones = jnp.ones((EB, 1), _f32)
    pad = jnp.zeros((EB, MROW - 97), _f32)
    out_ref[...] = jnp.concatenate([f1, msgb, ones, pad], axis=1)
    f2t_ref[...] = jnp.reshape(f2t, (1, 32, EB))


def _cell_mlp(gcs, gcd, cef, w):
    wspecs = [pl.BlockSpec(x.shape, lambda i: (0,) * x.ndim) for x in w]
    return pl.pallas_call(
        _cell_body,
        grid=(E // EB,),
        in_specs=[
            pl.BlockSpec((EB, FD), lambda i: (i, 0)),
            pl.BlockSpec((EB, FD), lambda i: (i, 0)),
            pl.BlockSpec((EB, 10), lambda i: (i, 0)),
        ] + wspecs,
        out_specs=[
            pl.BlockSpec((EB, MROW), lambda i: (i, 0)),
            pl.BlockSpec((1, 32, EB), lambda i: (i, 0, 0)),
        ],
        out_shape=[
            jax.ShapeDtypeStruct((E, MROW), _f32),
            jax.ShapeDtypeStruct((E // EB, 32, EB), _f32),
        ],
    )(gcs, gcd, cef, *w)


def _net_body(gs_ref, gd_ref, ef_ref,
              wef_f, b1f, w2f, b2f, w3f, b3f,
              wef_b, b1b, w2b, b2b, w3b, b3b,
              out_ref):
    pre = gs_ref[...] + gd_ref[...]
    x_pre = pre[:, 0:64]
    y_pre = pre[:, 64:128]
    ef = ef_ref[...]
    x = x_pre + jnp.dot(ef, wef_f[...], preferred_element_type=_f32) + b1f[...]
    x = _leaky(x)
    x = _leaky(jnp.dot(x, w2f[...], preferred_element_type=_f32) + b2f[...])
    msgf = jnp.dot(x, w3f[...], preferred_element_type=_f32) + b3f[...]
    y = y_pre + jnp.dot(ef, wef_b[...], preferred_element_type=_f32) + b1b[...]
    y = _leaky(y)
    y = _leaky(jnp.dot(y, w2b[...], preferred_element_type=_f32) + b2b[...])
    msgb = jnp.dot(y, w3b[...], preferred_element_type=_f32) + b3b[...]
    out_ref[...] = jnp.concatenate([msgf, msgb], axis=1)


def _net_mlp(gns, gnd, nef, w):
    wspecs = [pl.BlockSpec(x.shape, lambda i: (0,) * x.ndim) for x in w]
    return pl.pallas_call(
        _net_body,
        grid=(E // EB,),
        in_specs=[
            pl.BlockSpec((EB, FD), lambda i: (i, 0)),
            pl.BlockSpec((EB, FD), lambda i: (i, 0)),
            pl.BlockSpec((EB, 16), lambda i: (i, 0)),
        ] + wspecs,
        out_specs=pl.BlockSpec((EB, MROW), lambda i: (i, 0)),
        out_shape=jax.ShapeDtypeStruct((E, MROW), _f32),
    )(gns, gnd, nef, *w)


def _scatter(mc, mn, cdst, ndst, f2t):
    @functools.partial(
        pl.kernel,
        out_type=[
            jax.ShapeDtypeStruct((N, MROW), _f32),
            jax.ShapeDtypeStruct((N, MROW), _f32),
            jax.ShapeDtypeStruct((32 * N,), _f32),
        ],
        mesh=_SC_MESH,
        scratch_types=[
            pltpu.VMEM((SCH,), jnp.int32),
            pltpu.VMEM((SCH,), jnp.int32),
            pltpu.VMEM((2, SCH, MROW), _f32),
            pltpu.VMEM((MCH,), _f32),
            pltpu.VMEM((MCH,), _f32),
            pltpu.VMEM((MCH,), jnp.int32),
            pltpu.VMEM((MCH,), jnp.int32),
            pltpu.VMEM((N,), _f32),
            pltpu.MemorySpace.VMEM_SHARED((NPAD, MROW), _f32),
            pltpu.SemaphoreType.DMA,
            pltpu.SemaphoreType.DMA,
            pltpu.SemaphoreType.DMA,
            pltpu.SemaphoreType.DMA,
            pltpu.SemaphoreType.DMA,
            pltpu.SemaphoreType.DMA,
            pltpu.SemaphoreType.DMA,
            pltpu.SemaphoreType.DMA,
        ],
        compiler_params=pltpu.CompilerParams(needs_layout_passes=False),
    )
    def k(mc_h, mn_h, cd_h, nd_h, f2t_h,
          accc_h, accn_h, maxo_h,
          ia0, ia1, msg2, fb0, fb1, dbb0, dbb1, maxacc, acc_sh,
          smm0, smm1, smi0, smi1, smf0, smf1, smd0, smd1):
        c = lax.axis_index("c")
        s = lax.axis_index("s")
        t = s * 2 + c
        smm = (smm0, smm1)
        smi = (smi0, smi1)
        smf = (smf0, smf1)
        smd = (smd0, smd1)
        ia = (ia0, ia1)
        fb = (fb0, fb1)
        dbb = (dbb0, dbb1)

        def zrow(r, _):
            for j in range(MROW // 16):
                msg2[0, r, pl.ds(j * 16, 16)] = jnp.zeros((16,), _f32)
            return 0
        lax.fori_loop(0, SCH, zrow, 0)
        for j in range(NPT // SCH):
            pltpu.sync_copy(msg2.at[0], acc_sh.at[pl.ds(s * NPT + j * SCH, SCH)])

        plsc.subcore_barrier()

        def sums(m_h, d_h):
            def ld(i, p):
                base = s * EPT + i * SCH
                pltpu.async_copy(m_h.at[pl.ds(base, SCH)], msg2.at[p], smm[p])
                pltpu.async_copy(d_h.at[pl.ds(base, SCH)], ia[p], smi[p])

            def wait_ld(i, p):
                base = s * EPT + i * SCH
                pltpu.make_async_copy(m_h.at[pl.ds(base, SCH)], msg2.at[p],
                                      smm[p]).wait()
                pltpu.make_async_copy(d_h.at[pl.ds(base, SCH)], ia[p],
                                      smi[p]).wait()

            ld(0, 0)
            ld(1, 1)

            def outer(o, _):
                for p in range(2):
                    i = 2 * o + p
                    wait_ld(i, p)
                    pltpu.sync_copy(msg2.at[p], acc_sh.at[ia[p]], add=True)
                    ld(i + 2, p)
                return 0
            lax.fori_loop(0, (SNF - 2) // 2, outer, 0)
            for p in range(2):
                i = SNF - 2 + p
                wait_ld(i, p)
                pltpu.sync_copy(msg2.at[p], acc_sh.at[ia[p]], add=True)

        @pl.when(c == 0)
        def _():
            sums(mc_h, cd_h)
            def zc(r, _):
                for j in range(MROW // 16):
                    col = jnp.where(lax.iota(jnp.int32, 16) == 1, 1.0, 0.0) \
                        if j == 6 else jnp.zeros((16,), _f32)
                    msg2[0, r, pl.ds(j * 16, 16)] = col
                return 0
            lax.fori_loop(0, SCH, zc, 0)

            def dld(i, p):
                pltpu.async_copy(nd_h.at[pl.ds(s * EPT + i * SCH, SCH)],
                                 ia[p], smi[p])

            def dwait(i, p):
                pltpu.make_async_copy(nd_h.at[pl.ds(s * EPT + i * SCH, SCH)],
                                      ia[p], smi[p]).wait()

            dld(0, 0)
            dld(1, 1)

            def douter(o, _):
                for p in range(2):
                    i = 2 * o + p
                    dwait(i, p)
                    pltpu.sync_copy(msg2.at[0], acc_sh.at[ia[p]], add=True)
                    dld(i + 2, p)
                return 0
            lax.fori_loop(0, (SNF - 2) // 2, douter, 0)
            for p in range(2):
                i = SNF - 2 + p
                dwait(i, p)
                pltpu.sync_copy(msg2.at[0], acc_sh.at[ia[p]], add=True)

        @pl.when(c == 1)
        def _():
            sums(mn_h, nd_h)

        lane = lax.iota(jnp.int32, 16)

        def minit(i, _):
            maxacc[pl.ds(i * 16, 16)] = jnp.full((16,), -jnp.inf, _f32)
            return 0
        lax.fori_loop(0, N // 16, minit, 0)

        def mld(i, p):
            pltpu.async_copy(f2t_h.at[pl.ds(i * (32 * MCH) + t * MCH, MCH)],
                             fb[p], smf[p])
            pltpu.async_copy(cd_h.at[pl.ds(i * MCH, MCH)], dbb[p], smd[p])

        def mwait(i, p):
            pltpu.make_async_copy(f2t_h.at[pl.ds(i * (32 * MCH) + t * MCH, MCH)],
                                  fb[p], smf[p]).wait()
            pltpu.make_async_copy(cd_h.at[pl.ds(i * MCH, MCH)], dbb[p],
                                  smd[p]).wait()

        mld(0, 0)
        mld(1, 1)

        def mchunk(o, _):
            for p in range(2):
                i = 2 * o + p
                mwait(i, p)

                def vec(kk, _):
                    d = dbb[p][pl.ds(kk * 16, 16)]
                    v = fb[p][pl.ds(kk * 16, 16)]
                    ds_, vs = plsc.sort_key_val(d, v)
                    for sft in (1, 2, 4, 8):
                        idxm = jnp.maximum(lane - sft, 0)
                        kp = ds_.at[idxm].get(mode="promise_in_bounds")
                        vp = vs.at[idxm].get(mode="promise_in_bounds")
                        vs = jnp.where(kp == ds_, jnp.maximum(vs, vp), vs)
                    for sft in (1, 2, 4, 8):
                        idxp = jnp.minimum(lane + sft, 15)
                        kp = ds_.at[idxp].get(mode="promise_in_bounds")
                        vp = vs.at[idxp].get(mode="promise_in_bounds")
                        vs = jnp.where(kp == ds_, jnp.maximum(vs, vp), vs)
                    cur = plsc.load_gather(maxacc, [ds_])
                    plsc.store_scatter(maxacc, [ds_], jnp.maximum(cur, vs))
                    return 0

                lax.fori_loop(0, MCH // 16, vec, 0)

                @pl.when(i < E // MCH - 2)
                def _():
                    mld(i + 2, p)
            return 0

        lax.fori_loop(0, E // MCH // 2, mchunk, 0)
        for j in range(N // NBF):
            pltpu.sync_copy(maxacc.at[pl.ds(j * NBF, NBF)],
                            maxo_h.at[pl.ds(j * (32 * NBF) + t * NBF, NBF)])

        plsc.subcore_barrier()

        def acc_out(out_h):
            @pl.when(s < 15)
            def _():
                pltpu.sync_copy(acc_sh.at[pl.ds(s * NPT, NPT)],
                                out_h.at[pl.ds(s * NPT, NPT)])

            @pl.when(s == 15)
            def _():
                pltpu.sync_copy(acc_sh.at[pl.ds(15 * NPT, N - 15 * NPT)],
                                out_h.at[pl.ds(15 * NPT, N - 15 * NPT)])

        @pl.when(c == 0)
        def _():
            acc_out(accc_h)

        @pl.when(c == 1)
        def _():
            acc_out(accn_h)

    return k(mc, mn, cdst, ndst, f2t)


def _final_body(nf_ref, accc_ref, accn_ref, maxo_ref,
                r1nf, r1f1, r1f2, r1bm, r1fn, r1bn, b1, w2, b2, w3, b3,
                out_ref):
    accc = accc_ref[...]
    degc = accc[:, 96:97]
    invc = 1.0 / jnp.maximum(degc, 1.0)
    f1s = accc[:, 0:32]
    bmean = accc[:, 32:96] * invc
    accn = accn_ref[...]
    invn = 1.0 / jnp.maximum(accc[:, 97:98], 1.0)
    fnm = accn[:, 0:64] * invn
    bnm = accn[:, 64:128] * invn
    mx = maxo_ref[0]
    zf2 = lax.dot_general(mx, r1f2[...], (((0,), (0,)), ((), ())),
                          preferred_element_type=_f32)
    zf2 = jnp.where(degc > 0, zf2, 0.0)
    z = (jnp.dot(nf_ref[...], r1nf[...], preferred_element_type=_f32)
         + jnp.dot(f1s, r1f1[...], preferred_element_type=_f32)
         + zf2
         + jnp.dot(bmean, r1bm[...], preferred_element_type=_f32)
         + jnp.dot(fnm, r1fn[...], preferred_element_type=_f32)
         + jnp.dot(bnm, r1bn[...], preferred_element_type=_f32)
         + b1[...])
    h = _leaky(z)
    h = _leaky(jnp.dot(h, w2[...], preferred_element_type=_f32) + b2[...])
    out_ref[...] = jnp.dot(h, w3[...], preferred_element_type=_f32) + b3[...]


def _final(nf, accc, accn, maxo, w):
    wspecs = [pl.BlockSpec(x.shape, lambda i: (0,) * x.ndim) for x in w]
    return pl.pallas_call(
        _final_body,
        grid=(N // NBF,),
        in_specs=[
            pl.BlockSpec((NBF, FD), lambda i: (i, 0)),
            pl.BlockSpec((NBF, MROW), lambda i: (i, 0)),
            pl.BlockSpec((NBF, MROW), lambda i: (i, 0)),
            pl.BlockSpec((1, 32, NBF), lambda i: (i, 0, 0)),
        ] + wspecs,
        out_specs=pl.BlockSpec((NBF, FD), lambda i: (i, 0)),
        out_shape=jax.ShapeDtypeStruct((N, FD), _f32),
    )(nf, accc, accn, maxo, *w)


def kernel(nf, cell_edge_index, cell_edge_feat, net_edge_index, net_edge_feat, params):
    csrc = cell_edge_index[0].astype(jnp.int32)
    cdst = cell_edge_index[1].astype(jnp.int32)
    nsrc = net_edge_index[0].astype(jnp.int32)
    ndst = net_edge_index[1].astype(jnp.int32)

    (wfc1, bfc1), (wfc2, bfc2), (wfc3, bfc3) = params['fc']
    (wbc1, bbc1), (wbc2, bbc2), (wbc3, bbc3) = params['bc']
    (wfn1, bfn1), (wfn2, bfn2), (wfn3, bfn3) = params['fn']
    (wbn1, bbn1), (wbn2, bbn2), (wbn3, bbn3) = params['bn']
    (wr1, br1), (wr2, br2), (wr3, br3) = params['red']

    row = lambda b: jnp.reshape(b, (1, -1))
    wp = jnp.concatenate([
        jnp.concatenate([wfc1[0:128], wbc1[0:128]], axis=1),
        jnp.concatenate([wfc1[128:256], wbc1[128:256]], axis=1),
        jnp.concatenate([wfn1[0:128], wbn1[0:128]], axis=1),
        jnp.concatenate([wfn1[128:256], wbn1[128:256]], axis=1),
    ], axis=1)

    pcs, pcd, pns, pnd = _proj(nf, wp)
    gcs, gcd, gns, gnd = _gather(pcs, pcd, pns, pnd, csrc, cdst, nsrc, ndst)

    cell_w = (wfc1[256:260], row(bfc1), wfc2, row(bfc2),
              wfc3[:, 0:1], row(bfc3[0:1]),
              wfc3[:, 1:33], row(bfc3[1:33]),
              wfc3[:, 33:65], jnp.reshape(bfc3[33:65], (32, 1)),
              wbc1[256:262], row(bbc1), wbc2, row(bbc2), wbc3, row(bbc3))
    mc, f2t = _cell_mlp(gcs, gcd, cell_edge_feat, cell_w)

    net_w = (wfn1[256:272], row(bfn1), wfn2, row(bfn2), wfn3, row(bfn3),
             wbn1[256:272], row(bbn1), wbn2, row(bbn2), wbn3, row(bbn3))
    mn = _net_mlp(gns, gnd, net_edge_feat, net_w)

    accc, accn, maxo = _scatter(mc, mn, cdst, ndst,
                                jnp.reshape(f2t, (E // EB * 32 * EB,)))
    maxo = jnp.reshape(maxo, (N // NBF, 32, NBF))

    red_w = (wr1[0:128], wr1[128:160], wr1[160:192], wr1[192:256],
             wr1[256:320], wr1[320:384], row(br1), wr2, row(br2), wr3, row(br3))
    return _final(nf, accc, accn, maxo, red_w)

# --- scband reference (transcript-rebuilt; emitter-appended) ---
"""Pipeline reference for scband-timing-gnn-22239340659113 (READ-ONLY COPY).

The authoritative reference and input builder live on the scoring server;
editing this copy changes nothing except your own understanding.
"""

import jax, jax.numpy as jnp
import numpy as np

N_NODES = 10000
E_EDGES = 320000
IN_NF = 128
IN_EF = 16
OUT_NF = 128
H1 = 32
H2 = 32


def _mlp_init(key, sizes):
    params = []
    for i in range(1, len(sizes)):
        key, k1 = jax.random.split(key)
        W = jax.random.normal(k1, (sizes[i - 1], sizes[i]), dtype=jnp.float32) * (1.0 / np.sqrt(sizes[i - 1]))
        b = jnp.zeros((sizes[i],), dtype=jnp.float32)
        params.append((W, b))
    return params


def _mlp_apply(params, x):
    n = len(params)
    for i, (W, b) in enumerate(params):
        x = x @ W + b
        if i < n - 1:
            x = jax.nn.leaky_relu(x, negative_slope=0.2)
    return x


def _forward(nf, cell_edge_index, cell_edge_feat, net_edge_index, net_edge_feat, params):
    N = nf.shape[0]
    csrc = cell_edge_index[0]
    cdst = cell_edge_index[1]
    c_src_f = nf[csrc]
    c_dst_f = nf[cdst]
    # forward cellarc message: uses last 4 edge feature columns
    x = _mlp_apply(params['fc'], jnp.concatenate([c_src_f, c_dst_f, cell_edge_feat[:, -4:]], axis=1))
    k = jax.nn.sigmoid(x[:, :1])
    f1 = x[:, 1:1 + H1] * k
    f2 = x[:, 1 + H1:] * k
    n_f1_sum = jax.ops.segment_sum(f1, cdst, num_segments=N)
    n_f2_max = jax.ops.segment_max(f2, cdst, num_segments=N)
    cell_deg = jax.ops.segment_sum(jnp.ones((csrc.shape[0],), dtype=jnp.float32), cdst, num_segments=N)
    n_f2_max = jnp.where((cell_deg > 0)[:, None], n_f2_max, 0.0)
    # backward cellarc message: uses first 6 edge feature columns
    msg_b = _mlp_apply(params['bc'], jnp.concatenate([c_src_f, c_dst_f, cell_edge_feat[:, :6]], axis=1))
    n_b_mean = jax.ops.segment_sum(msg_b, cdst, num_segments=N) / jnp.maximum(cell_deg, 1.0)[:, None]
    # netarc messages (forward and backward MLPs on same inputs)
    nsrc = net_edge_index[0]
    ndst = net_edge_index[1]
    n_src_f = nf[nsrc]
    n_dst_f = nf[ndst]
    net_in = jnp.concatenate([n_src_f, n_dst_f, net_edge_feat], axis=1)
    msg_n_f = _mlp_apply(params['fn'], net_in)
    msg_n_b = _mlp_apply(params['bn'], net_in)
    net_deg = jax.ops.segment_sum(jnp.ones((nsrc.shape[0],), dtype=jnp.float32), ndst, num_segments=N)
    denom = jnp.maximum(net_deg, 1.0)[:, None]
    n_n_mean = jax.ops.segment_sum(msg_n_f, ndst, num_segments=N) / denom
    n_n_back_mean = jax.ops.segment_sum(msg_n_b, ndst, num_segments=N) / denom
    h = jnp.concatenate([nf, n_f1_sum, n_f2_max, n_b_mean, n_n_mean, n_n_back_mean], axis=1)
    return _mlp_apply(params['red'], h)


def setup_inputs(seed: int = 0):
    key = jax.random.key(seed)
    ks = jax.random.split(key, 10)
    nf = jax.random.normal(ks[0], (N_NODES, IN_NF), dtype=jnp.float32)
    cell_edge_index = jax.random.randint(ks[1], (2, E_EDGES), 0, N_NODES)
    cell_edge_feat = jax.random.normal(ks[2], (E_EDGES, 10), dtype=jnp.float32)
    net_edge_index = jax.random.randint(ks[3], (2, E_EDGES), 0, N_NODES)
    net_edge_feat = jax.random.normal(ks[4], (E_EDGES, IN_EF), dtype=jnp.float32)
    params = {
        'fc': _mlp_init(ks[5], (2 * IN_NF + 4, 64, 64, H1 + H2 + 1)),
        'bc': _mlp_init(ks[6], (2 * IN_NF + 6, 64, 64, H1 + H2)),
        'fn': _mlp_init(ks[7], (2 * IN_NF + IN_EF, 64, 64, H1 + H2)),
        'bn': _mlp_init(ks[8], (2 * IN_NF + IN_EF, 64, 64, H1 + H2)),
        'red': _mlp_init(ks[9], (IN_NF + 4 * H1 + 4 * H2, 64, 64, OUT_NF)),
    }
    return {'nf': nf, 'cell_edge_index': cell_edge_index, 'cell_edge_feat': cell_edge_feat,
            'net_edge_index': net_edge_index, 'net_edge_feat': net_edge_feat, 'params': params}


def reference(nf, cell_edge_index, cell_edge_feat, net_edge_index, net_edge_feat, params):
    return _forward(nf, cell_edge_index, cell_edge_feat, net_edge_index, net_edge_feat, params)

if __name__ == "__main__":
    import jax
    _d = setup_inputs()
    print(jax.jit(kernel)(*tuple(_d.values())))

</pallas_src>

<mosaic_0001>
#map = affine_map<(d0, d1) -> (0, 0)>
#map1 = affine_map<(d0, d1) -> (0)>
module attributes {stable_mosaic.version = 14 : i64} {
  func.func @k(%arg0: i32, %arg1: i32, %arg2: memref<10000x128xf32, #tpu.memory_space<hbm>>, %arg3: memref<10000x128xf32, #tpu.memory_space<hbm>>, %arg4: memref<10000x128xf32, #tpu.memory_space<hbm>>, %arg5: memref<10000x128xf32, #tpu.memory_space<hbm>>, %arg6: memref<320000xi32, #tpu.memory_space<hbm>>, %arg7: memref<320000xi32, #tpu.memory_space<hbm>>, %arg8: memref<320000xi32, #tpu.memory_space<hbm>>, %arg9: memref<320000xi32, #tpu.memory_space<hbm>>, %arg10: memref<320000x128xf32, #tpu.memory_space<hbm>>, %arg11: memref<320000x128xf32, #tpu.memory_space<hbm>>, %arg12: memref<320000x128xf32, #tpu.memory_space<hbm>>, %arg13: memref<320000x128xf32, #tpu.memory_space<hbm>>, %arg14: memref<128xi32, #tpu.memory_space<vmem>>, %arg15: memref<128xi32, #tpu.memory_space<vmem>>, %arg16: memref<128xi32, #tpu.memory_space<vmem>>, %arg17: memref<128xi32, #tpu.memory_space<vmem>>, %arg18: memref<128xi32, #tpu.memory_space<vmem>>, %arg19: memref<128xi32, #tpu.memory_space<vmem>>, %arg20: memref<32xi32, #tpu.memory_space<vmem>>, %arg21: memref<32xi32, #tpu.memory_space<vmem>>, %arg22: memref<128x128xf32, #tpu.memory_space<vmem>>, %arg23: memref<128x128xf32, #tpu.memory_space<vmem>>, %arg24: memref<128x128xf32, #tpu.memory_space<vmem>>, %arg25: memref<128x128xf32, #tpu.memory_space<vmem>>, %arg26: memref<128x128xf32, #tpu.memory_space<vmem>>, %arg27: memref<128x128xf32, #tpu.memory_space<vmem>>, %arg28: memref<!tpu.dma_semaphore, #tpu.memory_space<semaphore_mem>>, %arg29: memref<!tpu.dma_semaphore, #tpu.memory_space<semaphore_mem>>, %arg30: memref<!tpu.dma_semaphore, #tpu.memory_space<semaphore_mem>>, %arg31: memref<!tpu.dma_semaphore, #tpu.memory_space<semaphore_mem>>, %arg32: memref<!tpu.dma_semaphore, #tpu.memory_space<semaphore_mem>>, %arg33: memref<!tpu.dma_semaphore, #tpu.memory_space<semaphore_mem>>) attributes {dimension_semantics = [#tpu.dimension_semantics<core_parallel>, #tpu.dimension_semantics<subcore_parallel>], iteration_bounds = array<i64: 2, 16>, scalar_prefetch = 0 : i64, scratch_operands = 20 : i64, tpu.core_type = #tpu.core_type<sc_vector_subcore>, window_params = [{transform_indices = #map}, {transform_indices = #map}, {transform_indices = #map}, {transform_indices = #map}, {transform_indices = #map1}, {transform_indices = #map1}, {transform_indices = #map1}, {transform_indices = #map1}, {transform_indices = #map}, {transform_indices = #map}, {transform_indices = #map}, {transform_indices = #map}]} {
    %eq3A = arith.constant 0 : i32
    %eq3A_0 = arith.cmpi eq, %arg0, %eq3A : i32
    %convert_element_type3A = arith.extui %eq3A_0 : i1 to i32
    %cond3A = arith.constant 0 : i32
    %cond3A_1 = arith.cmpi ne, %convert_element_type3A, %cond3A : i32
    scf.if %cond3A_1 {
      %mul3A = arith.constant 20000 : i32
      %mul3A_7 = arith.muli %arg1, %mul3A : i32
      %add3A = arith.constant 0 : i32
      %add3A_8 = arith.addi %mul3A_7, %add3A : i32
      "tpu.region"() ({
        %run_scoped3A = tpu.sem_alloc : memref<!tpu.dma_semaphore, #tpu.memory_space<semaphore_mem>>
        %dma_start3A_157 = tpu.memref_slice %arg6[%add3A_8] : memref<320000xi32, #tpu.memory_space<hbm>> -> memref<128xi32, #tpu.memory_space<hbm>>
        %dma_start3A_158 = tpu.memref_slice %arg6[%add3A_8] : memref<320000xi32, #tpu.memory_space<hbm>> -> memref<128xi32, #tpu.memory_space<hbm>>
        tpu.enqueue_dma source(%dma_start3A_158 : memref<128xi32, #tpu.memory_space<hbm>>) target(%arg14 : memref<128xi32, #tpu.memory_space<vmem>>) target_semaphore(%run_scoped3A : memref<!tpu.dma_semaphore, #tpu.memory_space<semaphore_mem>>)
        %dma_wait3A_159 = tpu.memref_slice %arg6[%add3A_8] : memref<320000xi32, #tpu.memory_space<hbm>> -> memref<128xi32, #tpu.memory_space<hbm>>
        %dma_wait3A_160 = tpu.memref_slice %arg6[%add3A_8] : memref<320000xi32, #tpu.memory_space<hbm>> -> memref<128xi32, #tpu.memory_space<hbm>>
        tpu.wait_dma2 semaphore(%run_scoped3A : memref<!tpu.dma_semaphore, #tpu.memory_space<semaphore_mem>>) src(%dma_wait3A_160 : memref<128xi32, #tpu.memory_space<hbm>>) dst(%arg14 : memref<128xi32, #tpu.memory_space<vmem>>)
        tpu.yield
      }) : () -> ()
      "tpu.region"() ({
        %run_scoped3A = tpu.sem_alloc : memref<!tpu.dma_semaphore, #tpu.memory_space<semaphore_mem>>
        %dma_start3A_157 = tpu.memref_slice %arg7[%add3A_8] : memref<320000xi32, #tpu.memory_space<hbm>> -> memref<128xi32, #tpu.memory_space<hbm>>
        %dma_start3A_158 = tpu.memref_slice %arg7[%add3A_8] : memref<320000xi32, #tpu.memory_space<hbm>> -> memref<128xi32, #tpu.memory_space<hbm>>
        tpu.enqueue_dma source(%dma_start3A_158 : memref<128xi32, #tpu.memory_space<hbm>>) target(%arg17 : memref<128xi32, #tpu.memory_space<vmem>>) target_semaphore(%run_scoped3A : memref<!tpu.dma_semaphore, #tpu.memory_space<semaphore_mem>>)
        %dma_wait3A_159 = tpu.memref_slice %arg7[%add3A_8] : memref<320000xi32, #tpu.memory_space<hbm>> -> memref<128xi32, #tpu.memory_space<hbm>>
        %dma_wait3A_160 = tpu.memref_slice %arg7[%add3A_8] : memref<320000xi32, #tpu.memory_space<hbm>> -> memref<128xi32, #tpu.memory_space<hbm>>
        tpu.wait_dma2 semaphore(%run_scoped3A : memref<!tpu.dma_semaphore, #tpu.memory_space<semaphore_mem>>) src(%dma_wait3A_160 : memref<128xi32, #tpu.memory_space<hbm>>) dst(%arg17 : memref<128xi32, #tpu.memory_space<vmem>>)
        tpu.yield
      }) : () -> ()
      %dma_start3A = arith.constant 0 : i32
      %dma_start3A_9 = arith.constant 0 : i32
      %dma_start3A_10 = tpu.memref_slice %arg2[%dma_start3A, %dma_start3A_9] : memref<10000x128xf32, #tpu.memory_space<hbm>> -> memref<10000x128xf32, #tpu.memory_space<hbm>>
      tpu.enqueue_indirect_dma source(%dma_start3A_10 : memref<10000x128xf32, #tpu.memory_space<hbm>>) target(%arg22 : memref<128x128xf32, #tpu.memory_space<vmem>>) offsets(%arg14 : memref<128xi32, #tpu.memory_space<vmem>>) semaphore(%arg28 : memref<!tpu.dma_semaphore, #tpu.memory_space<semaphore_mem>>)
      %dma_start3A_11 = arith.constant 0 : i32
      %dma_start3A_12 = arith.constant 0 : i32
      %dma_start3A_13 = tpu.memref_slice %arg3[%dma_start3A_11, %dma_start3A_12] : memref<10000x128xf32, #tpu.memory_space<hbm>> -> memref<10000x128xf32, #tpu.memory_space<hbm>>
      tpu.enqueue_indirect_dma source(%dma_start3A_13 : memref<10000x128xf32, #tpu.memory_space<hbm>>) target(%arg25 : memref<128x128xf32, #tpu.memory_space<vmem>>) offsets(%arg17 : memref<128xi32, #tpu.memory_space<vmem>>) semaphore(%arg28 : memref<!tpu.dma_semaphore, #tpu.memory_space<semaphore_mem>>)
      %mul3A_14 = arith.constant 20000 : i32
      %mul3A_15 = arith.muli %arg1, %mul3A_14 : i32
      %add3A_16 = arith.constant 128 : i32
      %add3A_17 = arith.addi %mul3A_15, %add3A_16 : i32
      "tpu.region"() ({
        %run_scoped3A = tpu.sem_alloc : memref<!tpu.dma_semaphore, #tpu.memory_space<semaphore_mem>>
        %dma_start3A_157 = tpu.memref_slice %arg6[%add3A_17] : memref<320000xi32, #tpu.memory_space<hbm>> -> memref<128xi32, #tpu.memory_space<hbm>>
        %dma_start3A_158 = tpu.memref_slice %arg6[%add3A_17] : memref<320000xi32, #tpu.memory_space<hbm>> -> memref<128xi32, #tpu.memory_space<hbm>>
        tpu.enqueue_dma source(%dma_start3A_158 : memref<128xi32, #tpu.memory_space<hbm>>) target(%arg15 : memref<128xi32, #tpu.memory_space<vmem>>) target_semaphore(%run_scoped3A : memref<!tpu.dma_semaphore, #tpu.memory_space<semaphore_mem>>)
        %dma_wait3A_159 = tpu.memref_slice %arg6[%add3A_17] : memref<320000xi32, #tpu.memory_space<hbm>> -> memref<128xi32, #tpu.memory_space<hbm>>
        %dma_wait3A_160 = tpu.memref_slice %arg6[%add3A_17] : memref<320000xi32, #tpu.memory_space<hbm>> -> memref<128xi32, #tpu.memory_space<hbm>>
        tpu.wait_dma2 semaphore(%run_scoped3A : memref<!tpu.dma_semaphore, #tpu.memory_space<semaphore_mem>>) src(%dma_wait3A_160 : memref<128xi32, #tpu.memory_space<hbm>>) dst(%arg15 : memref<128xi32, #tpu.memory_space<vmem>>)
        tpu.yield
      }) : () -> ()
      "tpu.region"() ({
        %run_scoped3A = tpu.sem_alloc : memref<!tpu.dma_semaphore, #tpu.memory_space<semaphore_mem>>
        %dma_start3A_157 = tpu.memref_slice %arg7[%add3A_17] : memref<320000xi32, #tpu.memory_space<hbm>> -> memref<128xi32, #tpu.memory_space<hbm>>
        %dma_start3A_158 = tpu.memref_slice %arg7[%add3A_17] : memref<320000xi32, #tpu.memory_space<hbm>> -> memref<128xi32, #tpu.memory_space<hbm>>
        tpu.enqueue_dma source(%dma_start3A_158 : memref<128xi32, #tpu.memory_space<hbm>>) target(%arg18 : memref<128xi32, #tpu.memory_space<vmem>>) target_semaphore(%run_scoped3A : memref<!tpu.dma_semaphore, #tpu.memory_space<semaphore_mem>>)
        %dma_wait3A_159 = tpu.memref_slice %arg7[%add3A_17] : memref<320000xi32, #tpu.memory_space<hbm>> -> memref<128xi32, #tpu.memory_space<hbm>>
        %dma_wait3A_160 = tpu.memref_slice %arg7[%add3A_17] : memref<320000xi32, #tpu.memory_space<hbm>> -> memref<128xi32, #tpu.memory_space<hbm>>
        tpu.wait_dma2 semaphore(%run_scoped3A : memref<!tpu.dma_semaphore, #tpu.memory_space<semaphore_mem>>) src(%dma_wait3A_160 : memref<128xi32, #tpu.memory_space<hbm>>) dst(%arg18 : memref<128xi32, #tpu.memory_space<vmem>>)
        tpu.yield
      }) : () -> ()
      %dma_start3A_18 = arith.constant 0 : i32
      %dma_start3A_19 = arith.constant 0 : i32
      %dma_start3A_20 = tpu.memref_slice %arg2[%dma_start3A_18, %dma_start3A_19] : memref<10000x128xf32, #tpu.memory_space<hbm>> -> memref<10000x128xf32, #tpu.memory_space<hbm>>
      tpu.enqueue_indirect_dma source(%dma_start3A_20 : memref<10000x128xf32, #tpu.memory_space<hbm>>) target(%arg23 : memref<128x128xf32, #tpu.memory_space<vmem>>) offsets(%arg15 : memref<128xi32, #tpu.memory_space<vmem>>) semaphore(%arg29 : memref<!tpu.dma_semaphore, #tpu.memory_space<semaphore_mem>>)
      %dma_start3A_21 = arith.constant 0 : i32
      %dma_start3A_22 = arith.constant 0 : i32
      %dma_start3A_23 = tpu.memref_slice %arg3[%dma_start3A_21, %dma_start3A_22] : memref<10000x128xf32, #tpu.memory_space<hbm>> -> memref<10000x128xf32, #tpu.memory_space<hbm>>
      tpu.enqueue_indirect_dma source(%dma_start3A_23 : memref<10000x128xf32, #tpu.memory_space<hbm>>) target(%arg26 : memref<128x128xf32, #tpu.memory_space<vmem>>) offsets(%arg18 : memref<128xi32, #tpu.memory_space<vmem>>) semaphore(%arg29 : memref<!tpu.dma_semaphore, #tpu.memory_space<semaphore_mem>>)
      %mul3A_24 = arith.constant 20000 : i32
      %mul3A_25 = arith.muli %arg1, %mul3A_24 : i32
      %add3A_26 = arith.constant 256 : i32
      %add3A_27 = arith.addi %mul3A_25, %add3A_26 : i32
      "tpu.region"() ({
        %run_scoped3A = tpu.sem_alloc : memref<!tpu.dma_semaphore, #tpu.memory_space<semaphore_mem>>
        %dma_start3A_157 = tpu.memref_slice %arg6[%add3A_27] : memref<320000xi32, #tpu.memory_space<hbm>> -> memref<128xi32, #tpu.memory_space<hbm>>
        %dma_start3A_158 = tpu.memref_slice %arg6[%add3A_27] : memref<320000xi32, #tpu.memory_space<hbm>> -> memref<128xi32, #tpu.memory_space<hbm>>
        tpu.enqueue_dma source(%dma_start3A_158 : memref<128xi32, #tpu.memory_space<hbm>>) target(%arg16 : memref<128xi32, #tpu.memory_space<vmem>>) target_semaphore(%run_scoped3A : memref<!tpu.dma_semaphore, #tpu.memory_space<semaphore_mem>>)
        %dma_wait3A_159 = tpu.memref_slice %arg6[%add3A_27] : memref<320000xi32, #tpu.memory_space<hbm>> -> memref<128xi32, #tpu.memory_space<hbm>>
        %dma_wait3A_160 = tpu.memref_slice %arg6[%add3A_27] : memref<320000xi32, #tpu.memory_space<hbm>> -> memref<128xi32, #tpu.memory_space<hbm>>
        tpu.wait_dma2 semaphore(%run_scoped3A : memref<!tpu.dma_semaphore, #tpu.memory_space<semaphore_mem>>) src(%dma_wait3A_160 : memref<128xi32, #tpu.memory_space<hbm>>) dst(%arg16 : memref<128xi32, #tpu.memory_space<vmem>>)
        tpu.yield
      }) : () -> ()
      "tpu.region"() ({
        %run_scoped3A = tpu.sem_alloc : memref<!tpu.dma_semaphore, #tpu.memory_space<semaphore_mem>>
        %dma_start3A_157 = tpu.memref_slice %arg7[%add3A_27] : memref<320000xi32, #tpu.memory_space<hbm>> -> memref<128xi32, #tpu.memory_space<hbm>>
        %dma_start3A_158 = tpu.memref_slice %arg7[%add3A_27] : memref<320000xi32, #tpu.memory_space<hbm>> -> memref<128xi32, #tpu.memory_space<hbm>>
        tpu.enqueue_dma source(%dma_start3A_158 : memref<128xi32, #tpu.memory_space<hbm>>) target(%arg19 : memref<128xi32, #tpu.memory_space<vmem>>) target_semaphore(%run_scoped3A : memref<!tpu.dma_semaphore, #tpu.memory_space<semaphore_mem>>)
        %dma_wait3A_159 = tpu.memref_slice %arg7[%add3A_27] : memref<320000xi32, #tpu.memory_space<hbm>> -> memref<128xi32, #tpu.memory_space<hbm>>
        %dma_wait3A_160 = tpu.memref_slice %arg7[%add3A_27] : memref<320000xi32, #tpu.memory_space<hbm>> -> memref<128xi32, #tpu.memory_space<hbm>>
        tpu.wait_dma2 semaphore(%run_scoped3A : memref<!tpu.dma_semaphore, #tpu.memory_space<semaphore_mem>>) src(%dma_wait3A_160 : memref<128xi32, #tpu.memory_space<hbm>>) dst(%arg19 : memref<128xi32, #tpu.memory_space<vmem>>)
        tpu.yield
      }) : () -> ()
      %dma_start3A_28 = arith.constant 0 : i32
      %dma_start3A_29 = arith.constant 0 : i32
      %dma_start3A_30 = tpu.memref_slice %arg2[%dma_start3A_28, %dma_start3A_29] : memref<10000x128xf32, #tpu.memory_space<hbm>> -> memref<10000x128xf32, #tpu.memory_space<hbm>>
      tpu.enqueue_indirect_dma source(%dma_start3A_30 : memref<10000x128xf32, #tpu.memory_space<hbm>>) target(%arg24 : memref<128x128xf32, #tpu.memory_space<vmem>>) offsets(%arg16 : memref<128xi32, #tpu.memory_space<vmem>>) semaphore(%arg30 : memref<!tpu.dma_semaphore, #tpu.memory_space<semaphore_mem>>)
      %dma_start3A_31 = arith.constant 0 : i32
      %dma_start3A_32 = arith.constant 0 : i32
      %dma_start3A_33 = tpu.memref_slice %arg3[%dma_start3A_31, %dma_start3A_32] : memref<10000x128xf32, #tpu.memory_space<hbm>> -> memref<10000x128xf32, #tpu.memory_space<hbm>>
      tpu.enqueue_indirect_dma source(%dma_start3A_33 : memref<10000x128xf32, #tpu.memory_space<hbm>>) target(%arg27 : memref<128x128xf32, #tpu.memory_space<vmem>>) offsets(%arg19 : memref<128xi32, #tpu.memory_space<vmem>>) semaphore(%arg30 : memref<!tpu.dma_semaphore, #tpu.memory_space<semaphore_mem>>)
      %scan3A = arith.constant 0 : i32
      %scan3A_34 = arith.constant 0 : i32
      %scan3A_35 = arith.constant 51 : i32
      %scan3A_36 = arith.addi %scan3A_34, %scan3A_35 : i32
      %scan3A_37 = arith.constant 1 : i32
      %scan3A_38 = scf.for %scan3A_157 = %scan3A_34 to %scan3A_36 step %scan3A_37 iter_args(%scan3A_158 = %scan3A) -> (i32)  : i32 {
        %mul3A_159 = arith.constant 3 : i32
        %mul3A_160 = arith.muli %scan3A_157, %mul3A_159 : i32
        %add3A_161 = arith.constant 0 : i32
        %add3A_162 = arith.addi %mul3A_160, %add3A_161 : i32
        %dma_wait3A_163 = arith.constant 0 : i32
        %dma_wait3A_164 = arith.constant 0 : i32
        %dma_wait3A_165 = tpu.memref_slice %arg2[%dma_wait3A_163, %dma_wait3A_164] : memref<10000x128xf32, #tpu.memory_space<hbm>> -> memref<10000x128xf32, #tpu.memory_space<hbm>>
        tpu.wait_indirect_dma semaphore(%arg28 : memref<!tpu.dma_semaphore, #tpu.memory_space<semaphore_mem>>) src(%dma_wait3A_165 : memref<10000x128xf32, #tpu.memory_space<hbm>>) dst(%arg22 : memref<128x128xf32, #tpu.memory_space<vmem>>)
        %dma_wait3A_166 = arith.constant 0 : i32
        %dma_wait3A_167 = arith.constant 0 : i32
        %dma_wait3A_168 = tpu.memref_slice %arg3[%dma_wait3A_166, %dma_wait3A_167] : memref<10000x128xf32, #tpu.memory_space<hbm>> -> memref<10000x128xf32, #tpu.memory_space<hbm>>
        tpu.wait_indirect_dma semaphore(%arg28 : memref<!tpu.dma_semaphore, #tpu.memory_space<semaphore_mem>>) src(%dma_wait3A_168 : memref<10000x128xf32, #tpu.memory_space<hbm>>) dst(%arg25 : memref<128x128xf32, #tpu.memory_space<vmem>>)
        %mul3A_169 = arith.constant 20000 : i32
        %mul3A_170 = arith.muli %arg1, %mul3A_169 : i32
        %mul3A_171 = arith.constant 128 : i32
        %mul3A_172 = arith.muli %add3A_162, %mul3A_171 : i32
        %add3A_173 = arith.addi %mul3A_170, %mul3A_172 : i32
        %dma_start3A_174 = arith.constant 0 : i32
        %dma_start3A_175 = tpu.memref_slice %arg10[%add3A_173, %dma_start3A_174] : memref<320000x128xf32, #tpu.memory_space<hbm>> -> memref<128x128xf32, #tpu.memory_space<hbm>>
        %dma_start3A_176 = arith.constant 0 : i32
        %dma_start3A_177 = tpu.memref_slice %arg10[%add3A_173, %dma_start3A_176] : memref<320000x128xf32, #tpu.memory_space<hbm>> -> memref<128x128xf32, #tpu.memory_space<hbm>>
        tpu.enqueue_dma source(%arg22 : memref<128x128xf32, #tpu.memory_space<vmem>>) target(%dma_start3A_177 : memref<128x128xf32, #tpu.memory_space<hbm>>) target_semaphore(%arg31 : memref<!tpu.dma_semaphore, #tpu.memory_space<semaphore_mem>>)
        %dma_start3A_178 = arith.constant 0 : i32
        %dma_start3A_179 = tpu.memref_slice %arg11[%add3A_173, %dma_start3A_178] : memref<320000x128xf32, #tpu.memory_space<hbm>> -> memref<128x128xf32, #tpu.memory_space<hbm>>
        %dma_start3A_180 = arith.constant 0 : i32
        %dma_start3A_181 = tpu.memref_slice %arg11[%add3A_173, %dma_start3A_180] : memref<320000x128xf32, #tpu.memory_space<hbm>> -> memref<128x128xf32, #tpu.memory_space<hbm>>
        tpu.enqueue_dma source(%arg25 : memref<128x128xf32, #tpu.memory_space<vmem>>) target(%dma_start3A_181 : memref<128x128xf32, #tpu.memory_space<hbm>>) target_semaphore(%arg31 : memref<!tpu.dma_semaphore, #tpu.memory_space<semaphore_mem>>)
        %add3A_182 = arith.constant 3 : i32
        %add3A_183 = arith.addi %add3A_162, %add3A_182 : i32
        %mul3A_184 = arith.constant 20000 : i32
        %mul3A_185 = arith.muli %arg1, %mul3A_184 : i32
        %mul3A_186 = arith.constant 128 : i32
        %mul3A_187 = arith.muli %add3A_183, %mul3A_186 : i32
        %add3A_188 = arith.addi %mul3A_185, %mul3A_187 : i32
        "tpu.region"() ({
          %run_scoped3A = tpu.sem_alloc : memref<!tpu.dma_semaphore, #tpu.memory_space<semaphore_mem>>
          %dma_start3A_307 = tpu.memref_slice %arg6[%add3A_188] : memref<320000xi32, #tpu.memory_space<hbm>> -> memref<128xi32, #tpu.memory_space<hbm>>
          %dma_start3A_308 = tpu.memref_slice %arg6[%add3A_188] : memref<320000xi32, #tpu.memory_space<hbm>> -> memref<128xi32, #tpu.memory_space<hbm>>
          tpu.enqueue_dma source(%dma_start3A_308 : memref<128xi32, #tpu.memory_space<hbm>>) target(%arg14 : memref<128xi32, #tpu.memory_space<vmem>>) target_semaphore(%run_scoped3A : memref<!tpu.dma_semaphore, #tpu.memory_space<semaphore_mem>>)
          %dma_wait3A_309 = tpu.memref_slice %arg6[%add3A_188] : memref<320000xi32, #tpu.memory_space<hbm>> -> memref<128xi32, #tpu.memory_space<hbm>>
          %dma_wait3A_310 = tpu.memref_slice %arg6[%add3A_188] : memref<320000xi32, #tpu.memory_space<hbm>> -> memref<128xi32, #tpu.memory_space<hbm>>
          tpu.wait_dma2 semaphore(%run_scoped3A : memref<!tpu.dma_semaphore, #tpu.memory_space<semaphore_mem>>) src(%dma_wait3A_310 : memref<128xi32, #tpu.memory_space<hbm>>) dst(%arg14 : memref<128xi32, #tpu.memory_space<vmem>>)
          tpu.yield
        }) : () -> ()
        "tpu.region"() ({
          %run_scoped3A = tpu.sem_alloc : memref<!tpu.dma_semaphore, #tpu.memory_space<semaphore_mem>>
          %dma_start3A_307 = tpu.memref_slice %arg7[%add3A_188] : memref<320000xi32, #tpu.memory_space<hbm>> -> memref<128xi32, #tpu.memory_space<hbm>>
          %dma_start3A_308 = tpu.memref_slice %arg7[%add3A_188] : memref<320000xi32, #tpu.memory_space<hbm>> -> memref<128xi32, #tpu.memory_space<hbm>>
          tpu.enqueue_dma source(%dma_start3A_308 : memref<128xi32, #tpu.memory_space<hbm>>) target(%arg17 : memref<128xi32, #tpu.memory_space<vmem>>) target_semaphore(%run_scoped3A : memref<!tpu.dma_semaphore, #tpu.memory_space<semaphore_mem>>)
          %dma_wait3A_309 = tpu.memref_slice %arg7[%add3A_188] : memref<320000xi32, #tpu.memory_space<hbm>> -> memref<128xi32, #tpu.memory_space<hbm>>
          %dma_wait3A_310 = tpu.memref_slice %arg7[%add3A_188] : memref<320000xi32, #tpu.memory_space<hbm>> -> memref<128xi32, #tpu.memory_space<hbm>>
          tpu.wait_dma2 semaphore(%run_scoped3A : memref<!tpu.dma_semaphore, #tpu.memory_space<semaphore_mem>>) src(%dma_wait3A_310 : memref<128xi32, #tpu.memory_space<hbm>>) dst(%arg17 : memref<128xi32, #tpu.memory_space<vmem>>)
          tpu.yield
        }) : () -> ()
        %mul3A_189 = arith.constant 20000 : i32
        %mul3A_190 = arith.muli %arg1, %mul3A_189 : i32
        %mul3A_191 = arith.constant 128 : i32
        %mul3A_192 = arith.muli %add3A_162, %mul3A_191 : i32
        %add3A_193 = arith.addi %mul3A_190, %mul3A_192 : i32
        %dma_wait3A_194 = arith.constant 0 : i32
        %dma_wait3A_195 = tpu.memref_slice %arg10[%add3A_193, %dma_wait3A_194] : memref<320000x128xf32, #tpu.memory_space<hbm>> -> memref<128x128xf32, #tpu.memory_space<hbm>>
        %dma_wait3A_196 = arith.constant 0 : i32
        %dma_wait3A_197 = tpu.memref_slice %arg10[%add3A_193, %dma_wait3A_196] : memref<320000x128xf32, #tpu.memory_space<hbm>> -> memref<128x128xf32, #tpu.memory_space<hbm>>
        tpu.wait_dma2 semaphore(%arg31 : memref<!tpu.dma_semaphore, #tpu.memory_space<semaphore_mem>>) src(%arg22 : memref<128x128xf32, #tpu.memory_space<vmem>>) dst(%dma_wait3A_197 : memref<128x128xf32, #tpu.memory_space<hbm>>)
        %dma_wait3A_198 = arith.constant 0 : i32
        %dma_wait3A_199 = tpu.memref_slice %arg11[%add3A_193, %dma_wait3A_198] : memref<320000x128xf32, #tpu.memory_space<hbm>> -> memref<128x128xf32, #tpu.memory_space<hbm>>
        %dma_wait3A_200 = arith.constant 0 : i32
        %dma_wait3A_201 = tpu.memref_slice %arg11[%add3A_193, %dma_wait3A_200] : memref<320000x128xf32, #tpu.memory_space<hbm>> -> memref<128x128xf32, #tpu.memory_space<hbm>>
        tpu.wait_dma2 semaphore(%arg31 : memref<!tpu.dma_semaphore, #tpu.memory_space<semaphore_mem>>) src(%arg25 : memref<128x128xf32, #tpu.memory_space<vmem>>) dst(%dma_wait3A_201 : memref<128x128xf32, #tpu.memory_space<hbm>>)
        %dma_start3A_202 = arith.constant 0 : i32
        %dma_start3A_203 = arith.constant 0 : i32
        %dma_start3A_204 = tpu.memref_slice %arg2[%dma_start3A_202, %dma_start3A_203] : memref<10000x128xf32, #tpu.memory_space<hbm>> -> memref<10000x128xf32, #tpu.memory_space<hbm>>
        tpu.enqueue_indirect_dma source(%dma_start3A_204 : memref<10000x128xf32, #tpu.memory_space<hbm>>) target(%arg22 : memref<128x128xf32, #tpu.memory_space<vmem>>) offsets(%arg14 : memref<128xi32, #tpu.memory_space<vmem>>) semaphore(%arg28 : memref<!tpu.dma_semaphore, #tpu.memory_space<semaphore_mem>>)
        %dma_start3A_205 = arith.constant 0 : i32
        %dma_start3A_206 = arith.constant 0 : i32
        %dma_start3A_207 = tpu.memref_slice %arg3[%dma_start3A_205, %dma_start3A_206] : memref<10000x128xf32, #tpu.memory_space<hbm>> -> memref<10000x128xf32, #tpu.memory_space<hbm>>
        tpu.enqueue_indirect_dma source(%dma_start3A_207 : memref<10000x128xf32, #tpu.memory_space<hbm>>) target(%arg25 : memref<128x128xf32, #tpu.memory_space<vmem>>) offsets(%arg17 : memref<128xi32, #tpu.memory_space<vmem>>) semaphore(%arg28 : memref<!tpu.dma_semaphore, #tpu.memory_space<semaphore_mem>>)
        %mul3A_208 = arith.constant 3 : i32
        %mul3A_209 = arith.muli %scan3A_157, %mul3A_208 : i32
        %add3A_210 = arith.constant 1 : i32
        %add3A_211 = arith.addi %mul3A_209, %add3A_210 : i32
        %dma_wait3A_212 = arith.constant 0 : i32
        %dma_wait3A_213 = arith.constant 0 : i32
        %dma_wait3A_214 = tpu.memref_slice %arg2[%dma_wait3A_212, %dma_wait3A_213] : memref<10000x128xf32, #tpu.memory_space<hbm>> -> memref<10000x128xf32, #tpu.memory_space<hbm>>
        tpu.wait_indirect_dma semaphore(%arg29 : memref<!tpu.dma_semaphore, #tpu.memory_space<semaphore_mem>>) src(%dma_wait3A_214 : memref<10000x128xf32, #tpu.memory_space<hbm>>) dst(%arg23 : memref<128x128xf32, #tpu.memory_space<vmem>>)
        %dma_wait3A_215 = arith.constant 0 : i32
        %dma_wait3A_216 = arith.constant 0 : i32
        %dma_wait3A_217 = tpu.memref_slice %arg3[%dma_wait3A_215, %dma_wait3A_216] : memref<10000x128xf32, #tpu.memory_space<hbm>> -> memref<10000x128xf32, #tpu.memory_space<hbm>>
        tpu.wait_indirect_dma semaphore(%arg29 : memref<!tpu.dma_semaphore, #tpu.memory_space<semaphore_mem>>) src(%dma_wait3A_217 : memref<10000x128xf32, #tpu.memory_space<hbm>>) dst(%arg26 : memref<128x128xf32, #tpu.memory_space<vmem>>)
        %mul3A_218 = arith.constant 20000 : i32
        %mul3A_219 = arith.muli %arg1, %mul3A_218 : i32
        %mul3A_220 = arith.constant 128 : i32
        %mul3A_221 = arith.muli %add3A_211, %mul3A_220 : i32
        %add3A_222 = arith.addi %mul3A_219, %mul3A_221 : i32
        %dma_start3A_223 = arith.constant 0 : i32
        %dma_start3A_224 = tpu.memref_slice %arg10[%add3A_222, %dma_start3A_223] : memref<320000x128xf32, #tpu.memory_space<hbm>> -> memref<128x128xf32, #tpu.memory_space<hbm>>
        %dma_start3A_225 = arith.constant 0 : i32
        %dma_start3A_226 = tpu.memref_slice %arg10[%add3A_222, %dma_start3A_225] : memref<320000x128xf32, #tpu.memory_space<hbm>> -> memref<128x128xf32, #tpu.memory_space<hbm>>
        tpu.enqueue_dma source(%arg23 : memref<128x128xf32, #tpu.memory_space<vmem>>) target(%dma_start3A_226 : memref<128x128xf32, #tpu.memory_space<hbm>>) target_semaphore(%arg32 : memref<!tpu.dma_semaphore, #tpu.memory_space<semaphore_mem>>)
        %dma_start3A_227 = arith.constant 0 : i32
        %dma_start3A_228 = tpu.memref_slice %arg11[%add3A_222, %dma_start3A_227] : memref<320000x128xf32, #tpu.memory_space<hbm>> -> memref<128x128xf32, #tpu.memory_space<hbm>>
        %dma_start3A_229 = arith.constant 0 : i32
        %dma_start3A_230 = tpu.memref_slice %arg11[%add3A_222, %dma_start3A_229] : memref<320000x128xf32, #tpu.memory_space<hbm>> -> memref<128x128xf32, #tpu.memory_space<hbm>>
        tpu.enqueue_dma source(%arg26 : memref<128x128xf32, #tpu.memory_space<vmem>>) target(%dma_start3A_230 : memref<128x128xf32, #tpu.memory_space<hbm>>) target_semaphore(%arg32 : memref<!tpu.dma_semaphore, #tpu.memory_space<semaphore_mem>>)
        %add3A_231 = arith.constant 3 : i32
        %add3A_232 = arith.addi %add3A_211, %add3A_231 : i32
        %mul3A_233 = arith.constant 20000 : i32
        %mul3A_234 = arith.muli %arg1, %mul3A_233 : i32
        %mul3A_235 = arith.constant 128 : i32
        %mul3A_236 = arith.muli %add3A_232, %mul3A_235 : i32
        %add3A_237 = arith.addi %mul3A_234, %mul3A_236 : i32
        "tpu.region"() ({
          %run_scoped3A = tpu.sem_alloc : memref<!tpu.dma_semaphore, #tpu.memory_space<semaphore_mem>>
          %dma_start3A_307 = tpu.memref_slice %arg6[%add3A_237] : memref<320000xi32, #tpu.memory_space<hbm>> -> memref<128xi32, #tpu.memory_space<hbm>>
          %dma_start3A_308 = tpu.memref_slice %arg6[%add3A_237] : memref<320000xi32, #tpu.memory_space<hbm>> -> memref<128xi32, #tpu.memory_space<hbm>>
          tpu.enqueue_dma source(%dma_start3A_308 : memref<128xi32, #tpu.memory_space<hbm>>) target(%arg15 : memref<128xi32, #tpu.memory_space<vmem>>) target_semaphore(%run_scoped3A : memref<!tpu.dma_semaphore, #tpu.memory_space<semaphore_mem>>)
          %dma_wait3A_309 = tpu.memref_slice %arg6[%add3A_237] : memref<320000xi32, #tpu.memory_space<hbm>> -> memref<128xi32, #tpu.memory_space<hbm>>
          %dma_wait3A_310 = tpu.memref_slice %arg6[%add3A_237] : memref<320000xi32, #tpu.memory_space<hbm>> -> memref<128xi32, #tpu.memory_space<hbm>>
          tpu.wait_dma2 semaphore(%run_scoped3A : memref<!tpu.dma_semaphore, #tpu.memory_space<semaphore_mem>>) src(%dma_wait3A_310 : memref<128xi32, #tpu.memory_space<hbm>>) dst(%arg15 : memref<128xi32, #tpu.memory_space<vmem>>)
          tpu.yield
        }) : () -> ()
        "tpu.region"() ({
          %run_scoped3A = tpu.sem_alloc : memref<!tpu.dma_semaphore, #tpu.memory_space<semaphore_mem>>
          %dma_start3A_307 = tpu.memref_slice %arg7[%add3A_237] : memref<320000xi32, #tpu.memory_space<hbm>> -> memref<128xi32, #tpu.memory_space<hbm>>
          %dma_start3A_308 = tpu.memref_slice %arg7[%add3A_237] : memref<320000xi32, #tpu.memory_space<hbm>> -> memref<128xi32, #tpu.memory_space<hbm>>
          tpu.enqueue_dma source(%dma_start3A_308 : memref<128xi32, #tpu.memory_space<hbm>>) target(%arg18 : memref<128xi32, #tpu.memory_space<vmem>>) target_semaphore(%run_scoped3A : memref<!tpu.dma_semaphore, #tpu.memory_space<semaphore_mem>>)
          %dma_wait3A_309 = tpu.memref_slice %arg7[%add3A_237] : memref<320000xi32, #tpu.memory_space<hbm>> -> memref<128xi32, #tpu.memory_space<hbm>>
          %dma_wait3A_310 = tpu.memref_slice %arg7[%add3A_237] : memref<320000xi32, #tpu.memory_space<hbm>> -> memref<128xi32, #tpu.memory_space<hbm>>
          tpu.wait_dma2 semaphore(%run_scoped3A : memref<!tpu.dma_semaphore, #tpu.memory_space<semaphore_mem>>) src(%dma_wait3A_310 : memref<128xi32, #tpu.memory_space<hbm>>) dst(%arg18 : memref<128xi32, #tpu.memory_space<vmem>>)
          tpu.yield
        }) : () -> ()
        %mul3A_238 = arith.constant 20000 : i32
        %mul3A_239 = arith.muli %arg1, %mul3A_238 : i32
        %mul3A_240 = arith.constant 128 : i32
        %mul3A_241 = arith.muli %add3A_211, %mul3A_240 : i32
        %add3A_242 = arith.addi %mul3A_239, %mul3A_241 : i32
        %dma_wait3A_243 = arith.constant 0 : i32
        %dma_wait3A_244 = tpu.memref_slice %arg10[%add3A_242, %dma_wait3A_243] : memref<320000x128xf32, #tpu.memory_space<hbm>> -> memref<128x128xf32, #tpu.memory_space<hbm>>
        %dma_wait3A_245 = arith.constant 0 : i32
        %dma_wait3A_246 = tpu.memref_slice %arg10[%add3A_242, %dma_wait3A_245] : memref<320000x128xf32, #tpu.memory_space<hbm>> -> memref<128x128xf32, #tpu.memory_space<hbm>>
        tpu.wait_dma2 semaphore(%arg32 : memref<!tpu.dma_semaphore, #tpu.memory_space<semaphore_mem>>) src(%arg23 : memref<128x128xf32, #tpu.memory_space<vmem>>) dst(%dma_wait3A_246 : memref<128x128xf32, #tpu.memory_space<hbm>>)
        %dma_wait3A_247 = arith.constant 0 : i32
        %dma_wait3A_248 = tpu.memref_slice %arg11[%add3A_242, %dma_wait3A_247] : memref<320000x128xf32, #tpu.memory_space<hbm>> -> memref<128x128xf32, #tpu.memory_space<hbm>>
        %dma_wait3A_249 = arith.constant 0 : i32
        %dma_wait3A_250 = tpu.memref_slice %arg11[%add3A_242, %dma_wait3A_249] : memref<320000x128xf32, #tpu.memory_space<hbm>> -> memref<128x128xf32, #tpu.memory_space<hbm>>
        tpu.wait_dma2 semaphore(%arg32 : memref<!tpu.dma_semaphore, #tpu.memory_space<semaphore_mem>>) src(%arg26 : memref<128x128xf32, #tpu.memory_space<vmem>>) dst(%dma_wait3A_250 : memref<128x128xf32, #tpu.memory_space<hbm>>)
        %dma_start3A_251 = arith.constant 0 : i32
        %dma_start3A_252 = arith.constant 0 : i32
        %dma_start3A_253 = tpu.memref_slice %arg2[%dma_start3A_251, %dma_start3A_252] : memref<10000x128xf32, #tpu.memory_space<hbm>> -> memref<10000x128xf32, #tpu.memory_space<hbm>>
        tpu.enqueue_indirect_dma source(%dma_start3A_253 : memref<10000x128xf32, #tpu.memory_space<hbm>>) target(%arg23 : memref<128x128xf32, #tpu.memory_space<vmem>>) offsets(%arg15 : memref<128xi32, #tpu.memory_space<vmem>>) semaphore(%arg29 : memref<!tpu.dma_semaphore, #tpu.memory_space<semaphore_mem>>)
        %dma_start3A_254 = arith.constant 0 : i32
        %dma_start3A_255 = arith.constant 0 : i32
        %dma_start3A_256 = tpu.memref_slice %arg3[%dma_start3A_254, %dma_start3A_255] : memref<10000x128xf32, #tpu.memory_space<hbm>> -> memref<10000x128xf32, #tpu.memory_space<hbm>>
        tpu.enqueue_indirect_dma source(%dma_start3A_256 : memref<10000x128xf32, #tpu.memory_space<hbm>>) target(%arg26 : memref<128x128xf32, #tpu.memory_space<vmem>>) offsets(%arg18 : memref<128xi32, #tpu.memory_space<vmem>>) semaphore(%arg29 : memref<!tpu.dma_semaphore, #tpu.memory_space<semaphore_mem>>)
        %mul3A_257 = arith.constant 3 : i32
        %mul3A_258 = arith.muli %scan3A_157, %mul3A_257 : i32
        %add3A_259 = arith.constant 2 : i32
        %add3A_260 = arith.addi %mul3A_258, %add3A_259 : i32
        %dma_wait3A_261 = arith.constant 0 : i32
        %dma_wait3A_262 = arith.constant 0 : i32
        %dma_wait3A_263 = tpu.memref_slice %arg2[%dma_wait3A_261, %dma_wait3A_262] : memref<10000x128xf32, #tpu.memory_space<hbm>> -> memref<10000x128xf32, #tpu.memory_space<hbm>>
        tpu.wait_indirect_dma semaphore(%arg30 : memref<!tpu.dma_semaphore, #tpu.memory_space<semaphore_mem>>) src(%dma_wait3A_263 : memref<10000x128xf32, #tpu.memory_space<hbm>>) dst(%arg24 : memref<128x128xf32, #tpu.memory_space<vmem>>)
        %dma_wait3A_264 = arith.constant 0 : i32
        %dma_wait3A_265 = arith.constant 0 : i32
        %dma_wait3A_266 = tpu.memref_slice %arg3[%dma_wait3A_264, %dma_wait3A_265] : memref<10000x128xf32, #tpu.memory_space<hbm>> -> memref<10000x128xf32, #tpu.memory_space<hbm>>
        tpu.wait_indirect_dma semaphore(%arg30 : memref<!tpu.dma_semaphore, #tpu.memory_space<semaphore_mem>>) src(%dma_wait3A_266 : memref<10000x128xf32, #tpu.memory_space<hbm>>) dst(%arg27 : memref<128x128xf32, #tpu.memory_space<vmem>>)
        %mul3A_267 = arith.constant 20000 : i32
        %mul3A_268 = arith.muli %arg1, %mul3A_267 : i32
        %mul3A_269 = arith.constant 128 : i32
        %mul3A_270 = arith.muli %add3A_260, %mul3A_269 : i32
        %add3A_271 = arith.addi %mul3A_268, %mul3A_270 : i32
        %dma_start3A_272 = arith.constant 0 : i32
        %dma_start3A_273 = tpu.memref_slice %arg10[%add3A_271, %dma_start3A_272] : memref<320000x128xf32, #tpu.memory_space<hbm>> -> memref<128x128xf32, #tpu.memory_space<hbm>>
        %dma_start3A_274 = arith.constant 0 : i32
        %dma_start3A_275 = tpu.memref_slice %arg10[%add3A_271, %dma_start3A_274] : memref<320000x128xf32, #tpu.memory_space<hbm>> -> memref<128x128xf32, #tpu.memory_space<hbm>>
        tpu.enqueue_dma source(%arg24 : memref<128x128xf32, #tpu.memory_space<vmem>>) target(%dma_start3A_275 : memref<128x128xf32, #tpu.memory_space<hbm>>) target_semaphore(%arg33 : memref<!tpu.dma_semaphore, #tpu.memory_space<semaphore_mem>>)
        %dma_start3A_276 = arith.constant 0 : i32
        %dma_start3A_277 = tpu.memref_slice %arg11[%add3A_271, %dma_start3A_276] : memref<320000x128xf32, #tpu.memory_space<hbm>> -> memref<128x128xf32, #tpu.memory_space<hbm>>
        %dma_start3A_278 = arith.constant 0 : i32
        %dma_start3A_279 = tpu.memref_slice %arg11[%add3A_271, %dma_start3A_278] : memref<320000x128xf32, #tpu.memory_space<hbm>> -> memref<128x128xf32, #tpu.memory_space<hbm>>
        tpu.enqueue_dma source(%arg27 : memref<128x128xf32, #tpu.memory_space<vmem>>) target(%dma_start3A_279 : memref<128x128xf32, #tpu.memory_space<hbm>>) target_semaphore(%arg33 : memref<!tpu.dma_semaphore, #tpu.memory_space<semaphore_mem>>)
        %add3A_280 = arith.constant 3 : i32
        %add3A_281 = arith.addi %add3A_260, %add3A_280 : i32
        %mul3A_282 = arith.constant 20000 : i32
        %mul3A_283 = arith.muli %arg1, %mul3A_282 : i32
        %mul3A_284 = arith.constant 128 : i32
        %mul3A_285 = arith.muli %add3A_281, %mul3A_284 : i32
        %add3A_286 = arith.addi %mul3A_283, %mul3A_285 : i32
        "tpu.region"() ({
          %run_scoped3A = tpu.sem_alloc : memref<!tpu.dma_semaphore, #tpu.memory_space<semaphore_mem>>
          %dma_start3A_307 = tpu.memref_slice %arg6[%add3A_286] : memref<320000xi32, #tpu.memory_space<hbm>> -> memref<128xi32, #tpu.memory_space<hbm>>
          %dma_start3A_308 = tpu.memref_slice %arg6[%add3A_286] : memref<320000xi32, #tpu.memory_space<hbm>> -> memref<128xi32, #tpu.memory_space<hbm>>
          tpu.enqueue_dma source(%dma_start3A_308 : memref<128xi32, #tpu.memory_space<hbm>>) target(%arg16 : memref<128xi32, #tpu.memory_space<vmem>>) target_semaphore(%run_scoped3A : memref<!tpu.dma_semaphore, #tpu.memory_space<semaphore_mem>>)
          %dma_wait3A_309 = tpu.memref_slice %arg6[%add3A_286] : memref<320000xi32, #tpu.memory_space<hbm>> -> memref<128xi32, #tpu.memory_space<hbm>>
          %dma_wait3A_310 = tpu.memref_slice %arg6[%add3A_286] : memref<320000xi32, #tpu.memory_space<hbm>> -> memref<128xi32, #tpu.memory_space<hbm>>
          tpu.wait_dma2 semaphore(%run_scoped3A : memref<!tpu.dma_semaphore, #tpu.memory_space<semaphore_mem>>) src(%dma_wait3A_310 : memref<128xi32, #tpu.memory_space<hbm>>) dst(%arg16 : memref<128xi32, #tpu.memory_space<vmem>>)
          tpu.yield
        }) : () -> ()
        "tpu.region"() ({
          %run_scoped3A = tpu.sem_alloc : memref<!tpu.dma_semaphore, #tpu.memory_space<semaphore_mem>>
          %dma_start3A_307 = tpu.memref_slice %arg7[%add3A_286] : memref<320000xi32, #tpu.memory_space<hbm>> -> memref<128xi32, #tpu.memory_space<hbm>>
          %dma_start3A_308 = tpu.memref_slice %arg7[%add3A_286] : memref<320000xi32, #tpu.memory_space<hbm>> -> memref<128xi32, #tpu.memory_space<hbm>>
          tpu.enqueue_dma source(%dma_start3A_308 : memref<128xi32, #tpu.memory_space<hbm>>) target(%arg19 : memref<128xi32, #tpu.memory_space<vmem>>) target_semaphore(%run_scoped3A : memref<!tpu.dma_semaphore, #tpu.memory_space<semaphore_mem>>)
          %dma_wait3A_309 = tpu.memref_slice %arg7[%add3A_286] : memref<320000xi32, #tpu.memory_space<hbm>> -> memref<128xi32, #tpu.memory_space<hbm>>
          %dma_wait3A_310 = tpu.memref_slice %arg7[%add3A_286] : memref<320000xi32, #tpu.memory_space<hbm>> -> memref<128xi32, #tpu.memory_space<hbm>>
          tpu.wait_dma2 semaphore(%run_scoped3A : memref<!tpu.dma_semaphore, #tpu.memory_space<semaphore_mem>>) src(%dma_wait3A_310 : memref<128xi32, #tpu.memory_space<hbm>>) dst(%arg19 : memref<128xi32, #tpu.memory_space<vmem>>)
          tpu.yield
        }) : () -> ()
        %mul3A_287 = arith.constant 20000 : i32
        %mul3A_288 = arith.muli %arg1, %mul3A_287 : i32
        %mul3A_289 = arith.constant 128 : i32
        %mul3A_290 = arith.muli %add3A_260, %mul3A_289 : i32
        %add3A_291 = arith.addi %mul3A_288, %mul3A_290 : i32
        %dma_wait3A_292 = arith.constant 0 : i32
        %dma_wait3A_293 = tpu.memref_slice %arg10[%add3A_291, %dma_wait3A_292] : memref<320000x128xf32, #tpu.memory_space<hbm>> -> memref<128x128xf32, #tpu.memory_space<hbm>>
        %dma_wait3A_294 = arith.constant 0 : i32
        %dma_wait3A_295 = tpu.memref_slice %arg10[%add3A_291, %dma_wait3A_294] : memref<320000x128xf32, #tpu.memory_space<hbm>> -> memref<128x128xf32, #tpu.memory_space<hbm>>
        tpu.wait_dma2 semaphore(%arg33 : memref<!tpu.dma_semaphore, #tpu.memory_space<semaphore_mem>>) src(%arg24 : memref<128x128xf32, #tpu.memory_space<vmem>>) dst(%dma_wait3A_295 : memref<128x128xf32, #tpu.memory_space<hbm>>)
        %dma_wait3A_296 = arith.constant 0 : i32
        %dma_wait3A_297 = tpu.memref_slice %arg11[%add3A_291, %dma_wait3A_296] : memref<320000x128xf32, #tpu.memory_space<hbm>> -> memref<128x128xf32, #tpu.memory_space<hbm>>
        %dma_wait3A_298 = arith.constant 0 : i32
        %dma_wait3A_299 = tpu.memref_slice %arg11[%add3A_291, %dma_wait3A_298] : memref<320000x128xf32, #tpu.memory_space<hbm>> -> memref<128x128xf32, #tpu.memory_space<hbm>>
        tpu.wait_dma2 semaphore(%arg33 : memref<!tpu.dma_semaphore, #tpu.memory_space<semaphore_mem>>) src(%arg27 : memref<128x128xf32, #tpu.memory_space<vmem>>) dst(%dma_wait3A_299 : memref<128x128xf32, #tpu.memory_space<hbm>>)
        %dma_start3A_300 = arith.constant 0 : i32
        %dma_start3A_301 = arith.constant 0 : i32
        %dma_start3A_302 = tpu.memref_slice %arg2[%dma_start3A_300, %dma_start3A_301] : memref<10000x128xf32, #tpu.memory_space<hbm>> -> memref<10000x128xf32, #tpu.memory_space<hbm>>
        tpu.enqueue_indirect_dma source(%dma_start3A_302 : memref<10000x128xf32, #tpu.memory_space<hbm>>) target(%arg24 : memref<128x128xf32, #tpu.memory_space<vmem>>) offsets(%arg16 : memref<128xi32, #tpu.memory_space<vmem>>) semaphore(%arg30 : memref<!tpu.dma_semaphore, #tpu.memory_space<semaphore_mem>>)
        %dma_start3A_303 = arith.constant 0 : i32
        %dma_start3A_304 = arith.constant 0 : i32
        %dma_start3A_305 = tpu.memref_slice %arg3[%dma_start3A_303, %dma_start3A_304] : memref<10000x128xf32, #tpu.memory_space<hbm>> -> memref<10000x128xf32, #tpu.memory_space<hbm>>
        tpu.enqueue_indirect_dma source(%dma_start3A_305 : memref<10000x128xf32, #tpu.memory_space<hbm>>) target(%arg27 : memref<128x128xf32, #tpu.memory_space<vmem>>) offsets(%arg19 : memref<128xi32, #tpu.memory_space<vmem>>) semaphore(%arg30 : memref<!tpu.dma_semaphore, #tpu.memory_space<semaphore_mem>>)
        %scan3A_306 = arith.constant 0 : i32
        scf.yield %scan3A_306 : i32
      }
      %scan3A_39 = arith.constant 51 : i32
      %dma_wait3A = arith.constant 0 : i32
      %dma_wait3A_40 = arith.constant 0 : i32
      %dma_wait3A_41 = tpu.memref_slice %arg2[%dma_wait3A, %dma_wait3A_40] : memref<10000x128xf32, #tpu.memory_space<hbm>> -> memref<10000x128xf32, #tpu.memory_space<hbm>>
      tpu.wait_indirect_dma semaphore(%arg28 : memref<!tpu.dma_semaphore, #tpu.memory_space<semaphore_mem>>) src(%dma_wait3A_41 : memref<10000x128xf32, #tpu.memory_space<hbm>>) dst(%arg22 : memref<128x128xf32, #tpu.memory_space<vmem>>)
      %dma_wait3A_42 = arith.constant 0 : i32
      %dma_wait3A_43 = arith.constant 0 : i32
      %dma_wait3A_44 = tpu.memref_slice %arg3[%dma_wait3A_42, %dma_wait3A_43] : memref<10000x128xf32, #tpu.memory_space<hbm>> -> memref<10000x128xf32, #tpu.memory_space<hbm>>
      tpu.wait_indirect_dma semaphore(%arg28 : memref<!tpu.dma_semaphore, #tpu.memory_space<semaphore_mem>>) src(%dma_wait3A_44 : memref<10000x128xf32, #tpu.memory_space<hbm>>) dst(%arg25 : memref<128x128xf32, #tpu.memory_space<vmem>>)
      %mul3A_45 = arith.constant 20000 : i32
      %mul3A_46 = arith.muli %arg1, %mul3A_45 : i32
      %add3A_47 = arith.constant 19584 : i32
      %add3A_48 = arith.addi %mul3A_46, %add3A_47 : i32
      %dma_start3A_49 = arith.constant 0 : i32
      %dma_start3A_50 = tpu.memref_slice %arg10[%add3A_48, %dma_start3A_49] : memref<320000x128xf32, #tpu.memory_space<hbm>> -> memref<128x128xf32, #tpu.memory_space<hbm>>
      %dma_start3A_51 = arith.constant 0 : i32
      %dma_start3A_52 = tpu.memref_slice %arg10[%add3A_48, %dma_start3A_51] : memref<320000x128xf32, #tpu.memory_space<hbm>> -> memref<128x128xf32, #tpu.memory_space<hbm>>
      tpu.enqueue_dma source(%arg22 : memref<128x128xf32, #tpu.memory_space<vmem>>) target(%dma_start3A_52 : memref<128x128xf32, #tpu.memory_space<hbm>>) target_semaphore(%arg31 : memref<!tpu.dma_semaphore, #tpu.memory_space<semaphore_mem>>)
      %dma_start3A_53 = arith.constant 0 : i32
      %dma_start3A_54 = tpu.memref_slice %arg11[%add3A_48, %dma_start3A_53] : memref<320000x128xf32, #tpu.memory_space<hbm>> -> memref<128x128xf32, #tpu.memory_space<hbm>>
      %dma_start3A_55 = arith.constant 0 : i32
      %dma_start3A_56 = tpu.memref_slice %arg11[%add3A_48, %dma_start3A_55] : memref<320000x128xf32, #tpu.memory_space<hbm>> -> memref<128x128xf32, #tpu.memory_space<hbm>>
      tpu.enqueue_dma source(%arg25 : memref<128x128xf32, #tpu.memory_space<vmem>>) target(%dma_start3A_56 : memref<128x128xf32, #tpu.memory_space<hbm>>) target_semaphore(%arg31 : memref<!tpu.dma_semaphore, #tpu.memory_space<semaphore_mem>>)
      %mul3A_57 = arith.constant 20000 : i32
      %mul3A_58 = arith.muli %arg1, %mul3A_57 : i32
      %add3A_59 = arith.constant 19584 : i32
      %add3A_60 = arith.addi %mul3A_58, %add3A_59 : i32
      %dma_wait3A_61 = arith.constant 0 : i32
      %dma_wait3A_62 = tpu.memref_slice %arg10[%add3A_60, %dma_wait3A_61] : memref<320000x128xf32, #tpu.memory_space<hbm>> -> memref<128x128xf32, #tpu.memory_space<hbm>>
      %dma_wait3A_63 = arith.constant 0 : i32
      %dma_wait3A_64 = tpu.memref_slice %arg10[%add3A_60, %dma_wait3A_63] : memref<320000x128xf32, #tpu.memory_space<hbm>> -> memref<128x128xf32, #tpu.memory_space<hbm>>
      tpu.wait_dma2 semaphore(%arg31 : memref<!tpu.dma_semaphore, #tpu.memory_space<semaphore_mem>>) src(%arg22 : memref<128x128xf32, #tpu.memory_space<vmem>>) dst(%dma_wait3A_64 : memref<128x128xf32, #tpu.memory_space<hbm>>)
      %dma_wait3A_65 = arith.constant 0 : i32
      %dma_wait3A_66 = tpu.memref_slice %arg11[%add3A_60, %dma_wait3A_65] : memref<320000x128xf32, #tpu.memory_space<hbm>> -> memref<128x128xf32, #tpu.memory_space<hbm>>
      %dma_wait3A_67 = arith.constant 0 : i32
      %dma_wait3A_68 = tpu.memref_slice %arg11[%add3A_60, %dma_wait3A_67] : memref<320000x128xf32, #tpu.memory_space<hbm>> -> memref<128x128xf32, #tpu.memory_space<hbm>>
      tpu.wait_dma2 semaphore(%arg31 : memref<!tpu.dma_semaphore, #tpu.memory_space<semaphore_mem>>) src(%arg25 : memref<128x128xf32, #tpu.memory_space<vmem>>) dst(%dma_wait3A_68 : memref<128x128xf32, #tpu.memory_space<hbm>>)
      %dma_wait3A_69 = arith.constant 0 : i32
      %dma_wait3A_70 = arith.constant 0 : i32
      %dma_wait3A_71 = tpu.memref_slice %arg2[%dma_wait3A_69, %dma_wait3A_70] : memref<10000x128xf32, #tpu.memory_space<hbm>> -> memref<10000x128xf32, #tpu.memory_space<hbm>>
      tpu.wait_indirect_dma semaphore(%arg29 : memref<!tpu.dma_semaphore, #tpu.memory_space<semaphore_mem>>) src(%dma_wait3A_71 : memref<10000x128xf32, #tpu.memory_space<hbm>>) dst(%arg23 : memref<128x128xf32, #tpu.memory_space<vmem>>)
      %dma_wait3A_72 = arith.constant 0 : i32
      %dma_wait3A_73 = arith.constant 0 : i32
      %dma_wait3A_74 = tpu.memref_slice %arg3[%dma_wait3A_72, %dma_wait3A_73] : memref<10000x128xf32, #tpu.memory_space<hbm>> -> memref<10000x128xf32, #tpu.memory_space<hbm>>
      tpu.wait_indirect_dma semaphore(%arg29 : memref<!tpu.dma_semaphore, #tpu.memory_space<semaphore_mem>>) src(%dma_wait3A_74 : memref<10000x128xf32, #tpu.memory_space<hbm>>) dst(%arg26 : memref<128x128xf32, #tpu.memory_space<vmem>>)
      %mul3A_75 = arith.constant 20000 : i32
      %mul3A_76 = arith.muli %arg1, %mul3A_75 : i32
      %add3A_77 = arith.constant 19712 : i32
      %add3A_78 = arith.addi %mul3A_76, %add3A_77 : i32
      %dma_start3A_79 = arith.constant 0 : i32
      %dma_start3A_80 = tpu.memref_slice %arg10[%add3A_78, %dma_start3A_79] : memref<320000x128xf32, #tpu.memory_space<hbm>> -> memref<128x128xf32, #tpu.memory_space<hbm>>
      %dma_start3A_81 = arith.constant 0 : i32
      %dma_start3A_82 = tpu.memref_slice %arg10[%add3A_78, %dma_start3A_81] : memref<320000x128xf32, #tpu.memory_space<hbm>> -> memref<128x128xf32, #tpu.memory_space<hbm>>
      tpu.enqueue_dma source(%arg23 : memref<128x128xf32, #tpu.memory_space<vmem>>) target(%dma_start3A_82 : memref<128x128xf32, #tpu.memory_space<hbm>>) target_semaphore(%arg32 : memref<!tpu.dma_semaphore, #tpu.memory_space<semaphore_mem>>)
      %dma_start3A_83 = arith.constant 0 : i32
      %dma_start3A_84 = tpu.memref_slice %arg11[%add3A_78, %dma_start3A_83] : memref<320000x128xf32, #tpu.memory_space<hbm>> -> memref<128x128xf32, #tpu.memory_space<hbm>>
      %dma_start3A_85 = arith.constant 0 : i32
      %dma_start3A_86 = tpu.memref_slice %arg11[%add3A_78, %dma_start3A_85] : memref<320000x128xf32, #tpu.memory_space<hbm>> -> memref<128x128xf32, #tpu.memory_space<hbm>>
      tpu.enqueue_dma source(%arg26 : memref<128x128xf32, #tpu.memory_space<vmem>>) target(%dma_start3A_86 : memref<128x128xf32, #tpu.memory_space<hbm>>) target_semaphore(%arg32 : memref<!tpu.dma_semaphore, #tpu.memory_space<semaphore_mem>>)
      %mul3A_87 = arith.constant 20000 : i32
      %mul3A_88 = arith.muli %arg1, %mul3A_87 : i32
      %add3A_89 = arith.constant 19712 : i32
      %add3A_90 = arith.addi %mul3A_88, %add3A_89 : i32
      %dma_wait3A_91 = arith.constant 0 : i32
      %dma_wait3A_92 = tpu.memref_slice %arg10[%add3A_90, %dma_wait3A_91] : memref<320000x128xf32, #tpu.memory_space<hbm>> -> memref<128x128xf32, #tpu.memory_space<hbm>>
      %dma_wait3A_93 = arith.constant 0 : i32
      %dma_wait3A_94 = tpu.memref_slice %arg10[%add3A_90, %dma_wait3A_93] : memref<320000x128xf32, #tpu.memory_space<hbm>> -> memref<128x128xf32, #tpu.memory_space<hbm>>
      tpu.wait_dma2 semaphore(%arg32 : memref<!tpu.dma_semaphore, #tpu.memory_space<semaphore_mem>>) src(%arg23 : memref<128x128xf32, #tpu.memory_space<vmem>>) dst(%dma_wait3A_94 : memref<128x128xf32, #tpu.memory_space<hbm>>)
      %dma_wait3A_95 = arith.constant 0 : i32
      %dma_wait3A_96 = tpu.memref_slice %arg11[%add3A_90, %dma_wait3A_95] : memref<320000x128xf32, #tpu.memory_space<hbm>> -> memref<128x128xf32, #tpu.memory_space<hbm>>
      %dma_wait3A_97 = arith.constant 0 : i32
      %dma_wait3A_98 = tpu.memref_slice %arg11[%add3A_90, %dma_wait3A_97] : memref<320000x128xf32, #tpu.memory_space<hbm>> -> memref<128x128xf32, #tpu.memory_space<hbm>>
      tpu.wait_dma2 semaphore(%arg32 : memref<!tpu.dma_semaphore, #tpu.memory_space<semaphore_mem>>) src(%arg26 : memref<128x128xf32, #tpu.memory_space<vmem>>) dst(%dma_wait3A_98 : memref<128x128xf32, #tpu.memory_space<hbm>>)
      %dma_wait3A_99 = arith.constant 0 : i32
      %dma_wait3A_100 = arith.constant 0 : i32
      %dma_wait3A_101 = tpu.memref_slice %arg2[%dma_wait3A_99, %dma_wait3A_100] : memref<10000x128xf32, #tpu.memory_space<hbm>> -> memref<10000x128xf32, #tpu.memory_space<hbm>>
      tpu.wait_indirect_dma semaphore(%arg30 : memref<!tpu.dma_semaphore, #tpu.memory_space<semaphore_mem>>) src(%dma_wait3A_101 : memref<10000x128xf32, #tpu.memory_space<hbm>>) dst(%arg24 : memref<128x128xf32, #tpu.memory_space<vmem>>)
      %dma_wait3A_102 = arith.constant 0 : i32
      %dma_wait3A_103 = arith.constant 0 : i32
      %dma_wait3A_104 = tpu.memref_slice %arg3[%dma_wait3A_102, %dma_wait3A_103] : memref<10000x128xf32, #tpu.memory_space<hbm>> -> memref<10000x128xf32, #tpu.memory_space<hbm>>
      tpu.wait_indirect_dma semaphore(%arg30 : memref<!tpu.dma_semaphore, #tpu.memory_space<semaphore_mem>>) src(%dma_wait3A_104 : memref<10000x128xf32, #tpu.memory_space<hbm>>) dst(%arg27 : memref<128x128xf32, #tpu.memory_space<vmem>>)
      %mul3A_105 = arith.constant 20000 : i32
      %mul3A_106 = arith.muli %arg1, %mul3A_105 : i32
      %add3A_107 = arith.constant 19840 : i32
      %add3A_108 = arith.addi %mul3A_106, %add3A_107 : i32
      %dma_start3A_109 = arith.constant 0 : i32
      %dma_start3A_110 = tpu.memref_slice %arg10[%add3A_108, %dma_start3A_109] : memref<320000x128xf32, #tpu.memory_space<hbm>> -> memref<128x128xf32, #tpu.memory_space<hbm>>
      %dma_start3A_111 = arith.constant 0 : i32
      %dma_start3A_112 = tpu.memref_slice %arg10[%add3A_108, %dma_start3A_111] : memref<320000x128xf32, #tpu.memory_space<hbm>> -> memref<128x128xf32, #tpu.memory_space<hbm>>
      tpu.enqueue_dma source(%arg24 : memref<128x128xf32, #tpu.memory_space<vmem>>) target(%dma_start3A_112 : memref<128x128xf32, #tpu.memory_space<hbm>>) target_semaphore(%arg33 : memref<!tpu.dma_semaphore, #tpu.memory_space<semaphore_mem>>)
      %dma_start3A_113 = arith.constant 0 : i32
      %dma_start3A_114 = tpu.memref_slice %arg11[%add3A_108, %dma_start3A_113] : memref<320000x128xf32, #tpu.memory_space<hbm>> -> memref<128x128xf32, #tpu.memory_space<hbm>>
      %dma_start3A_115 = arith.constant 0 : i32
      %dma_start3A_116 = tpu.memref_slice %arg11[%add3A_108, %dma_start3A_115] : memref<320000x128xf32, #tpu.memory_space<hbm>> -> memref<128x128xf32, #tpu.memory_space<hbm>>
      tpu.enqueue_dma source(%arg27 : memref<128x128xf32, #tpu.memory_space<vmem>>) target(%dma_start3A_116 : memref<128x128xf32, #tpu.memory_space<hbm>>) target_semaphore(%arg33 : memref<!tpu.dma_semaphore, #tpu.memory_space<semaphore_mem>>)
      %mul3A_117 = arith.constant 20000 : i32
      %mul3A_118 = arith.muli %arg1, %mul3A_117 : i32
      %add3A_119 = arith.constant 19840 : i32
      %add3A_120 = arith.addi %mul3A_118, %add3A_119 : i32
      %dma_wait3A_121 = arith.constant 0 : i32
      %dma_wait3A_122 = tpu.memref_slice %arg10[%add3A_120, %dma_wait3A_121] : memref<320000x128xf32, #tpu.memory_space<hbm>> -> memref<128x128xf32, #tpu.memory_space<hbm>>
      %dma_wait3A_123 = arith.constant 0 : i32
      %dma_wait3A_124 = tpu.memref_slice %arg10[%add3A_120, %dma_wait3A_123] : memref<320000x128xf32, #tpu.memory_space<hbm>> -> memref<128x128xf32, #tpu.memory_space<hbm>>
      tpu.wait_dma2 semaphore(%arg33 : memref<!tpu.dma_semaphore, #tpu.memory_space<semaphore_mem>>) src(%arg24 : memref<128x128xf32, #tpu.memory_space<vmem>>) dst(%dma_wait3A_124 : memref<128x128xf32, #tpu.memory_space<hbm>>)
      %dma_wait3A_125 = arith.constant 0 : i32
      %dma_wait3A_126 = tpu.memref_slice %arg11[%add3A_120, %dma_wait3A_125] : memref<320000x128xf32, #tpu.memory_space<hbm>> -> memref<128x128xf32, #tpu.memory_space<hbm>>
      %dma_wait3A_127 = arith.constant 0 : i32
      %dma_wait3A_128 = tpu.memref_slice %arg11[%add3A_120, %dma_wait3A_127] : memref<320000x128xf32, #tpu.memory_space<hbm>> -> memref<128x128xf32, #tpu.memory_space<hbm>>
      tpu.wait_dma2 semaphore(%arg33 : memref<!tpu.dma_semaphore, #tpu.memory_space<semaphore_mem>>) src(%arg27 : memref<128x128xf32, #tpu.memory_space<vmem>>) dst(%dma_wait3A_128 : memref<128x128xf32, #tpu.memory_space<hbm>>)
      %mul3A_129 = arith.constant 20000 : i32
      %mul3A_130 = arith.muli %arg1, %mul3A_129 : i32
      %add3A_131 = arith.constant 19968 : i32
      %add3A_132 = arith.addi %mul3A_130, %add3A_131 : i32
      "tpu.region"() ({
        %run_scoped3A = tpu.sem_alloc : memref<!tpu.dma_semaphore, #tpu.memory_space<semaphore_mem>>
        %dma_start3A_157 = tpu.memref_slice %arg6[%add3A_132] : memref<320000xi32, #tpu.memory_space<hbm>> -> memref<32xi32, #tpu.memory_space<hbm>>
        %dma_start3A_158 = tpu.memref_slice %arg6[%add3A_132] : memref<320000xi32, #tpu.memory_space<hbm>> -> memref<32xi32, #tpu.memory_space<hbm>>
        tpu.enqueue_dma source(%dma_start3A_158 : memref<32xi32, #tpu.memory_space<hbm>>) target(%arg20 : memref<32xi32, #tpu.memory_space<vmem>>) target_semaphore(%run_scoped3A : memref<!tpu.dma_semaphore, #tpu.memory_space<semaphore_mem>>)
        %dma_wait3A_159 = tpu.memref_slice %arg6[%add3A_132] : memref<320000xi32, #tpu.memory_space<hbm>> -> memref<32xi32, #tpu.memory_space<hbm>>
        %dma_wait3A_160 = tpu.memref_slice %arg6[%add3A_132] : memref<320000xi32, #tpu.memory_space<hbm>> -> memref<32xi32, #tpu.memory_space<hbm>>
        tpu.wait_dma2 semaphore(%run_scoped3A : memref<!tpu.dma_semaphore, #tpu.memory_space<semaphore_mem>>) src(%dma_wait3A_160 : memref<32xi32, #tpu.memory_space<hbm>>) dst(%arg20 : memref<32xi32, #tpu.memory_space<vmem>>)
        tpu.yield
      }) : () -> ()
      "tpu.region"() ({
        %run_scoped3A = tpu.sem_alloc : memref<!tpu.dma_semaphore, #tpu.memory_space<semaphore_mem>>
        %dma_start3A_157 = tpu.memref_slice %arg7[%add3A_132] : memref<320000xi32, #tpu.memory_space<hbm>> -> memref<32xi32, #tpu.memory_space<hbm>>
        %dma_start3A_158 = tpu.memref_slice %arg7[%add3A_132] : memref<320000xi32, #tpu.memory_space<hbm>> -> memref<32xi32, #tpu.memory_space<hbm>>
        tpu.enqueue_dma source(%dma_start3A_158 : memref<32xi32, #tpu.memory_space<hbm>>) target(%arg21 : memref<32xi32, #tpu.memory_space<vmem>>) target_semaphore(%run_scoped3A : memref<!tpu.dma_semaphore, #tpu.memory_space<semaphore_mem>>)
        %dma_wait3A_159 = tpu.memref_slice %arg7[%add3A_132] : memref<320000xi32, #tpu.memory_space<hbm>> -> memref<32xi32, #tpu.memory_space<hbm>>
        %dma_wait3A_160 = tpu.memref_slice %arg7[%add3A_132] : memref<320000xi32, #tpu.memory_space<hbm>> -> memref<32xi32, #tpu.memory_space<hbm>>
        tpu.wait_dma2 semaphore(%run_scoped3A : memref<!tpu.dma_semaphore, #tpu.memory_space<semaphore_mem>>) src(%dma_wait3A_160 : memref<32xi32, #tpu.memory_space<hbm>>) dst(%arg21 : memref<32xi32, #tpu.memory_space<vmem>>)
        tpu.yield
      }) : () -> ()
      %dma_start3A_133 = arith.constant 0 : i32
      %dma_start3A_134 = arith.constant 0 : i32
      %dma_start3A_135 = tpu.memref_slice %arg22[%dma_start3A_133, %dma_start3A_134] : memref<128x128xf32, #tpu.memory_space<vmem>> -> memref<32x128xf32, #tpu.memory_space<vmem>>
      %dma_start3A_136 = arith.constant 0 : i32
      %dma_start3A_137 = arith.constant 0 : i32
      %dma_start3A_138 = tpu.memref_slice %arg2[%dma_start3A_136, %dma_start3A_137] : memref<10000x128xf32, #tpu.memory_space<hbm>> -> memref<10000x128xf32, #tpu.memory_space<hbm>>
      tpu.enqueue_indirect_dma source(%dma_start3A_138 : memref<10000x128xf32, #tpu.memory_space<hbm>>) target(%dma_start3A_135 : memref<32x128xf32, #tpu.memory_space<vmem>>) offsets(%arg20 : memref<32xi32, #tpu.memory_space<vmem>>) semaphore(%arg28 : memref<!tpu.dma_semaphore, #tpu.memory_space<semaphore_mem>>)
      %dma_start3A_139 = arith.constant 0 : i32
      %dma_start3A_140 = arith.constant 0 : i32
      %dma_start3A_141 = tpu.memref_slice %arg25[%dma_start3A_139, %dma_start3A_140] : memref<128x128xf32, #tpu.memory_space<vmem>> -> memref<32x128xf32, #tpu.memory_space<vmem>>
      %dma_start3A_142 = arith.constant 0 : i32
      %dma_start3A_143 = arith.constant 0 : i32
      %dma_start3A_144 = tpu.memref_slice %arg3[%dma_start3A_142, %dma_start3A_143] : memref<10000x128xf32, #tpu.memory_space<hbm>> -> memref<10000x128xf32, #tpu.memory_space<hbm>>
      tpu.enqueue_indirect_dma source(%dma_start3A_144 : memref<10000x128xf32, #tpu.memory_space<hbm>>) target(%dma_start3A_141 : memref<32x128xf32, #tpu.memory_space<vmem>>) offsets(%arg21 : memref<32xi32, #tpu.memory_space<vmem>>) semaphore(%arg28 : memref<!tpu.dma_semaphore, #tpu.memory_space<semaphore_mem>>)
      %dma_wait3A_145 = arith.constant 0 : i32
      %dma_wait3A_146 = arith.constant 0 : i32
      %dma_wait3A_147 = tpu.memref_slice %arg22[%dma_wait3A_145, %dma_wait3A_146] : memref<128x128xf32, #tpu.memory_space<vmem>> -> memref<32x128xf32, #tpu.memory_space<vmem>>
      %dma_wait3A_148 = arith.constant 0 : i32
      %dma_wait3A_149 = arith.constant 0 : i32
      %dma_wait3A_150 = tpu.memref_slice %arg2[%dma_wait3A_148, %dma_wait3A_149] : memref<10000x128xf32, #tpu.memory_space<hbm>> -> memref<10000x128xf32, #tpu.memory_space<hbm>>
      tpu.wait_indirect_dma semaphore(%arg28 : memref<!tpu.dma_semaphore, #tpu.memory_space<semaphore_mem>>) src(%dma_wait3A_150 : memref<10000x128xf32, #tpu.memory_space<hbm>>) dst(%dma_wait3A_147 : memref<32x128xf32, #tpu.memory_space<vmem>>)
      %dma_wait3A_151 = arith.constant 0 : i32
      %dma_wait3A_152 = arith.constant 0 : i32
      %dma_wait3A_153 = tpu.memref_slice %arg25[%dma_wait3A_151, %dma_wait3A_152] : memref<128x128xf32, #tpu.memory_space<vmem>> -> memref<32x128xf32, #tpu.memory_space<vmem>>
      %dma_wait3A_154 = arith.constant 0 : i32
      %dma_wait3A_155 = arith.constant 0 : i32
      %dma_wait3A_156 = tpu.memref_slice %arg3[%dma_wait3A_154, %dma_wait3A_155] : memref<10000x128xf32, #tpu.memory_space<hbm>> -> memref<10000x128xf32, #tpu.memory_space<hbm>>
      tpu.wait_indirect_dma semaphore(%arg28 : memref<!tpu.dma_semaphore, #tpu.memory_space<semaphore_mem>>) src(%dma_wait3A_156 : memref<10000x128xf32, #tpu.memory_space<hbm>>) dst(%dma_wait3A_153 : memref<32x128xf32, #tpu.memory_space<vmem>>)
      "tpu.region"() ({
        %run_scoped3A = tpu.sem_alloc : memref<!tpu.dma_semaphore, #tpu.memory_space<semaphore_mem>>
        %dma_start3A_157 = arith.constant 0 : i32
        %dma_start3A_158 = arith.constant 0 : i32
        %dma_start3A_159 = tpu.memref_slice %arg22[%dma_start3A_157, %dma_start3A_158] : memref<128x128xf32, #tpu.memory_space<vmem>> -> memref<32x128xf32, #tpu.memory_space<vmem>>
        %dma_start3A_160 = arith.constant 0 : i32
        %dma_start3A_161 = tpu.memref_slice %arg10[%add3A_132, %dma_start3A_160] : memref<320000x128xf32, #tpu.memory_space<hbm>> -> memref<32x128xf32, #tpu.memory_space<hbm>>
        %dma_start3A_162 = arith.constant 0 : i32
        %dma_start3A_163 = tpu.memref_slice %arg10[%add3A_132, %dma_start3A_162] : memref<320000x128xf32, #tpu.memory_space<hbm>> -> memref<32x128xf32, #tpu.memory_space<hbm>>
        %dma_start3A_164 = arith.constant 0 : i32
        %dma_start3A_165 = arith.constant 0 : i32
        %dma_start3A_166 = tpu.memref_slice %arg22[%dma_start3A_164, %dma_start3A_165] : memref<128x128xf32, #tpu.memory_space<vmem>> -> memref<32x128xf32, #tpu.memory_space<vmem>>
        tpu.enqueue_dma source(%dma_start3A_166 : memref<32x128xf32, #tpu.memory_space<vmem>>) target(%dma_start3A_163 : memref<32x128xf32, #tpu.memory_space<hbm>>) target_semaphore(%run_scoped3A : memref<!tpu.dma_semaphore, #tpu.memory_space<semaphore_mem>>)
        %dma_wait3A_167 = arith.constant 0 : i32
        %dma_wait3A_168 = arith.constant 0 : i32
        %dma_wait3A_169 = tpu.memref_slice %arg22[%dma_wait3A_167, %dma_wait3A_168] : memref<128x128xf32, #tpu.memory_space<vmem>> -> memref<32x128xf32, #tpu.memory_space<vmem>>
        %dma_wait3A_170 = arith.constant 0 : i32
        %dma_wait3A_171 = tpu.memref_slice %arg10[%add3A_132, %dma_wait3A_170] : memref<320000x128xf32, #tpu.memory_space<hbm>> -> memref<32x128xf32, #tpu.memory_space<hbm>>
        %dma_wait3A_172 = arith.constant 0 : i32
        %dma_wait3A_173 = tpu.memref_slice %arg10[%add3A_132, %dma_wait3A_172] : memref<320000x128xf32, #tpu.memory_space<hbm>> -> memref<32x128xf32, #tpu.memory_space<hbm>>
        %dma_wait3A_174 = arith.constant 0 : i32
        %dma_wait3A_175 = arith.constant 0 : i32
        %dma_wait3A_176 = tpu.memref_slice %arg22[%dma_wait3A_174, %dma_wait3A_175] : memref<128x128xf32, #tpu.memory_space<vmem>> -> memref<32x128xf32, #tpu.memory_space<vmem>>
        tpu.wait_dma2 semaphore(%run_scoped3A : memref<!tpu.dma_semaphore, #tpu.memory_space<semaphore_mem>>) src(%dma_wait3A_176 : memref<32x128xf32, #tpu.memory_space<vmem>>) dst(%dma_wait3A_173 : memref<32x128xf32, #tpu.memory_space<hbm>>)
        tpu.yield
      }) : () -> ()
      "tpu.region"() ({
        %run_scoped3A = tpu.sem_alloc : memref<!tpu.dma_semaphore, #tpu.memory_space<semaphore_mem>>
        %dma_start3A_157 = arith.constant 0 : i32
        %dma_start3A_158 = arith.constant 0 : i32
        %dma_start3A_159 = tpu.memref_slice %arg25[%dma_start3A_157, %dma_start3A_158] : memref<128x128xf32, #tpu.memory_space<vmem>> -> memref<32x128xf32, #tpu.memory_space<vmem>>
        %dma_start3A_160 = arith.constant 0 : i32
        %dma_start3A_161 = tpu.memref_slice %arg11[%add3A_132, %dma_start3A_160] : memref<320000x128xf32, #tpu.memory_space<hbm>> -> memref<32x128xf32, #tpu.memory_space<hbm>>
        %dma_start3A_162 = arith.constant 0 : i32
        %dma_start3A_163 = tpu.memref_slice %arg11[%add3A_132, %dma_start3A_162] : memref<320000x128xf32, #tpu.memory_space<hbm>> -> memref<32x128xf32, #tpu.memory_space<hbm>>
        %dma_start3A_164 = arith.constant 0 : i32
        %dma_start3A_165 = arith.constant 0 : i32
        %dma_start3A_166 = tpu.memref_slice %arg25[%dma_start3A_164, %dma_start3A_165] : memref<128x128xf32, #tpu.memory_space<vmem>> -> memref<32x128xf32, #tpu.memory_space<vmem>>
        tpu.enqueue_dma source(%dma_start3A_166 : memref<32x128xf32, #tpu.memory_space<vmem>>) target(%dma_start3A_163 : memref<32x128xf32, #tpu.memory_space<hbm>>) target_semaphore(%run_scoped3A : memref<!tpu.dma_semaphore, #tpu.memory_space<semaphore_mem>>)
        %dma_wait3A_167 = arith.constant 0 : i32
        %dma_wait3A_168 = arith.constant 0 : i32
        %dma_wait3A_169 = tpu.memref_slice %arg25[%dma_wait3A_167, %dma_wait3A_168] : memref<128x128xf32, #tpu.memory_space<vmem>> -> memref<32x128xf32, #tpu.memory_space<vmem>>
        %dma_wait3A_170 = arith.constant 0 : i32
        %dma_wait3A_171 = tpu.memref_slice %arg11[%add3A_132, %dma_wait3A_170] : memref<320000x128xf32, #tpu.memory_space<hbm>> -> memref<32x128xf32, #tpu.memory_space<hbm>>
        %dma_wait3A_172 = arith.constant 0 : i32
        %dma_wait3A_173 = tpu.memref_slice %arg11[%add3A_132, %dma_wait3A_172] : memref<320000x128xf32, #tpu.memory_space<hbm>> -> memref<32x128xf32, #tpu.memory_space<hbm>>
        %dma_wait3A_174 = arith.constant 0 : i32
        %dma_wait3A_175 = arith.constant 0 : i32
        %dma_wait3A_176 = tpu.memref_slice %arg25[%dma_wait3A_174, %dma_wait3A_175] : memref<128x128xf32, #tpu.memory_space<vmem>> -> memref<32x128xf32, #tpu.memory_space<vmem>>
        tpu.wait_dma2 semaphore(%run_scoped3A : memref<!tpu.dma_semaphore, #tpu.memory_space<semaphore_mem>>) src(%dma_wait3A_176 : memref<32x128xf32, #tpu.memory_space<vmem>>) dst(%dma_wait3A_173 : memref<32x128xf32, #tpu.memory_space<hbm>>)
        tpu.yield
      }) : () -> ()
    } else {
    }
    %eq3A_2 = arith.constant 1 : i32
    %eq3A_3 = arith.cmpi eq, %arg0, %eq3A_2 : i32
    %convert_element_type3A_4 = arith.extui %eq3A_3 : i1 to i32
    %cond3A_5 = arith.constant 0 : i32
    %cond3A_6 = arith.cmpi ne, %convert_element_type3A_4, %cond3A_5 : i32
    scf.if %cond3A_6 {
      %mul3A = arith.constant 20000 : i32
      %mul3A_7 = arith.muli %arg1, %mul3A : i32
      %add3A = arith.constant 0 : i32
      %add3A_8 = arith.addi %mul3A_7, %add3A : i32
      "tpu.region"() ({
        %run_scoped3A = tpu.sem_alloc : memref<!tpu.dma_semaphore, #tpu.memory_space<semaphore_mem>>
        %dma_start3A_157 = tpu.memref_slice %arg8[%add3A_8] : memref<320000xi32, #tpu.memory_space<hbm>> -> memref<128xi32, #tpu.memory_space<hbm>>
        %dma_start3A_158 = tpu.memref_slice %arg8[%add3A_8] : memref<320000xi32, #tpu.memory_space<hbm>> -> memref<128xi32, #tpu.memory_space<hbm>>
        tpu.enqueue_dma source(%dma_start3A_158 : memref<128xi32, #tpu.memory_space<hbm>>) target(%arg14 : memref<128xi32, #tpu.memory_space<vmem>>) target_semaphore(%run_scoped3A : memref<!tpu.dma_semaphore, #tpu.memory_space<semaphore_mem>>)
        %dma_wait3A_159 = tpu.memref_slice %arg8[%add3A_8] : memref<320000xi32, #tpu.memory_space<hbm>> -> memref<128xi32, #tpu.memory_space<hbm>>
        %dma_wait3A_160 = tpu.memref_slice %arg8[%add3A_8] : memref<320000xi32, #tpu.memory_space<hbm>> -> memref<128xi32, #tpu.memory_space<hbm>>
        tpu.wait_dma2 semaphore(%run_scoped3A : memref<!tpu.dma_semaphore, #tpu.memory_space<semaphore_mem>>) src(%dma_wait3A_160 : memref<128xi32, #tpu.memory_space<hbm>>) dst(%arg14 : memref<128xi32, #tpu.memory_space<vmem>>)
        tpu.yield
      }) : () -> ()
      "tpu.region"() ({
        %run_scoped3A = tpu.sem_alloc : memref<!tpu.dma_semaphore, #tpu.memory_space<semaphore_mem>>
        %dma_start3A_157 = tpu.memref_slice %arg9[%add3A_8] : memref<320000xi32, #tpu.memory_space<hbm>> -> memref<128xi32, #tpu.memory_space<hbm>>
        %dma_start3A_158 = tpu.memref_slice %arg9[%add3A_8] : memref<320000xi32, #tpu.memory_space<hbm>> -> memref<128xi32, #tpu.memory_space<hbm>>
        tpu.enqueue_dma source(%dma_start3A_158 : memref<128xi32, #tpu.memory_space<hbm>>) target(%arg17 : memref<128xi32, #tpu.memory_space<vmem>>) target_semaphore(%run_scoped3A : memref<!tpu.dma_semaphore, #tpu.memory_space<semaphore_mem>>)
        %dma_wait3A_159 = tpu.memref_slice %arg9[%add3A_8] : memref<320000xi32, #tpu.memory_space<hbm>> -> memref<128xi32, #tpu.memory_space<hbm>>
        %dma_wait3A_160 = tpu.memref_slice %arg9[%add3A_8] : memref<320000xi32, #tpu.memory_space<hbm>> -> memref<128xi32, #tpu.memory_space<hbm>>
        tpu.wait_dma2 semaphore(%run_scoped3A : memref<!tpu.dma_semaphore, #tpu.memory_space<semaphore_mem>>) src(%dma_wait3A_160 : memref<128xi32, #tpu.memory_space<hbm>>) dst(%arg17 : memref<128xi32, #tpu.memory_space<vmem>>)
        tpu.yield
      }) : () -> ()
      %dma_start3A = arith.constant 0 : i32
      %dma_start3A_9 = arith.constant 0 : i32
      %dma_start3A_10 = tpu.memref_slice %arg4[%dma_start3A, %dma_start3A_9] : memref<10000x128xf32, #tpu.memory_space<hbm>> -> memref<10000x128xf32, #tpu.memory_space<hbm>>
      tpu.enqueue_indirect_dma source(%dma_start3A_10 : memref<10000x128xf32, #tpu.memory_space<hbm>>) target(%arg22 : memref<128x128xf32, #tpu.memory_space<vmem>>) offsets(%arg14 : memref<128xi32, #tpu.memory_space<vmem>>) semaphore(%arg28 : memref<!tpu.dma_semaphore, #tpu.memory_space<semaphore_mem>>)
      %dma_start3A_11 = arith.constant 0 : i32
      %dma_start3A_12 = arith.constant 0 : i32
      %dma_start3A_13 = tpu.memref_slice %arg5[%dma_start3A_11, %dma_start3A_12] : memref<10000x128xf32, #tpu.memory_space<hbm>> -> memref<10000x128xf32, #tpu.memory_space<hbm>>
      tpu.enqueue_indirect_dma source(%dma_start3A_13 : memref<10000x128xf32, #tpu.memory_space<hbm>>) target(%arg25 : memref<128x128xf32, #tpu.memory_space<vmem>>) offsets(%arg17 : memref<128xi32, #tpu.memory_space<vmem>>) semaphore(%arg28 : memref<!tpu.dma_semaphore, #tpu.memory_space<semaphore_mem>>)
      %mul3A_14 = arith.constant 20000 : i32
      %mul3A_15 = arith.muli %arg1, %mul3A_14 : i32
      %add3A_16 = arith.constant 128 : i32
      %add3A_17 = arith.addi %mul3A_15, %add3A_16 : i32
      "tpu.region"() ({
        %run_scoped3A = tpu.sem_alloc : memref<!tpu.dma_semaphore, #tpu.memory_space<semaphore_mem>>
        %dma_start3A_157 = tpu.memref_slice %arg8[%add3A_17] : memref<320000xi32, #tpu.memory_space<hbm>> -> memref<128xi32, #tpu.memory_space<hbm>>
        %dma_start3A_158 = tpu.memref_slice %arg8[%add3A_17] : memref<320000xi32, #tpu.memory_space<hbm>> -> memref<128xi32, #tpu.memory_space<hbm>>
        tpu.enqueue_dma source(%dma_start3A_158 : memref<128xi32, #tpu.memory_space<hbm>>) target(%arg15 : memref<128xi32, #tpu.memory_space<vmem>>) target_semaphore(%run_scoped3A : memref<!tpu.dma_semaphore, #tpu.memory_space<semaphore_mem>>)
        %dma_wait3A_159 = tpu.memref_slice %arg8[%add3A_17] : memref<320000xi32, #tpu.memory_space<hbm>> -> memref<128xi32, #tpu.memory_space<hbm>>
        %dma_wait3A_160 = tpu.memref_slice %arg8[%add3A_17] : memref<320000xi32, #tpu.memory_space<hbm>> -> memref<128xi32, #tpu.memory_space<hbm>>
        tpu.wait_dma2 semaphore(%run_scoped3A : memref<!tpu.dma_semaphore, #tpu.memory_space<semaphore_mem>>) src(%dma_wait3A_160 : memref<128xi32, #tpu.memory_space<hbm>>) dst(%arg15 : memref<128xi32, #tpu.memory_space<vmem>>)
        tpu.yield
      }) : () -> ()
      "tpu.region"() ({
        %run_scoped3A = tpu.sem_alloc : memref<!tpu.dma_semaphore, #tpu.memory_space<semaphore_mem>>
        %dma_start3A_157 = tpu.memref_slice %arg9[%add3A_17] : memref<320000xi32, #tpu.memory_space<hbm>> -> memref<128xi32, #tpu.memory_space<hbm>>
        %dma_start3A_158 = tpu.memref_slice %arg9[%add3A_17] : memref<320000xi32, #tpu.memory_space<hbm>> -> memref<128xi32, #tpu.memory_space<hbm>>
        tpu.enqueue_dma source(%dma_start3A_158 : memref<128xi32, #tpu.memory_space<hbm>>) target(%arg18 : memref<128xi32, #tpu.memory_space<vmem>>) target_semaphore(%run_scoped3A : memref<!tpu.dma_semaphore, #tpu.memory_space<semaphore_mem>>)
        %dma_wait3A_159 = tpu.memref_slice %arg9[%add3A_17] : memref<320000xi32, #tpu.memory_space<hbm>> -> memref<128xi32, #tpu.memory_space<hbm>>
        %dma_wait3A_160 = tpu.memref_slice %arg9[%add3A_17] : memref<320000xi32, #tpu.memory_space<hbm>> -> memref<128xi32, #tpu.memory_space<hbm>>
        tpu.wait_dma2 semaphore(%run_scoped3A : memref<!tpu.dma_semaphore, #tpu.memory_space<semaphore_mem>>) src(%dma_wait3A_160 : memref<128xi32, #tpu.memory_space<hbm>>) dst(%arg18 : memref<128xi32, #tpu.memory_space<vmem>>)
        tpu.yield
      }) : () -> ()
      %dma_start3A_18 = arith.constant 0 : i32
      %dma_start3A_19 = arith.constant 0 : i32
      %dma_start3A_20 = tpu.memref_slice %arg4[%dma_start3A_18, %dma_start3A_19] : memref<10000x128xf32, #tpu.memory_space<hbm>> -> memref<10000x128xf32, #tpu.memory_space<hbm>>
      tpu.enqueue_indirect_dma source(%dma_start3A_20 : memref<10000x128xf32, #tpu.memory_space<hbm>>) target(%arg23 : memref<128x128xf32, #tpu.memory_space<vmem>>) offsets(%arg15 : memref<128xi32, #tpu.memory_space<vmem>>) semaphore(%arg29 : memref<!tpu.dma_semaphore, #tpu.memory_space<semaphore_mem>>)
      %dma_start3A_21 = arith.constant 0 : i32
      %dma_start3A_22 = arith.constant 0 : i32
      %dma_start3A_23 = tpu.memref_slice %arg5[%dma_start3A_21, %dma_start3A_22] : memref<10000x128xf32, #tpu.memory_space<hbm>> -> memref<10000x128xf32, #tpu.memory_space<hbm>>
      tpu.enqueue_indirect_dma source(%dma_start3A_23 : memref<10000x128xf32, #tpu.memory_space<hbm>>) target(%arg26 : memref<128x128xf32, #tpu.memory_space<vmem>>) offsets(%arg18 : memref<128xi32, #tpu.memory_space<vmem>>) semaphore(%arg29 : memref<!tpu.dma_semaphore, #tpu.memory_space<semaphore_mem>>)
      %mul3A_24 = arith.constant 20000 : i32
      %mul3A_25 = arith.muli %arg1, %mul3A_24 : i32
      %add3A_26 = arith.constant 256 : i32
      %add3A_27 = arith.addi %mul3A_25, %add3A_26 : i32
      "tpu.region"() ({
        %run_scoped3A = tpu.sem_alloc : memref<!tpu.dma_semaphore, #tpu.memory_space<semaphore_mem>>
        %dma_start3A_157 = tpu.memref_slice %arg8[%add3A_27] : memref<320000xi32, #tpu.memory_space<hbm>> -> memref<128xi32, #tpu.memory_space<hbm>>
        %dma_start3A_158 = tpu.memref_slice %arg8[%add3A_27] : memref<320000xi32, #tpu.memory_space<hbm>> -> memref<128xi32, #tpu.memory_space<hbm>>
        tpu.enqueue_dma source(%dma_start3A_158 : memref<128xi32, #tpu.memory_space<hbm>>) target(%arg16 : memref<128xi32, #tpu.memory_space<vmem>>) target_semaphore(%run_scoped3A : memref<!tpu.dma_semaphore, #tpu.memory_space<semaphore_mem>>)
        %dma_wait3A_159 = tpu.memref_slice %arg8[%add3A_27] : memref<320000xi32, #tpu.memory_space<hbm>> -> memref<128xi32, #tpu.memory_space<hbm>>
        %dma_wait3A_160 = tpu.memref_slice %arg8[%add3A_27] : memref<320000xi32, #tpu.memory_space<hbm>> -> memref<128xi32, #tpu.memory_space<hbm>>
        tpu.wait_dma2 semaphore(%run_scoped3A : memref<!tpu.dma_semaphore, #tpu.memory_space<semaphore_mem>>) src(%dma_wait3A_160 : memref<128xi32, #tpu.memory_space<hbm>>) dst(%arg16 : memref<128xi32, #tpu.memory_space<vmem>>)
        tpu.yield
      }) : () -> ()
      "tpu.region"() ({
        %run_scoped3A = tpu.sem_alloc : memref<!tpu.dma_semaphore, #tpu.memory_space<semaphore_mem>>
        %dma_start3A_157 = tpu.memref_slice %arg9[%add3A_27] : memref<320000xi32, #tpu.memory_space<hbm>> -> memref<128xi32, #tpu.memory_space<hbm>>
        %dma_start3A_158 = tpu.memref_slice %arg9[%add3A_27] : memref<320000xi32, #tpu.memory_space<hbm>> -> memref<128xi32, #tpu.memory_space<hbm>>
        tpu.enqueue_dma source(%dma_start3A_158 : memref<128xi32, #tpu.memory_space<hbm>>) target(%arg19 : memref<128xi32, #tpu.memory_space<vmem>>) target_semaphore(%run_scoped3A : memref<!tpu.dma_semaphore, #tpu.memory_space<semaphore_mem>>)
        %dma_wait3A_159 = tpu.memref_slice %arg9[%add3A_27] : memref<320000xi32, #tpu.memory_space<hbm>> -> memref<128xi32, #tpu.memory_space<hbm>>
        %dma_wait3A_160 = tpu.memref_slice %arg9[%add3A_27] : memref<320000xi32, #tpu.memory_space<hbm>> -> memref<128xi32, #tpu.memory_space<hbm>>
        tpu.wait_dma2 semaphore(%run_scoped3A : memref<!tpu.dma_semaphore, #tpu.memory_space<semaphore_mem>>) src(%dma_wait3A_160 : memref<128xi32, #tpu.memory_space<hbm>>) dst(%arg19 : memref<128xi32, #tpu.memory_space<vmem>>)
        tpu.yield
      }) : () -> ()
      %dma_start3A_28 = arith.constant 0 : i32
      %dma_start3A_29 = arith.constant 0 : i32
      %dma_start3A_30 = tpu.memref_slice %arg4[%dma_start3A_28, %dma_start3A_29] : memref<10000x128xf32, #tpu.memory_space<hbm>> -> memref<10000x128xf32, #tpu.memory_space<hbm>>
      tpu.enqueue_indirect_dma source(%dma_start3A_30 : memref<10000x128xf32, #tpu.memory_space<hbm>>) target(%arg24 : memref<128x128xf32, #tpu.memory_space<vmem>>) offsets(%arg16 : memref<128xi32, #tpu.memory_space<vmem>>) semaphore(%arg30 : memref<!tpu.dma_semaphore, #tpu.memory_space<semaphore_mem>>)
      %dma_start3A_31 = arith.constant 0 : i32
      %dma_start3A_32 = arith.constant 0 : i32
      %dma_start3A_33 = tpu.memref_slice %arg5[%dma_start3A_31, %dma_start3A_32] : memref<10000x128xf32, #tpu.memory_space<hbm>> -> memref<10000x128xf32, #tpu.memory_space<hbm>>
      tpu.enqueue_indirect_dma source(%dma_start3A_33 : memref<10000x128xf32, #tpu.memory_space<hbm>>) target(%arg27 : memref<128x128xf32, #tpu.memory_space<vmem>>) offsets(%arg19 : memref<128xi32, #tpu.memory_space<vmem>>) semaphore(%arg30 : memref<!tpu.dma_semaphore, #tpu.memory_space<semaphore_mem>>)
      %scan3A = arith.constant 0 : i32
      %scan3A_34 = arith.constant 0 : i32
      %scan3A_35 = arith.constant 51 : i32
      %scan3A_36 = arith.addi %scan3A_34, %scan3A_35 : i32
      %scan3A_37 = arith.constant 1 : i32
      %scan3A_38 = scf.for %scan3A_157 = %scan3A_34 to %scan3A_36 step %scan3A_37 iter_args(%scan3A_158 = %scan3A) -> (i32)  : i32 {
        %mul3A_159 = arith.constant 3 : i32
        %mul3A_160 = arith.muli %scan3A_157, %mul3A_159 : i32
        %add3A_161 = arith.constant 0 : i32
        %add3A_162 = arith.addi %mul3A_160, %add3A_161 : i32
        %dma_wait3A_163 = arith.constant 0 : i32
        %dma_wait3A_164 = arith.constant 0 : i32
        %dma_wait3A_165 = tpu.memref_slice %arg4[%dma_wait3A_163, %dma_wait3A_164] : memref<10000x128xf32, #tpu.memory_space<hbm>> -> memref<10000x128xf32, #tpu.memory_space<hbm>>
        tpu.wait_indirect_dma semaphore(%arg28 : memref<!tpu.dma_semaphore, #tpu.memory_space<semaphore_mem>>) src(%dma_wait3A_165 : memref<10000x128xf32, #tpu.memory_space<hbm>>) dst(%arg22 : memref<128x128xf32, #tpu.memory_space<vmem>>)
        %dma_wait3A_166 = arith.constant 0 : i32
        %dma_wait3A_167 = arith.constant 0 : i32
        %dma_wait3A_168 = tpu.memref_slice %arg5[%dma_wait3A_166, %dma_wait3A_167] : memref<10000x128xf32, #tpu.memory_space<hbm>> -> memref<10000x128xf32, #tpu.memory_space<hbm>>
        tpu.wait_indirect_dma semaphore(%arg28 : memref<!tpu.dma_semaphore, #tpu.memory_space<semaphore_mem>>) src(%dma_wait3A_168 : memref<10000x128xf32, #tpu.memory_space<hbm>>) dst(%arg25 : memref<128x128xf32, #tpu.memory_space<vmem>>)
        %mul3A_169 = arith.constant 20000 : i32
        %mul3A_170 = arith.muli %arg1, %mul3A_169 : i32
        %mul3A_171 = arith.constant 128 : i32
        %mul3A_172 = arith.muli %add3A_162, %mul3A_171 : i32
        %add3A_173 = arith.addi %mul3A_170, %mul3A_172 : i32
        %dma_start3A_174 = arith.constant 0 : i32
        %dma_start3A_175 = tpu.memref_slice %arg12[%add3A_173, %dma_start3A_174] : memref<320000x128xf32, #tpu.memory_space<hbm>> -> memref<128x128xf32, #tpu.memory_space<hbm>>
        %dma_start3A_176 = arith.constant 0 : i32
        %dma_start3A_177 = tpu.memref_slice %arg12[%add3A_173, %dma_start3A_176] : memref<320000x128xf32, #tpu.memory_space<hbm>> -> memref<128x128xf32, #tpu.memory_space<hbm>>
        tpu.enqueue_dma source(%arg22 : memref<128x128xf32, #tpu.memory_space<vmem>>) target(%dma_start3A_177 : memref<128x128xf32, #tpu.memory_space<hbm>>) target_semaphore(%arg31 : memref<!tpu.dma_semaphore, #tpu.memory_space<semaphore_mem>>)
        %dma_start3A_178 = arith.constant 0 : i32
        %dma_start3A_179 = tpu.memref_slice %arg13[%add3A_173, %dma_start3A_178] : memref<320000x128xf32, #tpu.memory_space<hbm>> -> memref<128x128xf32, #tpu.memory_space<hbm>>
        %dma_start3A_180 = arith.constant 0 : i32
        %dma_start3A_181 = tpu.memref_slice %arg13[%add3A_173, %dma_start3A_180] : memref<320000x128xf32, #tpu.memory_space<hbm>> -> memref<128x128xf32, #tpu.memory_space<hbm>>
        tpu.enqueue_dma source(%arg25 : memref<128x128xf32, #tpu.memory_space<vmem>>) target(%dma_start3A_181 : memref<128x128xf32, #tpu.memory_space<hbm>>) target_semaphore(%arg31 : memref<!tpu.dma_semaphore, #tpu.memory_space<semaphore_mem>>)
        %add3A_182 = arith.constant 3 : i32
        %add3A_183 = arith.addi %add3A_162, %add3A_182 : i32
        %mul3A_184 = arith.constant 20000 : i32
        %mul3A_185 = arith.muli %arg1, %mul3A_184 : i32
        %mul3A_186 = arith.constant 128 : i32
        %mul3A_187 = arith.muli %add3A_183, %mul3A_186 : i32
        %add3A_188 = arith.addi %mul3A_185, %mul3A_187 : i32
        "tpu.region"() ({
          %run_scoped3A = tpu.sem_alloc : memref<!tpu.dma_semaphore, #tpu.memory_space<semaphore_mem>>
          %dma_start3A_307 = tpu.memref_slice %arg8[%add3A_188] : memref<320000xi32, #tpu.memory_space<hbm>> -> memref<128xi32, #tpu.memory_space<hbm>>
          %dma_start3A_308 = tpu.memref_slice %arg8[%add3A_188] : memref<320000xi32, #tpu.memory_space<hbm>> -> memref<128xi32, #tpu.memory_space<hbm>>
          tpu.enqueue_dma source(%dma_start3A_308 : memref<128xi32, #tpu.memory_space<hbm>>) target(%arg14 : memref<128xi32, #tpu.memory_space<vmem>>) target_semaphore(%run_scoped3A : memref<!tpu.dma_semaphore, #tpu.memory_space<semaphore_mem>>)
          %dma_wait3A_309 = tpu.memref_slice %arg8[%add3A_188] : memref<320000xi32, #tpu.memory_space<hbm>> -> memref<128xi32, #tpu.memory_space<hbm>>
          %dma_wait3A_310 = tpu.memref_slice %arg8[%add3A_188] : memref<320000xi32, #tpu.memory_space<hbm>> -> memref<128xi32, #tpu.memory_space<hbm>>
          tpu.wait_dma2 semaphore(%run_scoped3A : memref<!tpu.dma_semaphore, #tpu.memory_space<semaphore_mem>>) src(%dma_wait3A_310 : memref<128xi32, #tpu.memory_space<hbm>>) dst(%arg14 : memref<128xi32, #tpu.memory_space<vmem>>)
          tpu.yield
        }) : () -> ()
        "tpu.region"() ({
          %run_scoped3A = tpu.sem_alloc : memref<!tpu.dma_semaphore, #tpu.memory_space<semaphore_mem>>
          %dma_start3A_307 = tpu.memref_slice %arg9[%add3A_188] : memref<320000xi32, #tpu.memory_space<hbm>> -> memref<128xi32, #tpu.memory_space<hbm>>
          %dma_start3A_308 = tpu.memref_slice %arg9[%add3A_188] : memref<320000xi32, #tpu.memory_space<hbm>> -> memref<128xi32, #tpu.memory_space<hbm>>
          tpu.enqueue_dma source(%dma_start3A_308 : memref<128xi32, #tpu.memory_space<hbm>>) target(%arg17 : memref<128xi32, #tpu.memory_space<vmem>>) target_semaphore(%run_scoped3A : memref<!tpu.dma_semaphore, #tpu.memory_space<semaphore_mem>>)
          %dma_wait3A_309 = tpu.memref_slice %arg9[%add3A_188] : memref<320000xi32, #tpu.memory_space<hbm>> -> memref<128xi32, #tpu.memory_space<hbm>>
          %dma_wait3A_310 = tpu.memref_slice %arg9[%add3A_188] : memref<320000xi32, #tpu.memory_space<hbm>> -> memref<128xi32, #tpu.memory_space<hbm>>
          tpu.wait_dma2 semaphore(%run_scoped3A : memref<!tpu.dma_semaphore, #tpu.memory_space<semaphore_mem>>) src(%dma_wait3A_310 : memref<128xi32, #tpu.memory_space<hbm>>) dst(%arg17 : memref<128xi32, #tpu.memory_space<vmem>>)
          tpu.yield
        }) : () -> ()
        %mul3A_189 = arith.constant 20000 : i32
        %mul3A_190 = arith.muli %arg1, %mul3A_189 : i32
        %mul3A_191 = arith.constant 128 : i32
        %mul3A_192 = arith.muli %add3A_162, %mul3A_191 : i32
        %add3A_193 = arith.addi %mul3A_190, %mul3A_192 : i32
        %dma_wait3A_194 = arith.constant 0 : i32
        %dma_wait3A_195 = tpu.memref_slice %arg12[%add3A_193, %dma_wait3A_194] : memref<320000x128xf32, #tpu.memory_space<hbm>> -> memref<128x128xf32, #tpu.memory_space<hbm>>
        %dma_wait3A_196 = arith.constant 0 : i32
        %dma_wait3A_197 = tpu.memref_slice %arg12[%add3A_193, %dma_wait3A_196] : memref<320000x128xf32, #tpu.memory_space<hbm>> -> memref<128x128xf32, #tpu.memory_space<hbm>>
        tpu.wait_dma2 semaphore(%arg31 : memref<!tpu.dma_semaphore, #tpu.memory_space<semaphore_mem>>) src(%arg22 : memref<128x128xf32, #tpu.memory_space<vmem>>) dst(%dma_wait3A_197 : memref<128x128xf32, #tpu.memory_space<hbm>>)
        %dma_wait3A_198 = arith.constant 0 : i32
        %dma_wait3A_199 = tpu.memref_slice %arg13[%add3A_193, %dma_wait3A_198] : memref<320000x128xf32, #tpu.memory_space<hbm>> -> memref<128x128xf32, #tpu.memory_space<hbm>>
        %dma_wait3A_200 = arith.constant 0 : i32
        %dma_wait3A_201 = tpu.memref_slice %arg13[%add3A_193, %dma_wait3A_200] : memref<320000x128xf32, #tpu.memory_space<hbm>> -> memref<128x128xf32, #tpu.memory_space<hbm>>
        tpu.wait_dma2 semaphore(%arg31 : memref<!tpu.dma_semaphore, #tpu.memory_space<semaphore_mem>>) src(%arg25 : memref<128x128xf32, #tpu.memory_space<vmem>>) dst(%dma_wait3A_201 : memref<128x128xf32, #tpu.memory_space<hbm>>)
        %dma_start3A_202 = arith.constant 0 : i32
        %dma_start3A_203 = arith.constant 0 : i32
        %dma_start3A_204 = tpu.memref_slice %arg4[%dma_start3A_202, %dma_start3A_203] : memref<10000x128xf32, #tpu.memory_space<hbm>> -> memref<10000x128xf32, #tpu.memory_space<hbm>>
        tpu.enqueue_indirect_dma source(%dma_start3A_204 : memref<10000x128xf32, #tpu.memory_space<hbm>>) target(%arg22 : memref<128x128xf32, #tpu.memory_space<vmem>>) offsets(%arg14 : memref<128xi32, #tpu.memory_space<vmem>>) semaphore(%arg28 : memref<!tpu.dma_semaphore, #tpu.memory_space<semaphore_mem>>)
        %dma_start3A_205 = arith.constant 0 : i32
        %dma_start3A_206 = arith.constant 0 : i32
        %dma_start3A_207 = tpu.memref_slice %arg5[%dma_start3A_205, %dma_start3A_206] : memref<10000x128xf32, #tpu.memory_space<hbm>> -> memref<10000x128xf32, #tpu.memory_space<hbm>>
        tpu.enqueue_indirect_dma source(%dma_start3A_207 : memref<10000x128xf32, #tpu.memory_space<hbm>>) target(%arg25 : memref<128x128xf32, #tpu.memory_space<vmem>>) offsets(%arg17 : memref<128xi32, #tpu.memory_space<vmem>>) semaphore(%arg28 : memref<!tpu.dma_semaphore, #tpu.memory_space<semaphore_mem>>)
        %mul3A_208 = arith.constant 3 : i32
        %mul3A_209 = arith.muli %scan3A_157, %mul3A_208 : i32
        %add3A_210 = arith.constant 1 : i32
        %add3A_211 = arith.addi %mul3A_209, %add3A_210 : i32
        %dma_wait3A_212 = arith.constant 0 : i32
        %dma_wait3A_213 = arith.constant 0 : i32
        %dma_wait3A_214 = tpu.memref_slice %arg4[%dma_wait3A_212, %dma_wait3A_213] : memref<10000x128xf32, #tpu.memory_space<hbm>> -> memref<10000x128xf32, #tpu.memory_space<hbm>>
        tpu.wait_indirect_dma semaphore(%arg29 : memref<!tpu.dma_semaphore, #tpu.memory_space<semaphore_mem>>) src(%dma_wait3A_214 : memref<10000x128xf32, #tpu.memory_space<hbm>>) dst(%arg23 : memref<128x128xf32, #tpu.memory_space<vmem>>)
        %dma_wait3A_215 = arith.constant 0 : i32
        %dma_wait3A_216 = arith.constant 0 : i32
        %dma_wait3A_217 = tpu.memref_slice %arg5[%dma_wait3A_215, %dma_wait3A_216] : memref<10000x128xf32, #tpu.memory_space<hbm>> -> memref<10000x128xf32, #tpu.memory_space<hbm>>
        tpu.wait_indirect_dma semaphore(%arg29 : memref<!tpu.dma_semaphore, #tpu.memory_space<semaphore_mem>>) src(%dma_wait3A_217 : memref<10000x128xf32, #tpu.memory_space<hbm>>) dst(%arg26 : memref<128x128xf32, #tpu.memory_space<vmem>>)
        %mul3A_218 = arith.constant 20000 : i32
        %mul3A_219 = arith.muli %arg1, %mul3A_218 : i32
        %mul3A_220 = arith.constant 128 : i32
        %mul3A_221 = arith.muli %add3A_211, %mul3A_220 : i32
        %add3A_222 = arith.addi %mul3A_219, %mul3A_221 : i32
        %dma_start3A_223 = arith.constant 0 : i32
        %dma_start3A_224 = tpu.memref_slice %arg12[%add3A_222, %dma_start3A_223] : memref<320000x128xf32, #tpu.memory_space<hbm>> -> memref<128x128xf32, #tpu.memory_space<hbm>>
        %dma_start3A_225 = arith.constant 0 : i32
        %dma_start3A_226 = tpu.memref_slice %arg12[%add3A_222, %dma_start3A_225] : memref<320000x128xf32, #tpu.memory_space<hbm>> -> memref<128x128xf32, #tpu.memory_space<hbm>>
        tpu.enqueue_dma source(%arg23 : memref<128x128xf32, #tpu.memory_space<vmem>>) target(%dma_start3A_226 : memref<128x128xf32, #tpu.memory_space<hbm>>) target_semaphore(%arg32 : memref<!tpu.dma_semaphore, #tpu.memory_space<semaphore_mem>>)
        %dma_start3A_227 = arith.constant 0 : i32
        %dma_start3A_228 = tpu.memref_slice %arg13[%add3A_222, %dma_start3A_227] : memref<320000x128xf32, #tpu.memory_space<hbm>> -> memref<128x128xf32, #tpu.memory_space<hbm>>
        %dma_start3A_229 = arith.constant 0 : i32
        %dma_start3A_230 = tpu.memref_slice %arg13[%add3A_222, %dma_start3A_229] : memref<320000x128xf32, #tpu.memory_space<hbm>> -> memref<128x128xf32, #tpu.memory_space<hbm>>
        tpu.enqueue_dma source(%arg26 : memref<128x128xf32, #tpu.memory_space<vmem>>) target(%dma_start3A_230 : memref<128x128xf32, #tpu.memory_space<hbm>>) target_semaphore(%arg32 : memref<!tpu.dma_semaphore, #tpu.memory_space<semaphore_mem>>)
        %add3A_231 = arith.constant 3 : i32
        %add3A_232 = arith.addi %add3A_211, %add3A_231 : i32
        %mul3A_233 = arith.constant 20000 : i32
        %mul3A_234 = arith.muli %arg1, %mul3A_233 : i32
        %mul3A_235 = arith.constant 128 : i32
        %mul3A_236 = arith.muli %add3A_232, %mul3A_235 : i32
        %add3A_237 = arith.addi %mul3A_234, %mul3A_236 : i32
        "tpu.region"() ({
          %run_scoped3A = tpu.sem_alloc : memref<!tpu.dma_semaphore, #tpu.memory_space<semaphore_mem>>
          %dma_start3A_307 = tpu.memref_slice %arg8[%add3A_237] : memref<320000xi32, #tpu.memory_space<hbm>> -> memref<128xi32, #tpu.memory_space<hbm>>
          %dma_start3A_308 = tpu.memref_slice %arg8[%add3A_237] : memref<320000xi32, #tpu.memory_space<hbm>> -> memref<128xi32, #tpu.memory_space<hbm>>
          tpu.enqueue_dma source(%dma_start3A_308 : memref<128xi32, #tpu.memory_space<hbm>>) target(%arg15 : memref<128xi32, #tpu.memory_space<vmem>>) target_semaphore(%run_scoped3A : memref<!tpu.dma_semaphore, #tpu.memory_space<semaphore_mem>>)
          %dma_wait3A_309 = tpu.memref_slice %arg8[%add3A_237] : memref<320000xi32, #tpu.memory_space<hbm>> -> memref<128xi32, #tpu.memory_space<hbm>>
          %dma_wait3A_310 = tpu.memref_slice %arg8[%add3A_237] : memref<320000xi32, #tpu.memory_space<hbm>> -> memref<128xi32, #tpu.memory_space<hbm>>
          tpu.wait_dma2 semaphore(%run_scoped3A : memref<!tpu.dma_semaphore, #tpu.memory_space<semaphore_mem>>) src(%dma_wait3A_310 : memref<128xi32, #tpu.memory_space<hbm>>) dst(%arg15 : memref<128xi32, #tpu.memory_space<vmem>>)
          tpu.yield
        }) : () -> ()
        "tpu.region"() ({
          %run_scoped3A = tpu.sem_alloc : memref<!tpu.dma_semaphore, #tpu.memory_space<semaphore_mem>>
          %dma_start3A_307 = tpu.memref_slice %arg9[%add3A_237] : memref<320000xi32, #tpu.memory_space<hbm>> -> memref<128xi32, #tpu.memory_space<hbm>>
          %dma_start3A_308 = tpu.memref_slice %arg9[%add3A_237] : memref<320000xi32, #tpu.memory_space<hbm>> -> memref<128xi32, #tpu.memory_space<hbm>>
          tpu.enqueue_dma source(%dma_start3A_308 : memref<128xi32, #tpu.memory_space<hbm>>) target(%arg18 : memref<128xi32, #tpu.memory_space<vmem>>) target_semaphore(%run_scoped3A : memref<!tpu.dma_semaphore, #tpu.memory_space<semaphore_mem>>)
          %dma_wait3A_309 = tpu.memref_slice %arg9[%add3A_237] : memref<320000xi32, #tpu.memory_space<hbm>> -> memref<128xi32, #tpu.memory_space<hbm>>
          %dma_wait3A_310 = tpu.memref_slice %arg9[%add3A_237] : memref<320000xi32, #tpu.memory_space<hbm>> -> memref<128xi32, #tpu.memory_space<hbm>>
          tpu.wait_dma2 semaphore(%run_scoped3A : memref<!tpu.dma_semaphore, #tpu.memory_space<semaphore_mem>>) src(%dma_wait3A_310 : memref<128xi32, #tpu.memory_space<hbm>>) dst(%arg18 : memref<128xi32, #tpu.memory_space<vmem>>)
          tpu.yield
        }) : () -> ()
        %mul3A_238 = arith.constant 20000 : i32
        %mul3A_239 = arith.muli %arg1, %mul3A_238 : i32
        %mul3A_240 = arith.constant 128 : i32
        %mul3A_241 = arith.muli %add3A_211, %mul3A_240 : i32
        %add3A_242 = arith.addi %mul3A_239, %mul3A_241 : i32
        %dma_wait3A_243 = arith.constant 0 : i32
        %dma_wait3A_244 = tpu.memref_slice %arg12[%add3A_242, %dma_wait3A_243] : memref<320000x128xf32, #tpu.memory_space<hbm>> -> memref<128x128xf32, #tpu.memory_space<hbm>>
        %dma_wait3A_245 = arith.constant 0 : i32
        %dma_wait3A_246 = tpu.memref_slice %arg12[%add3A_242, %dma_wait3A_245] : memref<320000x128xf32, #tpu.memory_space<hbm>> -> memref<128x128xf32, #tpu.memory_space<hbm>>
        tpu.wait_dma2 semaphore(%arg32 : memref<!tpu.dma_semaphore, #tpu.memory_space<semaphore_mem>>) src(%arg23 : memref<128x128xf32, #tpu.memory_space<vmem>>) dst(%dma_wait3A_246 : memref<128x128xf32, #tpu.memory_space<hbm>>)
        %dma_wait3A_247 = arith.constant 0 : i32
        %dma_wait3A_248 = tpu.memref_slice %arg13[%add3A_242, %dma_wait3A_247] : memref<320000x128xf32, #tpu.memory_space<hbm>> -> memref<128x128xf32, #tpu.memory_space<hbm>>
        %dma_wait3A_249 = arith.constant 0 : i32
        %dma_wait3A_250 = tpu.memref_slice %arg13[%add3A_242, %dma_wait3A_249] : memref<320000x128xf32, #tpu.memory_space<hbm>> -> memref<128x128xf32, #tpu.memory_space<hbm>>
        tpu.wait_dma2 semaphore(%arg32 : memref<!tpu.dma_semaphore, #tpu.memory_space<semaphore_mem>>) src(%arg26 : memref<128x128xf32, #tpu.memory_space<vmem>>) dst(%dma_wait3A_250 : memref<128x128xf32, #tpu.memory_space<hbm>>)
        %dma_start3A_251 = arith.constant 0 : i32
        %dma_start3A_252 = arith.constant 0 : i32
        %dma_start3A_253 = tpu.memref_slice %arg4[%dma_start3A_251, %dma_start3A_252] : memref<10000x128xf32, #tpu.memory_space<hbm>> -> memref<10000x128xf32, #tpu.memory_space<hbm>>
        tpu.enqueue_indirect_dma source(%dma_start3A_253 : memref<10000x128xf32, #tpu.memory_space<hbm>>) target(%arg23 : memref<128x128xf32, #tpu.memory_space<vmem>>) offsets(%arg15 : memref<128xi32, #tpu.memory_space<vmem>>) semaphore(%arg29 : memref<!tpu.dma_semaphore, #tpu.memory_space<semaphore_mem>>)
        %dma_start3A_254 = arith.constant 0 : i32
        %dma_start3A_255 = arith.constant 0 : i32
        %dma_start3A_256 = tpu.memref_slice %arg5[%dma_start3A_254, %dma_start3A_255] : memref<10000x128xf32, #tpu.memory_space<hbm>> -> memref<10000x128xf32, #tpu.memory_space<hbm>>
        tpu.enqueue_indirect_dma source(%dma_start3A_256 : memref<10000x128xf32, #tpu.memory_space<hbm>>) target(%arg26 : memref<128x128xf32, #tpu.memory_space<vmem>>) offsets(%arg18 : memref<128xi32, #tpu.memory_space<vmem>>) semaphore(%arg29 : memref<!tpu.dma_semaphore, #tpu.memory_space<semaphore_mem>>)
        %mul3A_257 = arith.constant 3 : i32
        %mul3A_258 = arith.muli %scan3A_157, %mul3A_257 : i32
        %add3A_259 = arith.constant 2 : i32
        %add3A_260 = arith.addi %mul3A_258, %add3A_259 : i32
        %dma_wait3A_261 = arith.constant 0 : i32
        %dma_wait3A_262 = arith.constant 0 : i32
        %dma_wait3A_263 = tpu.memref_slice %arg4[%dma_wait3A_261, %dma_wait3A_262] : memref<10000x128xf32, #tpu.memory_space<hbm>> -> memref<10000x128xf32, #tpu.memory_space<hbm>>
        tpu.wait_indirect_dma semaphore(%arg30 : memref<!tpu.dma_semaphore, #tpu.memory_space<semaphore_mem>>) src(%dma_wait3A_263 : memref<10000x128xf32, #tpu.memory_space<hbm>>) dst(%arg24 : memref<128x128xf32, #tpu.memory_space<vmem>>)
        %dma_wait3A_264 = arith.constant 0 : i32
        %dma_wait3A_265 = arith.constant 0 : i32
        %dma_wait3A_266 = tpu.memref_slice %arg5[%dma_wait3A_264, %dma_wait3A_265] : memref<10000x128xf32, #tpu.memory_space<hbm>> -> memref<10000x128xf32, #tpu.memory_space<hbm>>
        tpu.wait_indirect_dma semaphore(%arg30 : memref<!tpu.dma_semaphore, #tpu.memory_space<semaphore_mem>>) src(%dma_wait3A_266 : memref<10000x128xf32, #tpu.memory_space<hbm>>) dst(%arg27 : memref<128x128xf32, #tpu.memory_space<vmem>>)
        %mul3A_267 = arith.constant 20000 : i32
        %mul3A_268 = arith.muli %arg1, %mul3A_267 : i32
        %mul3A_269 = arith.constant 128 : i32
        %mul3A_270 = arith.muli %add3A_260, %mul3A_269 : i32
        %add3A_271 = arith.addi %mul3A_268, %mul3A_270 : i32
        %dma_start3A_272 = arith.constant 0 : i32
        %dma_start3A_273 = tpu.memref_slice %arg12[%add3A_271, %dma_start3A_272] : memref<320000x128xf32, #tpu.memory_space<hbm>> -> memref<128x128xf32, #tpu.memory_space<hbm>>
        %dma_start3A_274 = arith.constant 0 : i32
        %dma_start3A_275 = tpu.memref_slice %arg12[%add3A_271, %dma_start3A_274] : memref<320000x128xf32, #tpu.memory_space<hbm>> -> memref<128x128xf32, #tpu.memory_space<hbm>>
        tpu.enqueue_dma source(%arg24 : memref<128x128xf32, #tpu.memory_space<vmem>>) target(%dma_start3A_275 : memref<128x128xf32, #tpu.memory_space<hbm>>) target_semaphore(%arg33 : memref<!tpu.dma_semaphore, #tpu.memory_space<semaphore_mem>>)
        %dma_start3A_276 = arith.constant 0 : i32
        %dma_start3A_277 = tpu.memref_slice %arg13[%add3A_271, %dma_start3A_276] : memref<320000x128xf32, #tpu.memory_space<hbm>> -> memref<128x128xf32, #tpu.memory_space<hbm>>
        %dma_start3A_278 = arith.constant 0 : i32
        %dma_start3A_279 = tpu.memref_slice %arg13[%add3A_271, %dma_start3A_278] : memref<320000x128xf32, #tpu.memory_space<hbm>> -> memref<128x128xf32, #tpu.memory_space<hbm>>
        tpu.enqueue_dma source(%arg27 : memref<128x128xf32, #tpu.memory_space<vmem>>) target(%dma_start3A_279 : memref<128x128xf32, #tpu.memory_space<hbm>>) target_semaphore(%arg33 : memref<!tpu.dma_semaphore, #tpu.memory_space<semaphore_mem>>)
        %add3A_280 = arith.constant 3 : i32
        %add3A_281 = arith.addi %add3A_260, %add3A_280 : i32
        %mul3A_282 = arith.constant 20000 : i32
        %mul3A_283 = arith.muli %arg1, %mul3A_282 : i32
        %mul3A_284 = arith.constant 128 : i32
        %mul3A_285 = arith.muli %add3A_281, %mul3A_284 : i32
        %add3A_286 = arith.addi %mul3A_283, %mul3A_285 : i32
        "tpu.region"() ({
          %run_scoped3A = tpu.sem_alloc : memref<!tpu.dma_semaphore, #tpu.memory_space<semaphore_mem>>
          %dma_start3A_307 = tpu.memref_slice %arg8[%add3A_286] : memref<320000xi32, #tpu.memory_space<hbm>> -> memref<128xi32, #tpu.memory_space<hbm>>
          %dma_start3A_308 = tpu.memref_slice %arg8[%add3A_286] : memref<320000xi32, #tpu.memory_space<hbm>> -> memref<128xi32, #tpu.memory_space<hbm>>
          tpu.enqueue_dma source(%dma_start3A_308 : memref<128xi32, #tpu.memory_space<hbm>>) target(%arg16 : memref<128xi32, #tpu.memory_space<vmem>>) target_semaphore(%run_scoped3A : memref<!tpu.dma_semaphore, #tpu.memory_space<semaphore_mem>>)
          %dma_wait3A_309 = tpu.memref_slice %arg8[%add3A_286] : memref<320000xi32, #tpu.memory_space<hbm>> -> memref<128xi32, #tpu.memory_space<hbm>>
          %dma_wait3A_310 = tpu.memref_slice %arg8[%add3A_286] : memref<320000xi32, #tpu.memory_space<hbm>> -> memref<128xi32, #tpu.memory_space<hbm>>
          tpu.wait_dma2 semaphore(%run_scoped3A : memref<!tpu.dma_semaphore, #tpu.memory_space<semaphore_mem>>) src(%dma_wait3A_310 : memref<128xi32, #tpu.memory_space<hbm>>) dst(%arg16 : memref<128xi32, #tpu.memory_space<vmem>>)
          tpu.yield
        }) : () -> ()
        "tpu.region"() ({
          %run_scoped3A = tpu.sem_alloc : memref<!tpu.dma_semaphore, #tpu.memory_space<semaphore_mem>>
          %dma_start3A_307 = tpu.memref_slice %arg9[%add3A_286] : memref<320000xi32, #tpu.memory_space<hbm>> -> memref<128xi32, #tpu.memory_space<hbm>>
          %dma_start3A_308 = tpu.memref_slice %arg9[%add3A_286] : memref<320000xi32, #tpu.memory_space<hbm>> -> memref<128xi32, #tpu.memory_space<hbm>>
          tpu.enqueue_dma source(%dma_start3A_308 : memref<128xi32, #tpu.memory_space<hbm>>) target(%arg19 : memref<128xi32, #tpu.memory_space<vmem>>) target_semaphore(%run_scoped3A : memref<!tpu.dma_semaphore, #tpu.memory_space<semaphore_mem>>)
          %dma_wait3A_309 = tpu.memref_slice %arg9[%add3A_286] : memref<320000xi32, #tpu.memory_space<hbm>> -> memref<128xi32, #tpu.memory_space<hbm>>
          %dma_wait3A_310 = tpu.memref_slice %arg9[%add3A_286] : memref<320000xi32, #tpu.memory_space<hbm>> -> memref<128xi32, #tpu.memory_space<hbm>>
          tpu.wait_dma2 semaphore(%run_scoped3A : memref<!tpu.dma_semaphore, #tpu.memory_space<semaphore_mem>>) src(%dma_wait3A_310 : memref<128xi32, #tpu.memory_space<hbm>>) dst(%arg19 : memref<128xi32, #tpu.memory_space<vmem>>)
          tpu.yield
        }) : () -> ()
        %mul3A_287 = arith.constant 20000 : i32
        %mul3A_288 = arith.muli %arg1, %mul3A_287 : i32
        %mul3A_289 = arith.constant 128 : i32
        %mul3A_290 = arith.muli %add3A_260, %mul3A_289 : i32
        %add3A_291 = arith.addi %mul3A_288, %mul3A_290 : i32
        %dma_wait3A_292 = arith.constant 0 : i32
        %dma_wait3A_293 = tpu.memref_slice %arg12[%add3A_291, %dma_wait3A_292] : memref<320000x128xf32, #tpu.memory_space<hbm>> -> memref<128x128xf32, #tpu.memory_space<hbm>>
        %dma_wait3A_294 = arith.constant 0 : i32
        %dma_wait3A_295 = tpu.memref_slice %arg12[%add3A_291, %dma_wait3A_294] : memref<320000x128xf32, #tpu.memory_space<hbm>> -> memref<128x128xf32, #tpu.memory_space<hbm>>
        tpu.wait_dma2 semaphore(%arg33 : memref<!tpu.dma_semaphore, #tpu.memory_space<semaphore_mem>>) src(%arg24 : memref<128x128xf32, #tpu.memory_space<vmem>>) dst(%dma_wait3A_295 : memref<128x128xf32, #tpu.memory_space<hbm>>)
        %dma_wait3A_296 = arith.constant 0 : i32
        %dma_wait3A_297 = tpu.memref_slice %arg13[%add3A_291, %dma_wait3A_296] : memref<320000x128xf32, #tpu.memory_space<hbm>> -> memref<128x128xf32, #tpu.memory_space<hbm>>
        %dma_wait3A_298 = arith.constant 0 : i32
        %dma_wait3A_299 = tpu.memref_slice %arg13[%add3A_291, %dma_wait3A_298] : memref<320000x128xf32, #tpu.memory_space<hbm>> -> memref<128x128xf32, #tpu.memory_space<hbm>>
        tpu.wait_dma2 semaphore(%arg33 : memref<!tpu.dma_semaphore, #tpu.memory_space<semaphore_mem>>) src(%arg27 : memref<128x128xf32, #tpu.memory_space<vmem>>) dst(%dma_wait3A_299 : memref<128x128xf32, #tpu.memory_space<hbm>>)
        %dma_start3A_300 = arith.constant 0 : i32
        %dma_start3A_301 = arith.constant 0 : i32
        %dma_start3A_302 = tpu.memref_slice %arg4[%dma_start3A_300, %dma_start3A_301] : memref<10000x128xf32, #tpu.memory_space<hbm>> -> memref<10000x128xf32, #tpu.memory_space<hbm>>
        tpu.enqueue_indirect_dma source(%dma_start3A_302 : memref<10000x128xf32, #tpu.memory_space<hbm>>) target(%arg24 : memref<128x128xf32, #tpu.memory_space<vmem>>) offsets(%arg16 : memref<128xi32, #tpu.memory_space<vmem>>) semaphore(%arg30 : memref<!tpu.dma_semaphore, #tpu.memory_space<semaphore_mem>>)
        %dma_start3A_303 = arith.constant 0 : i32
        %dma_start3A_304 = arith.constant 0 : i32
        %dma_start3A_305 = tpu.memref_slice %arg5[%dma_start3A_303, %dma_start3A_304] : memref<10000x128xf32, #tpu.memory_space<hbm>> -> memref<10000x128xf32, #tpu.memory_space<hbm>>
        tpu.enqueue_indirect_dma source(%dma_start3A_305 : memref<10000x128xf32, #tpu.memory_space<hbm>>) target(%arg27 : memref<128x128xf32, #tpu.memory_space<vmem>>) offsets(%arg19 : memref<128xi32, #tpu.memory_space<vmem>>) semaphore(%arg30 : memref<!tpu.dma_semaphore, #tpu.memory_space<semaphore_mem>>)
        %scan3A_306 = arith.constant 0 : i32
        scf.yield %scan3A_306 : i32
      }
      %scan3A_39 = arith.constant 51 : i32
      %dma_wait3A = arith.constant 0 : i32
      %dma_wait3A_40 = arith.constant 0 : i32
      %dma_wait3A_41 = tpu.memref_slice %arg4[%dma_wait3A, %dma_wait3A_40] : memref<10000x128xf32, #tpu.memory_space<hbm>> -> memref<10000x128xf32, #tpu.memory_space<hbm>>
      tpu.wait_indirect_dma semaphore(%arg28 : memref<!tpu.dma_semaphore, #tpu.memory_space<semaphore_mem>>) src(%dma_wait3A_41 : memref<10000x128xf32, #tpu.memory_space<hbm>>) dst(%arg22 : memref<128x128xf32, #tpu.memory_space<vmem>>)
      %dma_wait3A_42 = arith.constant 0 : i32
      %dma_wait3A_43 = arith.constant 0 : i32
      %dma_wait3A_44 = tpu.memref_slice %arg5[%dma_wait3A_42, %dma_wait3A_43] : memref<10000x128xf32, #tpu.memory_space<hbm>> -> memref<10000x128xf32, #tpu.memory_space<hbm>>
      tpu.wait_indirect_dma semaphore(%arg28 : memref<!tpu.dma_semaphore, #tpu.memory_space<semaphore_mem>>) src(%dma_wait3A_44 : memref<10000x128xf32, #tpu.memory_space<hbm>>) dst(%arg25 : memref<128x128xf32, #tpu.memory_space<vmem>>)
      %mul3A_45 = arith.constant 20000 : i32
      %mul3A_46 = arith.muli %arg1, %mul3A_45 : i32
      %add3A_47 = arith.constant 19584 : i32
      %add3A_48 = arith.addi %mul3A_46, %add3A_47 : i32
      %dma_start3A_49 = arith.constant 0 : i32
      %dma_start3A_50 = tpu.memref_slice %arg12[%add3A_48, %dma_start3A_49] : memref<320000x128xf32, #tpu.memory_space<hbm>> -> memref<128x128xf32, #tpu.memory_space<hbm>>
      %dma_start3A_51 = arith.constant 0 : i32
      %dma_start3A_52 = tpu.memref_slice %arg12[%add3A_48, %dma_start3A_51] : memref<320000x128xf32, #tpu.memory_space<hbm>> -> memref<128x128xf32, #tpu.memory_space<hbm>>
      tpu.enqueue_dma source(%arg22 : memref<128x128xf32, #tpu.memory_space<vmem>>) target(%dma_start3A_52 : memref<128x128xf32, #tpu.memory_space<hbm>>) target_semaphore(%arg31 : memref<!tpu.dma_semaphore, #tpu.memory_space<semaphore_mem>>)
      %dma_start3A_53 = arith.constant 0 : i32
      %dma_start3A_54 = tpu.memref_slice %arg13[%add3A_48, %dma_start3A_53] : memref<320000x128xf32, #tpu.memory_space<hbm>> -> memref<128x128xf32, #tpu.memory_space<hbm>>
      %dma_start3A_55 = arith.constant 0 : i32
      %dma_start3A_56 = tpu.memref_slice %arg13[%add3A_48, %dma_start3A_55] : memref<320000x128xf32, #tpu.memory_space<hbm>> -> memref<128x128xf32, #tpu.memory_space<hbm>>
      tpu.enqueue_dma source(%arg25 : memref<128x128xf32, #tpu.memory_space<vmem>>) target(%dma_start3A_56 : memref<128x128xf32, #tpu.memory_space<hbm>>) target_semaphore(%arg31 : memref<!tpu.dma_semaphore, #tpu.memory_space<semaphore_mem>>)
      %mul3A_57 = arith.constant 20000 : i32
      %mul3A_58 = arith.muli %arg1, %mul3A_57 : i32
      %add3A_59 = arith.constant 19584 : i32
      %add3A_60 = arith.addi %mul3A_58, %add3A_59 : i32
      %dma_wait3A_61 = arith.constant 0 : i32
      %dma_wait3A_62 = tpu.memref_slice %arg12[%add3A_60, %dma_wait3A_61] : memref<320000x128xf32, #tpu.memory_space<hbm>> -> memref<128x128xf32, #tpu.memory_space<hbm>>
      %dma_wait3A_63 = arith.constant 0 : i32
      %dma_wait3A_64 = tpu.memref_slice %arg12[%add3A_60, %dma_wait3A_63] : memref<320000x128xf32, #tpu.memory_space<hbm>> -> memref<128x128xf32, #tpu.memory_space<hbm>>
      tpu.wait_dma2 semaphore(%arg31 : memref<!tpu.dma_semaphore, #tpu.memory_space<semaphore_mem>>) src(%arg22 : memref<128x128xf32, #tpu.memory_space<vmem>>) dst(%dma_wait3A_64 : memref<128x128xf32, #tpu.memory_space<hbm>>)
      %dma_wait3A_65 = arith.constant 0 : i32
      %dma_wait3A_66 = tpu.memref_slice %arg13[%add3A_60, %dma_wait3A_65] : memref<320000x128xf32, #tpu.memory_space<hbm>> -> memref<128x128xf32, #tpu.memory_space<hbm>>
      %dma_wait3A_67 = arith.constant 0 : i32
      %dma_wait3A_68 = tpu.memref_slice %arg13[%add3A_60, %dma_wait3A_67] : memref<320000x128xf32, #tpu.memory_space<hbm>> -> memref<128x128xf32, #tpu.memory_space<hbm>>
      tpu.wait_dma2 semaphore(%arg31 : memref<!tpu.dma_semaphore, #tpu.memory_space<semaphore_mem>>) src(%arg25 : memref<128x128xf32, #tpu.memory_space<vmem>>) dst(%dma_wait3A_68 : memref<128x128xf32, #tpu.memory_space<hbm>>)
      %dma_wait3A_69 = arith.constant 0 : i32
      %dma_wait3A_70 = arith.constant 0 : i32
      %dma_wait3A_71 = tpu.memref_slice %arg4[%dma_wait3A_69, %dma_wait3A_70] : memref<10000x128xf32, #tpu.memory_space<hbm>> -> memref<10000x128xf32, #tpu.memory_space<hbm>>
      tpu.wait_indirect_dma semaphore(%arg29 : memref<!tpu.dma_semaphore, #tpu.memory_space<semaphore_mem>>) src(%dma_wait3A_71 : memref<10000x128xf32, #tpu.memory_space<hbm>>) dst(%arg23 : memref<128x128xf32, #tpu.memory_space<vmem>>)
      %dma_wait3A_72 = arith.constant 0 : i32
      %dma_wait3A_73 = arith.constant 0 : i32
      %dma_wait3A_74 = tpu.memref_slice %arg5[%dma_wait3A_72, %dma_wait3A_73] : memref<10000x128xf32, #tpu.memory_space<hbm>> -> memref<10000x128xf32, #tpu.memory_space<hbm>>
      tpu.wait_indirect_dma semaphore(%arg29 : memref<!tpu.dma_semaphore, #tpu.memory_space<semaphore_mem>>) src(%dma_wait3A_74 : memref<10000x128xf32, #tpu.memory_space<hbm>>) dst(%arg26 : memref<128x128xf32, #tpu.memory_space<vmem>>)
      %mul3A_75 = arith.constant 20000 : i32
      %mul3A_76 = arith.muli %arg1, %mul3A_75 : i32
      %add3A_77 = arith.constant 19712 : i32
      %add3A_78 = arith.addi %mul3A_76, %add3A_77 : i32
      %dma_start3A_79 = arith.constant 0 : i32
      %dma_start3A_80 = tpu.memref_slice %arg12[%add3A_78, %dma_start3A_79] : memref<320000x128xf32, #tpu.memory_space<hbm>> -> memref<128x128xf32, #tpu.memory_space<hbm>>
      %dma_start3A_81 = arith.constant 0 : i32
      %dma_start3A_82 = tpu.memref_slice %arg12[%add3A_78, %dma_start3A_81] : memref<320000x128xf32, #tpu.memory_space<hbm>> -> memref<128x128xf32, #tpu.memory_space<hbm>>
      tpu.enqueue_dma source(%arg23 : memref<128x128xf32, #tpu.memory_space<vmem>>) target(%dma_start3A_82 : memref<128x128xf32, #tpu.memory_space<hbm>>) target_semaphore(%arg32 : memref<!tpu.dma_semaphore, #tpu.memory_space<semaphore_mem>>)
      %dma_start3A_83 = arith.constant 0 : i32
      %dma_start3A_84 = tpu.memref_slice %arg13[%add3A_78, %dma_start3A_83] : memref<320000x128xf32, #tpu.memory_space<hbm>> -> memref<128x128xf32, #tpu.memory_space<hbm>>
      %dma_start3A_85 = arith.constant 0 : i32
      %dma_start3A_86 = tpu.memref_slice %arg13[%add3A_78, %dma_start3A_85] : memref<320000x128xf32, #tpu.memory_space<hbm>> -> memref<128x128xf32, #tpu.memory_space<hbm>>
      tpu.enqueue_dma source(%arg26 : memref<128x128xf32, #tpu.memory_space<vmem>>) target(%dma_start3A_86 : memref<128x128xf32, #tpu.memory_space<hbm>>) target_semaphore(%arg32 : memref<!tpu.dma_semaphore, #tpu.memory_space<semaphore_mem>>)
      %mul3A_87 = arith.constant 20000 : i32
      %mul3A_88 = arith.muli %arg1, %mul3A_87 : i32
      %add3A_89 = arith.constant 19712 : i32
      %add3A_90 = arith.addi %mul3A_88, %add3A_89 : i32
      %dma_wait3A_91 = arith.constant 0 : i32
      %dma_wait3A_92 = tpu.memref_slice %arg12[%add3A_90, %dma_wait3A_91] : memref<320000x128xf32, #tpu.memory_space<hbm>> -> memref<128x128xf32, #tpu.memory_space<hbm>>
      %dma_wait3A_93 = arith.constant 0 : i32
      %dma_wait3A_94 = tpu.memref_slice %arg12[%add3A_90, %dma_wait3A_93] : memref<320000x128xf32, #tpu.memory_space<hbm>> -> memref<128x128xf32, #tpu.memory_space<hbm>>
      tpu.wait_dma2 semaphore(%arg32 : memref<!tpu.dma_semaphore, #tpu.memory_space<semaphore_mem>>) src(%arg23 : memref<128x128xf32, #tpu.memory_space<vmem>>) dst(%dma_wait3A_94 : memref<128x128xf32, #tpu.memory_space<hbm>>)
      %dma_wait3A_95 = arith.constant 0 : i32
      %dma_wait3A_96 = tpu.memref_slice %arg13[%add3A_90, %dma_wait3A_95] : memref<320000x128xf32, #tpu.memory_space<hbm>> -> memref<128x128xf32, #tpu.memory_space<hbm>>
      %dma_wait3A_97 = arith.constant 0 : i32
      %dma_wait3A_98 = tpu.memref_slice %arg13[%add3A_90, %dma_wait3A_97] : memref<320000x128xf32, #tpu.memory_space<hbm>> -> memref<128x128xf32, #tpu.memory_space<hbm>>
      tpu.wait_dma2 semaphore(%arg32 : memref<!tpu.dma_semaphore, #tpu.memory_space<semaphore_mem>>) src(%arg26 : memref<128x128xf32, #tpu.memory_space<vmem>>) dst(%dma_wait3A_98 : memref<128x128xf32, #tpu.memory_space<hbm>>)
      %dma_wait3A_99 = arith.constant 0 : i32
      %dma_wait3A_100 = arith.constant 0 : i32
      %dma_wait3A_101 = tpu.memref_slice %arg4[%dma_wait3A_99, %dma_wait3A_100] : memref<10000x128xf32, #tpu.memory_space<hbm>> -> memref<10000x128xf32, #tpu.memory_space<hbm>>
      tpu.wait_indirect_dma semaphore(%arg30 : memref<!tpu.dma_semaphore, #tpu.memory_space<semaphore_mem>>) src(%dma_wait3A_101 : memref<10000x128xf32, #tpu.memory_space<hbm>>) dst(%arg24 : memref<128x128xf32, #tpu.memory_space<vmem>>)
      %dma_wait3A_102 = arith.constant 0 : i32
      %dma_wait3A_103 = arith.constant 0 : i32
      %dma_wait3A_104 = tpu.memref_slice %arg5[%dma_wait3A_102, %dma_wait3A_103] : memref<10000x128xf32, #tpu.memory_space<hbm>> -> memref<10000x128xf32, #tpu.memory_space<hbm>>
      tpu.wait_indirect_dma semaphore(%arg30 : memref<!tpu.dma_semaphore, #tpu.memory_space<semaphore_mem>>) src(%dma_wait3A_104 : memref<10000x128xf32, #tpu.memory_space<hbm>>) dst(%arg27 : memref<128x128xf32, #tpu.memory_space<vmem>>)
      %mul3A_105 = arith.constant 20000 : i32
      %mul3A_106 = arith.muli %arg1, %mul3A_105 : i32
      %add3A_107 = arith.constant 19840 : i32
      %add3A_108 = arith.addi %mul3A_106, %add3A_107 : i32
      %dma_start3A_109 = arith.constant 0 : i32
      %dma_start3A_110 = tpu.memref_slice %arg12[%add3A_108, %dma_start3A_109] : memref<320000x128xf32, #tpu.memory_space<hbm>> -> memref<128x128xf32, #tpu.memory_space<hbm>>
      %dma_start3A_111 = arith.constant 0 : i32
      %dma_start3A_112 = tpu.memref_slice %arg12[%add3A_108, %dma_start3A_111] : memref<320000x128xf32, #tpu.memory_space<hbm>> -> memref<128x128xf32, #tpu.memory_space<hbm>>
      tpu.enqueue_dma source(%arg24 : memref<128x128xf32, #tpu.memory_space<vmem>>) target(%dma_start3A_112 : memref<128x128xf32, #tpu.memory_space<hbm>>) target_semaphore(%arg33 : memref<!tpu.dma_semaphore, #tpu.memory_space<semaphore_mem>>)
      %dma_start3A_113 = arith.constant 0 : i32
      %dma_start3A_114 = tpu.memref_slice %arg13[%add3A_108, %dma_start3A_113] : memref<320000x128xf32, #tpu.memory_space<hbm>> -> memref<128x128xf32, #tpu.memory_space<hbm>>
      %dma_start3A_115 = arith.constant 0 : i32
      %dma_start3A_116 = tpu.memref_slice %arg13[%add3A_108, %dma_start3A_115] : memref<320000x128xf32, #tpu.memory_space<hbm>> -> memref<128x128xf32, #tpu.memory_space<hbm>>
      tpu.enqueue_dma source(%arg27 : memref<128x128xf32, #tpu.memory_space<vmem>>) target(%dma_start3A_116 : memref<128x128xf32, #tpu.memory_space<hbm>>) target_semaphore(%arg33 : memref<!tpu.dma_semaphore, #tpu.memory_space<semaphore_mem>>)
      %mul3A_117 = arith.constant 20000 : i32
      %mul3A_118 = arith.muli %arg1, %mul3A_117 : i32
      %add3A_119 = arith.constant 19840 : i32
      %add3A_120 = arith.addi %mul3A_118, %add3A_119 : i32
      %dma_wait3A_121 = arith.constant 0 : i32
      %dma_wait3A_122 = tpu.memref_slice %arg12[%add3A_120, %dma_wait3A_121] : memref<320000x128xf32, #tpu.memory_space<hbm>> -> memref<128x128xf32, #tpu.memory_space<hbm>>
      %dma_wait3A_123 = arith.constant 0 : i32
      %dma_wait3A_124 = tpu.memref_slice %arg12[%add3A_120, %dma_wait3A_123] : memref<320000x128xf32, #tpu.memory_space<hbm>> -> memref<128x128xf32, #tpu.memory_space<hbm>>
      tpu.wait_dma2 semaphore(%arg33 : memref<!tpu.dma_semaphore, #tpu.memory_space<semaphore_mem>>) src(%arg24 : memref<128x128xf32, #tpu.memory_space<vmem>>) dst(%dma_wait3A_124 : memref<128x128xf32, #tpu.memory_space<hbm>>)
      %dma_wait3A_125 = arith.constant 0 : i32
      %dma_wait3A_126 = tpu.memref_slice %arg13[%add3A_120, %dma_wait3A_125] : memref<320000x128xf32, #tpu.memory_space<hbm>> -> memref<128x128xf32, #tpu.memory_space<hbm>>
      %dma_wait3A_127 = arith.constant 0 : i32
      %dma_wait3A_128 = tpu.memref_slice %arg13[%add3A_120, %dma_wait3A_127] : memref<320000x128xf32, #tpu.memory_space<hbm>> -> memref<128x128xf32, #tpu.memory_space<hbm>>
      tpu.wait_dma2 semaphore(%arg33 : memref<!tpu.dma_semaphore, #tpu.memory_space<semaphore_mem>>) src(%arg27 : memref<128x128xf32, #tpu.memory_space<vmem>>) dst(%dma_wait3A_128 : memref<128x128xf32, #tpu.memory_space<hbm>>)
      %mul3A_129 = arith.constant 20000 : i32
      %mul3A_130 = arith.muli %arg1, %mul3A_129 : i32
      %add3A_131 = arith.constant 19968 : i32
      %add3A_132 = arith.addi %mul3A_130, %add3A_131 : i32
      "tpu.region"() ({
        %run_scoped3A = tpu.sem_alloc : memref<!tpu.dma_semaphore, #tpu.memory_space<semaphore_mem>>
        %dma_start3A_157 = tpu.memref_slice %arg8[%add3A_132] : memref<320000xi32, #tpu.memory_space<hbm>> -> memref<32xi32, #tpu.memory_space<hbm>>
        %dma_start3A_158 = tpu.memref_slice %arg8[%add3A_132] : memref<320000xi32, #tpu.memory_space<hbm>> -> memref<32xi32, #tpu.memory_space<hbm>>
        tpu.enqueue_dma source(%dma_start3A_158 : memref<32xi32, #tpu.memory_space<hbm>>) target(%arg20 : memref<32xi32, #tpu.memory_space<vmem>>) target_semaphore(%run_scoped3A : memref<!tpu.dma_semaphore, #tpu.memory_space<semaphore_mem>>)
        %dma_wait3A_159 = tpu.memref_slice %arg8[%add3A_132] : memref<320000xi32, #tpu.memory_space<hbm>> -> memref<32xi32, #tpu.memory_space<hbm>>
        %dma_wait3A_160 = tpu.memref_slice %arg8[%add3A_132] : memref<320000xi32, #tpu.memory_space<hbm>> -> memref<32xi32, #tpu.memory_space<hbm>>
        tpu.wait_dma2 semaphore(%run_scoped3A : memref<!tpu.dma_semaphore, #tpu.memory_space<semaphore_mem>>) src(%dma_wait3A_160 : memref<32xi32, #tpu.memory_space<hbm>>) dst(%arg20 : memref<32xi32, #tpu.memory_space<vmem>>)
        tpu.yield
      }) : () -> ()
      "tpu.region"() ({
        %run_scoped3A = tpu.sem_alloc : memref<!tpu.dma_semaphore, #tpu.memory_space<semaphore_mem>>
        %dma_start3A_157 = tpu.memref_slice %arg9[%add3A_132] : memref<320000xi32, #tpu.memory_space<hbm>> -> memref<32xi32, #tpu.memory_space<hbm>>
        %dma_start3A_158 = tpu.memref_slice %arg9[%add3A_132] : memref<320000xi32, #tpu.memory_space<hbm>> -> memref<32xi32, #tpu.memory_space<hbm>>
        tpu.enqueue_dma source(%dma_start3A_158 : memref<32xi32, #tpu.memory_space<hbm>>) target(%arg21 : memref<32xi32, #tpu.memory_space<vmem>>) target_semaphore(%run_scoped3A : memref<!tpu.dma_semaphore, #tpu.memory_space<semaphore_mem>>)
        %dma_wait3A_159 = tpu.memref_slice %arg9[%add3A_132] : memref<320000xi32, #tpu.memory_space<hbm>> -> memref<32xi32, #tpu.memory_space<hbm>>
        %dma_wait3A_160 = tpu.memref_slice %arg9[%add3A_132] : memref<320000xi32, #tpu.memory_space<hbm>> -> memref<32xi32, #tpu.memory_space<hbm>>
        tpu.wait_dma2 semaphore(%run_scoped3A : memref<!tpu.dma_semaphore, #tpu.memory_space<semaphore_mem>>) src(%dma_wait3A_160 : memref<32xi32, #tpu.memory_space<hbm>>) dst(%arg21 : memref<32xi32, #tpu.memory_space<vmem>>)
        tpu.yield
      }) : () -> ()
      %dma_start3A_133 = arith.constant 0 : i32
      %dma_start3A_134 = arith.constant 0 : i32
      %dma_start3A_135 = tpu.memref_slice %arg22[%dma_start3A_133, %dma_start3A_134] : memref<128x128xf32, #tpu.memory_space<vmem>> -> memref<32x128xf32, #tpu.memory_space<vmem>>
      %dma_start3A_136 = arith.constant 0 : i32
      %dma_start3A_137 = arith.constant 0 : i32
      %dma_start3A_138 = tpu.memref_slice %arg4[%dma_start3A_136, %dma_start3A_137] : memref<10000x128xf32, #tpu.memory_space<hbm>> -> memref<10000x128xf32, #tpu.memory_space<hbm>>
      tpu.enqueue_indirect_dma source(%dma_start3A_138 : memref<10000x128xf32, #tpu.memory_space<hbm>>) target(%dma_start3A_135 : memref<32x128xf32, #tpu.memory_space<vmem>>) offsets(%arg20 : memref<32xi32, #tpu.memory_space<vmem>>) semaphore(%arg28 : memref<!tpu.dma_semaphore, #tpu.memory_space<semaphore_mem>>)
      %dma_start3A_139 = arith.constant 0 : i32
      %dma_start3A_140 = arith.constant 0 : i32
      %dma_start3A_141 = tpu.memref_slice %arg25[%dma_start3A_139, %dma_start3A_140] : memref<128x128xf32, #tpu.memory_space<vmem>> -> memref<32x128xf32, #tpu.memory_space<vmem>>
      %dma_start3A_142 = arith.constant 0 : i32
      %dma_start3A_143 = arith.constant 0 : i32
      %dma_start3A_144 = tpu.memref_slice %arg5[%dma_start3A_142, %dma_start3A_143] : memref<10000x128xf32, #tpu.memory_space<hbm>> -> memref<10000x128xf32, #tpu.memory_space<hbm>>
      tpu.enqueue_indirect_dma source(%dma_start3A_144 : memref<10000x128xf32, #tpu.memory_space<hbm>>) target(%dma_start3A_141 : memref<32x128xf32, #tpu.memory_space<vmem>>) offsets(%arg21 : memref<32xi32, #tpu.memory_space<vmem>>) semaphore(%arg28 : memref<!tpu.dma_semaphore, #tpu.memory_space<semaphore_mem>>)
      %dma_wait3A_145 = arith.constant 0 : i32
      %dma_wait3A_146 = arith.constant 0 : i32
      %dma_wait3A_147 = tpu.memref_slice %arg22[%dma_wait3A_145, %dma_wait3A_146] : memref<128x128xf32, #tpu.memory_space<vmem>> -> memref<32x128xf32, #tpu.memory_space<vmem>>
      %dma_wait3A_148 = arith.constant 0 : i32
      %dma_wait3A_149 = arith.constant 0 : i32
      %dma_wait3A_150 = tpu.memref_slice %arg4[%dma_wait3A_148, %dma_wait3A_149] : memref<10000x128xf32, #tpu.memory_space<hbm>> -> memref<10000x128xf32, #tpu.memory_space<hbm>>
      tpu.wait_indirect_dma semaphore(%arg28 : memref<!tpu.dma_semaphore, #tpu.memory_space<semaphore_mem>>) src(%dma_wait3A_150 : memref<10000x128xf32, #tpu.memory_space<hbm>>) dst(%dma_wait3A_147 : memref<32x128xf32, #tpu.memory_space<vmem>>)
      %dma_wait3A_151 = arith.constant 0 : i32
      %dma_wait3A_152 = arith.constant 0 : i32
      %dma_wait3A_153 = tpu.memref_slice %arg25[%dma_wait3A_151, %dma_wait3A_152] : memref<128x128xf32, #tpu.memory_space<vmem>> -> memref<32x128xf32, #tpu.memory_space<vmem>>
      %dma_wait3A_154 = arith.constant 0 : i32
      %dma_wait3A_155 = arith.constant 0 : i32
      %dma_wait3A_156 = tpu.memref_slice %arg5[%dma_wait3A_154, %dma_wait3A_155] : memref<10000x128xf32, #tpu.memory_space<hbm>> -> memref<10000x128xf32, #tpu.memory_space<hbm>>
      tpu.wait_indirect_dma semaphore(%arg28 : memref<!tpu.dma_semaphore, #tpu.memory_space<semaphore_mem>>) src(%dma_wait3A_156 : memref<10000x128xf32, #tpu.memory_space<hbm>>) dst(%dma_wait3A_153 : memref<32x128xf32, #tpu.memory_space<vmem>>)
      "tpu.region"() ({
        %run_scoped3A = tpu.sem_alloc : memref<!tpu.dma_semaphore, #tpu.memory_space<semaphore_mem>>
        %dma_start3A_157 = arith.constant 0 : i32
        %dma_start3A_158 = arith.constant 0 : i32
        %dma_start3A_159 = tpu.memref_slice %arg22[%dma_start3A_157, %dma_start3A_158] : memref<128x128xf32, #tpu.memory_space<vmem>> -> memref<32x128xf32, #tpu.memory_space<vmem>>
        %dma_start3A_160 = arith.constant 0 : i32
        %dma_start3A_161 = tpu.memref_slice %arg12[%add3A_132, %dma_start3A_160] : memref<320000x128xf32, #tpu.memory_space<hbm>> -> memref<32x128xf32, #tpu.memory_space<hbm>>
        %dma_start3A_162 = arith.constant 0 : i32
        %dma_start3A_163 = tpu.memref_slice %arg12[%add3A_132, %dma_start3A_162] : memref<320000x128xf32, #tpu.memory_space<hbm>> -> memref<32x128xf32, #tpu.memory_space<hbm>>
        %dma_start3A_164 = arith.constant 0 : i32
        %dma_start3A_165 = arith.constant 0 : i32
        %dma_start3A_166 = tpu.memref_slice %arg22[%dma_start3A_164, %dma_start3A_165] : memref<128x128xf32, #tpu.memory_space<vmem>> -> memref<32x128xf32, #tpu.memory_space<vmem>>
        tpu.enqueue_dma source(%dma_start3A_166 : memref<32x128xf32, #tpu.memory_space<vmem>>) target(%dma_start3A_163 : memref<32x128xf32, #tpu.memory_space<hbm>>) target_semaphore(%run_scoped3A : memref<!tpu.dma_semaphore, #tpu.memory_space<semaphore_mem>>)
        %dma_wait3A_167 = arith.constant 0 : i32
        %dma_wait3A_168 = arith.constant 0 : i32
        %dma_wait3A_169 = tpu.memref_slice %arg22[%dma_wait3A_167, %dma_wait3A_168] : memref<128x128xf32, #tpu.memory_space<vmem>> -> memref<32x128xf32, #tpu.memory_space<vmem>>
        %dma_wait3A_170 = arith.constant 0 : i32
        %dma_wait3A_171 = tpu.memref_slice %arg12[%add3A_132, %dma_wait3A_170] : memref<320000x128xf32, #tpu.memory_space<hbm>> -> memref<32x128xf32, #tpu.memory_space<hbm>>
        %dma_wait3A_172 = arith.constant 0 : i32
        %dma_wait3A_173 = tpu.memref_slice %arg12[%add3A_132, %dma_wait3A_172] : memref<320000x128xf32, #tpu.memory_space<hbm>> -> memref<32x128xf32, #tpu.memory_space<hbm>>
        %dma_wait3A_174 = arith.constant 0 : i32
        %dma_wait3A_175 = arith.constant 0 : i32
        %dma_wait3A_176 = tpu.memref_slice %arg22[%dma_wait3A_174, %dma_wait3A_175] : memref<128x128xf32, #tpu.memory_space<vmem>> -> memref<32x128xf32, #tpu.memory_space<vmem>>
        tpu.wait_dma2 semaphore(%run_scoped3A : memref<!tpu.dma_semaphore, #tpu.memory_space<semaphore_mem>>) src(%dma_wait3A_176 : memref<32x128xf32, #tpu.memory_space<vmem>>) dst(%dma_wait3A_173 : memref<32x128xf32, #tpu.memory_space<hbm>>)
        tpu.yield
      }) : () -> ()
      "tpu.region"() ({
        %run_scoped3A = tpu.sem_alloc : memref<!tpu.dma_semaphore, #tpu.memory_space<semaphore_mem>>
        %dma_start3A_157 = arith.constant 0 : i32
        %dma_start3A_158 = arith.constant 0 : i32
        %dma_start3A_159 = tpu.memref_slice %arg25[%dma_start3A_157, %dma_start3A_158] : memref<128x128xf32, #tpu.memory_space<vmem>> -> memref<32x128xf32, #tpu.memory_space<vmem>>
        %dma_start3A_160 = arith.constant 0 : i32
        %dma_start3A_161 = tpu.memref_slice %arg13[%add3A_132, %dma_start3A_160] : memref<320000x128xf32, #tpu.memory_space<hbm>> -> memref<32x128xf32, #tpu.memory_space<hbm>>
        %dma_start3A_162 = arith.constant 0 : i32
        %dma_start3A_163 = tpu.memref_slice %arg13[%add3A_132, %dma_start3A_162] : memref<320000x128xf32, #tpu.memory_space<hbm>> -> memref<32x128xf32, #tpu.memory_space<hbm>>
        %dma_start3A_164 = arith.constant 0 : i32
        %dma_start3A_165 = arith.constant 0 : i32
        %dma_start3A_166 = tpu.memref_slice %arg25[%dma_start3A_164, %dma_start3A_165] : memref<128x128xf32, #tpu.memory_space<vmem>> -> memref<32x128xf32, #tpu.memory_space<vmem>>
        tpu.enqueue_dma source(%dma_start3A_166 : memref<32x128xf32, #tpu.memory_space<vmem>>) target(%dma_start3A_163 : memref<32x128xf32, #tpu.memory_space<hbm>>) target_semaphore(%run_scoped3A : memref<!tpu.dma_semaphore, #tpu.memory_space<semaphore_mem>>)
        %dma_wait3A_167 = arith.constant 0 : i32
        %dma_wait3A_168 = arith.constant 0 : i32
        %dma_wait3A_169 = tpu.memref_slice %arg25[%dma_wait3A_167, %dma_wait3A_168] : memref<128x128xf32, #tpu.memory_space<vmem>> -> memref<32x128xf32, #tpu.memory_space<vmem>>
        %dma_wait3A_170 = arith.constant 0 : i32
        %dma_wait3A_171 = tpu.memref_slice %arg13[%add3A_132, %dma_wait3A_170] : memref<320000x128xf32, #tpu.memory_space<hbm>> -> memref<32x128xf32, #tpu.memory_space<hbm>>
        %dma_wait3A_172 = arith.constant 0 : i32
        %dma_wait3A_173 = tpu.memref_slice %arg13[%add3A_132, %dma_wait3A_172] : memref<320000x128xf32, #tpu.memory_space<hbm>> -> memref<32x128xf32, #tpu.memory_space<hbm>>
        %dma_wait3A_174 = arith.constant 0 : i32
        %dma_wait3A_175 = arith.constant 0 : i32
        %dma_wait3A_176 = tpu.memref_slice %arg25[%dma_wait3A_174, %dma_wait3A_175] : memref<128x128xf32, #tpu.memory_space<vmem>> -> memref<32x128xf32, #tpu.memory_space<vmem>>
        tpu.wait_dma2 semaphore(%run_scoped3A : memref<!tpu.dma_semaphore, #tpu.memory_space<semaphore_mem>>) src(%dma_wait3A_176 : memref<32x128xf32, #tpu.memory_space<vmem>>) dst(%dma_wait3A_173 : memref<32x128xf32, #tpu.memory_space<hbm>>)
        tpu.yield
      }) : () -> ()
    } else {
    }
    return
  }
}

#map = affine_map<(d0, d1) -> (0, 0)>
#map1 = affine_map<(d0, d1) -> (0)>
module attributes {stable_mosaic.version = 14 : i64} {
  func.func @k(%arg0: i32, %arg1: i32, %arg2: memref<320000x128xf32, #tpu.memory_space<hbm>>, %arg3: memref<320000x128xf32, #tpu.memory_space<hbm>>, %arg4: memref<320000xi32, #tpu.memory_space<hbm>>, %arg5: memref<320000xi32, #tpu.memory_space<hbm>>, %arg6: memref<10240000xf32, #tpu.memory_space<hbm>>, %arg7: memref<10000x128xf32, #tpu.memory_space<hbm>>, %arg8: memref<10000x128xf32, #tpu.memory_space<hbm>>, %arg9: memref<320000xf32, #tpu.memory_space<hbm>>, %arg10: memref<80xi32, #tpu.memory_space<vmem>>, %arg11: memref<80xi32, #tpu.memory_space<vmem>>, %arg12: memref<2x80x128xf32, #tpu.memory_space<vmem>>, %arg13: memref<2000xf32, #tpu.memory_space<vmem>>, %arg14: memref<2000xf32, #tpu.memory_space<vmem>>, %arg15: memref<2000xi32, #tpu.memory_space<vmem>>, %arg16: memref<2000xi32, #tpu.memory_space<vmem>>, %arg17: memref<10000xf32, #tpu.memory_space<vmem>>, %arg18: memref<10240x128xf32, #tpu.memory_space<vmem_shared>>, %arg19: memref<!tpu.dma_semaphore, #tpu.memory_space<semaphore_mem>>, %arg20: memref<!tpu.dma_semaphore, #tpu.memory_space<semaphore_mem>>, %arg21: memref<!tpu.dma_semaphore, #tpu.memory_space<semaphore_mem>>, %arg22: memref<!tpu.dma_semaphore, #tpu.memory_space<semaphore_mem>>, %arg23: memref<!tpu.dma_semaphore, #tpu.memory_space<semaphore_mem>>, %arg24: memref<!tpu.dma_semaphore, #tpu.memory_space<semaphore_mem>>, %arg25: memref<!tpu.dma_semaphore, #tpu.memory_space<semaphore_mem>>, %arg26: memref<!tpu.dma_semaphore, #tpu.memory_space<semaphore_mem>>) attributes {dimension_semantics = [#tpu.dimension_semantics<core_parallel>, #tpu.dimension_semantics<subcore_parallel>], iteration_bounds = array<i64: 2, 16>, scalar_prefetch = 0 : i64, scratch_operands = 17 : i64, tpu.core_type = #tpu.core_type<sc_vector_subcore>, window_params = [{transform_indices = #map}, {transform_indices = #map}, {transform_indices = #map1}, {transform_indices = #map1}, {transform_indices = #map1}, {transform_indices = #map}, {transform_indices = #map}, {transform_indices = #map1}]} {
    %mul3A = arith.constant 2 : i32
    %mul3A_0 = arith.muli %arg1, %mul3A : i32
    %add3A = arith.addi %mul3A_0, %arg0 : i32
    %scan3A = arith.constant 0 : i32
    %scan3A_1 = arith.constant 0 : i32
    %scan3A_2 = arith.constant 80 : i32
    %scan3A_3 = arith.addi %scan3A_1, %scan3A_2 : i32
    %scan3A_4 = arith.constant 1 : i32
    %scan3A_5 = scf.for %scan3A_137 = %scan3A_1 to %scan3A_3 step %scan3A_4 iter_args(%scan3A_138 = %scan3A) -> (i32)  : i32 {
      %broadcast_in_dim3A = arith.constant 0.000000e+00 : f32
      %broadcast_in_dim3A_139 = vector.broadcast %broadcast_in_dim3A : f32 to vector<16xf32>
      %swap3A = arith.constant 0 : i32
      %swap3A_140 = arith.index_cast %swap3A : i32 to index
      %swap3A_141 = arith.index_cast %scan3A_137 : i32 to index
      %swap3A_142 = arith.constant 0 : index
      %swap3A_143 = tpu.vector_load %arg12[%swap3A_140, %swap3A_141, %swap3A_142] {strides = array<i32>} : memref<2x80x128xf32, #tpu.memory_space<vmem>>, vector<16xf32>,
      tpu.vector_store %arg12[%swap3A_140, %swap3A_141, %swap3A_142], %broadcast_in_dim3A_139 {strides = array<i32>} : memref<2x80x128xf32, #tpu.memory_space<vmem>>, vector<16xf32>,
      %broadcast_in_dim3A_144 = arith.constant 0.000000e+00 : f32
      %broadcast_in_dim3A_145 = vector.broadcast %broadcast_in_dim3A_144 : f32 to vector<16xf32>
      %swap3A_146 = arith.constant 0 : i32
      %swap3A_147 = arith.index_cast %swap3A_146 : i32 to index
      %swap3A_148 = arith.index_cast %scan3A_137 : i32 to index
      %swap3A_149 = arith.constant 16 : index
      %swap3A_150 = tpu.vector_load %arg12[%swap3A_147, %swap3A_148, %swap3A_149] {strides = array<i32>} : memref<2x80x128xf32, #tpu.memory_space<vmem>>, vector<16xf32>,
      tpu.vector_store %arg12[%swap3A_147, %swap3A_148, %swap3A_149], %broadcast_in_dim3A_145 {strides = array<i32>} : memref<2x80x128xf32, #tpu.memory_space<vmem>>, vector<16xf32>,
      %broadcast_in_dim3A_151 = arith.constant 0.000000e+00 : f32
      %broadcast_in_dim3A_152 = vector.broadcast %broadcast_in_dim3A_151 : f32 to vector<16xf32>
      %swap3A_153 = arith.constant 0 : i32
      %swap3A_154 = arith.index_cast %swap3A_153 : i32 to index
      %swap3A_155 = arith.index_cast %scan3A_137 : i32 to index
      %swap3A_156 = arith.constant 32 : index
      %swap3A_157 = tpu.vector_load %arg12[%swap3A_154, %swap3A_155, %swap3A_156] {strides = array<i32>} : memref<2x80x128xf32, #tpu.memory_space<vmem>>, vector<16xf32>,
      tpu.vector_store %arg12[%swap3A_154, %swap3A_155, %swap3A_156], %broadcast_in_dim3A_152 {strides = array<i32>} : memref<2x80x128xf32, #tpu.memory_space<vmem>>, vector<16xf32>,
      %broadcast_in_dim3A_158 = arith.constant 0.000000e+00 : f32
      %broadcast_in_dim3A_159 = vector.broadcast %broadcast_in_dim3A_158 : f32 to vector<16xf32>
      %swap3A_160 = arith.constant 0 : i32
      %swap3A_161 = arith.index_cast %swap3A_160 : i32 to index
      %swap3A_162 = arith.index_cast %scan3A_137 : i32 to index
      %swap3A_163 = arith.constant 48 : index
      %swap3A_164 = tpu.vector_load %arg12[%swap3A_161, %swap3A_162, %swap3A_163] {strides = array<i32>} : memref<2x80x128xf32, #tpu.memory_space<vmem>>, vector<16xf32>,
      tpu.vector_store %arg12[%swap3A_161, %swap3A_162, %swap3A_163], %broadcast_in_dim3A_159 {strides = array<i32>} : memref<2x80x128xf32, #tpu.memory_space<vmem>>, vector<16xf32>,
      %broadcast_in_dim3A_165 = arith.constant 0.000000e+00 : f32
      %broadcast_in_dim3A_166 = vector.broadcast %broadcast_in_dim3A_165 : f32 to vector<16xf32>
      %swap3A_167 = arith.constant 0 : i32
      %swap3A_168 = arith.index_cast %swap3A_167 : i32 to index
      %swap3A_169 = arith.index_cast %scan3A_137 : i32 to index
      %swap3A_170 = arith.constant 64 : index
      %swap3A_171 = tpu.vector_load %arg12[%swap3A_168, %swap3A_169, %swap3A_170] {strides = array<i32>} : memref<2x80x128xf32, #tpu.memory_space<vmem>>, vector<16xf32>,
      tpu.vector_store %arg12[%swap3A_168, %swap3A_169, %swap3A_170], %broadcast_in_dim3A_166 {strides = array<i32>} : memref<2x80x128xf32, #tpu.memory_space<vmem>>, vector<16xf32>,
      %broadcast_in_dim3A_172 = arith.constant 0.000000e+00 : f32
      %broadcast_in_dim3A_173 = vector.broadcast %broadcast_in_dim3A_172 : f32 to vector<16xf32>
      %swap3A_174 = arith.constant 0 : i32
      %swap3A_175 = arith.index_cast %swap3A_174 : i32 to index
      %swap3A_176 = arith.index_cast %scan3A_137 : i32 to index
      %swap3A_177 = arith.constant 80 : index
      %swap3A_178 = tpu.vector_load %arg12[%swap3A_175, %swap3A_176, %swap3A_177] {strides = array<i32>} : memref<2x80x128xf32, #tpu.memory_space<vmem>>, vector<16xf32>,
      tpu.vector_store %arg12[%swap3A_175, %swap3A_176, %swap3A_177], %broadcast_in_dim3A_173 {strides = array<i32>} : memref<2x80x128xf32, #tpu.memory_space<vmem>>, vector<16xf32>,
      %broadcast_in_dim3A_179 = arith.constant 0.000000e+00 : f32
      %broadcast_in_dim3A_180 = vector.broadcast %broadcast_in_dim3A_179 : f32 to vector<16xf32>
      %swap3A_181 = arith.constant 0 : i32
      %swap3A_182 = arith.index_cast %swap3A_181 : i32 to index
      %swap3A_183 = arith.index_cast %scan3A_137 : i32 to index
      %swap3A_184 = arith.constant 96 : index
      %swap3A_185 = tpu.vector_load %arg12[%swap3A_182, %swap3A_183, %swap3A_184] {strides = array<i32>} : memref<2x80x128xf32, #tpu.memory_space<vmem>>, vector<16xf32>,
      tpu.vector_store %arg12[%swap3A_182, %swap3A_183, %swap3A_184], %broadcast_in_dim3A_180 {strides = array<i32>} : memref<2x80x128xf32, #tpu.memory_space<vmem>>, vector<16xf32>,
      %broadcast_in_dim3A_186 = arith.constant 0.000000e+00 : f32
      %broadcast_in_dim3A_187 = vector.broadcast %broadcast_in_dim3A_186 : f32 to vector<16xf32>
      %swap3A_188 = arith.constant 0 : i32
      %swap3A_189 = arith.index_cast %swap3A_188 : i32 to index
      %swap3A_190 = arith.index_cast %scan3A_137 : i32 to index
      %swap3A_191 = arith.constant 112 : index
      %swap3A_192 = tpu.vector_load %arg12[%swap3A_189, %swap3A_190, %swap3A_191] {strides = array<i32>} : memref<2x80x128xf32, #tpu.memory_space<vmem>>, vector<16xf32>,
      tpu.vector_store %arg12[%swap3A_189, %swap3A_190, %swap3A_191], %broadcast_in_dim3A_187 {strides = array<i32>} : memref<2x80x128xf32, #tpu.memory_space<vmem>>, vector<16xf32>,
      %scan3A_193 = arith.constant 0 : i32
      scf.yield %scan3A_193 : i32
    }
    %scan3A_6 = arith.constant 80 : i32
    %mul3A_7 = arith.constant 640 : i32
    %mul3A_8 = arith.muli %arg1, %mul3A_7 : i32
    %add3A_9 = arith.constant 0 : i32
    %add3A_10 = arith.addi %mul3A_8, %add3A_9 : i32
    %run_scoped3A = arith.constant 0 : i32
    "tpu.region"() ({
      %run_scoped3A_137 = tpu.sem_alloc : memref<!tpu.dma_semaphore, #tpu.memory_space<semaphore_mem>>
      %dma_start3A_138 = arith.constant 0 : i32
      %dma_start3A_139 = arith.constant 0 : i32
      %dma_start3A_140 = tpu.memref_slice %arg12[%run_scoped3A, %dma_start3A_138, %dma_start3A_139] : memref<2x80x128xf32, #tpu.memory_space<vmem>> -> memref<1x80x128xf32, #tpu.memory_space<vmem>>
      %dma_start3A_141 = tpu.memref_squeeze %dma_start3A_140 : memref<1x80x128xf32, #tpu.memory_space<vmem>> -> memref<80x128xf32, #tpu.memory_space<vmem>>
      %dma_start3A_142 = arith.constant 0 : i32
      %dma_start3A_143 = tpu.memref_slice %arg18[%add3A_10, %dma_start3A_142] : memref<10240x128xf32, #tpu.memory_space<vmem_shared>> -> memref<80x128xf32, #tpu.memory_space<vmem_shared>>
      %dma_start3A_144 = arith.constant 0 : i32
      %dma_start3A_145 = tpu.memref_slice %arg18[%add3A_10, %dma_start3A_144] : memref<10240x128xf32, #tpu.memory_space<vmem_shared>> -> memref<80x128xf32, #tpu.memory_space<vmem_shared>>
      %dma_start3A_146 = arith.constant 0 : i32
      %dma_start3A_147 = arith.constant 0 : i32
      %dma_start3A_148 = tpu.memref_slice %arg12[%run_scoped3A, %dma_start3A_146, %dma_start3A_147] : memref<2x80x128xf32, #tpu.memory_space<vmem>> -> memref<1x80x128xf32, #tpu.memory_space<vmem>>
      %dma_start3A_149 = tpu.memref_squeeze %dma_start3A_148 : memref<1x80x128xf32, #tpu.memory_space<vmem>> -> memref<80x128xf32, #tpu.memory_space<vmem>>
      tpu.enqueue_dma source(%dma_start3A_149 : memref<80x128xf32, #tpu.memory_space<vmem>>) target(%dma_start3A_145 : memref<80x128xf32, #tpu.memory_space<vmem_shared>>) target_semaphore(%run_scoped3A_137 : memref<!tpu.dma_semaphore, #tpu.memory_space<semaphore_mem>>)
      %dma_wait3A = arith.constant 0 : i32
      %dma_wait3A_150 = arith.constant 0 : i32
      %dma_wait3A_151 = tpu.memref_slice %arg12[%run_scoped3A, %dma_wait3A, %dma_wait3A_150] : memref<2x80x128xf32, #tpu.memory_space<vmem>> -> memref<1x80x128xf32, #tpu.memory_space<vmem>>
      %dma_wait3A_152 = tpu.memref_squeeze %dma_wait3A_151 : memref<1x80x128xf32, #tpu.memory_space<vmem>> -> memref<80x128xf32, #tpu.memory_space<vmem>>
      %dma_wait3A_153 = arith.constant 0 : i32
      %dma_wait3A_154 = tpu.memref_slice %arg18[%add3A_10, %dma_wait3A_153] : memref<10240x128xf32, #tpu.memory_space<vmem_shared>> -> memref<80x128xf32, #tpu.memory_space<vmem_shared>>
      %dma_wait3A_155 = arith.constant 0 : i32
      %dma_wait3A_156 = tpu.memref_slice %arg18[%add3A_10, %dma_wait3A_155] : memref<10240x128xf32, #tpu.memory_space<vmem_shared>> -> memref<80x128xf32, #tpu.memory_space<vmem_shared>>
      %dma_wait3A_157 = arith.constant 0 : i32
      %dma_wait3A_158 = arith.constant 0 : i32
      %dma_wait3A_159 = tpu.memref_slice %arg12[%run_scoped3A, %dma_wait3A_157, %dma_wait3A_158] : memref<2x80x128xf32, #tpu.memory_space<vmem>> -> memref<1x80x128xf32, #tpu.memory_space<vmem>>
      %dma_wait3A_160 = tpu.memref_squeeze %dma_wait3A_159 : memref<1x80x128xf32, #tpu.memory_space<vmem>> -> memref<80x128xf32, #tpu.memory_space<vmem>>
      tpu.wait_dma2 semaphore(%run_scoped3A_137 : memref<!tpu.dma_semaphore, #tpu.memory_space<semaphore_mem>>) src(%dma_wait3A_160 : memref<80x128xf32, #tpu.memory_space<vmem>>) dst(%dma_wait3A_156 : memref<80x128xf32, #tpu.memory_space<vmem_shared>>)
      tpu.yield
    }) : () -> ()
    %mul3A_11 = arith.constant 640 : i32
    %mul3A_12 = arith.muli %arg1, %mul3A_11 : i32
    %add3A_13 = arith.constant 80 : i32
    %add3A_14 = arith.addi %mul3A_12, %add3A_13 : i32
    %run_scoped3A_15 = arith.constant 0 : i32
    "tpu.region"() ({
      %run_scoped3A_137 = tpu.sem_alloc : memref<!tpu.dma_semaphore, #tpu.memory_space<semaphore_mem>>
      %dma_start3A_138 = arith.constant 0 : i32
      %dma_start3A_139 = arith.constant 0 : i32
      %dma_start3A_140 = tpu.memref_slice %arg12[%run_scoped3A_15, %dma_start3A_138, %dma_start3A_139] : memref<2x80x128xf32, #tpu.memory_space<vmem>> -> memref<1x80x128xf32, #tpu.memory_space<vmem>>
      %dma_start3A_141 = tpu.memref_squeeze %dma_start3A_140 : memref<1x80x128xf32, #tpu.memory_space<vmem>> -> memref<80x128xf32, #tpu.memory_space<vmem>>
      %dma_start3A_142 = arith.constant 0 : i32
      %dma_start3A_143 = tpu.memref_slice %arg18[%add3A_14, %dma_start3A_142] : memref<10240x128xf32, #tpu.memory_space<vmem_shared>> -> memref<80x128xf32, #tpu.memory_space<vmem_shared>>
      %dma_start3A_144 = arith.constant 0 : i32
      %dma_start3A_145 = tpu.memref_slice %arg18[%add3A_14, %dma_start3A_144] : memref<10240x128xf32, #tpu.memory_space<vmem_shared>> -> memref<80x128xf32, #tpu.memory_space<vmem_shared>>
      %dma_start3A_146 = arith.constant 0 : i32
      %dma_start3A_147 = arith.constant 0 : i32
      %dma_start3A_148 = tpu.memref_slice %arg12[%run_scoped3A_15, %dma_start3A_146, %dma_start3A_147] : memref<2x80x128xf32, #tpu.memory_space<vmem>> -> memref<1x80x128xf32, #tpu.memory_space<vmem>>
      %dma_start3A_149 = tpu.memref_squeeze %dma_start3A_148 : memref<1x80x128xf32, #tpu.memory_space<vmem>> -> memref<80x128xf32, #tpu.memory_space<vmem>>
      tpu.enqueue_dma source(%dma_start3A_149 : memref<80x128xf32, #tpu.memory_space<vmem>>) target(%dma_start3A_145 : memref<80x128xf32, #tpu.memory_space<vmem_shared>>) target_semaphore(%run_scoped3A_137 : memref<!tpu.dma_semaphore, #tpu.memory_space<semaphore_mem>>)
      %dma_wait3A = arith.constant 0 : i32
      %dma_wait3A_150 = arith.constant 0 : i32
      %dma_wait3A_151 = tpu.memref_slice %arg12[%run_scoped3A_15, %dma_wait3A, %dma_wait3A_150] : memref<2x80x128xf32, #tpu.memory_space<vmem>> -> memref<1x80x128xf32, #tpu.memory_space<vmem>>
      %dma_wait3A_152 = tpu.memref_squeeze %dma_wait3A_151 : memref<1x80x128xf32, #tpu.memory_space<vmem>> -> memref<80x128xf32, #tpu.memory_space<vmem>>
      %dma_wait3A_153 = arith.constant 0 : i32
      %dma_wait3A_154 = tpu.memref_slice %arg18[%add3A_14, %dma_wait3A_153] : memref<10240x128xf32, #tpu.memory_space<vmem_shared>> -> memref<80x128xf32, #tpu.memory_space<vmem_shared>>
      %dma_wait3A_155 = arith.constant 0 : i32
      %dma_wait3A_156 = tpu.memref_slice %arg18[%add3A_14, %dma_wait3A_155] : memref<10240x128xf32, #tpu.memory_space<vmem_shared>> -> memref<80x128xf32, #tpu.memory_space<vmem_shared>>
      %dma_wait3A_157 = arith.constant 0 : i32
      %dma_wait3A_158 = arith.constant 0 : i32
      %dma_wait3A_159 = tpu.memref_slice %arg12[%run_scoped3A_15, %dma_wait3A_157, %dma_wait3A_158] : memref<2x80x128xf32, #tpu.memory_space<vmem>> -> memref<1x80x128xf32, #tpu.memory_space<vmem>>
      %dma_wait3A_160 = tpu.memref_squeeze %dma_wait3A_159 : memref<1x80x128xf32, #tpu.memory_space<vmem>> -> memref<80x128xf32, #tpu.memory_space<vmem>>
      tpu.wait_dma2 semaphore(%run_scoped3A_137 : memref<!tpu.dma_semaphore, #tpu.memory_space<semaphore_mem>>) src(%dma_wait3A_160 : memref<80x128xf32, #tpu.memory_space<vmem>>) dst(%dma_wait3A_156 : memref<80x128xf32, #tpu.memory_space<vmem_shared>>)
      tpu.yield
    }) : () -> ()
    %mul3A_16 = arith.constant 640 : i32
    %mul3A_17 = arith.muli %arg1, %mul3A_16 : i32
    %add3A_18 = arith.constant 160 : i32
    %add3A_19 = arith.addi %mul3A_17, %add3A_18 : i32
    %run_scoped3A_20 = arith.constant 0 : i32
    "tpu.region"() ({
      %run_scoped3A_137 = tpu.sem_alloc : memref<!tpu.dma_semaphore, #tpu.memory_space<semaphore_mem>>
      %dma_start3A_138 = arith.constant 0 : i32
      %dma_start3A_139 = arith.constant 0 : i32
      %dma_start3A_140 = tpu.memref_slice %arg12[%run_scoped3A_20, %dma_start3A_138, %dma_start3A_139] : memref<2x80x128xf32, #tpu.memory_space<vmem>> -> memref<1x80x128xf32, #tpu.memory_space<vmem>>
      %dma_start3A_141 = tpu.memref_squeeze %dma_start3A_140 : memref<1x80x128xf32, #tpu.memory_space<vmem>> -> memref<80x128xf32, #tpu.memory_space<vmem>>
      %dma_start3A_142 = arith.constant 0 : i32
      %dma_start3A_143 = tpu.memref_slice %arg18[%add3A_19, %dma_start3A_142] : memref<10240x128xf32, #tpu.memory_space<vmem_shared>> -> memref<80x128xf32, #tpu.memory_space<vmem_shared>>
      %dma_start3A_144 = arith.constant 0 : i32
      %dma_start3A_145 = tpu.memref_slice %arg18[%add3A_19, %dma_start3A_144] : memref<10240x128xf32, #tpu.memory_space<vmem_shared>> -> memref<80x128xf32, #tpu.memory_space<vmem_shared>>
      %dma_start3A_146 = arith.constant 0 : i32
      %dma_start3A_147 = arith.constant 0 : i32
      %dma_start3A_148 = tpu.memref_slice %arg12[%run_scoped3A_20, %dma_start3A_146, %dma_start3A_147] : memref<2x80x128xf32, #tpu.memory_space<vmem>> -> memref<1x80x128xf32, #tpu.memory_space<vmem>>
      %dma_start3A_149 = tpu.memref_squeeze %dma_start3A_148 : memref<1x80x128xf32, #tpu.memory_space<vmem>> -> memref<80x128xf32, #tpu.memory_space<vmem>>
      tpu.enqueue_dma source(%dma_start3A_149 : memref<80x128xf32, #tpu.memory_space<vmem>>) target(%dma_start3A_145 : memref<80x128xf32, #tpu.memory_space<vmem_shared>>) target_semaphore(%run_scoped3A_137 : memref<!tpu.dma_semaphore, #tpu.memory_space<semaphore_mem>>)
      %dma_wait3A = arith.constant 0 : i32
      %dma_wait3A_150 = arith.constant 0 : i32
      %dma_wait3A_151 = tpu.memref_slice %arg12[%run_scoped3A_20, %dma_wait3A, %dma_wait3A_150] : memref<2x80x128xf32, #tpu.memory_space<vmem>> -> memref<1x80x128xf32, #tpu.memory_space<vmem>>
      %dma_wait3A_152 = tpu.memref_squeeze %dma_wait3A_151 : memref<1x80x128xf32, #tpu.memory_space<vmem>> -> memref<80x128xf32, #tpu.memory_space<vmem>>
      %dma_wait3A_153 = arith.constant 0 : i32
      %dma_wait3A_154 = tpu.memref_slice %arg18[%add3A_19, %dma_wait3A_153] : memref<10240x128xf32, #tpu.memory_space<vmem_shared>> -> memref<80x128xf32, #tpu.memory_space<vmem_shared>>
      %dma_wait3A_155 = arith.constant 0 : i32
      %dma_wait3A_156 = tpu.memref_slice %arg18[%add3A_19, %dma_wait3A_155] : memref<10240x128xf32, #tpu.memory_space<vmem_shared>> -> memref<80x128xf32, #tpu.memory_space<vmem_shared>>
      %dma_wait3A_157 = arith.constant 0 : i32
      %dma_wait3A_158 = arith.constant 0 : i32
      %dma_wait3A_159 = tpu.memref_slice %arg12[%run_scoped3A_20, %dma_wait3A_157, %dma_wait3A_158] : memref<2x80x128xf32, #tpu.memory_space<vmem>> -> memref<1x80x128xf32, #tpu.memory_space<vmem>>
      %dma_wait3A_160 = tpu.memref_squeeze %dma_wait3A_159 : memref<1x80x128xf32, #tpu.memory_space<vmem>> -> memref<80x128xf32, #tpu.memory_space<vmem>>
      tpu.wait_dma2 semaphore(%run_scoped3A_137 : memref<!tpu.dma_semaphore, #tpu.memory_space<semaphore_mem>>) src(%dma_wait3A_160 : memref<80x128xf32, #tpu.memory_space<vmem>>) dst(%dma_wait3A_156 : memref<80x128xf32, #tpu.memory_space<vmem_shared>>)
      tpu.yield
    }) : () -> ()
    %mul3A_21 = arith.constant 640 : i32
    %mul3A_22 = arith.muli %arg1, %mul3A_21 : i32
    %add3A_23 = arith.constant 240 : i32
    %add3A_24 = arith.addi %mul3A_22, %add3A_23 : i32
    %run_scoped3A_25 = arith.constant 0 : i32
    "tpu.region"() ({
      %run_scoped3A_137 = tpu.sem_alloc : memref<!tpu.dma_semaphore, #tpu.memory_space<semaphore_mem>>
      %dma_start3A_138 = arith.constant 0 : i32
      %dma_start3A_139 = arith.constant 0 : i32
      %dma_start3A_140 = tpu.memref_slice %arg12[%run_scoped3A_25, %dma_start3A_138, %dma_start3A_139] : memref<2x80x128xf32, #tpu.memory_space<vmem>> -> memref<1x80x128xf32, #tpu.memory_space<vmem>>
      %dma_start3A_141 = tpu.memref_squeeze %dma_start3A_140 : memref<1x80x128xf32, #tpu.memory_space<vmem>> -> memref<80x128xf32, #tpu.memory_space<vmem>>
      %dma_start3A_142 = arith.constant 0 : i32
      %dma_start3A_143 = tpu.memref_slice %arg18[%add3A_24, %dma_start3A_142] : memref<10240x128xf32, #tpu.memory_space<vmem_shared>> -> memref<80x128xf32, #tpu.memory_space<vmem_shared>>
      %dma_start3A_144 = arith.constant 0 : i32
      %dma_start3A_145 = tpu.memref_slice %arg18[%add3A_24, %dma_start3A_144] : memref<10240x128xf32, #tpu.memory_space<vmem_shared>> -> memref<80x128xf32, #tpu.memory_space<vmem_shared>>
      %dma_start3A_146 = arith.constant 0 : i32
      %dma_start3A_147 = arith.constant 0 : i32
      %dma_start3A_148 = tpu.memref_slice %arg12[%run_scoped3A_25, %dma_start3A_146, %dma_start3A_147] : memref<2x80x128xf32, #tpu.memory_space<vmem>> -> memref<1x80x128xf32, #tpu.memory_space<vmem>>
      %dma_start3A_149 = tpu.memref_squeeze %dma_start3A_148 : memref<1x80x128xf32, #tpu.memory_space<vmem>> -> memref<80x128xf32, #tpu.memory_space<vmem>>
      tpu.enqueue_dma source(%dma_start3A_149 : memref<80x128xf32, #tpu.memory_space<vmem>>) target(%dma_start3A_145 : memref<80x128xf32, #tpu.memory_space<vmem_shared>>) target_semaphore(%run_scoped3A_137 : memref<!tpu.dma_semaphore, #tpu.memory_space<semaphore_mem>>)
      %dma_wait3A = arith.constant 0 : i32
      %dma_wait3A_150 = arith.constant 0 : i32
      %dma_wait3A_151 = tpu.memref_slice %arg12[%run_scoped3A_25, %dma_wait3A, %dma_wait3A_150] : memref<2x80x128xf32, #tpu.memory_space<vmem>> -> memref<1x80x128xf32, #tpu.memory_space<vmem>>
      %dma_wait3A_152 = tpu.memref_squeeze %dma_wait3A_151 : memref<1x80x128xf32, #tpu.memory_space<vmem>> -> memref<80x128xf32, #tpu.memory_space<vmem>>
      %dma_wait3A_153 = arith.constant 0 : i32
      %dma_wait3A_154 = tpu.memref_slice %arg18[%add3A_24, %dma_wait3A_153] : memref<10240x128xf32, #tpu.memory_space<vmem_shared>> -> memref<80x128xf32, #tpu.memory_space<vmem_shared>>
      %dma_wait3A_155 = arith.constant 0 : i32
      %dma_wait3A_156 = tpu.memref_slice %arg18[%add3A_24, %dma_wait3A_155] : memref<10240x128xf32, #tpu.memory_space<vmem_shared>> -> memref<80x128xf32, #tpu.memory_space<vmem_shared>>
      %dma_wait3A_157 = arith.constant 0 : i32
      %dma_wait3A_158 = arith.constant 0 : i32
      %dma_wait3A_159 = tpu.memref_slice %arg12[%run_scoped3A_25, %dma_wait3A_157, %dma_wait3A_158] : memref<2x80x128xf32, #tpu.memory_space<vmem>> -> memref<1x80x128xf32, #tpu.memory_space<vmem>>
      %dma_wait3A_160 = tpu.memref_squeeze %dma_wait3A_159 : memref<1x80x128xf32, #tpu.memory_space<vmem>> -> memref<80x128xf32, #tpu.memory_space<vmem>>
      tpu.wait_dma2 semaphore(%run_scoped3A_137 : memref<!tpu.dma_semaphore, #tpu.memory_space<semaphore_mem>>) src(%dma_wait3A_160 : memref<80x128xf32, #tpu.memory_space<vmem>>) dst(%dma_wait3A_156 : memref<80x128xf32, #tpu.memory_space<vmem_shared>>)
      tpu.yield
    }) : () -> ()
    %mul3A_26 = arith.constant 640 : i32
    %mul3A_27 = arith.muli %arg1, %mul3A_26 : i32
    %add3A_28 = arith.constant 320 : i32
    %add3A_29 = arith.addi %mul3A_27, %add3A_28 : i32
    %run_scoped3A_30 = arith.constant 0 : i32
    "tpu.region"() ({
      %run_scoped3A_137 = tpu.sem_alloc : memref<!tpu.dma_semaphore, #tpu.memory_space<semaphore_mem>>
      %dma_start3A_138 = arith.constant 0 : i32
      %dma_start3A_139 = arith.constant 0 : i32
      %dma_start3A_140 = tpu.memref_slice %arg12[%run_scoped3A_30, %dma_start3A_138, %dma_start3A_139] : memref<2x80x128xf32, #tpu.memory_space<vmem>> -> memref<1x80x128xf32, #tpu.memory_space<vmem>>
      %dma_start3A_141 = tpu.memref_squeeze %dma_start3A_140 : memref<1x80x128xf32, #tpu.memory_space<vmem>> -> memref<80x128xf32, #tpu.memory_space<vmem>>
      %dma_start3A_142 = arith.constant 0 : i32
      %dma_start3A_143 = tpu.memref_slice %arg18[%add3A_29, %dma_start3A_142] : memref<10240x128xf32, #tpu.memory_space<vmem_shared>> -> memref<80x128xf32, #tpu.memory_space<vmem_shared>>
      %dma_start3A_144 = arith.constant 0 : i32
      %dma_start3A_145 = tpu.memref_slice %arg18[%add3A_29, %dma_start3A_144] : memref<10240x128xf32, #tpu.memory_space<vmem_shared>> -> memref<80x128xf32, #tpu.memory_space<vmem_shared>>
      %dma_start3A_146 = arith.constant 0 : i32
      %dma_start3A_147 = arith.constant 0 : i32
      %dma_start3A_148 = tpu.memref_slice %arg12[%run_scoped3A_30, %dma_start3A_146, %dma_start3A_147] : memref<2x80x128xf32, #tpu.memory_space<vmem>> -> memref<1x80x128xf32, #tpu.memory_space<vmem>>
      %dma_start3A_149 = tpu.memref_squeeze %dma_start3A_148 : memref<1x80x128xf32, #tpu.memory_space<vmem>> -> memref<80x128xf32, #tpu.memory_space<vmem>>
      tpu.enqueue_dma source(%dma_start3A_149 : memref<80x128xf32, #tpu.memory_space<vmem>>) target(%dma_start3A_145 : memref<80x128xf32, #tpu.memory_space<vmem_shared>>) target_semaphore(%run_scoped3A_137 : memref<!tpu.dma_semaphore, #tpu.memory_space<semaphore_mem>>)
      %dma_wait3A = arith.constant 0 : i32
      %dma_wait3A_150 = arith.constant 0 : i32
      %dma_wait3A_151 = tpu.memref_slice %arg12[%run_scoped3A_30, %dma_wait3A, %dma_wait3A_150] : memref<2x80x128xf32, #tpu.memory_space<vmem>> -> memref<1x80x128xf32, #tpu.memory_space<vmem>>
      %dma_wait3A_152 = tpu.memref_squeeze %dma_wait3A_151 : memref<1x80x128xf32, #tpu.memory_space<vmem>> -> memref<80x128xf32, #tpu.memory_space<vmem>>
      %dma_wait3A_153 = arith.constant 0 : i32
      %dma_wait3A_154 = tpu.memref_slice %arg18[%add3A_29, %dma_wait3A_153] : memref<10240x128xf32, #tpu.memory_space<vmem_shared>> -> memref<80x128xf32, #tpu.memory_space<vmem_shared>>
      %dma_wait3A_155 = arith.constant 0 : i32
      %dma_wait3A_156 = tpu.memref_slice %arg18[%add3A_29, %dma_wait3A_155] : memref<10240x128xf32, #tpu.memory_space<vmem_shared>> -> memref<80x128xf32, #tpu.memory_space<vmem_shared>>
      %dma_wait3A_157 = arith.constant 0 : i32
      %dma_wait3A_158 = arith.constant 0 : i32
      %dma_wait3A_159 = tpu.memref_slice %arg12[%run_scoped3A_30, %dma_wait3A_157, %dma_wait3A_158] : memref<2x80x128xf32, #tpu.memory_space<vmem>> -> memref<1x80x128xf32, #tpu.memory_space<vmem>>
      %dma_wait3A_160 = tpu.memref_squeeze %dma_wait3A_159 : memref<1x80x128xf32, #tpu.memory_space<vmem>> -> memref<80x128xf32, #tpu.memory_space<vmem>>
      tpu.wait_dma2 semaphore(%run_scoped3A_137 : memref<!tpu.dma_semaphore, #tpu.memory_space<semaphore_mem>>) src(%dma_wait3A_160 : memref<80x128xf32, #tpu.memory_space<vmem>>) dst(%dma_wait3A_156 : memref<80x128xf32, #tpu.memory_space<vmem_shared>>)
      tpu.yield
    }) : () -> ()
    %mul3A_31 = arith.constant 640 : i32
    %mul3A_32 = arith.muli %arg1, %mul3A_31 : i32
    %add3A_33 = arith.constant 400 : i32
    %add3A_34 = arith.addi %mul3A_32, %add3A_33 : i32
    %run_scoped3A_35 = arith.constant 0 : i32
    "tpu.region"() ({
      %run_scoped3A_137 = tpu.sem_alloc : memref<!tpu.dma_semaphore, #tpu.memory_space<semaphore_mem>>
      %dma_start3A_138 = arith.constant 0 : i32
      %dma_start3A_139 = arith.constant 0 : i32
      %dma_start3A_140 = tpu.memref_slice %arg12[%run_scoped3A_35, %dma_start3A_138, %dma_start3A_139] : memref<2x80x128xf32, #tpu.memory_space<vmem>> -> memref<1x80x128xf32, #tpu.memory_space<vmem>>
      %dma_start3A_141 = tpu.memref_squeeze %dma_start3A_140 : memref<1x80x128xf32, #tpu.memory_space<vmem>> -> memref<80x128xf32, #tpu.memory_space<vmem>>
      %dma_start3A_142 = arith.constant 0 : i32
      %dma_start3A_143 = tpu.memref_slice %arg18[%add3A_34, %dma_start3A_142] : memref<10240x128xf32, #tpu.memory_space<vmem_shared>> -> memref<80x128xf32, #tpu.memory_space<vmem_shared>>
      %dma_start3A_144 = arith.constant 0 : i32
      %dma_start3A_145 = tpu.memref_slice %arg18[%add3A_34, %dma_start3A_144] : memref<10240x128xf32, #tpu.memory_space<vmem_shared>> -> memref<80x128xf32, #tpu.memory_space<vmem_shared>>
      %dma_start3A_146 = arith.constant 0 : i32
      %dma_start3A_147 = arith.constant 0 : i32
      %dma_start3A_148 = tpu.memref_slice %arg12[%run_scoped3A_35, %dma_start3A_146, %dma_start3A_147] : memref<2x80x128xf32, #tpu.memory_space<vmem>> -> memref<1x80x128xf32, #tpu.memory_space<vmem>>
      %dma_start3A_149 = tpu.memref_squeeze %dma_start3A_148 : memref<1x80x128xf32, #tpu.memory_space<vmem>> -> memref<80x128xf32, #tpu.memory_space<vmem>>
      tpu.enqueue_dma source(%dma_start3A_149 : memref<80x128xf32, #tpu.memory_space<vmem>>) target(%dma_start3A_145 : memref<80x128xf32, #tpu.memory_space<vmem_shared>>) target_semaphore(%run_scoped3A_137 : memref<!tpu.dma_semaphore, #tpu.memory_space<semaphore_mem>>)
      %dma_wait3A = arith.constant 0 : i32
      %dma_wait3A_150 = arith.constant 0 : i32
      %dma_wait3A_151 = tpu.memref_slice %arg12[%run_scoped3A_35, %dma_wait3A, %dma_wait3A_150] : memref<2x80x128xf32, #tpu.memory_space<vmem>> -> memref<1x80x128xf32, #tpu.memory_space<vmem>>
      %dma_wait3A_152 = tpu.memref_squeeze %dma_wait3A_151 : memref<1x80x128xf32, #tpu.memory_space<vmem>> -> memref<80x128xf32, #tpu.memory_space<vmem>>
      %dma_wait3A_153 = arith.constant 0 : i32
      %dma_wait3A_154 = tpu.memref_slice %arg18[%add3A_34, %dma_wait3A_153] : memref<10240x128xf32, #tpu.memory_space<vmem_shared>> -> memref<80x128xf32, #tpu.memory_space<vmem_shared>>
      %dma_wait3A_155 = arith.constant 0 : i32
      %dma_wait3A_156 = tpu.memref_slice %arg18[%add3A_34, %dma_wait3A_155] : memref<10240x128xf32, #tpu.memory_space<vmem_shared>> -> memref<80x128xf32, #tpu.memory_space<vmem_shared>>
      %dma_wait3A_157 = arith.constant 0 : i32
      %dma_wait3A_158 = arith.constant 0 : i32
      %dma_wait3A_159 = tpu.memref_slice %arg12[%run_scoped3A_35, %dma_wait3A_157, %dma_wait3A_158] : memref<2x80x128xf32, #tpu.memory_space<vmem>> -> memref<1x80x128xf32, #tpu.memory_space<vmem>>
      %dma_wait3A_160 = tpu.memref_squeeze %dma_wait3A_159 : memref<1x80x128xf32, #tpu.memory_space<vmem>> -> memref<80x128xf32, #tpu.memory_space<vmem>>
      tpu.wait_dma2 semaphore(%run_scoped3A_137 : memref<!tpu.dma_semaphore, #tpu.memory_space<semaphore_mem>>) src(%dma_wait3A_160 : memref<80x128xf32, #tpu.memory_space<vmem>>) dst(%dma_wait3A_156 : memref<80x128xf32, #tpu.memory_space<vmem_shared>>)
      tpu.yield
    }) : () -> ()
    %mul3A_36 = arith.constant 640 : i32
    %mul3A_37 = arith.muli %arg1, %mul3A_36 : i32
    %add3A_38 = arith.constant 480 : i32
    %add3A_39 = arith.addi %mul3A_37, %add3A_38 : i32
    %run_scoped3A_40 = arith.constant 0 : i32
    "tpu.region"() ({
      %run_scoped3A_137 = tpu.sem_alloc : memref<!tpu.dma_semaphore, #tpu.memory_space<semaphore_mem>>
      %dma_start3A_138 = arith.constant 0 : i32
      %dma_start3A_139 = arith.constant 0 : i32
      %dma_start3A_140 = tpu.memref_slice %arg12[%run_scoped3A_40, %dma_start3A_138, %dma_start3A_139] : memref<2x80x128xf32, #tpu.memory_space<vmem>> -> memref<1x80x128xf32, #tpu.memory_space<vmem>>
      %dma_start3A_141 = tpu.memref_squeeze %dma_start3A_140 : memref<1x80x128xf32, #tpu.memory_space<vmem>> -> memref<80x128xf32, #tpu.memory_space<vmem>>
      %dma_start3A_142 = arith.constant 0 : i32
      %dma_start3A_143 = tpu.memref_slice %arg18[%add3A_39, %dma_start3A_142] : memref<10240x128xf32, #tpu.memory_space<vmem_shared>> -> memref<80x128xf32, #tpu.memory_space<vmem_shared>>
      %dma_start3A_144 = arith.constant 0 : i32
      %dma_start3A_145 = tpu.memref_slice %arg18[%add3A_39, %dma_start3A_144] : memref<10240x128xf32, #tpu.memory_space<vmem_shared>> -> memref<80x128xf32, #tpu.memory_space<vmem_shared>>
      %dma_start3A_146 = arith.constant 0 : i32
      %dma_start3A_147 = arith.constant 0 : i32
      %dma_start3A_148 = tpu.memref_slice %arg12[%run_scoped3A_40, %dma_start3A_146, %dma_start3A_147] : memref<2x80x128xf32, #tpu.memory_space<vmem>> -> memref<1x80x128xf32, #tpu.memory_space<vmem>>
      %dma_start3A_149 = tpu.memref_squeeze %dma_start3A_148 : memref<1x80x128xf32, #tpu.memory_space<vmem>> -> memref<80x128xf32, #tpu.memory_space<vmem>>
      tpu.enqueue_dma source(%dma_start3A_149 : memref<80x128xf32, #tpu.memory_space<vmem>>) target(%dma_start3A_145 : memref<80x128xf32, #tpu.memory_space<vmem_shared>>) target_semaphore(%run_scoped3A_137 : memref<!tpu.dma_semaphore, #tpu.memory_space<semaphore_mem>>)
      %dma_wait3A = arith.constant 0 : i32
      %dma_wait3A_150 = arith.constant 0 : i32
      %dma_wait3A_151 = tpu.memref_slice %arg12[%run_scoped3A_40, %dma_wait3A, %dma_wait3A_150] : memref<2x80x128xf32, #tpu.memory_space<vmem>> -> memref<1x80x128xf32, #tpu.memory_space<vmem>>
      %dma_wait3A_152 = tpu.memref_squeeze %dma_wait3A_151 : memref<1x80x128xf32, #tpu.memory_space<vmem>> -> memref<80x128xf32, #tpu.memory_space<vmem>>
      %dma_wait3A_153 = arith.constant 0 : i32
      %dma_wait3A_154 = tpu.memref_slice %arg18[%add3A_39, %dma_wait3A_153] : memref<10240x128xf32, #tpu.memory_space<vmem_shared>> -> memref<80x128xf32, #tpu.memory_space<vmem_shared>>
      %dma_wait3A_155 = arith.constant 0 : i32
      %dma_wait3A_156 = tpu.memref_slice %arg18[%add3A_39, %dma_wait3A_155] : memref<10240x128xf32, #tpu.memory_space<vmem_shared>> -> memref<80x128xf32, #tpu.memory_space<vmem_shared>>
      %dma_wait3A_157 = arith.constant 0 : i32
      %dma_wait3A_158 = arith.constant 0 : i32
      %dma_wait3A_159 = tpu.memref_slice %arg12[%run_scoped3A_40, %dma_wait3A_157, %dma_wait3A_158] : memref<2x80x128xf32, #tpu.memory_space<vmem>> -> memref<1x80x128xf32, #tpu.memory_space<vmem>>
      %dma_wait3A_160 = tpu.memref_squeeze %dma_wait3A_159 : memref<1x80x128xf32, #tpu.memory_space<vmem>> -> memref<80x128xf32, #tpu.memory_space<vmem>>
      tpu.wait_dma2 semaphore(%run_scoped3A_137 : memref<!tpu.dma_semaphore, #tpu.memory_space<semaphore_mem>>) src(%dma_wait3A_160 : memref<80x128xf32, #tpu.memory_space<vmem>>) dst(%dma_wait3A_156 : memref<80x128xf32, #tpu.memory_space<vmem_shared>>)
      tpu.yield
    }) : () -> ()
    %mul3A_41 = arith.constant 640 : i32
    %mul3A_42 = arith.muli %arg1, %mul3A_41 : i32
    %add3A_43 = arith.constant 560 : i32
    %add3A_44 = arith.addi %mul3A_42, %add3A_43 : i32
    %run_scoped3A_45 = arith.constant 0 : i32
    "tpu.region"() ({
      %run_scoped3A_137 = tpu.sem_alloc : memref<!tpu.dma_semaphore, #tpu.memory_space<semaphore_mem>>
      %dma_start3A_138 = arith.constant 0 : i32
      %dma_start3A_139 = arith.constant 0 : i32
      %dma_start3A_140 = tpu.memref_slice %arg12[%run_scoped3A_45, %dma_start3A_138, %dma_start3A_139] : memref<2x80x128xf32, #tpu.memory_space<vmem>> -> memref<1x80x128xf32, #tpu.memory_space<vmem>>
      %dma_start3A_141 = tpu.memref_squeeze %dma_start3A_140 : memref<1x80x128xf32, #tpu.memory_space<vmem>> -> memref<80x128xf32, #tpu.memory_space<vmem>>
      %dma_start3A_142 = arith.constant 0 : i32
      %dma_start3A_143 = tpu.memref_slice %arg18[%add3A_44, %dma_start3A_142] : memref<10240x128xf32, #tpu.memory_space<vmem_shared>> -> memref<80x128xf32, #tpu.memory_space<vmem_shared>>
      %dma_start3A_144 = arith.constant 0 : i32
      %dma_start3A_145 = tpu.memref_slice %arg18[%add3A_44, %dma_start3A_144] : memref<10240x128xf32, #tpu.memory_space<vmem_shared>> -> memref<80x128xf32, #tpu.memory_space<vmem_shared>>
      %dma_start3A_146 = arith.constant 0 : i32
      %dma_start3A_147 = arith.constant 0 : i32
      %dma_start3A_148 = tpu.memref_slice %arg12[%run_scoped3A_45, %dma_start3A_146, %dma_start3A_147] : memref<2x80x128xf32, #tpu.memory_space<vmem>> -> memref<1x80x128xf32, #tpu.memory_space<vmem>>
      %dma_start3A_149 = tpu.memref_squeeze %dma_start3A_148 : memref<1x80x128xf32, #tpu.memory_space<vmem>> -> memref<80x128xf32, #tpu.memory_space<vmem>>
      tpu.enqueue_dma source(%dma_start3A_149 : memref<80x128xf32, #tpu.memory_space<vmem>>) target(%dma_start3A_145 : memref<80x128xf32, #tpu.memory_space<vmem_shared>>) target_semaphore(%run_scoped3A_137 : memref<!tpu.dma_semaphore, #tpu.memory_space<semaphore_mem>>)
      %dma_wait3A = arith.constant 0 : i32
      %dma_wait3A_150 = arith.constant 0 : i32
      %dma_wait3A_151 = tpu.memref_slice %arg12[%run_scoped3A_45, %dma_wait3A, %dma_wait3A_150] : memref<2x80x128xf32, #tpu.memory_space<vmem>> -> memref<1x80x128xf32, #tpu.memory_space<vmem>>
      %dma_wait3A_152 = tpu.memref_squeeze %dma_wait3A_151 : memref<1x80x128xf32, #tpu.memory_space<vmem>> -> memref<80x128xf32, #tpu.memory_space<vmem>>
      %dma_wait3A_153 = arith.constant 0 : i32
      %dma_wait3A_154 = tpu.memref_slice %arg18[%add3A_44, %dma_wait3A_153] : memref<10240x128xf32, #tpu.memory_space<vmem_shared>> -> memref<80x128xf32, #tpu.memory_space<vmem_shared>>
      %dma_wait3A_155 = arith.constant 0 : i32
      %dma_wait3A_156 = tpu.memref_slice %arg18[%add3A_44, %dma_wait3A_155] : memref<10240x128xf32, #tpu.memory_space<vmem_shared>> -> memref<80x128xf32, #tpu.memory_space<vmem_shared>>
      %dma_wait3A_157 = arith.constant 0 : i32
      %dma_wait3A_158 = arith.constant 0 : i32
      %dma_wait3A_159 = tpu.memref_slice %arg12[%run_scoped3A_45, %dma_wait3A_157, %dma_wait3A_158] : memref<2x80x128xf32, #tpu.memory_space<vmem>> -> memref<1x80x128xf32, #tpu.memory_space<vmem>>
      %dma_wait3A_160 = tpu.memref_squeeze %dma_wait3A_159 : memref<1x80x128xf32, #tpu.memory_space<vmem>> -> memref<80x128xf32, #tpu.memory_space<vmem>>
      tpu.wait_dma2 semaphore(%run_scoped3A_137 : memref<!tpu.dma_semaphore, #tpu.memory_space<semaphore_mem>>) src(%dma_wait3A_160 : memref<80x128xf32, #tpu.memory_space<vmem>>) dst(%dma_wait3A_156 : memref<80x128xf32, #tpu.memory_space<vmem_shared>>)
      tpu.yield
    }) : () -> ()
    %barrier3A = arith.constant 0 : index
    tpu.barrier barrier_id(%barrier3A)
    %eq3A = arith.constant 0 : i32
    %eq3A_46 = arith.cmpi eq, %arg0, %eq3A : i32
    %convert_element_type3A = arith.extui %eq3A_46 : i1 to i32
    %cond3A = arith.constant 0 : i32
    %cond3A_47 = arith.cmpi ne, %convert_element_type3A, %cond3A : i32
    scf.if %cond3A_47 {
      %mul3A_137 = arith.constant 20000 : i32
      %mul3A_138 = arith.muli %arg1, %mul3A_137 : i32
      %add3A_139 = arith.constant 0 : i32
      %add3A_140 = arith.addi %mul3A_138, %add3A_139 : i32
      %dma_start3A_141 = arith.constant 0 : i32
      %dma_start3A_142 = arith.constant 0 : i32
      %dma_start3A_143 = arith.constant 0 : i32
      %dma_start3A_144 = tpu.memref_slice %arg12[%dma_start3A_141, %dma_start3A_142, %dma_start3A_143] : memref<2x80x128xf32, #tpu.memory_space<vmem>> -> memref<1x80x128xf32, #tpu.memory_space<vmem>>
      %dma_start3A_145 = tpu.memref_squeeze %dma_start3A_144 : memref<1x80x128xf32, #tpu.memory_space<vmem>> -> memref<80x128xf32, #tpu.memory_space<vmem>>
      %dma_start3A_146 = arith.constant 0 : i32
      %dma_start3A_147 = tpu.memref_slice %arg2[%add3A_140, %dma_start3A_146] : memref<320000x128xf32, #tpu.memory_space<hbm>> -> memref<80x128xf32, #tpu.memory_space<hbm>>
      %dma_start3A_148 = arith.constant 0 : i32
      %dma_start3A_149 = arith.constant 0 : i32
      %dma_start3A_150 = tpu.memref_slice %arg12[%dma_start3A_141, %dma_start3A_148, %dma_start3A_149] : memref<2x80x128xf32, #tpu.memory_space<vmem>> -> memref<1x80x128xf32, #tpu.memory_space<vmem>>
      %dma_start3A_151 = tpu.memref_squeeze %dma_start3A_150 : memref<1x80x128xf32, #tpu.memory_space<vmem>> -> memref<80x128xf32, #tpu.memory_space<vmem>>
      %dma_start3A_152 = arith.constant 0 : i32
      %dma_start3A_153 = tpu.memref_slice %arg2[%add3A_140, %dma_start3A_152] : memref<320000x128xf32, #tpu.memory_space<hbm>> -> memref<80x128xf32, #tpu.memory_space<hbm>>
      tpu.enqueue_dma source(%dma_start3A_153 : memref<80x128xf32, #tpu.memory_space<hbm>>) target(%dma_start3A_151 : memref<80x128xf32, #tpu.memory_space<vmem>>) target_semaphore(%arg19 : memref<!tpu.dma_semaphore, #tpu.memory_space<semaphore_mem>>)
      %dma_start3A_154 = tpu.memref_slice %arg4[%add3A_140] : memref<320000xi32, #tpu.memory_space<hbm>> -> memref<80xi32, #tpu.memory_space<hbm>>
      %dma_start3A_155 = tpu.memref_slice %arg4[%add3A_140] : memref<320000xi32, #tpu.memory_space<hbm>> -> memref<80xi32, #tpu.memory_space<hbm>>
      tpu.enqueue_dma source(%dma_start3A_155 : memref<80xi32, #tpu.memory_space<hbm>>) target(%arg10 : memref<80xi32, #tpu.memory_space<vmem>>) target_semaphore(%arg21 : memref<!tpu.dma_semaphore, #tpu.memory_space<semaphore_mem>>)
      %mul3A_156 = arith.constant 20000 : i32
      %mul3A_157 = arith.muli %arg1, %mul3A_156 : i32
      %add3A_158 = arith.constant 80 : i32
      %add3A_159 = arith.addi %mul3A_157, %add3A_158 : i32
      %dma_start3A_160 = arith.constant 1 : i32
      %dma_start3A_161 = arith.constant 0 : i32
      %dma_start3A_162 = arith.constant 0 : i32
      %dma_start3A_163 = tpu.memref_slice %arg12[%dma_start3A_160, %dma_start3A_161, %dma_start3A_162] : memref<2x80x128xf32, #tpu.memory_space<vmem>> -> memref<1x80x128xf32, #tpu.memory_space<vmem>>
      %dma_start3A_164 = tpu.memref_squeeze %dma_start3A_163 : memref<1x80x128xf32, #tpu.memory_space<vmem>> -> memref<80x128xf32, #tpu.memory_space<vmem>>
      %dma_start3A_165 = arith.constant 0 : i32
      %dma_start3A_166 = tpu.memref_slice %arg2[%add3A_159, %dma_start3A_165] : memref<320000x128xf32, #tpu.memory_space<hbm>> -> memref<80x128xf32, #tpu.memory_space<hbm>>
      %dma_start3A_167 = arith.constant 0 : i32
      %dma_start3A_168 = arith.constant 0 : i32
      %dma_start3A_169 = tpu.memref_slice %arg12[%dma_start3A_160, %dma_start3A_167, %dma_start3A_168] : memref<2x80x128xf32, #tpu.memory_space<vmem>> -> memref<1x80x128xf32, #tpu.memory_space<vmem>>
      %dma_start3A_170 = tpu.memref_squeeze %dma_start3A_169 : memref<1x80x128xf32, #tpu.memory_space<vmem>> -> memref<80x128xf32, #tpu.memory_space<vmem>>
      %dma_start3A_171 = arith.constant 0 : i32
      %dma_start3A_172 = tpu.memref_slice %arg2[%add3A_159, %dma_start3A_171] : memref<320000x128xf32, #tpu.memory_space<hbm>> -> memref<80x128xf32, #tpu.memory_space<hbm>>
      tpu.enqueue_dma source(%dma_start3A_172 : memref<80x128xf32, #tpu.memory_space<hbm>>) target(%dma_start3A_170 : memref<80x128xf32, #tpu.memory_space<vmem>>) target_semaphore(%arg20 : memref<!tpu.dma_semaphore, #tpu.memory_space<semaphore_mem>>)
      %dma_start3A_173 = tpu.memref_slice %arg4[%add3A_159] : memref<320000xi32, #tpu.memory_space<hbm>> -> memref<80xi32, #tpu.memory_space<hbm>>
      %dma_start3A_174 = tpu.memref_slice %arg4[%add3A_159] : memref<320000xi32, #tpu.memory_space<hbm>> -> memref<80xi32, #tpu.memory_space<hbm>>
      tpu.enqueue_dma source(%dma_start3A_174 : memref<80xi32, #tpu.memory_space<hbm>>) target(%arg11 : memref<80xi32, #tpu.memory_space<vmem>>) target_semaphore(%arg22 : memref<!tpu.dma_semaphore, #tpu.memory_space<semaphore_mem>>)
      %scan3A_175 = arith.constant 0 : i32
      %scan3A_176 = arith.constant 0 : i32
      %scan3A_177 = arith.constant 124 : i32
      %scan3A_178 = arith.addi %scan3A_176, %scan3A_177 : i32
      %scan3A_179 = arith.constant 1 : i32
      %scan3A_180 = scf.for %scan3A_261 = %scan3A_176 to %scan3A_178 step %scan3A_179 iter_args(%scan3A_262 = %scan3A_175) -> (i32)  : i32 {
        %mul3A_263 = arith.constant 2 : i32
        %mul3A_264 = arith.muli %mul3A_263, %scan3A_261 : i32
        %add3A_265 = arith.constant 0 : i32
        %add3A_266 = arith.addi %mul3A_264, %add3A_265 : i32
        %mul3A_267 = arith.constant 20000 : i32
        %mul3A_268 = arith.muli %arg1, %mul3A_267 : i32
        %mul3A_269 = arith.constant 80 : i32
        %mul3A_270 = arith.muli %add3A_266, %mul3A_269 : i32
        %add3A_271 = arith.addi %mul3A_268, %mul3A_270 : i32
        %dma_wait3A_272 = arith.constant 0 : i32
        %dma_wait3A_273 = arith.constant 0 : i32
        %dma_wait3A_274 = arith.constant 0 : i32
        %dma_wait3A_275 = tpu.memref_slice %arg12[%dma_wait3A_272, %dma_wait3A_273, %dma_wait3A_274] : memref<2x80x128xf32, #tpu.memory_space<vmem>> -> memref<1x80x128xf32, #tpu.memory_space<vmem>>
        %dma_wait3A_276 = tpu.memref_squeeze %dma_wait3A_275 : memref<1x80x128xf32, #tpu.memory_space<vmem>> -> memref<80x128xf32, #tpu.memory_space<vmem>>
        %dma_wait3A_277 = arith.constant 0 : i32
        %dma_wait3A_278 = tpu.memref_slice %arg2[%add3A_271, %dma_wait3A_277] : memref<320000x128xf32, #tpu.memory_space<hbm>> -> memref<80x128xf32, #tpu.memory_space<hbm>>
        %dma_wait3A_279 = arith.constant 0 : i32
        %dma_wait3A_280 = arith.constant 0 : i32
        %dma_wait3A_281 = tpu.memref_slice %arg12[%dma_wait3A_272, %dma_wait3A_279, %dma_wait3A_280] : memref<2x80x128xf32, #tpu.memory_space<vmem>> -> memref<1x80x128xf32, #tpu.memory_space<vmem>>
        %dma_wait3A_282 = tpu.memref_squeeze %dma_wait3A_281 : memref<1x80x128xf32, #tpu.memory_space<vmem>> -> memref<80x128xf32, #tpu.memory_space<vmem>>
        %dma_wait3A_283 = arith.constant 0 : i32
        %dma_wait3A_284 = tpu.memref_slice %arg2[%add3A_271, %dma_wait3A_283] : memref<320000x128xf32, #tpu.memory_space<hbm>> -> memref<80x128xf32, #tpu.memory_space<hbm>>
        tpu.wait_dma2 semaphore(%arg19 : memref<!tpu.dma_semaphore, #tpu.memory_space<semaphore_mem>>) src(%dma_wait3A_284 : memref<80x128xf32, #tpu.memory_space<hbm>>) dst(%dma_wait3A_282 : memref<80x128xf32, #tpu.memory_space<vmem>>)
        %dma_wait3A_285 = tpu.memref_slice %arg4[%add3A_271] : memref<320000xi32, #tpu.memory_space<hbm>> -> memref<80xi32, #tpu.memory_space<hbm>>
        %dma_wait3A_286 = tpu.memref_slice %arg4[%add3A_271] : memref<320000xi32, #tpu.memory_space<hbm>> -> memref<80xi32, #tpu.memory_space<hbm>>
        tpu.wait_dma2 semaphore(%arg21 : memref<!tpu.dma_semaphore, #tpu.memory_space<semaphore_mem>>) src(%dma_wait3A_286 : memref<80xi32, #tpu.memory_space<hbm>>) dst(%arg10 : memref<80xi32, #tpu.memory_space<vmem>>)
        %run_scoped3A_287 = arith.constant 0 : i32
        "tpu.region"() ({
          %run_scoped3A_358 = tpu.sem_alloc : memref<!tpu.dma_semaphore, #tpu.memory_space<semaphore_mem>>
          %dma_start3A_359 = arith.constant 0 : i32
          %dma_start3A_360 = arith.constant 0 : i32
          %dma_start3A_361 = tpu.memref_slice %arg12[%run_scoped3A_287, %dma_start3A_359, %dma_start3A_360] : memref<2x80x128xf32, #tpu.memory_space<vmem>> -> memref<1x80x128xf32, #tpu.memory_space<vmem>>
          %dma_start3A_362 = tpu.memref_squeeze %dma_start3A_361 : memref<1x80x128xf32, #tpu.memory_space<vmem>> -> memref<80x128xf32, #tpu.memory_space<vmem>>
          %dma_start3A_363 = arith.constant 0 : i32
          %dma_start3A_364 = arith.constant 0 : i32
          %dma_start3A_365 = tpu.memref_slice %arg18[%dma_start3A_363, %dma_start3A_364] : memref<10240x128xf32, #tpu.memory_space<vmem_shared>> -> memref<10240x128xf32, #tpu.memory_space<vmem_shared>>
          tpu.enqueue_indirect_dma source(%dma_start3A_362 : memref<80x128xf32, #tpu.memory_space<vmem>>) target(%dma_start3A_365 : memref<10240x128xf32, #tpu.memory_space<vmem_shared>>) offsets(%arg10 : memref<80xi32, #tpu.memory_space<vmem>>) semaphore(%run_scoped3A_358 : memref<!tpu.dma_semaphore, #tpu.memory_space<semaphore_mem>>) {add = true}
          %dma_wait3A_366 = arith.constant 0 : i32
          %dma_wait3A_367 = arith.constant 0 : i32
          %dma_wait3A_368 = tpu.memref_slice %arg12[%run_scoped3A_287, %dma_wait3A_366, %dma_wait3A_367] : memref<2x80x128xf32, #tpu.memory_space<vmem>> -> memref<1x80x128xf32, #tpu.memory_space<vmem>>
          %dma_wait3A_369 = tpu.memref_squeeze %dma_wait3A_368 : memref<1x80x128xf32, #tpu.memory_space<vmem>> -> memref<80x128xf32, #tpu.memory_space<vmem>>
          %dma_wait3A_370 = arith.constant 0 : i32
          %dma_wait3A_371 = arith.constant 0 : i32
          %dma_wait3A_372 = tpu.memref_slice %arg18[%dma_wait3A_370, %dma_wait3A_371] : memref<10240x128xf32, #tpu.memory_space<vmem_shared>> -> memref<10240x128xf32, #tpu.memory_space<vmem_shared>>
          tpu.wait_indirect_dma semaphore(%run_scoped3A_358 : memref<!tpu.dma_semaphore, #tpu.memory_space<semaphore_mem>>) src(%dma_wait3A_369 : memref<80x128xf32, #tpu.memory_space<vmem>>) dst(%dma_wait3A_372 : memref<10240x128xf32, #tpu.memory_space<vmem_shared>>)
          tpu.yield
        }) : () -> ()
        %add3A_288 = arith.constant 2 : i32
        %add3A_289 = arith.addi %add3A_266, %add3A_288 : i32
        %mul3A_290 = arith.constant 20000 : i32
        %mul3A_291 = arith.muli %arg1, %mul3A_290 : i32
        %mul3A_292 = arith.constant 80 : i32
        %mul3A_293 = arith.muli %add3A_289, %mul3A_292 : i32
        %add3A_294 = arith.addi %mul3A_291, %mul3A_293 : i32
        %dma_start3A_295 = arith.constant 0 : i32
        %dma_start3A_296 = arith.constant 0 : i32
        %dma_start3A_297 = arith.constant 0 : i32
        %dma_start3A_298 = tpu.memref_slice %arg12[%dma_start3A_295, %dma_start3A_296, %dma_start3A_297] : memref<2x80x128xf32, #tpu.memory_space<vmem>> -> memref<1x80x128xf32, #tpu.memory_space<vmem>>
        %dma_start3A_299 = tpu.memref_squeeze %dma_start3A_298 : memref<1x80x128xf32, #tpu.memory_space<vmem>> -> memref<80x128xf32, #tpu.memory_space<vmem>>
        %dma_start3A_300 = arith.constant 0 : i32
        %dma_start3A_301 = tpu.memref_slice %arg2[%add3A_294, %dma_start3A_300] : memref<320000x128xf32, #tpu.memory_space<hbm>> -> memref<80x128xf32, #tpu.memory_space<hbm>>
        %dma_start3A_302 = arith.constant 0 : i32
        %dma_start3A_303 = arith.constant 0 : i32
        %dma_start3A_304 = tpu.memref_slice %arg12[%dma_start3A_295, %dma_start3A_302, %dma_start3A_303] : memref<2x80x128xf32, #tpu.memory_space<vmem>> -> memref<1x80x128xf32, #tpu.memory_space<vmem>>
        %dma_start3A_305 = tpu.memref_squeeze %dma_start3A_304 : memref<1x80x128xf32, #tpu.memory_space<vmem>> -> memref<80x128xf32, #tpu.memory_space<vmem>>
        %dma_start3A_306 = arith.constant 0 : i32
        %dma_start3A_307 = tpu.memref_slice %arg2[%add3A_294, %dma_start3A_306] : memref<320000x128xf32, #tpu.memory_space<hbm>> -> memref<80x128xf32, #tpu.memory_space<hbm>>
        tpu.enqueue_dma source(%dma_start3A_307 : memref<80x128xf32, #tpu.memory_space<hbm>>) target(%dma_start3A_305 : memref<80x128xf32, #tpu.memory_space<vmem>>) target_semaphore(%arg19 : memref<!tpu.dma_semaphore, #tpu.memory_space<semaphore_mem>>)
        %dma_start3A_308 = tpu.memref_slice %arg4[%add3A_294] : memref<320000xi32, #tpu.memory_space<hbm>> -> memref<80xi32, #tpu.memory_space<hbm>>
        %dma_start3A_309 = tpu.memref_slice %arg4[%add3A_294] : memref<320000xi32, #tpu.memory_space<hbm>> -> memref<80xi32, #tpu.memory_space<hbm>>
        tpu.enqueue_dma source(%dma_start3A_309 : memref<80xi32, #tpu.memory_space<hbm>>) target(%arg10 : memref<80xi32, #tpu.memory_space<vmem>>) target_semaphore(%arg21 : memref<!tpu.dma_semaphore, #tpu.memory_space<semaphore_mem>>)
        %mul3A_310 = arith.constant 2 : i32
        %mul3A_311 = arith.muli %mul3A_310, %scan3A_261 : i32
        %add3A_312 = arith.constant 1 : i32
        %add3A_313 = arith.addi %mul3A_311, %add3A_312 : i32
        %mul3A_314 = arith.constant 20000 : i32
        %mul3A_315 = arith.muli %arg1, %mul3A_314 : i32
        %mul3A_316 = arith.constant 80 : i32
        %mul3A_317 = arith.muli %add3A_313, %mul3A_316 : i32
        %add3A_318 = arith.addi %mul3A_315, %mul3A_317 : i32
        %dma_wait3A_319 = arith.constant 1 : i32
        %dma_wait3A_320 = arith.constant 0 : i32
        %dma_wait3A_321 = arith.constant 0 : i32
        %dma_wait3A_322 = tpu.memref_slice %arg12[%dma_wait3A_319, %dma_wait3A_320, %dma_wait3A_321] : memref<2x80x128xf32, #tpu.memory_space<vmem>> -> memref<1x80x128xf32, #tpu.memory_space<vmem>>
        %dma_wait3A_323 = tpu.memref_squeeze %dma_wait3A_322 : memref<1x80x128xf32, #tpu.memory_space<vmem>> -> memref<80x128xf32, #tpu.memory_space<vmem>>
        %dma_wait3A_324 = arith.constant 0 : i32
        %dma_wait3A_325 = tpu.memref_slice %arg2[%add3A_318, %dma_wait3A_324] : memref<320000x128xf32, #tpu.memory_space<hbm>> -> memref<80x128xf32, #tpu.memory_space<hbm>>
        %dma_wait3A_326 = arith.constant 0 : i32
        %dma_wait3A_327 = arith.constant 0 : i32
        %dma_wait3A_328 = tpu.memref_slice %arg12[%dma_wait3A_319, %dma_wait3A_326, %dma_wait3A_327] : memref<2x80x128xf32, #tpu.memory_space<vmem>> -> memref<1x80x128xf32, #tpu.memory_space<vmem>>
        %dma_wait3A_329 = tpu.memref_squeeze %dma_wait3A_328 : memref<1x80x128xf32, #tpu.memory_space<vmem>> -> memref<80x128xf32, #tpu.memory_space<vmem>>
        %dma_wait3A_330 = arith.constant 0 : i32
        %dma_wait3A_331 = tpu.memref_slice %arg2[%add3A_318, %dma_wait3A_330] : memref<320000x128xf32, #tpu.memory_space<hbm>> -> memref<80x128xf32, #tpu.memory_space<hbm>>
        tpu.wait_dma2 semaphore(%arg20 : memref<!tpu.dma_semaphore, #tpu.memory_space<semaphore_mem>>) src(%dma_wait3A_331 : memref<80x128xf32, #tpu.memory_space<hbm>>) dst(%dma_wait3A_329 : memref<80x128xf32, #tpu.memory_space<vmem>>)
        %dma_wait3A_332 = tpu.memref_slice %arg4[%add3A_318] : memref<320000xi32, #tpu.memory_space<hbm>> -> memref<80xi32, #tpu.memory_space<hbm>>
        %dma_wait3A_333 = tpu.memref_slice %arg4[%add3A_318] : memref<320000xi32, #tpu.memory_space<hbm>> -> memref<80xi32, #tpu.memory_space<hbm>>
        tpu.wait_dma2 semaphore(%arg22 : memref<!tpu.dma_semaphore, #tpu.memory_space<semaphore_mem>>) src(%dma_wait3A_333 : memref<80xi32, #tpu.memory_space<hbm>>) dst(%arg11 : memref<80xi32, #tpu.memory_space<vmem>>)
        %run_scoped3A_334 = arith.constant 1 : i32
        "tpu.region"() ({
          %run_scoped3A_358 = tpu.sem_alloc : memref<!tpu.dma_semaphore, #tpu.memory_space<semaphore_mem>>
          %dma_start3A_359 = arith.constant 0 : i32
          %dma_start3A_360 = arith.constant 0 : i32
          %dma_start3A_361 = tpu.memref_slice %arg12[%run_scoped3A_334, %dma_start3A_359, %dma_start3A_360] : memref<2x80x128xf32, #tpu.memory_space<vmem>> -> memref<1x80x128xf32, #tpu.memory_space<vmem>>
          %dma_start3A_362 = tpu.memref_squeeze %dma_start3A_361 : memref<1x80x128xf32, #tpu.memory_space<vmem>> -> memref<80x128xf32, #tpu.memory_space<vmem>>
          %dma_start3A_363 = arith.constant 0 : i32
          %dma_start3A_364 = arith.constant 0 : i32
          %dma_start3A_365 = tpu.memref_slice %arg18[%dma_start3A_363, %dma_start3A_364] : memref<10240x128xf32, #tpu.memory_space<vmem_shared>> -> memref<10240x128xf32, #tpu.memory_space<vmem_shared>>
          tpu.enqueue_indirect_dma source(%dma_start3A_362 : memref<80x128xf32, #tpu.memory_space<vmem>>) target(%dma_start3A_365 : memref<10240x128xf32, #tpu.memory_space<vmem_shared>>) offsets(%arg11 : memref<80xi32, #tpu.memory_space<vmem>>) semaphore(%run_scoped3A_358 : memref<!tpu.dma_semaphore, #tpu.memory_space<semaphore_mem>>) {add = true}
          %dma_wait3A_366 = arith.constant 0 : i32
          %dma_wait3A_367 = arith.constant 0 : i32
          %dma_wait3A_368 = tpu.memref_slice %arg12[%run_scoped3A_334, %dma_wait3A_366, %dma_wait3A_367] : memref<2x80x128xf32, #tpu.memory_space<vmem>> -> memref<1x80x128xf32, #tpu.memory_space<vmem>>
          %dma_wait3A_369 = tpu.memref_squeeze %dma_wait3A_368 : memref<1x80x128xf32, #tpu.memory_space<vmem>> -> memref<80x128xf32, #tpu.memory_space<vmem>>
          %dma_wait3A_370 = arith.constant 0 : i32
          %dma_wait3A_371 = arith.constant 0 : i32
          %dma_wait3A_372 = tpu.memref_slice %arg18[%dma_wait3A_370, %dma_wait3A_371] : memref<10240x128xf32, #tpu.memory_space<vmem_shared>> -> memref<10240x128xf32, #tpu.memory_space<vmem_shared>>
          tpu.wait_indirect_dma semaphore(%run_scoped3A_358 : memref<!tpu.dma_semaphore, #tpu.memory_space<semaphore_mem>>) src(%dma_wait3A_369 : memref<80x128xf32, #tpu.memory_space<vmem>>) dst(%dma_wait3A_372 : memref<10240x128xf32, #tpu.memory_space<vmem_shared>>)
          tpu.yield
        }) : () -> ()
        %add3A_335 = arith.constant 2 : i32
        %add3A_336 = arith.addi %add3A_313, %add3A_335 : i32
        %mul3A_337 = arith.constant 20000 : i32
        %mul3A_338 = arith.muli %arg1, %mul3A_337 : i32
        %mul3A_339 = arith.constant 80 : i32
        %mul3A_340 = arith.muli %add3A_336, %mul3A_339 : i32
        %add3A_341 = arith.addi %mul3A_338, %mul3A_340 : i32
        %dma_start3A_342 = arith.constant 1 : i32
        %dma_start3A_343 = arith.constant 0 : i32
        %dma_start3A_344 = arith.constant 0 : i32
        %dma_start3A_345 = tpu.memref_slice %arg12[%dma_start3A_342, %dma_start3A_343, %dma_start3A_344] : memref<2x80x128xf32, #tpu.memory_space<vmem>> -> memref<1x80x128xf32, #tpu.memory_space<vmem>>
        %dma_start3A_346 = tpu.memref_squeeze %dma_start3A_345 : memref<1x80x128xf32, #tpu.memory_space<vmem>> -> memref<80x128xf32, #tpu.memory_space<vmem>>
        %dma_start3A_347 = arith.constant 0 : i32
        %dma_start3A_348 = tpu.memref_slice %arg2[%add3A_341, %dma_start3A_347] : memref<320000x128xf32, #tpu.memory_space<hbm>> -> memref<80x128xf32, #tpu.memory_space<hbm>>
        %dma_start3A_349 = arith.constant 0 : i32
        %dma_start3A_350 = arith.constant 0 : i32
        %dma_start3A_351 = tpu.memref_slice %arg12[%dma_start3A_342, %dma_start3A_349, %dma_start3A_350] : memref<2x80x128xf32, #tpu.memory_space<vmem>> -> memref<1x80x128xf32, #tpu.memory_space<vmem>>
        %dma_start3A_352 = tpu.memref_squeeze %dma_start3A_351 : memref<1x80x128xf32, #tpu.memory_space<vmem>> -> memref<80x128xf32, #tpu.memory_space<vmem>>
        %dma_start3A_353 = arith.constant 0 : i32
        %dma_start3A_354 = tpu.memref_slice %arg2[%add3A_341, %dma_start3A_353] : memref<320000x128xf32, #tpu.memory_space<hbm>> -> memref<80x128xf32, #tpu.memory_space<hbm>>
        tpu.enqueue_dma source(%dma_start3A_354 : memref<80x128xf32, #tpu.memory_space<hbm>>) target(%dma_start3A_352 : memref<80x128xf32, #tpu.memory_space<vmem>>) target_semaphore(%arg20 : memref<!tpu.dma_semaphore, #tpu.memory_space<semaphore_mem>>)
        %dma_start3A_355 = tpu.memref_slice %arg4[%add3A_341] : memref<320000xi32, #tpu.memory_space<hbm>> -> memref<80xi32, #tpu.memory_space<hbm>>
        %dma_start3A_356 = tpu.memref_slice %arg4[%add3A_341] : memref<320000xi32, #tpu.memory_space<hbm>> -> memref<80xi32, #tpu.memory_space<hbm>>
        tpu.enqueue_dma source(%dma_start3A_356 : memref<80xi32, #tpu.memory_space<hbm>>) target(%arg11 : memref<80xi32, #tpu.memory_space<vmem>>) target_semaphore(%arg22 : memref<!tpu.dma_semaphore, #tpu.memory_space<semaphore_mem>>)
        %scan3A_357 = arith.constant 0 : i32
        scf.yield %scan3A_357 : i32
      }
      %scan3A_181 = arith.constant 124 : i32
      %mul3A_182 = arith.constant 20000 : i32
      %mul3A_183 = arith.muli %arg1, %mul3A_182 : i32
      %add3A_184 = arith.constant 19840 : i32
      %add3A_185 = arith.addi %mul3A_183, %add3A_184 : i32
      %dma_wait3A = arith.constant 0 : i32
      %dma_wait3A_186 = arith.constant 0 : i32
      %dma_wait3A_187 = arith.constant 0 : i32
      %dma_wait3A_188 = tpu.memref_slice %arg12[%dma_wait3A, %dma_wait3A_186, %dma_wait3A_187] : memref<2x80x128xf32, #tpu.memory_space<vmem>> -> memref<1x80x128xf32, #tpu.memory_space<vmem>>
      %dma_wait3A_189 = tpu.memref_squeeze %dma_wait3A_188 : memref<1x80x128xf32, #tpu.memory_space<vmem>> -> memref<80x128xf32, #tpu.memory_space<vmem>>
      %dma_wait3A_190 = arith.constant 0 : i32
      %dma_wait3A_191 = tpu.memref_slice %arg2[%add3A_185, %dma_wait3A_190] : memref<320000x128xf32, #tpu.memory_space<hbm>> -> memref<80x128xf32, #tpu.memory_space<hbm>>
      %dma_wait3A_192 = arith.constant 0 : i32
      %dma_wait3A_193 = arith.constant 0 : i32
      %dma_wait3A_194 = tpu.memref_slice %arg12[%dma_wait3A, %dma_wait3A_192, %dma_wait3A_193] : memref<2x80x128xf32, #tpu.memory_space<vmem>> -> memref<1x80x128xf32, #tpu.memory_space<vmem>>
      %dma_wait3A_195 = tpu.memref_squeeze %dma_wait3A_194 : memref<1x80x128xf32, #tpu.memory_space<vmem>> -> memref<80x128xf32, #tpu.memory_space<vmem>>
      %dma_wait3A_196 = arith.constant 0 : i32
      %dma_wait3A_197 = tpu.memref_slice %arg2[%add3A_185, %dma_wait3A_196] : memref<320000x128xf32, #tpu.memory_space<hbm>> -> memref<80x128xf32, #tpu.memory_space<hbm>>
      tpu.wait_dma2 semaphore(%arg19 : memref<!tpu.dma_semaphore, #tpu.memory_space<semaphore_mem>>) src(%dma_wait3A_197 : memref<80x128xf32, #tpu.memory_space<hbm>>) dst(%dma_wait3A_195 : memref<80x128xf32, #tpu.memory_space<vmem>>)
      %dma_wait3A_198 = tpu.memref_slice %arg4[%add3A_185] : memref<320000xi32, #tpu.memory_space<hbm>> -> memref<80xi32, #tpu.memory_space<hbm>>
      %dma_wait3A_199 = tpu.memref_slice %arg4[%add3A_185] : memref<320000xi32, #tpu.memory_space<hbm>> -> memref<80xi32, #tpu.memory_space<hbm>>
      tpu.wait_dma2 semaphore(%arg21 : memref<!tpu.dma_semaphore, #tpu.memory_space<semaphore_mem>>) src(%dma_wait3A_199 : memref<80xi32, #tpu.memory_space<hbm>>) dst(%arg10 : memref<80xi32, #tpu.memory_space<vmem>>)
      %run_scoped3A_200 = arith.constant 0 : i32
      "tpu.region"() ({
        %run_scoped3A_261 = tpu.sem_alloc : memref<!tpu.dma_semaphore, #tpu.memory_space<semaphore_mem>>
        %dma_start3A_262 = arith.constant 0 : i32
        %dma_start3A_263 = arith.constant 0 : i32
        %dma_start3A_264 = tpu.memref_slice %arg12[%run_scoped3A_200, %dma_start3A_262, %dma_start3A_263] : memref<2x80x128xf32, #tpu.memory_space<vmem>> -> memref<1x80x128xf32, #tpu.memory_space<vmem>>
        %dma_start3A_265 = tpu.memref_squeeze %dma_start3A_264 : memref<1x80x128xf32, #tpu.memory_space<vmem>> -> memref<80x128xf32, #tpu.memory_space<vmem>>
        %dma_start3A_266 = arith.constant 0 : i32
        %dma_start3A_267 = arith.constant 0 : i32
        %dma_start3A_268 = tpu.memref_slice %arg18[%dma_start3A_266, %dma_start3A_267] : memref<10240x128xf32, #tpu.memory_space<vmem_shared>> -> memref<10240x128xf32, #tpu.memory_space<vmem_shared>>
        tpu.enqueue_indirect_dma source(%dma_start3A_265 : memref<80x128xf32, #tpu.memory_space<vmem>>) target(%dma_start3A_268 : memref<10240x128xf32, #tpu.memory_space<vmem_shared>>) offsets(%arg10 : memref<80xi32, #tpu.memory_space<vmem>>) semaphore(%run_scoped3A_261 : memref<!tpu.dma_semaphore, #tpu.memory_space<semaphore_mem>>) {add = true}
        %dma_wait3A_269 = arith.constant 0 : i32
        %dma_wait3A_270 = arith.constant 0 : i32
        %dma_wait3A_271 = tpu.memref_slice %arg12[%run_scoped3A_200, %dma_wait3A_269, %dma_wait3A_270] : memref<2x80x128xf32, #tpu.memory_space<vmem>> -> memref<1x80x128xf32, #tpu.memory_space<vmem>>
        %dma_wait3A_272 = tpu.memref_squeeze %dma_wait3A_271 : memref<1x80x128xf32, #tpu.memory_space<vmem>> -> memref<80x128xf32, #tpu.memory_space<vmem>>
        %dma_wait3A_273 = arith.constant 0 : i32
        %dma_wait3A_274 = arith.constant 0 : i32
        %dma_wait3A_275 = tpu.memref_slice %arg18[%dma_wait3A_273, %dma_wait3A_274] : memref<10240x128xf32, #tpu.memory_space<vmem_shared>> -> memref<10240x128xf32, #tpu.memory_space<vmem_shared>>
        tpu.wait_indirect_dma semaphore(%run_scoped3A_261 : memref<!tpu.dma_semaphore, #tpu.memory_space<semaphore_mem>>) src(%dma_wait3A_272 : memref<80x128xf32, #tpu.memory_space<vmem>>) dst(%dma_wait3A_275 : memref<10240x128xf32, #tpu.memory_space<vmem_shared>>)
        tpu.yield
      }) : () -> ()
      %mul3A_201 = arith.constant 20000 : i32
      %mul3A_202 = arith.muli %arg1, %mul3A_201 : i32
      %add3A_203 = arith.constant 19920 : i32
      %add3A_204 = arith.addi %mul3A_202, %add3A_203 : i32
      %dma_wait3A_205 = arith.constant 1 : i32
      %dma_wait3A_206 = arith.constant 0 : i32
      %dma_wait3A_207 = arith.constant 0 : i32
      %dma_wait3A_208 = tpu.memref_slice %arg12[%dma_wait3A_205, %dma_wait3A_206, %dma_wait3A_207] : memref<2x80x128xf32, #tpu.memory_space<vmem>> -> memref<1x80x128xf32, #tpu.memory_space<vmem>>
      %dma_wait3A_209 = tpu.memref_squeeze %dma_wait3A_208 : memref<1x80x128xf32, #tpu.memory_space<vmem>> -> memref<80x128xf32, #tpu.memory_space<vmem>>
      %dma_wait3A_210 = arith.constant 0 : i32
      %dma_wait3A_211 = tpu.memref_slice %arg2[%add3A_204, %dma_wait3A_210] : memref<320000x128xf32, #tpu.memory_space<hbm>> -> memref<80x128xf32, #tpu.memory_space<hbm>>
      %dma_wait3A_212 = arith.constant 0 : i32
      %dma_wait3A_213 = arith.constant 0 : i32
      %dma_wait3A_214 = tpu.memref_slice %arg12[%dma_wait3A_205, %dma_wait3A_212, %dma_wait3A_213] : memref<2x80x128xf32, #tpu.memory_space<vmem>> -> memref<1x80x128xf32, #tpu.memory_space<vmem>>
      %dma_wait3A_215 = tpu.memref_squeeze %dma_wait3A_214 : memref<1x80x128xf32, #tpu.memory_space<vmem>> -> memref<80x128xf32, #tpu.memory_space<vmem>>
      %dma_wait3A_216 = arith.constant 0 : i32
      %dma_wait3A_217 = tpu.memref_slice %arg2[%add3A_204, %dma_wait3A_216] : memref<320000x128xf32, #tpu.memory_space<hbm>> -> memref<80x128xf32, #tpu.memory_space<hbm>>
      tpu.wait_dma2 semaphore(%arg20 : memref<!tpu.dma_semaphore, #tpu.memory_space<semaphore_mem>>) src(%dma_wait3A_217 : memref<80x128xf32, #tpu.memory_space<hbm>>) dst(%dma_wait3A_215 : memref<80x128xf32, #tpu.memory_space<vmem>>)
      %dma_wait3A_218 = tpu.memref_slice %arg4[%add3A_204] : memref<320000xi32, #tpu.memory_space<hbm>> -> memref<80xi32, #tpu.memory_space<hbm>>
      %dma_wait3A_219 = tpu.memref_slice %arg4[%add3A_204] : memref<320000xi32, #tpu.memory_space<hbm>> -> memref<80xi32, #tpu.memory_space<hbm>>
      tpu.wait_dma2 semaphore(%arg22 : memref<!tpu.dma_semaphore, #tpu.memory_space<semaphore_mem>>) src(%dma_wait3A_219 : memref<80xi32, #tpu.memory_space<hbm>>) dst(%arg11 : memref<80xi32, #tpu.memory_space<vmem>>)
      %run_scoped3A_220 = arith.constant 1 : i32
      "tpu.region"() ({
        %run_scoped3A_261 = tpu.sem_alloc : memref<!tpu.dma_semaphore, #tpu.memory_space<semaphore_mem>>
        %dma_start3A_262 = arith.constant 0 : i32
        %dma_start3A_263 = arith.constant 0 : i32
        %dma_start3A_264 = tpu.memref_slice %arg12[%run_scoped3A_220, %dma_start3A_262, %dma_start3A_263] : memref<2x80x128xf32, #tpu.memory_space<vmem>> -> memref<1x80x128xf32, #tpu.memory_space<vmem>>
        %dma_start3A_265 = tpu.memref_squeeze %dma_start3A_264 : memref<1x80x128xf32, #tpu.memory_space<vmem>> -> memref<80x128xf32, #tpu.memory_space<vmem>>
        %dma_start3A_266 = arith.constant 0 : i32
        %dma_start3A_267 = arith.constant 0 : i32
        %dma_start3A_268 = tpu.memref_slice %arg18[%dma_start3A_266, %dma_start3A_267] : memref<10240x128xf32, #tpu.memory_space<vmem_shared>> -> memref<10240x128xf32, #tpu.memory_space<vmem_shared>>
        tpu.enqueue_indirect_dma source(%dma_start3A_265 : memref<80x128xf32, #tpu.memory_space<vmem>>) target(%dma_start3A_268 : memref<10240x128xf32, #tpu.memory_space<vmem_shared>>) offsets(%arg11 : memref<80xi32, #tpu.memory_space<vmem>>) semaphore(%run_scoped3A_261 : memref<!tpu.dma_semaphore, #tpu.memory_space<semaphore_mem>>) {add = true}
        %dma_wait3A_269 = arith.constant 0 : i32
        %dma_wait3A_270 = arith.constant 0 : i32
        %dma_wait3A_271 = tpu.memref_slice %arg12[%run_scoped3A_220, %dma_wait3A_269, %dma_wait3A_270] : memref<2x80x128xf32, #tpu.memory_space<vmem>> -> memref<1x80x128xf32, #tpu.memory_space<vmem>>
        %dma_wait3A_272 = tpu.memref_squeeze %dma_wait3A_271 : memref<1x80x128xf32, #tpu.memory_space<vmem>> -> memref<80x128xf32, #tpu.memory_space<vmem>>
        %dma_wait3A_273 = arith.constant 0 : i32
        %dma_wait3A_274 = arith.constant 0 : i32
        %dma_wait3A_275 = tpu.memref_slice %arg18[%dma_wait3A_273, %dma_wait3A_274] : memref<10240x128xf32, #tpu.memory_space<vmem_shared>> -> memref<10240x128xf32, #tpu.memory_space<vmem_shared>>
        tpu.wait_indirect_dma semaphore(%run_scoped3A_261 : memref<!tpu.dma_semaphore, #tpu.memory_space<semaphore_mem>>) src(%dma_wait3A_272 : memref<80x128xf32, #tpu.memory_space<vmem>>) dst(%dma_wait3A_275 : memref<10240x128xf32, #tpu.memory_space<vmem_shared>>)
        tpu.yield
      }) : () -> ()
      %scan3A_221 = arith.constant 0 : i32
      %scan3A_222 = arith.constant 0 : i32
      %scan3A_223 = arith.constant 80 : i32
      %scan3A_224 = arith.addi %scan3A_222, %scan3A_223 : i32
      %scan3A_225 = arith.constant 1 : i32
      %scan3A_226 = scf.for %scan3A_261 = %scan3A_222 to %scan3A_224 step %scan3A_225 iter_args(%scan3A_262 = %scan3A_221) -> (i32)  : i32 {
        %broadcast_in_dim3A = arith.constant 0.000000e+00 : f32
        %broadcast_in_dim3A_263 = vector.broadcast %broadcast_in_dim3A : f32 to vector<16xf32>
        %swap3A = arith.constant 0 : i32
        %swap3A_264 = arith.index_cast %swap3A : i32 to index
        %swap3A_265 = arith.index_cast %scan3A_261 : i32 to index
        %swap3A_266 = arith.constant 0 : index
        %swap3A_267 = tpu.vector_load %arg12[%swap3A_264, %swap3A_265, %swap3A_266] {strides = array<i32>} : memref<2x80x128xf32, #tpu.memory_space<vmem>>, vector<16xf32>,
        tpu.vector_store %arg12[%swap3A_264, %swap3A_265, %swap3A_266], %broadcast_in_dim3A_263 {strides = array<i32>} : memref<2x80x128xf32, #tpu.memory_space<vmem>>, vector<16xf32>,
        %broadcast_in_dim3A_268 = arith.constant 0.000000e+00 : f32
        %broadcast_in_dim3A_269 = vector.broadcast %broadcast_in_dim3A_268 : f32 to vector<16xf32>
        %swap3A_270 = arith.constant 0 : i32
        %swap3A_271 = arith.index_cast %swap3A_270 : i32 to index
        %swap3A_272 = arith.index_cast %scan3A_261 : i32 to index
        %swap3A_273 = arith.constant 16 : index
        %swap3A_274 = tpu.vector_load %arg12[%swap3A_271, %swap3A_272, %swap3A_273] {strides = array<i32>} : memref<2x80x128xf32, #tpu.memory_space<vmem>>, vector<16xf32>,
        tpu.vector_store %arg12[%swap3A_271, %swap3A_272, %swap3A_273], %broadcast_in_dim3A_269 {strides = array<i32>} : memref<2x80x128xf32, #tpu.memory_space<vmem>>, vector<16xf32>,
        %broadcast_in_dim3A_275 = arith.constant 0.000000e+00 : f32
        %broadcast_in_dim3A_276 = vector.broadcast %broadcast_in_dim3A_275 : f32 to vector<16xf32>
        %swap3A_277 = arith.constant 0 : i32
        %swap3A_278 = arith.index_cast %swap3A_277 : i32 to index
        %swap3A_279 = arith.index_cast %scan3A_261 : i32 to index
        %swap3A_280 = arith.constant 32 : index
        %swap3A_281 = tpu.vector_load %arg12[%swap3A_278, %swap3A_279, %swap3A_280] {strides = array<i32>} : memref<2x80x128xf32, #tpu.memory_space<vmem>>, vector<16xf32>,
        tpu.vector_store %arg12[%swap3A_278, %swap3A_279, %swap3A_280], %broadcast_in_dim3A_276 {strides = array<i32>} : memref<2x80x128xf32, #tpu.memory_space<vmem>>, vector<16xf32>,
        %broadcast_in_dim3A_282 = arith.constant 0.000000e+00 : f32
        %broadcast_in_dim3A_283 = vector.broadcast %broadcast_in_dim3A_282 : f32 to vector<16xf32>
        %swap3A_284 = arith.constant 0 : i32
        %swap3A_285 = arith.index_cast %swap3A_284 : i32 to index
        %swap3A_286 = arith.index_cast %scan3A_261 : i32 to index
        %swap3A_287 = arith.constant 48 : index
        %swap3A_288 = tpu.vector_load %arg12[%swap3A_285, %swap3A_286, %swap3A_287] {strides = array<i32>} : memref<2x80x128xf32, #tpu.memory_space<vmem>>, vector<16xf32>,
        tpu.vector_store %arg12[%swap3A_285, %swap3A_286, %swap3A_287], %broadcast_in_dim3A_283 {strides = array<i32>} : memref<2x80x128xf32, #tpu.memory_space<vmem>>, vector<16xf32>,
        %broadcast_in_dim3A_289 = arith.constant 0.000000e+00 : f32
        %broadcast_in_dim3A_290 = vector.broadcast %broadcast_in_dim3A_289 : f32 to vector<16xf32>
        %swap3A_291 = arith.constant 0 : i32
        %swap3A_292 = arith.index_cast %swap3A_291 : i32 to index
        %swap3A_293 = arith.index_cast %scan3A_261 : i32 to index
        %swap3A_294 = arith.constant 64 : index
        %swap3A_295 = tpu.vector_load %arg12[%swap3A_292, %swap3A_293, %swap3A_294] {strides = array<i32>} : memref<2x80x128xf32, #tpu.memory_space<vmem>>, vector<16xf32>,
        tpu.vector_store %arg12[%swap3A_292, %swap3A_293, %swap3A_294], %broadcast_in_dim3A_290 {strides = array<i32>} : memref<2x80x128xf32, #tpu.memory_space<vmem>>, vector<16xf32>,
        %broadcast_in_dim3A_296 = arith.constant 0.000000e+00 : f32
        %broadcast_in_dim3A_297 = vector.broadcast %broadcast_in_dim3A_296 : f32 to vector<16xf32>
        %swap3A_298 = arith.constant 0 : i32
        %swap3A_299 = arith.index_cast %swap3A_298 : i32 to index
        %swap3A_300 = arith.index_cast %scan3A_261 : i32 to index
        %swap3A_301 = arith.constant 80 : index
        %swap3A_302 = tpu.vector_load %arg12[%swap3A_299, %swap3A_300, %swap3A_301] {strides = array<i32>} : memref<2x80x128xf32, #tpu.memory_space<vmem>>, vector<16xf32>,
        tpu.vector_store %arg12[%swap3A_299, %swap3A_300, %swap3A_301], %broadcast_in_dim3A_297 {strides = array<i32>} : memref<2x80x128xf32, #tpu.memory_space<vmem>>, vector<16xf32>,
        %iota3A_303 = tpu.iota {dimensions = array<i32: 0>} : vector<16xi32>
        %eq3A_304 = arith.constant 1 : i32
        %eq3A_305 = vector.broadcast %eq3A_304 : i32 to vector<16xi32>
        %eq3A_306 = arith.cmpi eq, %iota3A_303, %eq3A_305 : vector<16xi32>
        %jit3A = arith.constant 1.000000e+00 : f32
        %jit3A_307 = arith.constant 0.000000e+00 : f32
        %broadcast_in_dim3A_308 = vector.broadcast %jit3A : f32 to vector<16xf32>
        %broadcast_in_dim3A_309 = vector.broadcast %jit3A_307 : f32 to vector<16xf32>
        %select_n3A = arith.select %eq3A_306, %broadcast_in_dim3A_308, %broadcast_in_dim3A_309 : vector<16xi1>, vector<16xf32>
        %swap3A_310 = arith.constant 0 : i32
        %swap3A_311 = arith.index_cast %swap3A_310 : i32 to index
        %swap3A_312 = arith.index_cast %scan3A_261 : i32 to index
        %swap3A_313 = arith.constant 96 : index
        %swap3A_314 = tpu.vector_load %arg12[%swap3A_311, %swap3A_312, %swap3A_313] {strides = array<i32>} : memref<2x80x128xf32, #tpu.memory_space<vmem>>, vector<16xf32>,
        tpu.vector_store %arg12[%swap3A_311, %swap3A_312, %swap3A_313], %select_n3A {strides = array<i32>} : memref<2x80x128xf32, #tpu.memory_space<vmem>>, vector<16xf32>,
        %broadcast_in_dim3A_315 = arith.constant 0.000000e+00 : f32
        %broadcast_in_dim3A_316 = vector.broadcast %broadcast_in_dim3A_315 : f32 to vector<16xf32>
        %swap3A_317 = arith.constant 0 : i32
        %swap3A_318 = arith.index_cast %swap3A_317 : i32 to index
        %swap3A_319 = arith.index_cast %scan3A_261 : i32 to index
        %swap3A_320 = arith.constant 112 : index
        %swap3A_321 = tpu.vector_load %arg12[%swap3A_318, %swap3A_319, %swap3A_320] {strides = array<i32>} : memref<2x80x128xf32, #tpu.memory_space<vmem>>, vector<16xf32>,
        tpu.vector_store %arg12[%swap3A_318, %swap3A_319, %swap3A_320], %broadcast_in_dim3A_316 {strides = array<i32>} : memref<2x80x128xf32, #tpu.memory_space<vmem>>, vector<16xf32>,
        %scan3A_322 = arith.constant 0 : i32
        scf.yield %scan3A_322 : i32
      }
      %scan3A_227 = arith.constant 80 : i32
      %mul3A_228 = arith.constant 20000 : i32
      %mul3A_229 = arith.muli %arg1, %mul3A_228 : i32
      %add3A_230 = arith.constant 0 : i32
      %add3A_231 = arith.addi %mul3A_229, %add3A_230 : i32
      %dma_start3A_232 = tpu.memref_slice %arg5[%add3A_231] : memref<320000xi32, #tpu.memory_space<hbm>> -> memref<80xi32, #tpu.memory_space<hbm>>
      %dma_start3A_233 = tpu.memref_slice %arg5[%add3A_231] : memref<320000xi32, #tpu.memory_space<hbm>> -> memref<80xi32, #tpu.memory_space<hbm>>
      tpu.enqueue_dma source(%dma_start3A_233 : memref<80xi32, #tpu.memory_space<hbm>>) target(%arg10 : memref<80xi32, #tpu.memory_space<vmem>>) target_semaphore(%arg21 : memref<!tpu.dma_semaphore, #tpu.memory_space<semaphore_mem>>)
      %mul3A_234 = arith.constant 20000 : i32
      %mul3A_235 = arith.muli %arg1, %mul3A_234 : i32
      %add3A_236 = arith.constant 80 : i32
      %add3A_237 = arith.addi %mul3A_235, %add3A_236 : i32
      %dma_start3A_238 = tpu.memref_slice %arg5[%add3A_237] : memref<320000xi32, #tpu.memory_space<hbm>> -> memref<80xi32, #tpu.memory_space<hbm>>
      %dma_start3A_239 = tpu.memref_slice %arg5[%add3A_237] : memref<320000xi32, #tpu.memory_space<hbm>> -> memref<80xi32, #tpu.memory_space<hbm>>
      tpu.enqueue_dma source(%dma_start3A_239 : memref<80xi32, #tpu.memory_space<hbm>>) target(%arg11 : memref<80xi32, #tpu.memory_space<vmem>>) target_semaphore(%arg22 : memref<!tpu.dma_semaphore, #tpu.memory_space<semaphore_mem>>)
      %scan3A_240 = arith.constant 0 : i32
      %scan3A_241 = arith.constant 0 : i32
      %scan3A_242 = arith.constant 124 : i32
      %scan3A_243 = arith.addi %scan3A_241, %scan3A_242 : i32
      %scan3A_244 = arith.constant 1 : i32
      %scan3A_245 = scf.for %scan3A_261 = %scan3A_241 to %scan3A_243 step %scan3A_244 iter_args(%scan3A_262 = %scan3A_240) -> (i32)  : i32 {
        %mul3A_263 = arith.constant 2 : i32
        %mul3A_264 = arith.muli %mul3A_263, %scan3A_261 : i32
        %add3A_265 = arith.constant 0 : i32
        %add3A_266 = arith.addi %mul3A_264, %add3A_265 : i32
        %mul3A_267 = arith.constant 20000 : i32
        %mul3A_268 = arith.muli %arg1, %mul3A_267 : i32
        %mul3A_269 = arith.constant 80 : i32
        %mul3A_270 = arith.muli %add3A_266, %mul3A_269 : i32
        %add3A_271 = arith.addi %mul3A_268, %mul3A_270 : i32
        %dma_wait3A_272 = tpu.memref_slice %arg5[%add3A_271] : memref<320000xi32, #tpu.memory_space<hbm>> -> memref<80xi32, #tpu.memory_space<hbm>>
        %dma_wait3A_273 = tpu.memref_slice %arg5[%add3A_271] : memref<320000xi32, #tpu.memory_space<hbm>> -> memref<80xi32, #tpu.memory_space<hbm>>
        tpu.wait_dma2 semaphore(%arg21 : memref<!tpu.dma_semaphore, #tpu.memory_space<semaphore_mem>>) src(%dma_wait3A_273 : memref<80xi32, #tpu.memory_space<hbm>>) dst(%arg10 : memref<80xi32, #tpu.memory_space<vmem>>)
        %run_scoped3A_274 = arith.constant 0 : i32
        "tpu.region"() ({
          %run_scoped3A_306 = tpu.sem_alloc : memref<!tpu.dma_semaphore, #tpu.memory_space<semaphore_mem>>
          %dma_start3A_307 = arith.constant 0 : i32
          %dma_start3A_308 = arith.constant 0 : i32
          %dma_start3A_309 = tpu.memref_slice %arg12[%run_scoped3A_274, %dma_start3A_307, %dma_start3A_308] : memref<2x80x128xf32, #tpu.memory_space<vmem>> -> memref<1x80x128xf32, #tpu.memory_space<vmem>>
          %dma_start3A_310 = tpu.memref_squeeze %dma_start3A_309 : memref<1x80x128xf32, #tpu.memory_space<vmem>> -> memref<80x128xf32, #tpu.memory_space<vmem>>
          %dma_start3A_311 = arith.constant 0 : i32
          %dma_start3A_312 = arith.constant 0 : i32
          %dma_start3A_313 = tpu.memref_slice %arg18[%dma_start3A_311, %dma_start3A_312] : memref<10240x128xf32, #tpu.memory_space<vmem_shared>> -> memref<10240x128xf32, #tpu.memory_space<vmem_shared>>
          tpu.enqueue_indirect_dma source(%dma_start3A_310 : memref<80x128xf32, #tpu.memory_space<vmem>>) target(%dma_start3A_313 : memref<10240x128xf32, #tpu.memory_space<vmem_shared>>) offsets(%arg10 : memref<80xi32, #tpu.memory_space<vmem>>) semaphore(%run_scoped3A_306 : memref<!tpu.dma_semaphore, #tpu.memory_space<semaphore_mem>>) {add = true}
          %dma_wait3A_314 = arith.constant 0 : i32
          %dma_wait3A_315 = arith.constant 0 : i32
          %dma_wait3A_316 = tpu.memref_slice %arg12[%run_scoped3A_274, %dma_wait3A_314, %dma_wait3A_315] : memref<2x80x128xf32, #tpu.memory_space<vmem>> -> memref<1x80x128xf32, #tpu.memory_space<vmem>>
          %dma_wait3A_317 = tpu.memref_squeeze %dma_wait3A_316 : memref<1x80x128xf32, #tpu.memory_space<vmem>> -> memref<80x128xf32, #tpu.memory_space<vmem>>
          %dma_wait3A_318 = arith.constant 0 : i32
          %dma_wait3A_319 = arith.constant 0 : i32
          %dma_wait3A_320 = tpu.memref_slice %arg18[%dma_wait3A_318, %dma_wait3A_319] : memref<10240x128xf32, #tpu.memory_space<vmem_shared>> -> memref<10240x128xf32, #tpu.memory_space<vmem_shared>>
          tpu.wait_indirect_dma semaphore(%run_scoped3A_306 : memref<!tpu.dma_semaphore, #tpu.memory_space<semaphore_mem>>) src(%dma_wait3A_317 : memref<80x128xf32, #tpu.memory_space<vmem>>) dst(%dma_wait3A_320 : memref<10240x128xf32, #tpu.memory_space<vmem_shared>>)
          tpu.yield
        }) : () -> ()
        %add3A_275 = arith.constant 2 : i32
        %add3A_276 = arith.addi %add3A_266, %add3A_275 : i32
        %mul3A_277 = arith.constant 20000 : i32
        %mul3A_278 = arith.muli %arg1, %mul3A_277 : i32
        %mul3A_279 = arith.constant 80 : i32
        %mul3A_280 = arith.muli %add3A_276, %mul3A_279 : i32
        %add3A_281 = arith.addi %mul3A_278, %mul3A_280 : i32
        %dma_start3A_282 = tpu.memref_slice %arg5[%add3A_281] : memref<320000xi32, #tpu.memory_space<hbm>> -> memref<80xi32, #tpu.memory_space<hbm>>
        %dma_start3A_283 = tpu.memref_slice %arg5[%add3A_281] : memref<320000xi32, #tpu.memory_space<hbm>> -> memref<80xi32, #tpu.memory_space<hbm>>
        tpu.enqueue_dma source(%dma_start3A_283 : memref<80xi32, #tpu.memory_space<hbm>>) target(%arg10 : memref<80xi32, #tpu.memory_space<vmem>>) target_semaphore(%arg21 : memref<!tpu.dma_semaphore, #tpu.memory_space<semaphore_mem>>)
        %mul3A_284 = arith.constant 2 : i32
        %mul3A_285 = arith.muli %mul3A_284, %scan3A_261 : i32
        %add3A_286 = arith.constant 1 : i32
        %add3A_287 = arith.addi %mul3A_285, %add3A_286 : i32
        %mul3A_288 = arith.constant 20000 : i32
        %mul3A_289 = arith.muli %arg1, %mul3A_288 : i32
        %mul3A_290 = arith.constant 80 : i32
        %mul3A_291 = arith.muli %add3A_287, %mul3A_290 : i32
        %add3A_292 = arith.addi %mul3A_289, %mul3A_291 : i32
        %dma_wait3A_293 = tpu.memref_slice %arg5[%add3A_292] : memref<320000xi32, #tpu.memory_space<hbm>> -> memref<80xi32, #tpu.memory_space<hbm>>
        %dma_wait3A_294 = tpu.memref_slice %arg5[%add3A_292] : memref<320000xi32, #tpu.memory_space<hbm>> -> memref<80xi32, #tpu.memory_space<hbm>>
        tpu.wait_dma2 semaphore(%arg22 : memref<!tpu.dma_semaphore, #tpu.memory_space<semaphore_mem>>) src(%dma_wait3A_294 : memref<80xi32, #tpu.memory_space<hbm>>) dst(%arg11 : memref<80xi32, #tpu.memory_space<vmem>>)
        %run_scoped3A_295 = arith.constant 0 : i32
        "tpu.region"() ({
          %run_scoped3A_306 = tpu.sem_alloc : memref<!tpu.dma_semaphore, #tpu.memory_space<semaphore_mem>>
          %dma_start3A_307 = arith.constant 0 : i32
          %dma_start3A_308 = arith.constant 0 : i32
          %dma_start3A_309 = tpu.memref_slice %arg12[%run_scoped3A_295, %dma_start3A_307, %dma_start3A_308] : memref<2x80x128xf32, #tpu.memory_space<vmem>> -> memref<1x80x128xf32, #tpu.memory_space<vmem>>
          %dma_start3A_310 = tpu.memref_squeeze %dma_start3A_309 : memref<1x80x128xf32, #tpu.memory_space<vmem>> -> memref<80x128xf32, #tpu.memory_space<vmem>>
          %dma_start3A_311 = arith.constant 0 : i32
          %dma_start3A_312 = arith.constant 0 : i32
          %dma_start3A_313 = tpu.memref_slice %arg18[%dma_start3A_311, %dma_start3A_312] : memref<10240x128xf32, #tpu.memory_space<vmem_shared>> -> memref<10240x128xf32, #tpu.memory_space<vmem_shared>>
          tpu.enqueue_indirect_dma source(%dma_start3A_310 : memref<80x128xf32, #tpu.memory_space<vmem>>) target(%dma_start3A_313 : memref<10240x128xf32, #tpu.memory_space<vmem_shared>>) offsets(%arg11 : memref<80xi32, #tpu.memory_space<vmem>>) semaphore(%run_scoped3A_306 : memref<!tpu.dma_semaphore, #tpu.memory_space<semaphore_mem>>) {add = true}
          %dma_wait3A_314 = arith.constant 0 : i32
          %dma_wait3A_315 = arith.constant 0 : i32
          %dma_wait3A_316 = tpu.memref_slice %arg12[%run_scoped3A_295, %dma_wait3A_314, %dma_wait3A_315] : memref<2x80x128xf32, #tpu.memory_space<vmem>> -> memref<1x80x128xf32, #tpu.memory_space<vmem>>
          %dma_wait3A_317 = tpu.memref_squeeze %dma_wait3A_316 : memref<1x80x128xf32, #tpu.memory_space<vmem>> -> memref<80x128xf32, #tpu.memory_space<vmem>>
          %dma_wait3A_318 = arith.constant 0 : i32
          %dma_wait3A_319 = arith.constant 0 : i32
          %dma_wait3A_320 = tpu.memref_slice %arg18[%dma_wait3A_318, %dma_wait3A_319] : memref<10240x128xf32, #tpu.memory_space<vmem_shared>> -> memref<10240x128xf32, #tpu.memory_space<vmem_shared>>
          tpu.wait_indirect_dma semaphore(%run_scoped3A_306 : memref<!tpu.dma_semaphore, #tpu.memory_space<semaphore_mem>>) src(%dma_wait3A_317 : memref<80x128xf32, #tpu.memory_space<vmem>>) dst(%dma_wait3A_320 : memref<10240x128xf32, #tpu.memory_space<vmem_shared>>)
          tpu.yield
        }) : () -> ()
        %add3A_296 = arith.constant 2 : i32
        %add3A_297 = arith.addi %add3A_287, %add3A_296 : i32
        %mul3A_298 = arith.constant 20000 : i32
        %mul3A_299 = arith.muli %arg1, %mul3A_298 : i32
        %mul3A_300 = arith.constant 80 : i32
        %mul3A_301 = arith.muli %add3A_297, %mul3A_300 : i32
        %add3A_302 = arith.addi %mul3A_299, %mul3A_301 : i32
        %dma_start3A_303 = tpu.memref_slice %arg5[%add3A_302] : memref<320000xi32, #tpu.memory_space<hbm>> -> memref<80xi32, #tpu.memory_space<hbm>>
        %dma_start3A_304 = tpu.memref_slice %arg5[%add3A_302] : memref<320000xi32, #tpu.memory_space<hbm>> -> memref<80xi32, #tpu.memory_space<hbm>>
        tpu.enqueue_dma source(%dma_start3A_304 : memref<80xi32, #tpu.memory_space<hbm>>) target(%arg11 : memref<80xi32, #tpu.memory_space<vmem>>) target_semaphore(%arg22 : memref<!tpu.dma_semaphore, #tpu.memory_space<semaphore_mem>>)
        %scan3A_305 = arith.constant 0 : i32
        scf.yield %scan3A_305 : i32
      }
      %scan3A_246 = arith.constant 124 : i32
      %mul3A_247 = arith.constant 20000 : i32
      %mul3A_248 = arith.muli %arg1, %mul3A_247 : i32
      %add3A_249 = arith.constant 19840 : i32
      %add3A_250 = arith.addi %mul3A_248, %add3A_249 : i32
      %dma_wait3A_251 = tpu.memref_slice %arg5[%add3A_250] : memref<320000xi32, #tpu.memory_space<hbm>> -> memref<80xi32, #tpu.memory_space<hbm>>
      %dma_wait3A_252 = tpu.memref_slice %arg5[%add3A_250] : memref<320000xi32, #tpu.memory_space<hbm>> -> memref<80xi32, #tpu.memory_space<hbm>>
      tpu.wait_dma2 semaphore(%arg21 : memref<!tpu.dma_semaphore, #tpu.memory_space<semaphore_mem>>) src(%dma_wait3A_252 : memref<80xi32, #tpu.memory_space<hbm>>) dst(%arg10 : memref<80xi32, #tpu.memory_space<vmem>>)
      %run_scoped3A_253 = arith.constant 0 : i32
      "tpu.region"() ({
        %run_scoped3A_261 = tpu.sem_alloc : memref<!tpu.dma_semaphore, #tpu.memory_space<semaphore_mem>>
        %dma_start3A_262 = arith.constant 0 : i32
        %dma_start3A_263 = arith.constant 0 : i32
        %dma_start3A_264 = tpu.memref_slice %arg12[%run_scoped3A_253, %dma_start3A_262, %dma_start3A_263] : memref<2x80x128xf32, #tpu.memory_space<vmem>> -> memref<1x80x128xf32, #tpu.memory_space<vmem>>
        %dma_start3A_265 = tpu.memref_squeeze %dma_start3A_264 : memref<1x80x128xf32, #tpu.memory_space<vmem>> -> memref<80x128xf32, #tpu.memory_space<vmem>>
        %dma_start3A_266 = arith.constant 0 : i32
        %dma_start3A_267 = arith.constant 0 : i32
        %dma_start3A_268 = tpu.memref_slice %arg18[%dma_start3A_266, %dma_start3A_267] : memref<10240x128xf32, #tpu.memory_space<vmem_shared>> -> memref<10240x128xf32, #tpu.memory_space<vmem_shared>>
        tpu.enqueue_indirect_dma source(%dma_start3A_265 : memref<80x128xf32, #tpu.memory_space<vmem>>) target(%dma_start3A_268 : memref<10240x128xf32, #tpu.memory_space<vmem_shared>>) offsets(%arg10 : memref<80xi32, #tpu.memory_space<vmem>>) semaphore(%run_scoped3A_261 : memref<!tpu.dma_semaphore, #tpu.memory_space<semaphore_mem>>) {add = true}
        %dma_wait3A_269 = arith.constant 0 : i32
        %dma_wait3A_270 = arith.constant 0 : i32
        %dma_wait3A_271 = tpu.memref_slice %arg12[%run_scoped3A_253, %dma_wait3A_269, %dma_wait3A_270] : memref<2x80x128xf32, #tpu.memory_space<vmem>> -> memref<1x80x128xf32, #tpu.memory_space<vmem>>
        %dma_wait3A_272 = tpu.memref_squeeze %dma_wait3A_271 : memref<1x80x128xf32, #tpu.memory_space<vmem>> -> memref<80x128xf32, #tpu.memory_space<vmem>>
        %dma_wait3A_273 = arith.constant 0 : i32
        %dma_wait3A_274 = arith.constant 0 : i32
        %dma_wait3A_275 = tpu.memref_slice %arg18[%dma_wait3A_273, %dma_wait3A_274] : memref<10240x128xf32, #tpu.memory_space<vmem_shared>> -> memref<10240x128xf32, #tpu.memory_space<vmem_shared>>
        tpu.wait_indirect_dma semaphore(%run_scoped3A_261 : memref<!tpu.dma_semaphore, #tpu.memory_space<semaphore_mem>>) src(%dma_wait3A_272 : memref<80x128xf32, #tpu.memory_space<vmem>>) dst(%dma_wait3A_275 : memref<10240x128xf32, #tpu.memory_space<vmem_shared>>)
        tpu.yield
      }) : () -> ()
      %mul3A_254 = arith.constant 20000 : i32
      %mul3A_255 = arith.muli %arg1, %mul3A_254 : i32
      %add3A_256 = arith.constant 19920 : i32
      %add3A_257 = arith.addi %mul3A_255, %add3A_256 : i32
      %dma_wait3A_258 = tpu.memref_slice %arg5[%add3A_257] : memref<320000xi32, #tpu.memory_space<hbm>> -> memref<80xi32, #tpu.memory_space<hbm>>
      %dma_wait3A_259 = tpu.memref_slice %arg5[%add3A_257] : memref<320000xi32, #tpu.memory_space<hbm>> -> memref<80xi32, #tpu.memory_space<hbm>>
      tpu.wait_dma2 semaphore(%arg22 : memref<!tpu.dma_semaphore, #tpu.memory_space<semaphore_mem>>) src(%dma_wait3A_259 : memref<80xi32, #tpu.memory_space<hbm>>) dst(%arg11 : memref<80xi32, #tpu.memory_space<vmem>>)
      %run_scoped3A_260 = arith.constant 0 : i32
      "tpu.region"() ({
        %run_scoped3A_261 = tpu.sem_alloc : memref<!tpu.dma_semaphore, #tpu.memory_space<semaphore_mem>>
        %dma_start3A_262 = arith.constant 0 : i32
        %dma_start3A_263 = arith.constant 0 : i32
        %dma_start3A_264 = tpu.memref_slice %arg12[%run_scoped3A_260, %dma_start3A_262, %dma_start3A_263] : memref<2x80x128xf32, #tpu.memory_space<vmem>> -> memref<1x80x128xf32, #tpu.memory_space<vmem>>
        %dma_start3A_265 = tpu.memref_squeeze %dma_start3A_264 : memref<1x80x128xf32, #tpu.memory_space<vmem>> -> memref<80x128xf32, #tpu.memory_space<vmem>>
        %dma_start3A_266 = arith.constant 0 : i32
        %dma_start3A_267 = arith.constant 0 : i32
        %dma_start3A_268 = tpu.memref_slice %arg18[%dma_start3A_266, %dma_start3A_267] : memref<10240x128xf32, #tpu.memory_space<vmem_shared>> -> memref<10240x128xf32, #tpu.memory_space<vmem_shared>>
        tpu.enqueue_indirect_dma source(%dma_start3A_265 : memref<80x128xf32, #tpu.memory_space<vmem>>) target(%dma_start3A_268 : memref<10240x128xf32, #tpu.memory_space<vmem_shared>>) offsets(%arg11 : memref<80xi32, #tpu.memory_space<vmem>>) semaphore(%run_scoped3A_261 : memref<!tpu.dma_semaphore, #tpu.memory_space<semaphore_mem>>) {add = true}
        %dma_wait3A_269 = arith.constant 0 : i32
        %dma_wait3A_270 = arith.constant 0 : i32
        %dma_wait3A_271 = tpu.memref_slice %arg12[%run_scoped3A_260, %dma_wait3A_269, %dma_wait3A_270] : memref<2x80x128xf32, #tpu.memory_space<vmem>> -> memref<1x80x128xf32, #tpu.memory_space<vmem>>
        %dma_wait3A_272 = tpu.memref_squeeze %dma_wait3A_271 : memref<1x80x128xf32, #tpu.memory_space<vmem>> -> memref<80x128xf32, #tpu.memory_space<vmem>>
        %dma_wait3A_273 = arith.constant 0 : i32
        %dma_wait3A_274 = arith.constant 0 : i32
        %dma_wait3A_275 = tpu.memref_slice %arg18[%dma_wait3A_273, %dma_wait3A_274] : memref<10240x128xf32, #tpu.memory_space<vmem_shared>> -> memref<10240x128xf32, #tpu.memory_space<vmem_shared>>
        tpu.wait_indirect_dma semaphore(%run_scoped3A_261 : memref<!tpu.dma_semaphore, #tpu.memory_space<semaphore_mem>>) src(%dma_wait3A_272 : memref<80x128xf32, #tpu.memory_space<vmem>>) dst(%dma_wait3A_275 : memref<10240x128xf32, #tpu.memory_space<vmem_shared>>)
        tpu.yield
      }) : () -> ()
    } else {
    }
    %eq3A_48 = arith.constant 1 : i32
    %eq3A_49 = arith.cmpi eq, %arg0, %eq3A_48 : i32
    %convert_element_type3A_50 = arith.extui %eq3A_49 : i1 to i32
    %cond3A_51 = arith.constant 0 : i32
    %cond3A_52 = arith.cmpi ne, %convert_element_type3A_50, %cond3A_51 : i32
    scf.if %cond3A_52 {
      %mul3A_137 = arith.constant 20000 : i32
      %mul3A_138 = arith.muli %arg1, %mul3A_137 : i32
      %add3A_139 = arith.constant 0 : i32
      %add3A_140 = arith.addi %mul3A_138, %add3A_139 : i32
      %dma_start3A_141 = arith.constant 0 : i32
      %dma_start3A_142 = arith.constant 0 : i32
      %dma_start3A_143 = arith.constant 0 : i32
      %dma_start3A_144 = tpu.memref_slice %arg12[%dma_start3A_141, %dma_start3A_142, %dma_start3A_143] : memref<2x80x128xf32, #tpu.memory_space<vmem>> -> memref<1x80x128xf32, #tpu.memory_space<vmem>>
      %dma_start3A_145 = tpu.memref_squeeze %dma_start3A_144 : memref<1x80x128xf32, #tpu.memory_space<vmem>> -> memref<80x128xf32, #tpu.memory_space<vmem>>
      %dma_start3A_146 = arith.constant 0 : i32
      %dma_start3A_147 = tpu.memref_slice %arg3[%add3A_140, %dma_start3A_146] : memref<320000x128xf32, #tpu.memory_space<hbm>> -> memref<80x128xf32, #tpu.memory_space<hbm>>
      %dma_start3A_148 = arith.constant 0 : i32
      %dma_start3A_149 = arith.constant 0 : i32
      %dma_start3A_150 = tpu.memref_slice %arg12[%dma_start3A_141, %dma_start3A_148, %dma_start3A_149] : memref<2x80x128xf32, #tpu.memory_space<vmem>> -> memref<1x80x128xf32, #tpu.memory_space<vmem>>
      %dma_start3A_151 = tpu.memref_squeeze %dma_start3A_150 : memref<1x80x128xf32, #tpu.memory_space<vmem>> -> memref<80x128xf32, #tpu.memory_space<vmem>>
      %dma_start3A_152 = arith.constant 0 : i32
      %dma_start3A_153 = tpu.memref_slice %arg3[%add3A_140, %dma_start3A_152] : memref<320000x128xf32, #tpu.memory_space<hbm>> -> memref<80x128xf32, #tpu.memory_space<hbm>>
      tpu.enqueue_dma source(%dma_start3A_153 : memref<80x128xf32, #tpu.memory_space<hbm>>) target(%dma_start3A_151 : memref<80x128xf32, #tpu.memory_space<vmem>>) target_semaphore(%arg19 : memref<!tpu.dma_semaphore, #tpu.memory_space<semaphore_mem>>)
      %dma_start3A_154 = tpu.memref_slice %arg5[%add3A_140] : memref<320000xi32, #tpu.memory_space<hbm>> -> memref<80xi32, #tpu.memory_space<hbm>>
      %dma_start3A_155 = tpu.memref_slice %arg5[%add3A_140] : memref<320000xi32, #tpu.memory_space<hbm>> -> memref<80xi32, #tpu.memory_space<hbm>>
      tpu.enqueue_dma source(%dma_start3A_155 : memref<80xi32, #tpu.memory_space<hbm>>) target(%arg10 : memref<80xi32, #tpu.memory_space<vmem>>) target_semaphore(%arg21 : memref<!tpu.dma_semaphore, #tpu.memory_space<semaphore_mem>>)
      %mul3A_156 = arith.constant 20000 : i32
      %mul3A_157 = arith.muli %arg1, %mul3A_156 : i32
      %add3A_158 = arith.constant 80 : i32
      %add3A_159 = arith.addi %mul3A_157, %add3A_158 : i32
      %dma_start3A_160 = arith.constant 1 : i32
      %dma_start3A_161 = arith.constant 0 : i32
      %dma_start3A_162 = arith.constant 0 : i32
      %dma_start3A_163 = tpu.memref_slice %arg12[%dma_start3A_160, %dma_start3A_161, %dma_start3A_162] : memref<2x80x128xf32, #tpu.memory_space<vmem>> -> memref<1x80x128xf32, #tpu.memory_space<vmem>>
      %dma_start3A_164 = tpu.memref_squeeze %dma_start3A_163 : memref<1x80x128xf32, #tpu.memory_space<vmem>> -> memref<80x128xf32, #tpu.memory_space<vmem>>
      %dma_start3A_165 = arith.constant 0 : i32
      %dma_start3A_166 = tpu.memref_slice %arg3[%add3A_159, %dma_start3A_165] : memref<320000x128xf32, #tpu.memory_space<hbm>> -> memref<80x128xf32, #tpu.memory_space<hbm>>
      %dma_start3A_167 = arith.constant 0 : i32
      %dma_start3A_168 = arith.constant 0 : i32
      %dma_start3A_169 = tpu.memref_slice %arg12[%dma_start3A_160, %dma_start3A_167, %dma_start3A_168] : memref<2x80x128xf32, #tpu.memory_space<vmem>> -> memref<1x80x128xf32, #tpu.memory_space<vmem>>
      %dma_start3A_170 = tpu.memref_squeeze %dma_start3A_169 : memref<1x80x128xf32, #tpu.memory_space<vmem>> -> memref<80x128xf32, #tpu.memory_space<vmem>>
      %dma_start3A_171 = arith.constant 0 : i32
      %dma_start3A_172 = tpu.memref_slice %arg3[%add3A_159, %dma_start3A_171] : memref<320000x128xf32, #tpu.memory_space<hbm>> -> memref<80x128xf32, #tpu.memory_space<hbm>>
      tpu.enqueue_dma source(%dma_start3A_172 : memref<80x128xf32, #tpu.memory_space<hbm>>) target(%dma_start3A_170 : memref<80x128xf32, #tpu.memory_space<vmem>>) target_semaphore(%arg20 : memref<!tpu.dma_semaphore, #tpu.memory_space<semaphore_mem>>)
      %dma_start3A_173 = tpu.memref_slice %arg5[%add3A_159] : memref<320000xi32, #tpu.memory_space<hbm>> -> memref<80xi32, #tpu.memory_space<hbm>>
      %dma_start3A_174 = tpu.memref_slice %arg5[%add3A_159] : memref<320000xi32, #tpu.memory_space<hbm>> -> memref<80xi32, #tpu.memory_space<hbm>>
      tpu.enqueue_dma source(%dma_start3A_174 : memref<80xi32, #tpu.memory_space<hbm>>) target(%arg11 : memref<80xi32, #tpu.memory_space<vmem>>) target_semaphore(%arg22 : memref<!tpu.dma_semaphore, #tpu.memory_space<semaphore_mem>>)
      %scan3A_175 = arith.constant 0 : i32
      %scan3A_176 = arith.constant 0 : i32
      %scan3A_177 = arith.constant 124 : i32
      %scan3A_178 = arith.addi %scan3A_176, %scan3A_177 : i32
      %scan3A_179 = arith.constant 1 : i32
      %scan3A_180 = scf.for %scan3A_221 = %scan3A_176 to %scan3A_178 step %scan3A_179 iter_args(%scan3A_222 = %scan3A_175) -> (i32)  : i32 {
        %mul3A_223 = arith.constant 2 : i32
        %mul3A_224 = arith.muli %mul3A_223, %scan3A_221 : i32
        %add3A_225 = arith.constant 0 : i32
        %add3A_226 = arith.addi %mul3A_224, %add3A_225 : i32
        %mul3A_227 = arith.constant 20000 : i32
        %mul3A_228 = arith.muli %arg1, %mul3A_227 : i32
        %mul3A_229 = arith.constant 80 : i32
        %mul3A_230 = arith.muli %add3A_226, %mul3A_229 : i32
        %add3A_231 = arith.addi %mul3A_228, %mul3A_230 : i32
        %dma_wait3A_232 = arith.constant 0 : i32
        %dma_wait3A_233 = arith.constant 0 : i32
        %dma_wait3A_234 = arith.constant 0 : i32
        %dma_wait3A_235 = tpu.memref_slice %arg12[%dma_wait3A_232, %dma_wait3A_233, %dma_wait3A_234] : memref<2x80x128xf32, #tpu.memory_space<vmem>> -> memref<1x80x128xf32, #tpu.memory_space<vmem>>
        %dma_wait3A_236 = tpu.memref_squeeze %dma_wait3A_235 : memref<1x80x128xf32, #tpu.memory_space<vmem>> -> memref<80x128xf32, #tpu.memory_space<vmem>>
        %dma_wait3A_237 = arith.constant 0 : i32
        %dma_wait3A_238 = tpu.memref_slice %arg3[%add3A_231, %dma_wait3A_237] : memref<320000x128xf32, #tpu.memory_space<hbm>> -> memref<80x128xf32, #tpu.memory_space<hbm>>
        %dma_wait3A_239 = arith.constant 0 : i32
        %dma_wait3A_240 = arith.constant 0 : i32
        %dma_wait3A_241 = tpu.memref_slice %arg12[%dma_wait3A_232, %dma_wait3A_239, %dma_wait3A_240] : memref<2x80x128xf32, #tpu.memory_space<vmem>> -> memref<1x80x128xf32, #tpu.memory_space<vmem>>
        %dma_wait3A_242 = tpu.memref_squeeze %dma_wait3A_241 : memref<1x80x128xf32, #tpu.memory_space<vmem>> -> memref<80x128xf32, #tpu.memory_space<vmem>>
        %dma_wait3A_243 = arith.constant 0 : i32
        %dma_wait3A_244 = tpu.memref_slice %arg3[%add3A_231, %dma_wait3A_243] : memref<320000x128xf32, #tpu.memory_space<hbm>> -> memref<80x128xf32, #tpu.memory_space<hbm>>
        tpu.wait_dma2 semaphore(%arg19 : memref<!tpu.dma_semaphore, #tpu.memory_space<semaphore_mem>>) src(%dma_wait3A_244 : memref<80x128xf32, #tpu.memory_space<hbm>>) dst(%dma_wait3A_242 : memref<80x128xf32, #tpu.memory_space<vmem>>)
        %dma_wait3A_245 = tpu.memref_slice %arg5[%add3A_231] : memref<320000xi32, #tpu.memory_space<hbm>> -> memref<80xi32, #tpu.memory_space<hbm>>
        %dma_wait3A_246 = tpu.memref_slice %arg5[%add3A_231] : memref<320000xi32, #tpu.memory_space<hbm>> -> memref<80xi32, #tpu.memory_space<hbm>>
        tpu.wait_dma2 semaphore(%arg21 : memref<!tpu.dma_semaphore, #tpu.memory_space<semaphore_mem>>) src(%dma_wait3A_246 : memref<80xi32, #tpu.memory_space<hbm>>) dst(%arg10 : memref<80xi32, #tpu.memory_space<vmem>>)
        %run_scoped3A_247 = arith.constant 0 : i32
        "tpu.region"() ({
          %run_scoped3A_318 = tpu.sem_alloc : memref<!tpu.dma_semaphore, #tpu.memory_space<semaphore_mem>>
          %dma_start3A_319 = arith.constant 0 : i32
          %dma_start3A_320 = arith.constant 0 : i32
          %dma_start3A_321 = tpu.memref_slice %arg12[%run_scoped3A_247, %dma_start3A_319, %dma_start3A_320] : memref<2x80x128xf32, #tpu.memory_space<vmem>> -> memref<1x80x128xf32, #tpu.memory_space<vmem>>
          %dma_start3A_322 = tpu.memref_squeeze %dma_start3A_321 : memref<1x80x128xf32, #tpu.memory_space<vmem>> -> memref<80x128xf32, #tpu.memory_space<vmem>>
          %dma_start3A_323 = arith.constant 0 : i32
          %dma_start3A_324 = arith.constant 0 : i32
          %dma_start3A_325 = tpu.memref_slice %arg18[%dma_start3A_323, %dma_start3A_324] : memref<10240x128xf32, #tpu.memory_space<vmem_shared>> -> memref<10240x128xf32, #tpu.memory_space<vmem_shared>>
          tpu.enqueue_indirect_dma source(%dma_start3A_322 : memref<80x128xf32, #tpu.memory_space<vmem>>) target(%dma_start3A_325 : memref<10240x128xf32, #tpu.memory_space<vmem_shared>>) offsets(%arg10 : memref<80xi32, #tpu.memory_space<vmem>>) semaphore(%run_scoped3A_318 : memref<!tpu.dma_semaphore, #tpu.memory_space<semaphore_mem>>) {add = true}
          %dma_wait3A_326 = arith.constant 0 : i32
          %dma_wait3A_327 = arith.constant 0 : i32
          %dma_wait3A_328 = tpu.memref_slice %arg12[%run_scoped3A_247, %dma_wait3A_326, %dma_wait3A_327] : memref<2x80x128xf32, #tpu.memory_space<vmem>> -> memref<1x80x128xf32, #tpu.memory_space<vmem>>
          %dma_wait3A_329 = tpu.memref_squeeze %dma_wait3A_328 : memref<1x80x128xf32, #tpu.memory_space<vmem>> -> memref<80x128xf32, #tpu.memory_space<vmem>>
          %dma_wait3A_330 = arith.constant 0 : i32
          %dma_wait3A_331 = arith.constant 0 : i32
          %dma_wait3A_332 = tpu.memref_slice %arg18[%dma_wait3A_330, %dma_wait3A_331] : memref<10240x128xf32, #tpu.memory_space<vmem_shared>> -> memref<10240x128xf32, #tpu.memory_space<vmem_shared>>
          tpu.wait_indirect_dma semaphore(%run_scoped3A_318 : memref<!tpu.dma_semaphore, #tpu.memory_space<semaphore_mem>>) src(%dma_wait3A_329 : memref<80x128xf32, #tpu.memory_space<vmem>>) dst(%dma_wait3A_332 : memref<10240x128xf32, #tpu.memory_space<vmem_shared>>)
          tpu.yield
        }) : () -> ()
        %add3A_248 = arith.constant 2 : i32
        %add3A_249 = arith.addi %add3A_226, %add3A_248 : i32
        %mul3A_250 = arith.constant 20000 : i32
        %mul3A_251 = arith.muli %arg1, %mul3A_250 : i32
        %mul3A_252 = arith.constant 80 : i32
        %mul3A_253 = arith.muli %add3A_249, %mul3A_252 : i32
        %add3A_254 = arith.addi %mul3A_251, %mul3A_253 : i32
        %dma_start3A_255 = arith.constant 0 : i32
        %dma_start3A_256 = arith.constant 0 : i32
        %dma_start3A_257 = arith.constant 0 : i32
        %dma_start3A_258 = tpu.memref_slice %arg12[%dma_start3A_255, %dma_start3A_256, %dma_start3A_257] : memref<2x80x128xf32, #tpu.memory_space<vmem>> -> memref<1x80x128xf32, #tpu.memory_space<vmem>>
        %dma_start3A_259 = tpu.memref_squeeze %dma_start3A_258 : memref<1x80x128xf32, #tpu.memory_space<vmem>> -> memref<80x128xf32, #tpu.memory_space<vmem>>
        %dma_start3A_260 = arith.constant 0 : i32
        %dma_start3A_261 = tpu.memref_slice %arg3[%add3A_254, %dma_start3A_260] : memref<320000x128xf32, #tpu.memory_space<hbm>> -> memref<80x128xf32, #tpu.memory_space<hbm>>
        %dma_start3A_262 = arith.constant 0 : i32
        %dma_start3A_263 = arith.constant 0 : i32
        %dma_start3A_264 = tpu.memref_slice %arg12[%dma_start3A_255, %dma_start3A_262, %dma_start3A_263] : memref<2x80x128xf32, #tpu.memory_space<vmem>> -> memref<1x80x128xf32, #tpu.memory_space<vmem>>
        %dma_start3A_265 = tpu.memref_squeeze %dma_start3A_264 : memref<1x80x128xf32, #tpu.memory_space<vmem>> -> memref<80x128xf32, #tpu.memory_space<vmem>>
        %dma_start3A_266 = arith.constant 0 : i32
        %dma_start3A_267 = tpu.memref_slice %arg3[%add3A_254, %dma_start3A_266] : memref<320000x128xf32, #tpu.memory_space<hbm>> -> memref<80x128xf32, #tpu.memory_space<hbm>>
        tpu.enqueue_dma source(%dma_start3A_267 : memref<80x128xf32, #tpu.memory_space<hbm>>) target(%dma_start3A_265 : memref<80x128xf32, #tpu.memory_space<vmem>>) target_semaphore(%arg19 : memref<!tpu.dma_semaphore, #tpu.memory_space<semaphore_mem>>)
        %dma_start3A_268 = tpu.memref_slice %arg5[%add3A_254] : memref<320000xi32, #tpu.memory_space<hbm>> -> memref<80xi32, #tpu.memory_space<hbm>>
        %dma_start3A_269 = tpu.memref_slice %arg5[%add3A_254] : memref<320000xi32, #tpu.memory_space<hbm>> -> memref<80xi32, #tpu.memory_space<hbm>>
        tpu.enqueue_dma source(%dma_start3A_269 : memref<80xi32, #tpu.memory_space<hbm>>) target(%arg10 : memref<80xi32, #tpu.memory_space<vmem>>) target_semaphore(%arg21 : memref<!tpu.dma_semaphore, #tpu.memory_space<semaphore_mem>>)
        %mul3A_270 = arith.constant 2 : i32
        %mul3A_271 = arith.muli %mul3A_270, %scan3A_221 : i32
        %add3A_272 = arith.constant 1 : i32
        %add3A_273 = arith.addi %mul3A_271, %add3A_272 : i32
        %mul3A_274 = arith.constant 20000 : i32
        %mul3A_275 = arith.muli %arg1, %mul3A_274 : i32
        %mul3A_276 = arith.constant 80 : i32
        %mul3A_277 = arith.muli %add3A_273, %mul3A_276 : i32
        %add3A_278 = arith.addi %mul3A_275, %mul3A_277 : i32
        %dma_wait3A_279 = arith.constant 1 : i32
        %dma_wait3A_280 = arith.constant 0 : i32
        %dma_wait3A_281 = arith.constant 0 : i32
        %dma_wait3A_282 = tpu.memref_slice %arg12[%dma_wait3A_279, %dma_wait3A_280, %dma_wait3A_281] : memref<2x80x128xf32, #tpu.memory_space<vmem>> -> memref<1x80x128xf32, #tpu.memory_space<vmem>>
        %dma_wait3A_283 = tpu.memref_squeeze %dma_wait3A_282 : memref<1x80x128xf32, #tpu.memory_space<vmem>> -> memref<80x128xf32, #tpu.memory_space<vmem>>
        %dma_wait3A_284 = arith.constant 0 : i32
        %dma_wait3A_285 = tpu.memref_slice %arg3[%add3A_278, %dma_wait3A_284] : memref<320000x128xf32, #tpu.memory_space<hbm>> -> memref<80x128xf32, #tpu.memory_space<hbm>>
        %dma_wait3A_286 = arith.constant 0 : i32
        %dma_wait3A_287 = arith.constant 0 : i32
        %dma_wait3A_288 = tpu.memref_slice %arg12[%dma_wait3A_279, %dma_wait3A_286, %dma_wait3A_287] : memref<2x80x128xf32, #tpu.memory_space<vmem>> -> memref<1x80x128xf32, #tpu.memory_space<vmem>>
        %dma_wait3A_289 = tpu.memref_squeeze %dma_wait3A_288 : memref<1x80x128xf32, #tpu.memory_space<vmem>> -> memref<80x128xf32, #tpu.memory_space<vmem>>
        %dma_wait3A_290 = arith.constant 0 : i32
        %dma_wait3A_291 = tpu.memref_slice %arg3[%add3A_278, %dma_wait3A_290] : memref<320000x128xf32, #tpu.memory_space<hbm>> -> memref<80x128xf32, #tpu.memory_space<hbm>>
        tpu.wait_dma2 semaphore(%arg20 : memref<!tpu.dma_semaphore, #tpu.memory_space<semaphore_mem>>) src(%dma_wait3A_291 : memref<80x128xf32, #tpu.memory_space<hbm>>) dst(%dma_wait3A_289 : memref<80x128xf32, #tpu.memory_space<vmem>>)
        %dma_wait3A_292 = tpu.memref_slice %arg5[%add3A_278] : memref<320000xi32, #tpu.memory_space<hbm>> -> memref<80xi32, #tpu.memory_space<hbm>>
        %dma_wait3A_293 = tpu.memref_slice %arg5[%add3A_278] : memref<320000xi32, #tpu.memory_space<hbm>> -> memref<80xi32, #tpu.memory_space<hbm>>
        tpu.wait_dma2 semaphore(%arg22 : memref<!tpu.dma_semaphore, #tpu.memory_space<semaphore_mem>>) src(%dma_wait3A_293 : memref<80xi32, #tpu.memory_space<hbm>>) dst(%arg11 : memref<80xi32, #tpu.memory_space<vmem>>)
        %run_scoped3A_294 = arith.constant 1 : i32
        "tpu.region"() ({
          %run_scoped3A_318 = tpu.sem_alloc : memref<!tpu.dma_semaphore, #tpu.memory_space<semaphore_mem>>
          %dma_start3A_319 = arith.constant 0 : i32
          %dma_start3A_320 = arith.constant 0 : i32
          %dma_start3A_321 = tpu.memref_slice %arg12[%run_scoped3A_294, %dma_start3A_319, %dma_start3A_320] : memref<2x80x128xf32, #tpu.memory_space<vmem>> -> memref<1x80x128xf32, #tpu.memory_space<vmem>>
          %dma_start3A_322 = tpu.memref_squeeze %dma_start3A_321 : memref<1x80x128xf32, #tpu.memory_space<vmem>> -> memref<80x128xf32, #tpu.memory_space<vmem>>
          %dma_start3A_323 = arith.constant 0 : i32
          %dma_start3A_324 = arith.constant 0 : i32
          %dma_start3A_325 = tpu.memref_slice %arg18[%dma_start3A_323, %dma_start3A_324] : memref<10240x128xf32, #tpu.memory_space<vmem_shared>> -> memref<10240x128xf32, #tpu.memory_space<vmem_shared>>
          tpu.enqueue_indirect_dma source(%dma_start3A_322 : memref<80x128xf32, #tpu.memory_space<vmem>>) target(%dma_start3A_325 : memref<10240x128xf32, #tpu.memory_space<vmem_shared>>) offsets(%arg11 : memref<80xi32, #tpu.memory_space<vmem>>) semaphore(%run_scoped3A_318 : memref<!tpu.dma_semaphore, #tpu.memory_space<semaphore_mem>>) {add = true}
          %dma_wait3A_326 = arith.constant 0 : i32
          %dma_wait3A_327 = arith.constant 0 : i32
          %dma_wait3A_328 = tpu.memref_slice %arg12[%run_scoped3A_294, %dma_wait3A_326, %dma_wait3A_327] : memref<2x80x128xf32, #tpu.memory_space<vmem>> -> memref<1x80x128xf32, #tpu.memory_space<vmem>>
          %dma_wait3A_329 = tpu.memref_squeeze %dma_wait3A_328 : memref<1x80x128xf32, #tpu.memory_space<vmem>> -> memref<80x128xf32, #tpu.memory_space<vmem>>
          %dma_wait3A_330 = arith.constant 0 : i32
          %dma_wait3A_331 = arith.constant 0 : i32
          %dma_wait3A_332 = tpu.memref_slice %arg18[%dma_wait3A_330, %dma_wait3A_331] : memref<10240x128xf32, #tpu.memory_space<vmem_shared>> -> memref<10240x128xf32, #tpu.memory_space<vmem_shared>>
          tpu.wait_indirect_dma semaphore(%run_scoped3A_318 : memref<!tpu.dma_semaphore, #tpu.memory_space<semaphore_mem>>) src(%dma_wait3A_329 : memref<80x128xf32, #tpu.memory_space<vmem>>) dst(%dma_wait3A_332 : memref<10240x128xf32, #tpu.memory_space<vmem_shared>>)
          tpu.yield
        }) : () -> ()
        %add3A_295 = arith.constant 2 : i32
        %add3A_296 = arith.addi %add3A_273, %add3A_295 : i32
        %mul3A_297 = arith.constant 20000 : i32
        %mul3A_298 = arith.muli %arg1, %mul3A_297 : i32
        %mul3A_299 = arith.constant 80 : i32
        %mul3A_300 = arith.muli %add3A_296, %mul3A_299 : i32
        %add3A_301 = arith.addi %mul3A_298, %mul3A_300 : i32
        %dma_start3A_302 = arith.constant 1 : i32
        %dma_start3A_303 = arith.constant 0 : i32
        %dma_start3A_304 = arith.constant 0 : i32
        %dma_start3A_305 = tpu.memref_slice %arg12[%dma_start3A_302, %dma_start3A_303, %dma_start3A_304] : memref<2x80x128xf32, #tpu.memory_space<vmem>> -> memref<1x80x128xf32, #tpu.memory_space<vmem>>
        %dma_start3A_306 = tpu.memref_squeeze %dma_start3A_305 : memref<1x80x128xf32, #tpu.memory_space<vmem>> -> memref<80x128xf32, #tpu.memory_space<vmem>>
        %dma_start3A_307 = arith.constant 0 : i32
        %dma_start3A_308 = tpu.memref_slice %arg3[%add3A_301, %dma_start3A_307] : memref<320000x128xf32, #tpu.memory_space<hbm>> -> memref<80x128xf32, #tpu.memory_space<hbm>>
        %dma_start3A_309 = arith.constant 0 : i32
        %dma_start3A_310 = arith.constant 0 : i32
        %dma_start3A_311 = tpu.memref_slice %arg12[%dma_start3A_302, %dma_start3A_309, %dma_start3A_310] : memref<2x80x128xf32, #tpu.memory_space<vmem>> -> memref<1x80x128xf32, #tpu.memory_space<vmem>>
        %dma_start3A_312 = tpu.memref_squeeze %dma_start3A_311 : memref<1x80x128xf32, #tpu.memory_space<vmem>> -> memref<80x128xf32, #tpu.memory_space<vmem>>
        %dma_start3A_313 = arith.constant 0 : i32
        %dma_start3A_314 = tpu.memref_slice %arg3[%add3A_301, %dma_start3A_313] : memref<320000x128xf32, #tpu.memory_space<hbm>> -> memref<80x128xf32, #tpu.memory_space<hbm>>
        tpu.enqueue_dma source(%dma_start3A_314 : memref<80x128xf32, #tpu.memory_space<hbm>>) target(%dma_start3A_312 : memref<80x128xf32, #tpu.memory_space<vmem>>) target_semaphore(%arg20 : memref<!tpu.dma_semaphore, #tpu.memory_space<semaphore_mem>>)
        %dma_start3A_315 = tpu.memref_slice %arg5[%add3A_301] : memref<320000xi32, #tpu.memory_space<hbm>> -> memref<80xi32, #tpu.memory_space<hbm>>
        %dma_start3A_316 = tpu.memref_slice %arg5[%add3A_301] : memref<320000xi32, #tpu.memory_space<hbm>> -> memref<80xi32, #tpu.memory_space<hbm>>
        tpu.enqueue_dma source(%dma_start3A_316 : memref<80xi32, #tpu.memory_space<hbm>>) target(%arg11 : memref<80xi32, #tpu.memory_space<vmem>>) target_semaphore(%arg22 : memref<!tpu.dma_semaphore, #tpu.memory_space<semaphore_mem>>)
        %scan3A_317 = arith.constant 0 : i32
        scf.yield %scan3A_317 : i32
      }
      %scan3A_181 = arith.constant 124 : i32
      %mul3A_182 = arith.constant 20000 : i32
      %mul3A_183 = arith.muli %arg1, %mul3A_182 : i32
      %add3A_184 = arith.constant 19840 : i32
      %add3A_185 = arith.addi %mul3A_183, %add3A_184 : i32
      %dma_wait3A = arith.constant 0 : i32
      %dma_wait3A_186 = arith.constant 0 : i32
      %dma_wait3A_187 = arith.constant 0 : i32
      %dma_wait3A_188 = tpu.memref_slice %arg12[%dma_wait3A, %dma_wait3A_186, %dma_wait3A_187] : memref<2x80x128xf32, #tpu.memory_space<vmem>> -> memref<1x80x128xf32, #tpu.memory_space<vmem>>
      %dma_wait3A_189 = tpu.memref_squeeze %dma_wait3A_188 : memref<1x80x128xf32, #tpu.memory_space<vmem>> -> memref<80x128xf32, #tpu.memory_space<vmem>>
      %dma_wait3A_190 = arith.constant 0 : i32
      %dma_wait3A_191 = tpu.memref_slice %arg3[%add3A_185, %dma_wait3A_190] : memref<320000x128xf32, #tpu.memory_space<hbm>> -> memref<80x128xf32, #tpu.memory_space<hbm>>
      %dma_wait3A_192 = arith.constant 0 : i32
      %dma_wait3A_193 = arith.constant 0 : i32
      %dma_wait3A_194 = tpu.memref_slice %arg12[%dma_wait3A, %dma_wait3A_192, %dma_wait3A_193] : memref<2x80x128xf32, #tpu.memory_space<vmem>> -> memref<1x80x128xf32, #tpu.memory_space<vmem>>
      %dma_wait3A_195 = tpu.memref_squeeze %dma_wait3A_194 : memref<1x80x128xf32, #tpu.memory_space<vmem>> -> memref<80x128xf32, #tpu.memory_space<vmem>>
      %dma_wait3A_196 = arith.constant 0 : i32
      %dma_wait3A_197 = tpu.memref_slice %arg3[%add3A_185, %dma_wait3A_196] : memref<320000x128xf32, #tpu.memory_space<hbm>> -> memref<80x128xf32, #tpu.memory_space<hbm>>
      tpu.wait_dma2 semaphore(%arg19 : memref<!tpu.dma_semaphore, #tpu.memory_space<semaphore_mem>>) src(%dma_wait3A_197 : memref<80x128xf32, #tpu.memory_space<hbm>>) dst(%dma_wait3A_195 : memref<80x128xf32, #tpu.memory_space<vmem>>)
      %dma_wait3A_198 = tpu.memref_slice %arg5[%add3A_185] : memref<320000xi32, #tpu.memory_space<hbm>> -> memref<80xi32, #tpu.memory_space<hbm>>
      %dma_wait3A_199 = tpu.memref_slice %arg5[%add3A_185] : memref<320000xi32, #tpu.memory_space<hbm>> -> memref<80xi32, #tpu.memory_space<hbm>>
      tpu.wait_dma2 semaphore(%arg21 : memref<!tpu.dma_semaphore, #tpu.memory_space<semaphore_mem>>) src(%dma_wait3A_199 : memref<80xi32, #tpu.memory_space<hbm>>) dst(%arg10 : memref<80xi32, #tpu.memory_space<vmem>>)
      %run_scoped3A_200 = arith.constant 0 : i32
      "tpu.region"() ({
        %run_scoped3A_221 = tpu.sem_alloc : memref<!tpu.dma_semaphore, #tpu.memory_space<semaphore_mem>>
        %dma_start3A_222 = arith.constant 0 : i32
        %dma_start3A_223 = arith.constant 0 : i32
        %dma_start3A_224 = tpu.memref_slice %arg12[%run_scoped3A_200, %dma_start3A_222, %dma_start3A_223] : memref<2x80x128xf32, #tpu.memory_space<vmem>> -> memref<1x80x128xf32, #tpu.memory_space<vmem>>
        %dma_start3A_225 = tpu.memref_squeeze %dma_start3A_224 : memref<1x80x128xf32, #tpu.memory_space<vmem>> -> memref<80x128xf32, #tpu.memory_space<vmem>>
        %dma_start3A_226 = arith.constant 0 : i32
        %dma_start3A_227 = arith.constant 0 : i32
        %dma_start3A_228 = tpu.memref_slice %arg18[%dma_start3A_226, %dma_start3A_227] : memref<10240x128xf32, #tpu.memory_space<vmem_shared>> -> memref<10240x128xf32, #tpu.memory_space<vmem_shared>>
        tpu.enqueue_indirect_dma source(%dma_start3A_225 : memref<80x128xf32, #tpu.memory_space<vmem>>) target(%dma_start3A_228 : memref<10240x128xf32, #tpu.memory_space<vmem_shared>>) offsets(%arg10 : memref<80xi32, #tpu.memory_space<vmem>>) semaphore(%run_scoped3A_221 : memref<!tpu.dma_semaphore, #tpu.memory_space<semaphore_mem>>) {add = true}
        %dma_wait3A_229 = arith.constant 0 : i32
        %dma_wait3A_230 = arith.constant 0 : i32
        %dma_wait3A_231 = tpu.memref_slice %arg12[%run_scoped3A_200, %dma_wait3A_229, %dma_wait3A_230] : memref<2x80x128xf32, #tpu.memory_space<vmem>> -> memref<1x80x128xf32, #tpu.memory_space<vmem>>
        %dma_wait3A_232 = tpu.memref_squeeze %dma_wait3A_231 : memref<1x80x128xf32, #tpu.memory_space<vmem>> -> memref<80x128xf32, #tpu.memory_space<vmem>>
        %dma_wait3A_233 = arith.constant 0 : i32
        %dma_wait3A_234 = arith.constant 0 : i32
        %dma_wait3A_235 = tpu.memref_slice %arg18[%dma_wait3A_233, %dma_wait3A_234] : memref<10240x128xf32, #tpu.memory_space<vmem_shared>> -> memref<10240x128xf32, #tpu.memory_space<vmem_shared>>
        tpu.wait_indirect_dma semaphore(%run_scoped3A_221 : memref<!tpu.dma_semaphore, #tpu.memory_space<semaphore_mem>>) src(%dma_wait3A_232 : memref<80x128xf32, #tpu.memory_space<vmem>>) dst(%dma_wait3A_235 : memref<10240x128xf32, #tpu.memory_space<vmem_shared>>)
        tpu.yield
      }) : () -> ()
      %mul3A_201 = arith.constant 20000 : i32
      %mul3A_202 = arith.muli %arg1, %mul3A_201 : i32
      %add3A_203 = arith.constant 19920 : i32
      %add3A_204 = arith.addi %mul3A_202, %add3A_203 : i32
      %dma_wait3A_205 = arith.constant 1 : i32
      %dma_wait3A_206 = arith.constant 0 : i32
      %dma_wait3A_207 = arith.constant 0 : i32
      %dma_wait3A_208 = tpu.memref_slice %arg12[%dma_wait3A_205, %dma_wait3A_206, %dma_wait3A_207] : memref<2x80x128xf32, #tpu.memory_space<vmem>> -> memref<1x80x128xf32, #tpu.memory_space<vmem>>
      %dma_wait3A_209 = tpu.memref_squeeze %dma_wait3A_208 : memref<1x80x128xf32, #tpu.memory_space<vmem>> -> memref<80x128xf32, #tpu.memory_space<vmem>>
      %dma_wait3A_210 = arith.constant 0 : i32
      %dma_wait3A_211 = tpu.memref_slice %arg3[%add3A_204, %dma_wait3A_210] : memref<320000x128xf32, #tpu.memory_space<hbm>> -> memref<80x128xf32, #tpu.memory_space<hbm>>
      %dma_wait3A_212 = arith.constant 0 : i32
      %dma_wait3A_213 = arith.constant 0 : i32
      %dma_wait3A_214 = tpu.memref_slice %arg12[%dma_wait3A_205, %dma_wait3A_212, %dma_wait3A_213] : memref<2x80x128xf32, #tpu.memory_space<vmem>> -> memref<1x80x128xf32, #tpu.memory_space<vmem>>
      %dma_wait3A_215 = tpu.memref_squeeze %dma_wait3A_214 : memref<1x80x128xf32, #tpu.memory_space<vmem>> -> memref<80x128xf32, #tpu.memory_space<vmem>>
      %dma_wait3A_216 = arith.constant 0 : i32
      %dma_wait3A_217 = tpu.memref_slice %arg3[%add3A_204, %dma_wait3A_216] : memref<320000x128xf32, #tpu.memory_space<hbm>> -> memref<80x128xf32, #tpu.memory_space<hbm>>
      tpu.wait_dma2 semaphore(%arg20 : memref<!tpu.dma_semaphore, #tpu.memory_space<semaphore_mem>>) src(%dma_wait3A_217 : memref<80x128xf32, #tpu.memory_space<hbm>>) dst(%dma_wait3A_215 : memref<80x128xf32, #tpu.memory_space<vmem>>)
      %dma_wait3A_218 = tpu.memref_slice %arg5[%add3A_204] : memref<320000xi32, #tpu.memory_space<hbm>> -> memref<80xi32, #tpu.memory_space<hbm>>
      %dma_wait3A_219 = tpu.memref_slice %arg5[%add3A_204] : memref<320000xi32, #tpu.memory_space<hbm>> -> memref<80xi32, #tpu.memory_space<hbm>>
      tpu.wait_dma2 semaphore(%arg22 : memref<!tpu.dma_semaphore, #tpu.memory_space<semaphore_mem>>) src(%dma_wait3A_219 : memref<80xi32, #tpu.memory_space<hbm>>) dst(%arg11 : memref<80xi32, #tpu.memory_space<vmem>>)
      %run_scoped3A_220 = arith.constant 1 : i32
      "tpu.region"() ({
        %run_scoped3A_221 = tpu.sem_alloc : memref<!tpu.dma_semaphore, #tpu.memory_space<semaphore_mem>>
        %dma_start3A_222 = arith.constant 0 : i32
        %dma_start3A_223 = arith.constant 0 : i32
        %dma_start3A_224 = tpu.memref_slice %arg12[%run_scoped3A_220, %dma_start3A_222, %dma_start3A_223] : memref<2x80x128xf32, #tpu.memory_space<vmem>> -> memref<1x80x128xf32, #tpu.memory_space<vmem>>
        %dma_start3A_225 = tpu.memref_squeeze %dma_start3A_224 : memref<1x80x128xf32, #tpu.memory_space<vmem>> -> memref<80x128xf32, #tpu.memory_space<vmem>>
        %dma_start3A_226 = arith.constant 0 : i32
        %dma_start3A_227 = arith.constant 0 : i32
        %dma_start3A_228 = tpu.memref_slice %arg18[%dma_start3A_226, %dma_start3A_227] : memref<10240x128xf32, #tpu.memory_space<vmem_shared>> -> memref<10240x128xf32, #tpu.memory_space<vmem_shared>>
        tpu.enqueue_indirect_dma source(%dma_start3A_225 : memref<80x128xf32, #tpu.memory_space<vmem>>) target(%dma_start3A_228 : memref<10240x128xf32, #tpu.memory_space<vmem_shared>>) offsets(%arg11 : memref<80xi32, #tpu.memory_space<vmem>>) semaphore(%run_scoped3A_221 : memref<!tpu.dma_semaphore, #tpu.memory_space<semaphore_mem>>) {add = true}
        %dma_wait3A_229 = arith.constant 0 : i32
        %dma_wait3A_230 = arith.constant 0 : i32
        %dma_wait3A_231 = tpu.memref_slice %arg12[%run_scoped3A_220, %dma_wait3A_229, %dma_wait3A_230] : memref<2x80x128xf32, #tpu.memory_space<vmem>> -> memref<1x80x128xf32, #tpu.memory_space<vmem>>
        %dma_wait3A_232 = tpu.memref_squeeze %dma_wait3A_231 : memref<1x80x128xf32, #tpu.memory_space<vmem>> -> memref<80x128xf32, #tpu.memory_space<vmem>>
        %dma_wait3A_233 = arith.constant 0 : i32
        %dma_wait3A_234 = arith.constant 0 : i32
        %dma_wait3A_235 = tpu.memref_slice %arg18[%dma_wait3A_233, %dma_wait3A_234] : memref<10240x128xf32, #tpu.memory_space<vmem_shared>> -> memref<10240x128xf32, #tpu.memory_space<vmem_shared>>
        tpu.wait_indirect_dma semaphore(%run_scoped3A_221 : memref<!tpu.dma_semaphore, #tpu.memory_space<semaphore_mem>>) src(%dma_wait3A_232 : memref<80x128xf32, #tpu.memory_space<vmem>>) dst(%dma_wait3A_235 : memref<10240x128xf32, #tpu.memory_space<vmem_shared>>)
        tpu.yield
      }) : () -> ()
    } else {
    }
    %iota3A = tpu.iota {dimensions = array<i32: 0>} : vector<16xi32>
    %scan3A_53 = arith.constant 0 : i32
    %scan3A_54 = arith.constant 0 : i32
    %scan3A_55 = arith.constant 625 : i32
    %scan3A_56 = arith.addi %scan3A_54, %scan3A_55 : i32
    %scan3A_57 = arith.constant 1 : i32
    %scan3A_58 = scf.for %scan3A_137 = %scan3A_54 to %scan3A_56 step %scan3A_57 iter_args(%scan3A_138 = %scan3A_53) -> (i32)  : i32 {
      %broadcast_in_dim3A = arith.constant 0xFF800000 : f32
      %broadcast_in_dim3A_139 = vector.broadcast %broadcast_in_dim3A : f32 to vector<16xf32>
      %mul3A_140 = arith.constant 16 : i32
      %mul3A_141 = arith.muli %scan3A_137, %mul3A_140 : i32
      %swap3A = arith.index_cast %mul3A_141 : i32 to index
      %swap3A_142 = tpu.vector_load %arg17[%swap3A] {strides = array<i32>} : memref<10000xf32, #tpu.memory_space<vmem>>, vector<16xf32>,
      tpu.vector_store %arg17[%swap3A], %broadcast_in_dim3A_139 {strides = array<i32>} : memref<10000xf32, #tpu.memory_space<vmem>>, vector<16xf32>,
      %scan3A_143 = arith.constant 0 : i32
      scf.yield %scan3A_143 : i32
    }
    %scan3A_59 = arith.constant 625 : i32
    %mul3A_60 = arith.constant 2000 : i32
    %mul3A_61 = arith.muli %add3A, %mul3A_60 : i32
    %add3A_62 = arith.constant 0 : i32
    %add3A_63 = arith.addi %add3A_62, %mul3A_61 : i32
    %dma_start3A = tpu.memref_slice %arg6[%add3A_63] : memref<10240000xf32, #tpu.memory_space<hbm>> -> memref<2000xf32, #tpu.memory_space<hbm>>
    %dma_start3A_64 = tpu.memref_slice %arg6[%add3A_63] : memref<10240000xf32, #tpu.memory_space<hbm>> -> memref<2000xf32, #tpu.memory_space<hbm>>
    tpu.enqueue_dma source(%dma_start3A_64 : memref<2000xf32, #tpu.memory_space<hbm>>) target(%arg13 : memref<2000xf32, #tpu.memory_space<vmem>>) target_semaphore(%arg23 : memref<!tpu.dma_semaphore, #tpu.memory_space<semaphore_mem>>)
    %dma_start3A_65 = arith.constant 0 : i32
    %dma_start3A_66 = tpu.memref_slice %arg4[%dma_start3A_65] : memref<320000xi32, #tpu.memory_space<hbm>> -> memref<2000xi32, #tpu.memory_space<hbm>>
    %dma_start3A_67 = arith.constant 0 : i32
    %dma_start3A_68 = tpu.memref_slice %arg4[%dma_start3A_67] : memref<320000xi32, #tpu.memory_space<hbm>> -> memref<2000xi32, #tpu.memory_space<hbm>>
    tpu.enqueue_dma source(%dma_start3A_68 : memref<2000xi32, #tpu.memory_space<hbm>>) target(%arg15 : memref<2000xi32, #tpu.memory_space<vmem>>) target_semaphore(%arg25 : memref<!tpu.dma_semaphore, #tpu.memory_space<semaphore_mem>>)
    %mul3A_69 = arith.constant 2000 : i32
    %mul3A_70 = arith.muli %add3A, %mul3A_69 : i32
    %add3A_71 = arith.constant 64000 : i32
    %add3A_72 = arith.addi %add3A_71, %mul3A_70 : i32
    %dma_start3A_73 = tpu.memref_slice %arg6[%add3A_72] : memref<10240000xf32, #tpu.memory_space<hbm>> -> memref<2000xf32, #tpu.memory_space<hbm>>
    %dma_start3A_74 = tpu.memref_slice %arg6[%add3A_72] : memref<10240000xf32, #tpu.memory_space<hbm>> -> memref<2000xf32, #tpu.memory_space<hbm>>
    tpu.enqueue_dma source(%dma_start3A_74 : memref<2000xf32, #tpu.memory_space<hbm>>) target(%arg14 : memref<2000xf32, #tpu.memory_space<vmem>>) target_semaphore(%arg24 : memref<!tpu.dma_semaphore, #tpu.memory_space<semaphore_mem>>)
    %dma_start3A_75 = arith.constant 2000 : i32
    %dma_start3A_76 = tpu.memref_slice %arg4[%dma_start3A_75] : memref<320000xi32, #tpu.memory_space<hbm>> -> memref<2000xi32, #tpu.memory_space<hbm>>
    %dma_start3A_77 = arith.constant 2000 : i32
    %dma_start3A_78 = tpu.memref_slice %arg4[%dma_start3A_77] : memref<320000xi32, #tpu.memory_space<hbm>> -> memref<2000xi32, #tpu.memory_space<hbm>>
    tpu.enqueue_dma source(%dma_start3A_78 : memref<2000xi32, #tpu.memory_space<hbm>>) target(%arg16 : memref<2000xi32, #tpu.memory_space<vmem>>) target_semaphore(%arg26 : memref<!tpu.dma_semaphore, #tpu.memory_space<semaphore_mem>>)
    %scan3A_79 = arith.constant 0 : i32
    %scan3A_80 = arith.constant 0 : i32
    %scan3A_81 = arith.constant 80 : i32
    %scan3A_82 = arith.addi %scan3A_80, %scan3A_81 : i32
    %scan3A_83 = arith.constant 1 : i32
    %scan3A_84 = scf.for %scan3A_137 = %scan3A_80 to %scan3A_82 step %scan3A_83 iter_args(%scan3A_138 = %scan3A_79) -> (i32)  : i32 {
      %mul3A_139 = arith.constant 2 : i32
      %mul3A_140 = arith.muli %mul3A_139, %scan3A_137 : i32
      %add3A_141 = arith.constant 0 : i32
      %add3A_142 = arith.addi %mul3A_140, %add3A_141 : i32
      %mul3A_143 = arith.constant 64000 : i32
      %mul3A_144 = arith.muli %add3A_142, %mul3A_143 : i32
      %mul3A_145 = arith.constant 2000 : i32
      %mul3A_146 = arith.muli %add3A, %mul3A_145 : i32
      %add3A_147 = arith.addi %mul3A_144, %mul3A_146 : i32
      %dma_wait3A = tpu.memref_slice %arg6[%add3A_147] : memref<10240000xf32, #tpu.memory_space<hbm>> -> memref<2000xf32, #tpu.memory_space<hbm>>
      %dma_wait3A_148 = tpu.memref_slice %arg6[%add3A_147] : memref<10240000xf32, #tpu.memory_space<hbm>> -> memref<2000xf32, #tpu.memory_space<hbm>>
      tpu.wait_dma2 semaphore(%arg23 : memref<!tpu.dma_semaphore, #tpu.memory_space<semaphore_mem>>) src(%dma_wait3A_148 : memref<2000xf32, #tpu.memory_space<hbm>>) dst(%arg13 : memref<2000xf32, #tpu.memory_space<vmem>>)
      %mul3A_149 = arith.constant 2000 : i32
      %mul3A_150 = arith.muli %add3A_142, %mul3A_149 : i32
      %dma_wait3A_151 = tpu.memref_slice %arg4[%mul3A_150] : memref<320000xi32, #tpu.memory_space<hbm>> -> memref<2000xi32, #tpu.memory_space<hbm>>
      %dma_wait3A_152 = tpu.memref_slice %arg4[%mul3A_150] : memref<320000xi32, #tpu.memory_space<hbm>> -> memref<2000xi32, #tpu.memory_space<hbm>>
      tpu.wait_dma2 semaphore(%arg25 : memref<!tpu.dma_semaphore, #tpu.memory_space<semaphore_mem>>) src(%dma_wait3A_152 : memref<2000xi32, #tpu.memory_space<hbm>>) dst(%arg15 : memref<2000xi32, #tpu.memory_space<vmem>>)
      %scan3A_153 = arith.constant 0 : i32
      %scan3A_154 = arith.constant 0 : i32
      %scan3A_155 = arith.constant 125 : i32
      %scan3A_156 = arith.addi %scan3A_154, %scan3A_155 : i32
      %scan3A_157 = arith.constant 1 : i32
      %scan3A_158 = scf.for %scan3A_192 = %scan3A_154 to %scan3A_156 step %scan3A_157 iter_args(%scan3A_193 = %scan3A_153) -> (i32)  : i32 {
        %mul3A_194 = arith.constant 16 : i32
        %mul3A_195 = arith.muli %scan3A_192, %mul3A_194 : i32
        %get3A = arith.index_cast %mul3A_195 : i32 to index
        %get3A_196 = tpu.vector_load %arg15[%get3A] {strides = array<i32>} : memref<2000xi32, #tpu.memory_space<vmem>>, vector<16xi32>,
        %mul3A_197 = arith.constant 16 : i32
        %mul3A_198 = arith.muli %scan3A_192, %mul3A_197 : i32
        %get3A_199 = arith.index_cast %mul3A_198 : i32 to index
        %get3A_200 = tpu.vector_load %arg13[%get3A_199] {strides = array<i32>} : memref<2000xf32, #tpu.memory_space<vmem>>, vector<16xf32>,
        %masked_sort3A = arith.constant dense<true> : vector<16xi1>
        %masked_sort3A_201 = arith.constant -2147483648 : i32
        %masked_sort3A_202 = vector.broadcast %masked_sort3A_201 : i32 to vector<16xi32>
        %masked_sort3A_203 = arith.xori %get3A_196, %masked_sort3A_202 : vector<16xi32>
        %masked_sort3A_204, %masked_sort3A_205, %masked_sort3A_206 = tpu.sort %masked_sort3A_203, %get3A_200 masked %masked_sort3A : (vector<16xi32>, vector<16xf32>, vector<16xi1>) -> (vector<16xi1>, vector<16xi32>, vector<16xf32>)
        %masked_sort3A_207 = arith.xori %masked_sort3A_205, %masked_sort3A_202 : vector<16xi32>
        %sub3A = arith.constant 1 : i32
        %sub3A_208 = vector.broadcast %sub3A : i32 to vector<16xi32>
        %sub3A_209 = arith.subi %iota3A, %sub3A_208 : vector<16xi32>
        %max3A = arith.constant 0 : i32
        %max3A_210 = vector.broadcast %max3A : i32 to vector<16xi32>
        %max3A_211 = arith.maxsi %sub3A_209, %max3A_210 : vector<16xi32>
        %lt3A_212 = arith.constant 0 : i32
        %lt3A_213 = vector.broadcast %lt3A_212 : i32 to vector<16xi32>
        %lt3A_214 = arith.cmpi slt, %max3A_211, %lt3A_213 : vector<16xi32>
        %add3A_215 = arith.constant 16 : i32
        %add3A_216 = vector.broadcast %add3A_215 : i32 to vector<16xi32>
        %add3A_217 = arith.addi %max3A_211, %add3A_216 : vector<16xi32>
        %select_n3A = arith.select %lt3A_214, %add3A_217, %max3A_211 : vector<16xi1>, vector<16xi32>
        %broadcast_in_dim3A = vector.shape_cast %select_n3A : vector<16xi32> to vector<16x1xi32>
        %gather3A = vector.shape_cast %broadcast_in_dim3A : vector<16x1xi32> to vector<16xi32>
        %gather3A_218 = tpu.dynamic_gather %masked_sort3A_207[%gather3A] in [0] : vector<16xi32>, vector<16xi32> -> vector<16xi32>
        %lt3A_219 = arith.constant 0 : i32
        %lt3A_220 = vector.broadcast %lt3A_219 : i32 to vector<16xi32>
        %lt3A_221 = arith.cmpi slt, %max3A_211, %lt3A_220 : vector<16xi32>
        %add3A_222 = arith.constant 16 : i32
        %add3A_223 = vector.broadcast %add3A_222 : i32 to vector<16xi32>
        %add3A_224 = arith.addi %max3A_211, %add3A_223 : vector<16xi32>
        %select_n3A_225 = arith.select %lt3A_221, %add3A_224, %max3A_211 : vector<16xi1>, vector<16xi32>
        %broadcast_in_dim3A_226 = vector.shape_cast %select_n3A_225 : vector<16xi32> to vector<16x1xi32>
        %gather3A_227 = vector.shape_cast %broadcast_in_dim3A_226 : vector<16x1xi32> to vector<16xi32>
        %gather3A_228 = tpu.dynamic_gather %masked_sort3A_206[%gather3A_227] in [0] : vector<16xf32>, vector<16xi32> -> vector<16xf32>
        %eq3A_229 = arith.cmpi eq, %gather3A_218, %masked_sort3A_207 : vector<16xi32>
        %max3A_230 = arith.maximumf %masked_sort3A_206, %gather3A_228 : vector<16xf32>
        %select_n3A_231 = arith.select %eq3A_229, %max3A_230, %masked_sort3A_206 : vector<16xi1>, vector<16xf32>
        %sub3A_232 = arith.constant 2 : i32
        %sub3A_233 = vector.broadcast %sub3A_232 : i32 to vector<16xi32>
        %sub3A_234 = arith.subi %iota3A, %sub3A_233 : vector<16xi32>
        %max3A_235 = arith.constant 0 : i32
        %max3A_236 = vector.broadcast %max3A_235 : i32 to vector<16xi32>
        %max3A_237 = arith.maxsi %sub3A_234, %max3A_236 : vector<16xi32>
        %lt3A_238 = arith.constant 0 : i32
        %lt3A_239 = vector.broadcast %lt3A_238 : i32 to vector<16xi32>
        %lt3A_240 = arith.cmpi slt, %max3A_237, %lt3A_239 : vector<16xi32>
        %add3A_241 = arith.constant 16 : i32
        %add3A_242 = vector.broadcast %add3A_241 : i32 to vector<16xi32>
        %add3A_243 = arith.addi %max3A_237, %add3A_242 : vector<16xi32>
        %select_n3A_244 = arith.select %lt3A_240, %add3A_243, %max3A_237 : vector<16xi1>, vector<16xi32>
        %broadcast_in_dim3A_245 = vector.shape_cast %select_n3A_244 : vector<16xi32> to vector<16x1xi32>
        %gather3A_246 = vector.shape_cast %broadcast_in_dim3A_245 : vector<16x1xi32> to vector<16xi32>
        %gather3A_247 = tpu.dynamic_gather %masked_sort3A_207[%gather3A_246] in [0] : vector<16xi32>, vector<16xi32> -> vector<16xi32>
        %lt3A_248 = arith.constant 0 : i32
        %lt3A_249 = vector.broadcast %lt3A_248 : i32 to vector<16xi32>
        %lt3A_250 = arith.cmpi slt, %max3A_237, %lt3A_249 : vector<16xi32>
        %add3A_251 = arith.constant 16 : i32
        %add3A_252 = vector.broadcast %add3A_251 : i32 to vector<16xi32>
        %add3A_253 = arith.addi %max3A_237, %add3A_252 : vector<16xi32>
        %select_n3A_254 = arith.select %lt3A_250, %add3A_253, %max3A_237 : vector<16xi1>, vector<16xi32>
        %broadcast_in_dim3A_255 = vector.shape_cast %select_n3A_254 : vector<16xi32> to vector<16x1xi32>
        %gather3A_256 = vector.shape_cast %broadcast_in_dim3A_255 : vector<16x1xi32> to vector<16xi32>
        %gather3A_257 = tpu.dynamic_gather %select_n3A_231[%gather3A_256] in [0] : vector<16xf32>, vector<16xi32> -> vector<16xf32>
        %eq3A_258 = arith.cmpi eq, %gather3A_247, %masked_sort3A_207 : vector<16xi32>
        %max3A_259 = arith.maximumf %select_n3A_231, %gather3A_257 : vector<16xf32>
        %select_n3A_260 = arith.select %eq3A_258, %max3A_259, %select_n3A_231 : vector<16xi1>, vector<16xf32>
        %sub3A_261 = arith.constant 4 : i32
        %sub3A_262 = vector.broadcast %sub3A_261 : i32 to vector<16xi32>
        %sub3A_263 = arith.subi %iota3A, %sub3A_262 : vector<16xi32>
        %max3A_264 = arith.constant 0 : i32
        %max3A_265 = vector.broadcast %max3A_264 : i32 to vector<16xi32>
        %max3A_266 = arith.maxsi %sub3A_263, %max3A_265 : vector<16xi32>
        %lt3A_267 = arith.constant 0 : i32
        %lt3A_268 = vector.broadcast %lt3A_267 : i32 to vector<16xi32>
        %lt3A_269 = arith.cmpi slt, %max3A_266, %lt3A_268 : vector<16xi32>
        %add3A_270 = arith.constant 16 : i32
        %add3A_271 = vector.broadcast %add3A_270 : i32 to vector<16xi32>
        %add3A_272 = arith.addi %max3A_266, %add3A_271 : vector<16xi32>
        %select_n3A_273 = arith.select %lt3A_269, %add3A_272, %max3A_266 : vector<16xi1>, vector<16xi32>
        %broadcast_in_dim3A_274 = vector.shape_cast %select_n3A_273 : vector<16xi32> to vector<16x1xi32>
        %gather3A_275 = vector.shape_cast %broadcast_in_dim3A_274 : vector<16x1xi32> to vector<16xi32>
        %gather3A_276 = tpu.dynamic_gather %masked_sort3A_207[%gather3A_275] in [0] : vector<16xi32>, vector<16xi32> -> vector<16xi32>
        %lt3A_277 = arith.constant 0 : i32
        %lt3A_278 = vector.broadcast %lt3A_277 : i32 to vector<16xi32>
        %lt3A_279 = arith.cmpi slt, %max3A_266, %lt3A_278 : vector<16xi32>
        %add3A_280 = arith.constant 16 : i32
        %add3A_281 = vector.broadcast %add3A_280 : i32 to vector<16xi32>
        %add3A_282 = arith.addi %max3A_266, %add3A_281 : vector<16xi32>
        %select_n3A_283 = arith.select %lt3A_279, %add3A_282, %max3A_266 : vector<16xi1>, vector<16xi32>
        %broadcast_in_dim3A_284 = vector.shape_cast %select_n3A_283 : vector<16xi32> to vector<16x1xi32>
        %gather3A_285 = vector.shape_cast %broadcast_in_dim3A_284 : vector<16x1xi32> to vector<16xi32>
        %gather3A_286 = tpu.dynamic_gather %select_n3A_260[%gather3A_285] in [0] : vector<16xf32>, vector<16xi32> -> vector<16xf32>
        %eq3A_287 = arith.cmpi eq, %gather3A_276, %masked_sort3A_207 : vector<16xi32>
        %max3A_288 = arith.maximumf %select_n3A_260, %gather3A_286 : vector<16xf32>
        %select_n3A_289 = arith.select %eq3A_287, %max3A_288, %select_n3A_260 : vector<16xi1>, vector<16xf32>
        %sub3A_290 = arith.constant 8 : i32
        %sub3A_291 = vector.broadcast %sub3A_290 : i32 to vector<16xi32>
        %sub3A_292 = arith.subi %iota3A, %sub3A_291 : vector<16xi32>
        %max3A_293 = arith.constant 0 : i32
        %max3A_294 = vector.broadcast %max3A_293 : i32 to vector<16xi32>
        %max3A_295 = arith.maxsi %sub3A_292, %max3A_294 : vector<16xi32>
        %lt3A_296 = arith.constant 0 : i32
        %lt3A_297 = vector.broadcast %lt3A_296 : i32 to vector<16xi32>
        %lt3A_298 = arith.cmpi slt, %max3A_295, %lt3A_297 : vector<16xi32>
        %add3A_299 = arith.constant 16 : i32
        %add3A_300 = vector.broadcast %add3A_299 : i32 to vector<16xi32>
        %add3A_301 = arith.addi %max3A_295, %add3A_300 : vector<16xi32>
        %select_n3A_302 = arith.select %lt3A_298, %add3A_301, %max3A_295 : vector<16xi1>, vector<16xi32>
        %broadcast_in_dim3A_303 = vector.shape_cast %select_n3A_302 : vector<16xi32> to vector<16x1xi32>
        %gather3A_304 = vector.shape_cast %broadcast_in_dim3A_303 : vector<16x1xi32> to vector<16xi32>
        %gather3A_305 = tpu.dynamic_gather %masked_sort3A_207[%gather3A_304] in [0] : vector<16xi32>, vector<16xi32> -> vector<16xi32>
        %lt3A_306 = arith.constant 0 : i32
        %lt3A_307 = vector.broadcast %lt3A_306 : i32 to vector<16xi32>
        %lt3A_308 = arith.cmpi slt, %max3A_295, %lt3A_307 : vector<16xi32>
        %add3A_309 = arith.constant 16 : i32
        %add3A_310 = vector.broadcast %add3A_309 : i32 to vector<16xi32>
        %add3A_311 = arith.addi %max3A_295, %add3A_310 : vector<16xi32>
        %select_n3A_312 = arith.select %lt3A_308, %add3A_311, %max3A_295 : vector<16xi1>, vector<16xi32>
        %broadcast_in_dim3A_313 = vector.shape_cast %select_n3A_312 : vector<16xi32> to vector<16x1xi32>
        %gather3A_314 = vector.shape_cast %broadcast_in_dim3A_313 : vector<16x1xi32> to vector<16xi32>
        %gather3A_315 = tpu.dynamic_gather %select_n3A_289[%gather3A_314] in [0] : vector<16xf32>, vector<16xi32> -> vector<16xf32>
        %eq3A_316 = arith.cmpi eq, %gather3A_305, %masked_sort3A_207 : vector<16xi32>
        %max3A_317 = arith.maximumf %select_n3A_289, %gather3A_315 : vector<16xf32>
        %select_n3A_318 = arith.select %eq3A_316, %max3A_317, %select_n3A_289 : vector<16xi1>, vector<16xf32>
        %add3A_319 = arith.constant 1 : i32
        %add3A_320 = vector.broadcast %add3A_319 : i32 to vector<16xi32>
        %add3A_321 = arith.addi %iota3A, %add3A_320 : vector<16xi32>
        %min3A = arith.constant 15 : i32
        %min3A_322 = vector.broadcast %min3A : i32 to vector<16xi32>
        %min3A_323 = arith.minsi %add3A_321, %min3A_322 : vector<16xi32>
        %lt3A_324 = arith.constant 0 : i32
        %lt3A_325 = vector.broadcast %lt3A_324 : i32 to vector<16xi32>
        %lt3A_326 = arith.cmpi slt, %min3A_323, %lt3A_325 : vector<16xi32>
        %add3A_327 = arith.constant 16 : i32
        %add3A_328 = vector.broadcast %add3A_327 : i32 to vector<16xi32>
        %add3A_329 = arith.addi %min3A_323, %add3A_328 : vector<16xi32>
        %select_n3A_330 = arith.select %lt3A_326, %add3A_329, %min3A_323 : vector<16xi1>, vector<16xi32>
        %broadcast_in_dim3A_331 = vector.shape_cast %select_n3A_330 : vector<16xi32> to vector<16x1xi32>
        %gather3A_332 = vector.shape_cast %broadcast_in_dim3A_331 : vector<16x1xi32> to vector<16xi32>
        %gather3A_333 = tpu.dynamic_gather %masked_sort3A_207[%gather3A_332] in [0] : vector<16xi32>, vector<16xi32> -> vector<16xi32>
        %lt3A_334 = arith.constant 0 : i32
        %lt3A_335 = vector.broadcast %lt3A_334 : i32 to vector<16xi32>
        %lt3A_336 = arith.cmpi slt, %min3A_323, %lt3A_335 : vector<16xi32>
        %add3A_337 = arith.constant 16 : i32
        %add3A_338 = vector.broadcast %add3A_337 : i32 to vector<16xi32>
        %add3A_339 = arith.addi %min3A_323, %add3A_338 : vector<16xi32>
        %select_n3A_340 = arith.select %lt3A_336, %add3A_339, %min3A_323 : vector<16xi1>, vector<16xi32>
        %broadcast_in_dim3A_341 = vector.shape_cast %select_n3A_340 : vector<16xi32> to vector<16x1xi32>
        %gather3A_342 = vector.shape_cast %broadcast_in_dim3A_341 : vector<16x1xi32> to vector<16xi32>
        %gather3A_343 = tpu.dynamic_gather %select_n3A_318[%gather3A_342] in [0] : vector<16xf32>, vector<16xi32> -> vector<16xf32>
        %eq3A_344 = arith.cmpi eq, %gather3A_333, %masked_sort3A_207 : vector<16xi32>
        %max3A_345 = arith.maximumf %select_n3A_318, %gather3A_343 : vector<16xf32>
        %select_n3A_346 = arith.select %eq3A_344, %max3A_345, %select_n3A_318 : vector<16xi1>, vector<16xf32>
        %add3A_347 = arith.constant 2 : i32
        %add3A_348 = vector.broadcast %add3A_347 : i32 to vector<16xi32>
        %add3A_349 = arith.addi %iota3A, %add3A_348 : vector<16xi32>
        %min3A_350 = arith.constant 15 : i32
        %min3A_351 = vector.broadcast %min3A_350 : i32 to vector<16xi32>
        %min3A_352 = arith.minsi %add3A_349, %min3A_351 : vector<16xi32>
        %lt3A_353 = arith.constant 0 : i32
        %lt3A_354 = vector.broadcast %lt3A_353 : i32 to vector<16xi32>
        %lt3A_355 = arith.cmpi slt, %min3A_352, %lt3A_354 : vector<16xi32>
        %add3A_356 = arith.constant 16 : i32
        %add3A_357 = vector.broadcast %add3A_356 : i32 to vector<16xi32>
        %add3A_358 = arith.addi %min3A_352, %add3A_357 : vector<16xi32>
        %select_n3A_359 = arith.select %lt3A_355, %add3A_358, %min3A_352 : vector<16xi1>, vector<16xi32>
        %broadcast_in_dim3A_360 = vector.shape_cast %select_n3A_359 : vector<16xi32> to vector<16x1xi32>
        %gather3A_361 = vector.shape_cast %broadcast_in_dim3A_360 : vector<16x1xi32> to vector<16xi32>
        %gather3A_362 = tpu.dynamic_gather %masked_sort3A_207[%gather3A_361] in [0] : vector<16xi32>, vector<16xi32> -> vector<16xi32>
        %lt3A_363 = arith.constant 0 : i32
        %lt3A_364 = vector.broadcast %lt3A_363 : i32 to vector<16xi32>
        %lt3A_365 = arith.cmpi slt, %min3A_352, %lt3A_364 : vector<16xi32>
        %add3A_366 = arith.constant 16 : i32
        %add3A_367 = vector.broadcast %add3A_366 : i32 to vector<16xi32>
        %add3A_368 = arith.addi %min3A_352, %add3A_367 : vector<16xi32>
        %select_n3A_369 = arith.select %lt3A_365, %add3A_368, %min3A_352 : vector<16xi1>, vector<16xi32>
        %broadcast_in_dim3A_370 = vector.shape_cast %select_n3A_369 : vector<16xi32> to vector<16x1xi32>
        %gather3A_371 = vector.shape_cast %broadcast_in_dim3A_370 : vector<16x1xi32> to vector<16xi32>
        %gather3A_372 = tpu.dynamic_gather %select_n3A_346[%gather3A_371] in [0] : vector<16xf32>, vector<16xi32> -> vector<16xf32>
        %eq3A_373 = arith.cmpi eq, %gather3A_362, %masked_sort3A_207 : vector<16xi32>
        %max3A_374 = arith.maximumf %select_n3A_346, %gather3A_372 : vector<16xf32>
        %select_n3A_375 = arith.select %eq3A_373, %max3A_374, %select_n3A_346 : vector<16xi1>, vector<16xf32>
        %add3A_376 = arith.constant 4 : i32
        %add3A_377 = vector.broadcast %add3A_376 : i32 to vector<16xi32>
        %add3A_378 = arith.addi %iota3A, %add3A_377 : vector<16xi32>
        %min3A_379 = arith.constant 15 : i32
        %min3A_380 = vector.broadcast %min3A_379 : i32 to vector<16xi32>
        %min3A_381 = arith.minsi %add3A_378, %min3A_380 : vector<16xi32>
        %lt3A_382 = arith.constant 0 : i32
        %lt3A_383 = vector.broadcast %lt3A_382 : i32 to vector<16xi32>
        %lt3A_384 = arith.cmpi slt, %min3A_381, %lt3A_383 : vector<16xi32>
        %add3A_385 = arith.constant 16 : i32
        %add3A_386 = vector.broadcast %add3A_385 : i32 to vector<16xi32>
        %add3A_387 = arith.addi %min3A_381, %add3A_386 : vector<16xi32>
        %select_n3A_388 = arith.select %lt3A_384, %add3A_387, %min3A_381 : vector<16xi1>, vector<16xi32>
        %broadcast_in_dim3A_389 = vector.shape_cast %select_n3A_388 : vector<16xi32> to vector<16x1xi32>
        %gather3A_390 = vector.shape_cast %broadcast_in_dim3A_389 : vector<16x1xi32> to vector<16xi32>
        %gather3A_391 = tpu.dynamic_gather %masked_sort3A_207[%gather3A_390] in [0] : vector<16xi32>, vector<16xi32> -> vector<16xi32>
        %lt3A_392 = arith.constant 0 : i32
        %lt3A_393 = vector.broadcast %lt3A_392 : i32 to vector<16xi32>
        %lt3A_394 = arith.cmpi slt, %min3A_381, %lt3A_393 : vector<16xi32>
        %add3A_395 = arith.constant 16 : i32
        %add3A_396 = vector.broadcast %add3A_395 : i32 to vector<16xi32>
        %add3A_397 = arith.addi %min3A_381, %add3A_396 : vector<16xi32>
        %select_n3A_398 = arith.select %lt3A_394, %add3A_397, %min3A_381 : vector<16xi1>, vector<16xi32>
        %broadcast_in_dim3A_399 = vector.shape_cast %select_n3A_398 : vector<16xi32> to vector<16x1xi32>
        %gather3A_400 = vector.shape_cast %broadcast_in_dim3A_399 : vector<16x1xi32> to vector<16xi32>
        %gather3A_401 = tpu.dynamic_gather %select_n3A_375[%gather3A_400] in [0] : vector<16xf32>, vector<16xi32> -> vector<16xf32>
        %eq3A_402 = arith.cmpi eq, %gather3A_391, %masked_sort3A_207 : vector<16xi32>
        %max3A_403 = arith.maximumf %select_n3A_375, %gather3A_401 : vector<16xf32>
        %select_n3A_404 = arith.select %eq3A_402, %max3A_403, %select_n3A_375 : vector<16xi1>, vector<16xf32>
        %add3A_405 = arith.constant 8 : i32
        %add3A_406 = vector.broadcast %add3A_405 : i32 to vector<16xi32>
        %add3A_407 = arith.addi %iota3A, %add3A_406 : vector<16xi32>
        %min3A_408 = arith.constant 15 : i32
        %min3A_409 = vector.broadcast %min3A_408 : i32 to vector<16xi32>
        %min3A_410 = arith.minsi %add3A_407, %min3A_409 : vector<16xi32>
        %lt3A_411 = arith.constant 0 : i32
        %lt3A_412 = vector.broadcast %lt3A_411 : i32 to vector<16xi32>
        %lt3A_413 = arith.cmpi slt, %min3A_410, %lt3A_412 : vector<16xi32>
        %add3A_414 = arith.constant 16 : i32
        %add3A_415 = vector.broadcast %add3A_414 : i32 to vector<16xi32>
        %add3A_416 = arith.addi %min3A_410, %add3A_415 : vector<16xi32>
        %select_n3A_417 = arith.select %lt3A_413, %add3A_416, %min3A_410 : vector<16xi1>, vector<16xi32>
        %broadcast_in_dim3A_418 = vector.shape_cast %select_n3A_417 : vector<16xi32> to vector<16x1xi32>
        %gather3A_419 = vector.shape_cast %broadcast_in_dim3A_418 : vector<16x1xi32> to vector<16xi32>
        %gather3A_420 = tpu.dynamic_gather %masked_sort3A_207[%gather3A_419] in [0] : vector<16xi32>, vector<16xi32> -> vector<16xi32>
        %lt3A_421 = arith.constant 0 : i32
        %lt3A_422 = vector.broadcast %lt3A_421 : i32 to vector<16xi32>
        %lt3A_423 = arith.cmpi slt, %min3A_410, %lt3A_422 : vector<16xi32>
        %add3A_424 = arith.constant 16 : i32
        %add3A_425 = vector.broadcast %add3A_424 : i32 to vector<16xi32>
        %add3A_426 = arith.addi %min3A_410, %add3A_425 : vector<16xi32>
        %select_n3A_427 = arith.select %lt3A_423, %add3A_426, %min3A_410 : vector<16xi1>, vector<16xi32>
        %broadcast_in_dim3A_428 = vector.shape_cast %select_n3A_427 : vector<16xi32> to vector<16x1xi32>
        %gather3A_429 = vector.shape_cast %broadcast_in_dim3A_428 : vector<16x1xi32> to vector<16xi32>
        %gather3A_430 = tpu.dynamic_gather %select_n3A_404[%gather3A_429] in [0] : vector<16xf32>, vector<16xi32> -> vector<16xf32>
        %eq3A_431 = arith.cmpi eq, %gather3A_420, %masked_sort3A_207 : vector<16xi32>
        %max3A_432 = arith.maximumf %select_n3A_404, %gather3A_430 : vector<16xf32>
        %select_n3A_433 = arith.select %eq3A_431, %max3A_432, %select_n3A_404 : vector<16xi1>, vector<16xf32>
        %gather3A_434 = tpu.vector_load_idx %arg17[%masked_sort3A_207] : memref<10000xf32, #tpu.memory_space<vmem>>[vector<16xi32>], vector<16xf32>,
        %max3A_435 = arith.maximumf %gather3A_434, %select_n3A_433 : vector<16xf32>
        tpu.vector_store_idx %arg17[%masked_sort3A_207], %max3A_435 : memref<10000xf32, #tpu.memory_space<vmem>>[vector<16xi32>], vector<16xf32>,
        %scan3A_436 = arith.constant 0 : i32
        scf.yield %scan3A_436 : i32
      }
      %scan3A_159 = arith.constant 125 : i32
      %lt3A = arith.constant 158 : i32
      %lt3A_160 = arith.cmpi slt, %add3A_142, %lt3A : i32
      %convert_element_type3A_161 = arith.extui %lt3A_160 : i1 to i32
      %cond3A_162 = arith.constant 0 : i32
      %cond3A_163 = arith.cmpi ne, %convert_element_type3A_161, %cond3A_162 : i32
      scf.if %cond3A_163 {
        %add3A_192 = arith.constant 2 : i32
        %add3A_193 = arith.addi %add3A_142, %add3A_192 : i32
        %mul3A_194 = arith.constant 64000 : i32
        %mul3A_195 = arith.muli %add3A_193, %mul3A_194 : i32
        %mul3A_196 = arith.constant 2000 : i32
        %mul3A_197 = arith.muli %add3A, %mul3A_196 : i32
        %add3A_198 = arith.addi %mul3A_195, %mul3A_197 : i32
        %dma_start3A_199 = tpu.memref_slice %arg6[%add3A_198] : memref<10240000xf32, #tpu.memory_space<hbm>> -> memref<2000xf32, #tpu.memory_space<hbm>>
        %dma_start3A_200 = tpu.memref_slice %arg6[%add3A_198] : memref<10240000xf32, #tpu.memory_space<hbm>> -> memref<2000xf32, #tpu.memory_space<hbm>>
        tpu.enqueue_dma source(%dma_start3A_200 : memref<2000xf32, #tpu.memory_space<hbm>>) target(%arg13 : memref<2000xf32, #tpu.memory_space<vmem>>) target_semaphore(%arg23 : memref<!tpu.dma_semaphore, #tpu.memory_space<semaphore_mem>>)
        %mul3A_201 = arith.constant 2000 : i32
        %mul3A_202 = arith.muli %add3A_193, %mul3A_201 : i32
        %dma_start3A_203 = tpu.memref_slice %arg4[%mul3A_202] : memref<320000xi32, #tpu.memory_space<hbm>> -> memref<2000xi32, #tpu.memory_space<hbm>>
        %dma_start3A_204 = tpu.memref_slice %arg4[%mul3A_202] : memref<320000xi32, #tpu.memory_space<hbm>> -> memref<2000xi32, #tpu.memory_space<hbm>>
        tpu.enqueue_dma source(%dma_start3A_204 : memref<2000xi32, #tpu.memory_space<hbm>>) target(%arg15 : memref<2000xi32, #tpu.memory_space<vmem>>) target_semaphore(%arg25 : memref<!tpu.dma_semaphore, #tpu.memory_space<semaphore_mem>>)
      } else {
      }
      %mul3A_164 = arith.constant 2 : i32
      %mul3A_165 = arith.muli %mul3A_164, %scan3A_137 : i32
      %add3A_166 = arith.constant 1 : i32
      %add3A_167 = arith.addi %mul3A_165, %add3A_166 : i32
      %mul3A_168 = arith.constant 64000 : i32
      %mul3A_169 = arith.muli %add3A_167, %mul3A_168 : i32
      %mul3A_170 = arith.constant 2000 : i32
      %mul3A_171 = arith.muli %add3A, %mul3A_170 : i32
      %add3A_172 = arith.addi %mul3A_169, %mul3A_171 : i32
      %dma_wait3A_173 = tpu.memref_slice %arg6[%add3A_172] : memref<10240000xf32, #tpu.memory_space<hbm>> -> memref<2000xf32, #tpu.memory_space<hbm>>
      %dma_wait3A_174 = tpu.memref_slice %arg6[%add3A_172] : memref<10240000xf32, #tpu.memory_space<hbm>> -> memref<2000xf32, #tpu.memory_space<hbm>>
      tpu.wait_dma2 semaphore(%arg24 : memref<!tpu.dma_semaphore, #tpu.memory_space<semaphore_mem>>) src(%dma_wait3A_174 : memref<2000xf32, #tpu.memory_space<hbm>>) dst(%arg14 : memref<2000xf32, #tpu.memory_space<vmem>>)
      %mul3A_175 = arith.constant 2000 : i32
      %mul3A_176 = arith.muli %add3A_167, %mul3A_175 : i32
      %dma_wait3A_177 = tpu.memref_slice %arg4[%mul3A_176] : memref<320000xi32, #tpu.memory_space<hbm>> -> memref<2000xi32, #tpu.memory_space<hbm>>
      %dma_wait3A_178 = tpu.memref_slice %arg4[%mul3A_176] : memref<320000xi32, #tpu.memory_space<hbm>> -> memref<2000xi32, #tpu.memory_space<hbm>>
      tpu.wait_dma2 semaphore(%arg26 : memref<!tpu.dma_semaphore, #tpu.memory_space<semaphore_mem>>) src(%dma_wait3A_178 : memref<2000xi32, #tpu.memory_space<hbm>>) dst(%arg16 : memref<2000xi32, #tpu.memory_space<vmem>>)
      %scan3A_179 = arith.constant 0 : i32
      %scan3A_180 = arith.constant 0 : i32
      %scan3A_181 = arith.constant 125 : i32
      %scan3A_182 = arith.addi %scan3A_180, %scan3A_181 : i32
      %scan3A_183 = arith.constant 1 : i32
      %scan3A_184 = scf.for %scan3A_192 = %scan3A_180 to %scan3A_182 step %scan3A_183 iter_args(%scan3A_193 = %scan3A_179) -> (i32)  : i32 {
        %mul3A_194 = arith.constant 16 : i32
        %mul3A_195 = arith.muli %scan3A_192, %mul3A_194 : i32
        %get3A = arith.index_cast %mul3A_195 : i32 to index
        %get3A_196 = tpu.vector_load %arg16[%get3A] {strides = array<i32>} : memref<2000xi32, #tpu.memory_space<vmem>>, vector<16xi32>,
        %mul3A_197 = arith.constant 16 : i32
        %mul3A_198 = arith.muli %scan3A_192, %mul3A_197 : i32
        %get3A_199 = arith.index_cast %mul3A_198 : i32 to index
        %get3A_200 = tpu.vector_load %arg14[%get3A_199] {strides = array<i32>} : memref<2000xf32, #tpu.memory_space<vmem>>, vector<16xf32>,
        %masked_sort3A = arith.constant dense<true> : vector<16xi1>
        %masked_sort3A_201 = arith.constant -2147483648 : i32
        %masked_sort3A_202 = vector.broadcast %masked_sort3A_201 : i32 to vector<16xi32>
        %masked_sort3A_203 = arith.xori %get3A_196, %masked_sort3A_202 : vector<16xi32>
        %masked_sort3A_204, %masked_sort3A_205, %masked_sort3A_206 = tpu.sort %masked_sort3A_203, %get3A_200 masked %masked_sort3A : (vector<16xi32>, vector<16xf32>, vector<16xi1>) -> (vector<16xi1>, vector<16xi32>, vector<16xf32>)
        %masked_sort3A_207 = arith.xori %masked_sort3A_205, %masked_sort3A_202 : vector<16xi32>
        %sub3A = arith.constant 1 : i32
        %sub3A_208 = vector.broadcast %sub3A : i32 to vector<16xi32>
        %sub3A_209 = arith.subi %iota3A, %sub3A_208 : vector<16xi32>
        %max3A = arith.constant 0 : i32
        %max3A_210 = vector.broadcast %max3A : i32 to vector<16xi32>
        %max3A_211 = arith.maxsi %sub3A_209, %max3A_210 : vector<16xi32>
        %lt3A_212 = arith.constant 0 : i32
        %lt3A_213 = vector.broadcast %lt3A_212 : i32 to vector<16xi32>
        %lt3A_214 = arith.cmpi slt, %max3A_211, %lt3A_213 : vector<16xi32>
        %add3A_215 = arith.constant 16 : i32
        %add3A_216 = vector.broadcast %add3A_215 : i32 to vector<16xi32>
        %add3A_217 = arith.addi %max3A_211, %add3A_216 : vector<16xi32>
        %select_n3A = arith.select %lt3A_214, %add3A_217, %max3A_211 : vector<16xi1>, vector<16xi32>
        %broadcast_in_dim3A = vector.shape_cast %select_n3A : vector<16xi32> to vector<16x1xi32>
        %gather3A = vector.shape_cast %broadcast_in_dim3A : vector<16x1xi32> to vector<16xi32>
        %gather3A_218 = tpu.dynamic_gather %masked_sort3A_207[%gather3A] in [0] : vector<16xi32>, vector<16xi32> -> vector<16xi32>
        %lt3A_219 = arith.constant 0 : i32
        %lt3A_220 = vector.broadcast %lt3A_219 : i32 to vector<16xi32>
        %lt3A_221 = arith.cmpi slt, %max3A_211, %lt3A_220 : vector<16xi32>
        %add3A_222 = arith.constant 16 : i32
        %add3A_223 = vector.broadcast %add3A_222 : i32 to vector<16xi32>
        %add3A_224 = arith.addi %max3A_211, %add3A_223 : vector<16xi32>
        %select_n3A_225 = arith.select %lt3A_221, %add3A_224, %max3A_211 : vector<16xi1>, vector<16xi32>
        %broadcast_in_dim3A_226 = vector.shape_cast %select_n3A_225 : vector<16xi32> to vector<16x1xi32>
        %gather3A_227 = vector.shape_cast %broadcast_in_dim3A_226 : vector<16x1xi32> to vector<16xi32>
        %gather3A_228 = tpu.dynamic_gather %masked_sort3A_206[%gather3A_227] in [0] : vector<16xf32>, vector<16xi32> -> vector<16xf32>
        %eq3A_229 = arith.cmpi eq, %gather3A_218, %masked_sort3A_207 : vector<16xi32>
        %max3A_230 = arith.maximumf %masked_sort3A_206, %gather3A_228 : vector<16xf32>
        %select_n3A_231 = arith.select %eq3A_229, %max3A_230, %masked_sort3A_206 : vector<16xi1>, vector<16xf32>
        %sub3A_232 = arith.constant 2 : i32
        %sub3A_233 = vector.broadcast %sub3A_232 : i32 to vector<16xi32>
        %sub3A_234 = arith.subi %iota3A, %sub3A_233 : vector<16xi32>
        %max3A_235 = arith.constant 0 : i32
        %max3A_236 = vector.broadcast %max3A_235 : i32 to vector<16xi32>
        %max3A_237 = arith.maxsi %sub3A_234, %max3A_236 : vector<16xi32>
        %lt3A_238 = arith.constant 0 : i32
        %lt3A_239 = vector.broadcast %lt3A_238 : i32 to vector<16xi32>
        %lt3A_240 = arith.cmpi slt, %max3A_237, %lt3A_239 : vector<16xi32>
        %add3A_241 = arith.constant 16 : i32
        %add3A_242 = vector.broadcast %add3A_241 : i32 to vector<16xi32>
        %add3A_243 = arith.addi %max3A_237, %add3A_242 : vector<16xi32>
        %select_n3A_244 = arith.select %lt3A_240, %add3A_243, %max3A_237 : vector<16xi1>, vector<16xi32>
        %broadcast_in_dim3A_245 = vector.shape_cast %select_n3A_244 : vector<16xi32> to vector<16x1xi32>
        %gather3A_246 = vector.shape_cast %broadcast_in_dim3A_245 : vector<16x1xi32> to vector<16xi32>
        %gather3A_247 = tpu.dynamic_gather %masked_sort3A_207[%gather3A_246] in [0] : vector<16xi32>, vector<16xi32> -> vector<16xi32>
        %lt3A_248 = arith.constant 0 : i32
        %lt3A_249 = vector.broadcast %lt3A_248 : i32 to vector<16xi32>
        %lt3A_250 = arith.cmpi slt, %max3A_237, %lt3A_249 : vector<16xi32>
        %add3A_251 = arith.constant 16 : i32
        %add3A_252 = vector.broadcast %add3A_251 : i32 to vector<16xi32>
        %add3A_253 = arith.addi %max3A_237, %add3A_252 : vector<16xi32>
        %select_n3A_254 = arith.select %lt3A_250, %add3A_253, %max3A_237 : vector<16xi1>, vector<16xi32>
        %broadcast_in_dim3A_255 = vector.shape_cast %select_n3A_254 : vector<16xi32> to vector<16x1xi32>
        %gather3A_256 = vector.shape_cast %broadcast_in_dim3A_255 : vector<16x1xi32> to vector<16xi32>
        %gather3A_257 = tpu.dynamic_gather %select_n3A_231[%gather3A_256] in [0] : vector<16xf32>, vector<16xi32> -> vector<16xf32>
        %eq3A_258 = arith.cmpi eq, %gather3A_247, %masked_sort3A_207 : vector<16xi32>
        %max3A_259 = arith.maximumf %select_n3A_231, %gather3A_257 : vector<16xf32>
        %select_n3A_260 = arith.select %eq3A_258, %max3A_259, %select_n3A_231 : vector<16xi1>, vector<16xf32>
        %sub3A_261 = arith.constant 4 : i32
        %sub3A_262 = vector.broadcast %sub3A_261 : i32 to vector<16xi32>
        %sub3A_263 = arith.subi %iota3A, %sub3A_262 : vector<16xi32>
        %max3A_264 = arith.constant 0 : i32
        %max3A_265 = vector.broadcast %max3A_264 : i32 to vector<16xi32>
        %max3A_266 = arith.maxsi %sub3A_263, %max3A_265 : vector<16xi32>
        %lt3A_267 = arith.constant 0 : i32
        %lt3A_268 = vector.broadcast %lt3A_267 : i32 to vector<16xi32>
        %lt3A_269 = arith.cmpi slt, %max3A_266, %lt3A_268 : vector<16xi32>
        %add3A_270 = arith.constant 16 : i32
        %add3A_271 = vector.broadcast %add3A_270 : i32 to vector<16xi32>
        %add3A_272 = arith.addi %max3A_266, %add3A_271 : vector<16xi32>
        %select_n3A_273 = arith.select %lt3A_269, %add3A_272, %max3A_266 : vector<16xi1>, vector<16xi32>
        %broadcast_in_dim3A_274 = vector.shape_cast %select_n3A_273 : vector<16xi32> to vector<16x1xi32>
        %gather3A_275 = vector.shape_cast %broadcast_in_dim3A_274 : vector<16x1xi32> to vector<16xi32>
        %gather3A_276 = tpu.dynamic_gather %masked_sort3A_207[%gather3A_275] in [0] : vector<16xi32>, vector<16xi32> -> vector<16xi32>
        %lt3A_277 = arith.constant 0 : i32
        %lt3A_278 = vector.broadcast %lt3A_277 : i32 to vector<16xi32>
        %lt3A_279 = arith.cmpi slt, %max3A_266, %lt3A_278 : vector<16xi32>
        %add3A_280 = arith.constant 16 : i32
        %add3A_281 = vector.broadcast %add3A_280 : i32 to vector<16xi32>
        %add3A_282 = arith.addi %max3A_266, %add3A_281 : vector<16xi32>
        %select_n3A_283 = arith.select %lt3A_279, %add3A_282, %max3A_266 : vector<16xi1>, vector<16xi32>
        %broadcast_in_dim3A_284 = vector.shape_cast %select_n3A_283 : vector<16xi32> to vector<16x1xi32>
        %gather3A_285 = vector.shape_cast %broadcast_in_dim3A_284 : vector<16x1xi32> to vector<16xi32>
        %gather3A_286 = tpu.dynamic_gather %select_n3A_260[%gather3A_285] in [0] : vector<16xf32>, vector<16xi32> -> vector<16xf32>
        %eq3A_287 = arith.cmpi eq, %gather3A_276, %masked_sort3A_207 : vector<16xi32>
        %max3A_288 = arith.maximumf %select_n3A_260, %gather3A_286 : vector<16xf32>
        %select_n3A_289 = arith.select %eq3A_287, %max3A_288, %select_n3A_260 : vector<16xi1>, vector<16xf32>
        %sub3A_290 = arith.constant 8 : i32
        %sub3A_291 = vector.broadcast %sub3A_290 : i32 to vector<16xi32>
        %sub3A_292 = arith.subi %iota3A, %sub3A_291 : vector<16xi32>
        %max3A_293 = arith.constant 0 : i32
        %max3A_294 = vector.broadcast %max3A_293 : i32 to vector<16xi32>
        %max3A_295 = arith.maxsi %sub3A_292, %max3A_294 : vector<16xi32>
        %lt3A_296 = arith.constant 0 : i32
        %lt3A_297 = vector.broadcast %lt3A_296 : i32 to vector<16xi32>
        %lt3A_298 = arith.cmpi slt, %max3A_295, %lt3A_297 : vector<16xi32>
        %add3A_299 = arith.constant 16 : i32
        %add3A_300 = vector.broadcast %add3A_299 : i32 to vector<16xi32>
        %add3A_301 = arith.addi %max3A_295, %add3A_300 : vector<16xi32>
        %select_n3A_302 = arith.select %lt3A_298, %add3A_301, %max3A_295 : vector<16xi1>, vector<16xi32>
        %broadcast_in_dim3A_303 = vector.shape_cast %select_n3A_302 : vector<16xi32> to vector<16x1xi32>
        %gather3A_304 = vector.shape_cast %broadcast_in_dim3A_303 : vector<16x1xi32> to vector<16xi32>
        %gather3A_305 = tpu.dynamic_gather %masked_sort3A_207[%gather3A_304] in [0] : vector<16xi32>, vector<16xi32> -> vector<16xi32>
        %lt3A_306 = arith.constant 0 : i32
        %lt3A_307 = vector.broadcast %lt3A_306 : i32 to vector<16xi32>
        %lt3A_308 = arith.cmpi slt, %max3A_295, %lt3A_307 : vector<16xi32>
        %add3A_309 = arith.constant 16 : i32
        %add3A_310 = vector.broadcast %add3A_309 : i32 to vector<16xi32>
        %add3A_311 = arith.addi %max3A_295, %add3A_310 : vector<16xi32>
        %select_n3A_312 = arith.select %lt3A_308, %add3A_311, %max3A_295 : vector<16xi1>, vector<16xi32>
        %broadcast_in_dim3A_313 = vector.shape_cast %select_n3A_312 : vector<16xi32> to vector<16x1xi32>
        %gather3A_314 = vector.shape_cast %broadcast_in_dim3A_313 : vector<16x1xi32> to vector<16xi32>
        %gather3A_315 = tpu.dynamic_gather %select_n3A_289[%gather3A_314] in [0] : vector<16xf32>, vector<16xi32> -> vector<16xf32>
        %eq3A_316 = arith.cmpi eq, %gather3A_305, %masked_sort3A_207 : vector<16xi32>
        %max3A_317 = arith.maximumf %select_n3A_289, %gather3A_315 : vector<16xf32>
        %select_n3A_318 = arith.select %eq3A_316, %max3A_317, %select_n3A_289 : vector<16xi1>, vector<16xf32>
        %add3A_319 = arith.constant 1 : i32
        %add3A_320 = vector.broadcast %add3A_319 : i32 to vector<16xi32>
        %add3A_321 = arith.addi %iota3A, %add3A_320 : vector<16xi32>
        %min3A = arith.constant 15 : i32
        %min3A_322 = vector.broadcast %min3A : i32 to vector<16xi32>
        %min3A_323 = arith.minsi %add3A_321, %min3A_322 : vector<16xi32>
        %lt3A_324 = arith.constant 0 : i32
        %lt3A_325 = vector.broadcast %lt3A_324 : i32 to vector<16xi32>
        %lt3A_326 = arith.cmpi slt, %min3A_323, %lt3A_325 : vector<16xi32>
        %add3A_327 = arith.constant 16 : i32
        %add3A_328 = vector.broadcast %add3A_327 : i32 to vector<16xi32>
        %add3A_329 = arith.addi %min3A_323, %add3A_328 : vector<16xi32>
        %select_n3A_330 = arith.select %lt3A_326, %add3A_329, %min3A_323 : vector<16xi1>, vector<16xi32>
        %broadcast_in_dim3A_331 = vector.shape_cast %select_n3A_330 : vector<16xi32> to vector<16x1xi32>
        %gather3A_332 = vector.shape_cast %broadcast_in_dim3A_331 : vector<16x1xi32> to vector<16xi32>
        %gather3A_333 = tpu.dynamic_gather %masked_sort3A_207[%gather3A_332] in [0] : vector<16xi32>, vector<16xi32> -> vector<16xi32>
        %lt3A_334 = arith.constant 0 : i32
        %lt3A_335 = vector.broadcast %lt3A_334 : i32 to vector<16xi32>
        %lt3A_336 = arith.cmpi slt, %min3A_323, %lt3A_335 : vector<16xi32>
        %add3A_337 = arith.constant 16 : i32
        %add3A_338 = vector.broadcast %add3A_337 : i32 to vector<16xi32>
        %add3A_339 = arith.addi %min3A_323, %add3A_338 : vector<16xi32>
        %select_n3A_340 = arith.select %lt3A_336, %add3A_339, %min3A_323 : vector<16xi1>, vector<16xi32>
        %broadcast_in_dim3A_341 = vector.shape_cast %select_n3A_340 : vector<16xi32> to vector<16x1xi32>
        %gather3A_342 = vector.shape_cast %broadcast_in_dim3A_341 : vector<16x1xi32> to vector<16xi32>
        %gather3A_343 = tpu.dynamic_gather %select_n3A_318[%gather3A_342] in [0] : vector<16xf32>, vector<16xi32> -> vector<16xf32>
        %eq3A_344 = arith.cmpi eq, %gather3A_333, %masked_sort3A_207 : vector<16xi32>
        %max3A_345 = arith.maximumf %select_n3A_318, %gather3A_343 : vector<16xf32>
        %select_n3A_346 = arith.select %eq3A_344, %max3A_345, %select_n3A_318 : vector<16xi1>, vector<16xf32>
        %add3A_347 = arith.constant 2 : i32
        %add3A_348 = vector.broadcast %add3A_347 : i32 to vector<16xi32>
        %add3A_349 = arith.addi %iota3A, %add3A_348 : vector<16xi32>
        %min3A_350 = arith.constant 15 : i32
        %min3A_351 = vector.broadcast %min3A_350 : i32 to vector<16xi32>
        %min3A_352 = arith.minsi %add3A_349, %min3A_351 : vector<16xi32>
        %lt3A_353 = arith.constant 0 : i32
        %lt3A_354 = vector.broadcast %lt3A_353 : i32 to vector<16xi32>
        %lt3A_355 = arith.cmpi slt, %min3A_352, %lt3A_354 : vector<16xi32>
        %add3A_356 = arith.constant 16 : i32
        %add3A_357 = vector.broadcast %add3A_356 : i32 to vector<16xi32>
        %add3A_358 = arith.addi %min3A_352, %add3A_357 : vector<16xi32>
        %select_n3A_359 = arith.select %lt3A_355, %add3A_358, %min3A_352 : vector<16xi1>, vector<16xi32>
        %broadcast_in_dim3A_360 = vector.shape_cast %select_n3A_359 : vector<16xi32> to vector<16x1xi32>
        %gather3A_361 = vector.shape_cast %broadcast_in_dim3A_360 : vector<16x1xi32> to vector<16xi32>
        %gather3A_362 = tpu.dynamic_gather %masked_sort3A_207[%gather3A_361] in [0] : vector<16xi32>, vector<16xi32> -> vector<16xi32>
        %lt3A_363 = arith.constant 0 : i32
        %lt3A_364 = vector.broadcast %lt3A_363 : i32 to vector<16xi32>
        %lt3A_365 = arith.cmpi slt, %min3A_352, %lt3A_364 : vector<16xi32>
        %add3A_366 = arith.constant 16 : i32
        %add3A_367 = vector.broadcast %add3A_366 : i32 to vector<16xi32>
        %add3A_368 = arith.addi %min3A_352, %add3A_367 : vector<16xi32>
        %select_n3A_369 = arith.select %lt3A_365, %add3A_368, %min3A_352 : vector<16xi1>, vector<16xi32>
        %broadcast_in_dim3A_370 = vector.shape_cast %select_n3A_369 : vector<16xi32> to vector<16x1xi32>
        %gather3A_371 = vector.shape_cast %broadcast_in_dim3A_370 : vector<16x1xi32> to vector<16xi32>
        %gather3A_372 = tpu.dynamic_gather %select_n3A_346[%gather3A_371] in [0] : vector<16xf32>, vector<16xi32> -> vector<16xf32>
        %eq3A_373 = arith.cmpi eq, %gather3A_362, %masked_sort3A_207 : vector<16xi32>
        %max3A_374 = arith.maximumf %select_n3A_346, %gather3A_372 : vector<16xf32>
        %select_n3A_375 = arith.select %eq3A_373, %max3A_374, %select_n3A_346 : vector<16xi1>, vector<16xf32>
        %add3A_376 = arith.constant 4 : i32
        %add3A_377 = vector.broadcast %add3A_376 : i32 to vector<16xi32>
        %add3A_378 = arith.addi %iota3A, %add3A_377 : vector<16xi32>
        %min3A_379 = arith.constant 15 : i32
        %min3A_380 = vector.broadcast %min3A_379 : i32 to vector<16xi32>
        %min3A_381 = arith.minsi %add3A_378, %min3A_380 : vector<16xi32>
        %lt3A_382 = arith.constant 0 : i32
        %lt3A_383 = vector.broadcast %lt3A_382 : i32 to vector<16xi32>
        %lt3A_384 = arith.cmpi slt, %min3A_381, %lt3A_383 : vector<16xi32>
        %add3A_385 = arith.constant 16 : i32
        %add3A_386 = vector.broadcast %add3A_385 : i32 to vector<16xi32>
        %add3A_387 = arith.addi %min3A_381, %add3A_386 : vector<16xi32>
        %select_n3A_388 = arith.select %lt3A_384, %add3A_387, %min3A_381 : vector<16xi1>, vector<16xi32>
        %broadcast_in_dim3A_389 = vector.shape_cast %select_n3A_388 : vector<16xi32> to vector<16x1xi32>
        %gather3A_390 = vector.shape_cast %broadcast_in_dim3A_389 : vector<16x1xi32> to vector<16xi32>
        %gather3A_391 = tpu.dynamic_gather %masked_sort3A_207[%gather3A_390] in [0] : vector<16xi32>, vector<16xi32> -> vector<16xi32>
        %lt3A_392 = arith.constant 0 : i32
        %lt3A_393 = vector.broadcast %lt3A_392 : i32 to vector<16xi32>
        %lt3A_394 = arith.cmpi slt, %min3A_381, %lt3A_393 : vector<16xi32>
        %add3A_395 = arith.constant 16 : i32
        %add3A_396 = vector.broadcast %add3A_395 : i32 to vector<16xi32>
        %add3A_397 = arith.addi %min3A_381, %add3A_396 : vector<16xi32>
        %select_n3A_398 = arith.select %lt3A_394, %add3A_397, %min3A_381 : vector<16xi1>, vector<16xi32>
        %broadcast_in_dim3A_399 = vector.shape_cast %select_n3A_398 : vector<16xi32> to vector<16x1xi32>
        %gather3A_400 = vector.shape_cast %broadcast_in_dim3A_399 : vector<16x1xi32> to vector<16xi32>
        %gather3A_401 = tpu.dynamic_gather %select_n3A_375[%gather3A_400] in [0] : vector<16xf32>, vector<16xi32> -> vector<16xf32>
        %eq3A_402 = arith.cmpi eq, %gather3A_391, %masked_sort3A_207 : vector<16xi32>
        %max3A_403 = arith.maximumf %select_n3A_375, %gather3A_401 : vector<16xf32>
        %select_n3A_404 = arith.select %eq3A_402, %max3A_403, %select_n3A_375 : vector<16xi1>, vector<16xf32>
        %add3A_405 = arith.constant 8 : i32
        %add3A_406 = vector.broadcast %add3A_405 : i32 to vector<16xi32>
        %add3A_407 = arith.addi %iota3A, %add3A_406 : vector<16xi32>
        %min3A_408 = arith.constant 15 : i32
        %min3A_409 = vector.broadcast %min3A_408 : i32 to vector<16xi32>
        %min3A_410 = arith.minsi %add3A_407, %min3A_409 : vector<16xi32>
        %lt3A_411 = arith.constant 0 : i32
        %lt3A_412 = vector.broadcast %lt3A_411 : i32 to vector<16xi32>
        %lt3A_413 = arith.cmpi slt, %min3A_410, %lt3A_412 : vector<16xi32>
        %add3A_414 = arith.constant 16 : i32
        %add3A_415 = vector.broadcast %add3A_414 : i32 to vector<16xi32>
        %add3A_416 = arith.addi %min3A_410, %add3A_415 : vector<16xi32>
        %select_n3A_417 = arith.select %lt3A_413, %add3A_416, %min3A_410 : vector<16xi1>, vector<16xi32>
        %broadcast_in_dim3A_418 = vector.shape_cast %select_n3A_417 : vector<16xi32> to vector<16x1xi32>
        %gather3A_419 = vector.shape_cast %broadcast_in_dim3A_418 : vector<16x1xi32> to vector<16xi32>
        %gather3A_420 = tpu.dynamic_gather %masked_sort3A_207[%gather3A_419] in [0] : vector<16xi32>, vector<16xi32> -> vector<16xi32>
        %lt3A_421 = arith.constant 0 : i32
        %lt3A_422 = vector.broadcast %lt3A_421 : i32 to vector<16xi32>
        %lt3A_423 = arith.cmpi slt, %min3A_410, %lt3A_422 : vector<16xi32>
        %add3A_424 = arith.constant 16 : i32
        %add3A_425 = vector.broadcast %add3A_424 : i32 to vector<16xi32>
        %add3A_426 = arith.addi %min3A_410, %add3A_425 : vector<16xi32>
        %select_n3A_427 = arith.select %lt3A_423, %add3A_426, %min3A_410 : vector<16xi1>, vector<16xi32>
        %broadcast_in_dim3A_428 = vector.shape_cast %select_n3A_427 : vector<16xi32> to vector<16x1xi32>
        %gather3A_429 = vector.shape_cast %broadcast_in_dim3A_428 : vector<16x1xi32> to vector<16xi32>
        %gather3A_430 = tpu.dynamic_gather %select_n3A_404[%gather3A_429] in [0] : vector<16xf32>, vector<16xi32> -> vector<16xf32>
        %eq3A_431 = arith.cmpi eq, %gather3A_420, %masked_sort3A_207 : vector<16xi32>
        %max3A_432 = arith.maximumf %select_n3A_404, %gather3A_430 : vector<16xf32>
        %select_n3A_433 = arith.select %eq3A_431, %max3A_432, %select_n3A_404 : vector<16xi1>, vector<16xf32>
        %gather3A_434 = tpu.vector_load_idx %arg17[%masked_sort3A_207] : memref<10000xf32, #tpu.memory_space<vmem>>[vector<16xi32>], vector<16xf32>,
        %max3A_435 = arith.maximumf %gather3A_434, %select_n3A_433 : vector<16xf32>
        tpu.vector_store_idx %arg17[%masked_sort3A_207], %max3A_435 : memref<10000xf32, #tpu.memory_space<vmem>>[vector<16xi32>], vector<16xf32>,
        %scan3A_436 = arith.constant 0 : i32
        scf.yield %scan3A_436 : i32
      }
      %scan3A_185 = arith.constant 125 : i32
      %lt3A_186 = arith.constant 158 : i32
      %lt3A_187 = arith.cmpi slt, %add3A_167, %lt3A_186 : i32
      %convert_element_type3A_188 = arith.extui %lt3A_187 : i1 to i32
      %cond3A_189 = arith.constant 0 : i32
      %cond3A_190 = arith.cmpi ne, %convert_element_type3A_188, %cond3A_189 : i32
      scf.if %cond3A_190 {
        %add3A_192 = arith.constant 2 : i32
        %add3A_193 = arith.addi %add3A_167, %add3A_192 : i32
        %mul3A_194 = arith.constant 64000 : i32
        %mul3A_195 = arith.muli %add3A_193, %mul3A_194 : i32
        %mul3A_196 = arith.constant 2000 : i32
        %mul3A_197 = arith.muli %add3A, %mul3A_196 : i32
        %add3A_198 = arith.addi %mul3A_195, %mul3A_197 : i32
        %dma_start3A_199 = tpu.memref_slice %arg6[%add3A_198] : memref<10240000xf32, #tpu.memory_space<hbm>> -> memref<2000xf32, #tpu.memory_space<hbm>>
        %dma_start3A_200 = tpu.memref_slice %arg6[%add3A_198] : memref<10240000xf32, #tpu.memory_space<hbm>> -> memref<2000xf32, #tpu.memory_space<hbm>>
        tpu.enqueue_dma source(%dma_start3A_200 : memref<2000xf32, #tpu.memory_space<hbm>>) target(%arg14 : memref<2000xf32, #tpu.memory_space<vmem>>) target_semaphore(%arg24 : memref<!tpu.dma_semaphore, #tpu.memory_space<semaphore_mem>>)
        %mul3A_201 = arith.constant 2000 : i32
        %mul3A_202 = arith.muli %add3A_193, %mul3A_201 : i32
        %dma_start3A_203 = tpu.memref_slice %arg4[%mul3A_202] : memref<320000xi32, #tpu.memory_space<hbm>> -> memref<2000xi32, #tpu.memory_space<hbm>>
        %dma_start3A_204 = tpu.memref_slice %arg4[%mul3A_202] : memref<320000xi32, #tpu.memory_space<hbm>> -> memref<2000xi32, #tpu.memory_space<hbm>>
        tpu.enqueue_dma source(%dma_start3A_204 : memref<2000xi32, #tpu.memory_space<hbm>>) target(%arg16 : memref<2000xi32, #tpu.memory_space<vmem>>) target_semaphore(%arg26 : memref<!tpu.dma_semaphore, #tpu.memory_space<semaphore_mem>>)
      } else {
      }
      %scan3A_191 = arith.constant 0 : i32
      scf.yield %scan3A_191 : i32
    }
    %scan3A_85 = arith.constant 80 : i32
    %mul3A_86 = arith.constant 1000 : i32
    %mul3A_87 = arith.muli %add3A, %mul3A_86 : i32
    %add3A_88 = arith.constant 0 : i32
    %add3A_89 = arith.addi %add3A_88, %mul3A_87 : i32
    "tpu.region"() ({
      %run_scoped3A_137 = tpu.sem_alloc : memref<!tpu.dma_semaphore, #tpu.memory_space<semaphore_mem>>
      %dma_start3A_138 = arith.constant 0 : i32
      %dma_start3A_139 = tpu.memref_slice %arg17[%dma_start3A_138] : memref<10000xf32, #tpu.memory_space<vmem>> -> memref<1000xf32, #tpu.memory_space<vmem>>
      %dma_start3A_140 = tpu.memref_slice %arg9[%add3A_89] : memref<320000xf32, #tpu.memory_space<hbm>> -> memref<1000xf32, #tpu.memory_space<hbm>>
      %dma_start3A_141 = tpu.memref_slice %arg9[%add3A_89] : memref<320000xf32, #tpu.memory_space<hbm>> -> memref<1000xf32, #tpu.memory_space<hbm>>
      %dma_start3A_142 = arith.constant 0 : i32
      %dma_start3A_143 = tpu.memref_slice %arg17[%dma_start3A_142] : memref<10000xf32, #tpu.memory_space<vmem>> -> memref<1000xf32, #tpu.memory_space<vmem>>
      tpu.enqueue_dma source(%dma_start3A_143 : memref<1000xf32, #tpu.memory_space<vmem>>) target(%dma_start3A_141 : memref<1000xf32, #tpu.memory_space<hbm>>) target_semaphore(%run_scoped3A_137 : memref<!tpu.dma_semaphore, #tpu.memory_space<semaphore_mem>>)
      %dma_wait3A = arith.constant 0 : i32
      %dma_wait3A_144 = tpu.memref_slice %arg17[%dma_wait3A] : memref<10000xf32, #tpu.memory_space<vmem>> -> memref<1000xf32, #tpu.memory_space<vmem>>
      %dma_wait3A_145 = tpu.memref_slice %arg9[%add3A_89] : memref<320000xf32, #tpu.memory_space<hbm>> -> memref<1000xf32, #tpu.memory_space<hbm>>
      %dma_wait3A_146 = tpu.memref_slice %arg9[%add3A_89] : memref<320000xf32, #tpu.memory_space<hbm>> -> memref<1000xf32, #tpu.memory_space<hbm>>
      %dma_wait3A_147 = arith.constant 0 : i32
      %dma_wait3A_148 = tpu.memref_slice %arg17[%dma_wait3A_147] : memref<10000xf32, #tpu.memory_space<vmem>> -> memref<1000xf32, #tpu.memory_space<vmem>>
      tpu.wait_dma2 semaphore(%run_scoped3A_137 : memref<!tpu.dma_semaphore, #tpu.memory_space<semaphore_mem>>) src(%dma_wait3A_148 : memref<1000xf32, #tpu.memory_space<vmem>>) dst(%dma_wait3A_146 : memref<1000xf32, #tpu.memory_space<hbm>>)
      tpu.yield
    }) : () -> ()
    %mul3A_90 = arith.constant 1000 : i32
    %mul3A_91 = arith.muli %add3A, %mul3A_90 : i32
    %add3A_92 = arith.constant 32000 : i32
    %add3A_93 = arith.addi %add3A_92, %mul3A_91 : i32
    "tpu.region"() ({
      %run_scoped3A_137 = tpu.sem_alloc : memref<!tpu.dma_semaphore, #tpu.memory_space<semaphore_mem>>
      %dma_start3A_138 = arith.constant 1000 : i32
      %dma_start3A_139 = tpu.memref_slice %arg17[%dma_start3A_138] : memref<10000xf32, #tpu.memory_space<vmem>> -> memref<1000xf32, #tpu.memory_space<vmem>>
      %dma_start3A_140 = tpu.memref_slice %arg9[%add3A_93] : memref<320000xf32, #tpu.memory_space<hbm>> -> memref<1000xf32, #tpu.memory_space<hbm>>
      %dma_start3A_141 = tpu.memref_slice %arg9[%add3A_93] : memref<320000xf32, #tpu.memory_space<hbm>> -> memref<1000xf32, #tpu.memory_space<hbm>>
      %dma_start3A_142 = arith.constant 1000 : i32
      %dma_start3A_143 = tpu.memref_slice %arg17[%dma_start3A_142] : memref<10000xf32, #tpu.memory_space<vmem>> -> memref<1000xf32, #tpu.memory_space<vmem>>
      tpu.enqueue_dma source(%dma_start3A_143 : memref<1000xf32, #tpu.memory_space<vmem>>) target(%dma_start3A_141 : memref<1000xf32, #tpu.memory_space<hbm>>) target_semaphore(%run_scoped3A_137 : memref<!tpu.dma_semaphore, #tpu.memory_space<semaphore_mem>>)
      %dma_wait3A = arith.constant 1000 : i32
      %dma_wait3A_144 = tpu.memref_slice %arg17[%dma_wait3A] : memref<10000xf32, #tpu.memory_space<vmem>> -> memref<1000xf32, #tpu.memory_space<vmem>>
      %dma_wait3A_145 = tpu.memref_slice %arg9[%add3A_93] : memref<320000xf32, #tpu.memory_space<hbm>> -> memref<1000xf32, #tpu.memory_space<hbm>>
      %dma_wait3A_146 = tpu.memref_slice %arg9[%add3A_93] : memref<320000xf32, #tpu.memory_space<hbm>> -> memref<1000xf32, #tpu.memory_space<hbm>>
      %dma_wait3A_147 = arith.constant 1000 : i32
      %dma_wait3A_148 = tpu.memref_slice %arg17[%dma_wait3A_147] : memref<10000xf32, #tpu.memory_space<vmem>> -> memref<1000xf32, #tpu.memory_space<vmem>>
      tpu.wait_dma2 semaphore(%run_scoped3A_137 : memref<!tpu.dma_semaphore, #tpu.memory_space<semaphore_mem>>) src(%dma_wait3A_148 : memref<1000xf32, #tpu.memory_space<vmem>>) dst(%dma_wait3A_146 : memref<1000xf32, #tpu.memory_space<hbm>>)
      tpu.yield
    }) : () -> ()
    %mul3A_94 = arith.constant 1000 : i32
    %mul3A_95 = arith.muli %add3A, %mul3A_94 : i32
    %add3A_96 = arith.constant 64000 : i32
    %add3A_97 = arith.addi %add3A_96, %mul3A_95 : i32
    "tpu.region"() ({
      %run_scoped3A_137 = tpu.sem_alloc : memref<!tpu.dma_semaphore, #tpu.memory_space<semaphore_mem>>
      %dma_start3A_138 = arith.constant 2000 : i32
      %dma_start3A_139 = tpu.memref_slice %arg17[%dma_start3A_138] : memref<10000xf32, #tpu.memory_space<vmem>> -> memref<1000xf32, #tpu.memory_space<vmem>>
      %dma_start3A_140 = tpu.memref_slice %arg9[%add3A_97] : memref<320000xf32, #tpu.memory_space<hbm>> -> memref<1000xf32, #tpu.memory_space<hbm>>
      %dma_start3A_141 = tpu.memref_slice %arg9[%add3A_97] : memref<320000xf32, #tpu.memory_space<hbm>> -> memref<1000xf32, #tpu.memory_space<hbm>>
      %dma_start3A_142 = arith.constant 2000 : i32
      %dma_start3A_143 = tpu.memref_slice %arg17[%dma_start3A_142] : memref<10000xf32, #tpu.memory_space<vmem>> -> memref<1000xf32, #tpu.memory_space<vmem>>
      tpu.enqueue_dma source(%dma_start3A_143 : memref<1000xf32, #tpu.memory_space<vmem>>) target(%dma_start3A_141 : memref<1000xf32, #tpu.memory_space<hbm>>) target_semaphore(%run_scoped3A_137 : memref<!tpu.dma_semaphore, #tpu.memory_space<semaphore_mem>>)
      %dma_wait3A = arith.constant 2000 : i32
      %dma_wait3A_144 = tpu.memref_slice %arg17[%dma_wait3A] : memref<10000xf32, #tpu.memory_space<vmem>> -> memref<1000xf32, #tpu.memory_space<vmem>>
      %dma_wait3A_145 = tpu.memref_slice %arg9[%add3A_97] : memref<320000xf32, #tpu.memory_space<hbm>> -> memref<1000xf32, #tpu.memory_space<hbm>>
      %dma_wait3A_146 = tpu.memref_slice %arg9[%add3A_97] : memref<320000xf32, #tpu.memory_space<hbm>> -> memref<1000xf32, #tpu.memory_space<hbm>>
      %dma_wait3A_147 = arith.constant 2000 : i32
      %dma_wait3A_148 = tpu.memref_slice %arg17[%dma_wait3A_147] : memref<10000xf32, #tpu.memory_space<vmem>> -> memref<1000xf32, #tpu.memory_space<vmem>>
      tpu.wait_dma2 semaphore(%run_scoped3A_137 : memref<!tpu.dma_semaphore, #tpu.memory_space<semaphore_mem>>) src(%dma_wait3A_148 : memref<1000xf32, #tpu.memory_space<vmem>>) dst(%dma_wait3A_146 : memref<1000xf32, #tpu.memory_space<hbm>>)
      tpu.yield
    }) : () -> ()
    %mul3A_98 = arith.constant 1000 : i32
    %mul3A_99 = arith.muli %add3A, %mul3A_98 : i32
    %add3A_100 = arith.constant 96000 : i32
    %add3A_101 = arith.addi %add3A_100, %mul3A_99 : i32
    "tpu.region"() ({
      %run_scoped3A_137 = tpu.sem_alloc : memref<!tpu.dma_semaphore, #tpu.memory_space<semaphore_mem>>
      %dma_start3A_138 = arith.constant 3000 : i32
      %dma_start3A_139 = tpu.memref_slice %arg17[%dma_start3A_138] : memref<10000xf32, #tpu.memory_space<vmem>> -> memref<1000xf32, #tpu.memory_space<vmem>>
      %dma_start3A_140 = tpu.memref_slice %arg9[%add3A_101] : memref<320000xf32, #tpu.memory_space<hbm>> -> memref<1000xf32, #tpu.memory_space<hbm>>
      %dma_start3A_141 = tpu.memref_slice %arg9[%add3A_101] : memref<320000xf32, #tpu.memory_space<hbm>> -> memref<1000xf32, #tpu.memory_space<hbm>>
      %dma_start3A_142 = arith.constant 3000 : i32
      %dma_start3A_143 = tpu.memref_slice %arg17[%dma_start3A_142] : memref<10000xf32, #tpu.memory_space<vmem>> -> memref<1000xf32, #tpu.memory_space<vmem>>
      tpu.enqueue_dma source(%dma_start3A_143 : memref<1000xf32, #tpu.memory_space<vmem>>) target(%dma_start3A_141 : memref<1000xf32, #tpu.memory_space<hbm>>) target_semaphore(%run_scoped3A_137 : memref<!tpu.dma_semaphore, #tpu.memory_space<semaphore_mem>>)
      %dma_wait3A = arith.constant 3000 : i32
      %dma_wait3A_144 = tpu.memref_slice %arg17[%dma_wait3A] : memref<10000xf32, #tpu.memory_space<vmem>> -> memref<1000xf32, #tpu.memory_space<vmem>>
      %dma_wait3A_145 = tpu.memref_slice %arg9[%add3A_101] : memref<320000xf32, #tpu.memory_space<hbm>> -> memref<1000xf32, #tpu.memory_space<hbm>>
      %dma_wait3A_146 = tpu.memref_slice %arg9[%add3A_101] : memref<320000xf32, #tpu.memory_space<hbm>> -> memref<1000xf32, #tpu.memory_space<hbm>>
      %dma_wait3A_147 = arith.constant 3000 : i32
      %dma_wait3A_148 = tpu.memref_slice %arg17[%dma_wait3A_147] : memref<10000xf32, #tpu.memory_space<vmem>> -> memref<1000xf32, #tpu.memory_space<vmem>>
      tpu.wait_dma2 semaphore(%run_scoped3A_137 : memref<!tpu.dma_semaphore, #tpu.memory_space<semaphore_mem>>) src(%dma_wait3A_148 : memref<1000xf32, #tpu.memory_space<vmem>>) dst(%dma_wait3A_146 : memref<1000xf32, #tpu.memory_space<hbm>>)
      tpu.yield
    }) : () -> ()
    %mul3A_102 = arith.constant 1000 : i32
    %mul3A_103 = arith.muli %add3A, %mul3A_102 : i32
    %add3A_104 = arith.constant 128000 : i32
    %add3A_105 = arith.addi %add3A_104, %mul3A_103 : i32
    "tpu.region"() ({
      %run_scoped3A_137 = tpu.sem_alloc : memref<!tpu.dma_semaphore, #tpu.memory_space<semaphore_mem>>
      %dma_start3A_138 = arith.constant 4000 : i32
      %dma_start3A_139 = tpu.memref_slice %arg17[%dma_start3A_138] : memref<10000xf32, #tpu.memory_space<vmem>> -> memref<1000xf32, #tpu.memory_space<vmem>>
      %dma_start3A_140 = tpu.memref_slice %arg9[%add3A_105] : memref<320000xf32, #tpu.memory_space<hbm>> -> memref<1000xf32, #tpu.memory_space<hbm>>
      %dma_start3A_141 = tpu.memref_slice %arg9[%add3A_105] : memref<320000xf32, #tpu.memory_space<hbm>> -> memref<1000xf32, #tpu.memory_space<hbm>>
      %dma_start3A_142 = arith.constant 4000 : i32
      %dma_start3A_143 = tpu.memref_slice %arg17[%dma_start3A_142] : memref<10000xf32, #tpu.memory_space<vmem>> -> memref<1000xf32, #tpu.memory_space<vmem>>
      tpu.enqueue_dma source(%dma_start3A_143 : memref<1000xf32, #tpu.memory_space<vmem>>) target(%dma_start3A_141 : memref<1000xf32, #tpu.memory_space<hbm>>) target_semaphore(%run_scoped3A_137 : memref<!tpu.dma_semaphore, #tpu.memory_space<semaphore_mem>>)
      %dma_wait3A = arith.constant 4000 : i32
      %dma_wait3A_144 = tpu.memref_slice %arg17[%dma_wait3A] : memref<10000xf32, #tpu.memory_space<vmem>> -> memref<1000xf32, #tpu.memory_space<vmem>>
      %dma_wait3A_145 = tpu.memref_slice %arg9[%add3A_105] : memref<320000xf32, #tpu.memory_space<hbm>> -> memref<1000xf32, #tpu.memory_space<hbm>>
      %dma_wait3A_146 = tpu.memref_slice %arg9[%add3A_105] : memref<320000xf32, #tpu.memory_space<hbm>> -> memref<1000xf32, #tpu.memory_space<hbm>>
      %dma_wait3A_147 = arith.constant 4000 : i32
      %dma_wait3A_148 = tpu.memref_slice %arg17[%dma_wait3A_147] : memref<10000xf32, #tpu.memory_space<vmem>> -> memref<1000xf32, #tpu.memory_space<vmem>>
      tpu.wait_dma2 semaphore(%run_scoped3A_137 : memref<!tpu.dma_semaphore, #tpu.memory_space<semaphore_mem>>) src(%dma_wait3A_148 : memref<1000xf32, #tpu.memory_space<vmem>>) dst(%dma_wait3A_146 : memref<1000xf32, #tpu.memory_space<hbm>>)
      tpu.yield
    }) : () -> ()
    %mul3A_106 = arith.constant 1000 : i32
    %mul3A_107 = arith.muli %add3A, %mul3A_106 : i32
    %add3A_108 = arith.constant 160000 : i32
    %add3A_109 = arith.addi %add3A_108, %mul3A_107 : i32
    "tpu.region"() ({
      %run_scoped3A_137 = tpu.sem_alloc : memref<!tpu.dma_semaphore, #tpu.memory_space<semaphore_mem>>
      %dma_start3A_138 = arith.constant 5000 : i32
      %dma_start3A_139 = tpu.memref_slice %arg17[%dma_start3A_138] : memref<10000xf32, #tpu.memory_space<vmem>> -> memref<1000xf32, #tpu.memory_space<vmem>>
      %dma_start3A_140 = tpu.memref_slice %arg9[%add3A_109] : memref<320000xf32, #tpu.memory_space<hbm>> -> memref<1000xf32, #tpu.memory_space<hbm>>
      %dma_start3A_141 = tpu.memref_slice %arg9[%add3A_109] : memref<320000xf32, #tpu.memory_space<hbm>> -> memref<1000xf32, #tpu.memory_space<hbm>>
      %dma_start3A_142 = arith.constant 5000 : i32
      %dma_start3A_143 = tpu.memref_slice %arg17[%dma_start3A_142] : memref<10000xf32, #tpu.memory_space<vmem>> -> memref<1000xf32, #tpu.memory_space<vmem>>
      tpu.enqueue_dma source(%dma_start3A_143 : memref<1000xf32, #tpu.memory_space<vmem>>) target(%dma_start3A_141 : memref<1000xf32, #tpu.memory_space<hbm>>) target_semaphore(%run_scoped3A_137 : memref<!tpu.dma_semaphore, #tpu.memory_space<semaphore_mem>>)
      %dma_wait3A = arith.constant 5000 : i32
      %dma_wait3A_144 = tpu.memref_slice %arg17[%dma_wait3A] : memref<10000xf32, #tpu.memory_space<vmem>> -> memref<1000xf32, #tpu.memory_space<vmem>>
      %dma_wait3A_145 = tpu.memref_slice %arg9[%add3A_109] : memref<320000xf32, #tpu.memory_space<hbm>> -> memref<1000xf32, #tpu.memory_space<hbm>>
      %dma_wait3A_146 = tpu.memref_slice %arg9[%add3A_109] : memref<320000xf32, #tpu.memory_space<hbm>> -> memref<1000xf32, #tpu.memory_space<hbm>>
      %dma_wait3A_147 = arith.constant 5000 : i32
      %dma_wait3A_148 = tpu.memref_slice %arg17[%dma_wait3A_147] : memref<10000xf32, #tpu.memory_space<vmem>> -> memref<1000xf32, #tpu.memory_space<vmem>>
      tpu.wait_dma2 semaphore(%run_scoped3A_137 : memref<!tpu.dma_semaphore, #tpu.memory_space<semaphore_mem>>) src(%dma_wait3A_148 : memref<1000xf32, #tpu.memory_space<vmem>>) dst(%dma_wait3A_146 : memref<1000xf32, #tpu.memory_space<hbm>>)
      tpu.yield
    }) : () -> ()
    %mul3A_110 = arith.constant 1000 : i32
    %mul3A_111 = arith.muli %add3A, %mul3A_110 : i32
    %add3A_112 = arith.constant 192000 : i32
    %add3A_113 = arith.addi %add3A_112, %mul3A_111 : i32
    "tpu.region"() ({
      %run_scoped3A_137 = tpu.sem_alloc : memref<!tpu.dma_semaphore, #tpu.memory_space<semaphore_mem>>
      %dma_start3A_138 = arith.constant 6000 : i32
      %dma_start3A_139 = tpu.memref_slice %arg17[%dma_start3A_138] : memref<10000xf32, #tpu.memory_space<vmem>> -> memref<1000xf32, #tpu.memory_space<vmem>>
      %dma_start3A_140 = tpu.memref_slice %arg9[%add3A_113] : memref<320000xf32, #tpu.memory_space<hbm>> -> memref<1000xf32, #tpu.memory_space<hbm>>
      %dma_start3A_141 = tpu.memref_slice %arg9[%add3A_113] : memref<320000xf32, #tpu.memory_space<hbm>> -> memref<1000xf32, #tpu.memory_space<hbm>>
      %dma_start3A_142 = arith.constant 6000 : i32
      %dma_start3A_143 = tpu.memref_slice %arg17[%dma_start3A_142] : memref<10000xf32, #tpu.memory_space<vmem>> -> memref<1000xf32, #tpu.memory_space<vmem>>
      tpu.enqueue_dma source(%dma_start3A_143 : memref<1000xf32, #tpu.memory_space<vmem>>) target(%dma_start3A_141 : memref<1000xf32, #tpu.memory_space<hbm>>) target_semaphore(%run_scoped3A_137 : memref<!tpu.dma_semaphore, #tpu.memory_space<semaphore_mem>>)
      %dma_wait3A = arith.constant 6000 : i32
      %dma_wait3A_144 = tpu.memref_slice %arg17[%dma_wait3A] : memref<10000xf32, #tpu.memory_space<vmem>> -> memref<1000xf32, #tpu.memory_space<vmem>>
      %dma_wait3A_145 = tpu.memref_slice %arg9[%add3A_113] : memref<320000xf32, #tpu.memory_space<hbm>> -> memref<1000xf32, #tpu.memory_space<hbm>>
      %dma_wait3A_146 = tpu.memref_slice %arg9[%add3A_113] : memref<320000xf32, #tpu.memory_space<hbm>> -> memref<1000xf32, #tpu.memory_space<hbm>>
      %dma_wait3A_147 = arith.constant 6000 : i32
      %dma_wait3A_148 = tpu.memref_slice %arg17[%dma_wait3A_147] : memref<10000xf32, #tpu.memory_space<vmem>> -> memref<1000xf32, #tpu.memory_space<vmem>>
      tpu.wait_dma2 semaphore(%run_scoped3A_137 : memref<!tpu.dma_semaphore, #tpu.memory_space<semaphore_mem>>) src(%dma_wait3A_148 : memref<1000xf32, #tpu.memory_space<vmem>>) dst(%dma_wait3A_146 : memref<1000xf32, #tpu.memory_space<hbm>>)
      tpu.yield
    }) : () -> ()
    %mul3A_114 = arith.constant 1000 : i32
    %mul3A_115 = arith.muli %add3A, %mul3A_114 : i32
    %add3A_116 = arith.constant 224000 : i32
    %add3A_117 = arith.addi %add3A_116, %mul3A_115 : i32
    "tpu.region"() ({
      %run_scoped3A_137 = tpu.sem_alloc : memref<!tpu.dma_semaphore, #tpu.memory_space<semaphore_mem>>
      %dma_start3A_138 = arith.constant 7000 : i32
      %dma_start3A_139 = tpu.memref_slice %arg17[%dma_start3A_138] : memref<10000xf32, #tpu.memory_space<vmem>> -> memref<1000xf32, #tpu.memory_space<vmem>>
      %dma_start3A_140 = tpu.memref_slice %arg9[%add3A_117] : memref<320000xf32, #tpu.memory_space<hbm>> -> memref<1000xf32, #tpu.memory_space<hbm>>
      %dma_start3A_141 = tpu.memref_slice %arg9[%add3A_117] : memref<320000xf32, #tpu.memory_space<hbm>> -> memref<1000xf32, #tpu.memory_space<hbm>>
      %dma_start3A_142 = arith.constant 7000 : i32
      %dma_start3A_143 = tpu.memref_slice %arg17[%dma_start3A_142] : memref<10000xf32, #tpu.memory_space<vmem>> -> memref<1000xf32, #tpu.memory_space<vmem>>
      tpu.enqueue_dma source(%dma_start3A_143 : memref<1000xf32, #tpu.memory_space<vmem>>) target(%dma_start3A_141 : memref<1000xf32, #tpu.memory_space<hbm>>) target_semaphore(%run_scoped3A_137 : memref<!tpu.dma_semaphore, #tpu.memory_space<semaphore_mem>>)
      %dma_wait3A = arith.constant 7000 : i32
      %dma_wait3A_144 = tpu.memref_slice %arg17[%dma_wait3A] : memref<10000xf32, #tpu.memory_space<vmem>> -> memref<1000xf32, #tpu.memory_space<vmem>>
      %dma_wait3A_145 = tpu.memref_slice %arg9[%add3A_117] : memref<320000xf32, #tpu.memory_space<hbm>> -> memref<1000xf32, #tpu.memory_space<hbm>>
      %dma_wait3A_146 = tpu.memref_slice %arg9[%add3A_117] : memref<320000xf32, #tpu.memory_space<hbm>> -> memref<1000xf32, #tpu.memory_space<hbm>>
      %dma_wait3A_147 = arith.constant 7000 : i32
      %dma_wait3A_148 = tpu.memref_slice %arg17[%dma_wait3A_147] : memref<10000xf32, #tpu.memory_space<vmem>> -> memref<1000xf32, #tpu.memory_space<vmem>>
      tpu.wait_dma2 semaphore(%run_scoped3A_137 : memref<!tpu.dma_semaphore, #tpu.memory_space<semaphore_mem>>) src(%dma_wait3A_148 : memref<1000xf32, #tpu.memory_space<vmem>>) dst(%dma_wait3A_146 : memref<1000xf32, #tpu.memory_space<hbm>>)
      tpu.yield
    }) : () -> ()
    %mul3A_118 = arith.constant 1000 : i32
    %mul3A_119 = arith.muli %add3A, %mul3A_118 : i32
    %add3A_120 = arith.constant 256000 : i32
    %add3A_121 = arith.addi %add3A_120, %mul3A_119 : i32
    "tpu.region"() ({
      %run_scoped3A_137 = tpu.sem_alloc : memref<!tpu.dma_semaphore, #tpu.memory_space<semaphore_mem>>
      %dma_start3A_138 = arith.constant 8000 : i32
      %dma_start3A_139 = tpu.memref_slice %arg17[%dma_start3A_138] : memref<10000xf32, #tpu.memory_space<vmem>> -> memref<1000xf32, #tpu.memory_space<vmem>>
      %dma_start3A_140 = tpu.memref_slice %arg9[%add3A_121] : memref<320000xf32, #tpu.memory_space<hbm>> -> memref<1000xf32, #tpu.memory_space<hbm>>
      %dma_start3A_141 = tpu.memref_slice %arg9[%add3A_121] : memref<320000xf32, #tpu.memory_space<hbm>> -> memref<1000xf32, #tpu.memory_space<hbm>>
      %dma_start3A_142 = arith.constant 8000 : i32
      %dma_start3A_143 = tpu.memref_slice %arg17[%dma_start3A_142] : memref<10000xf32, #tpu.memory_space<vmem>> -> memref<1000xf32, #tpu.memory_space<vmem>>
      tpu.enqueue_dma source(%dma_start3A_143 : memref<1000xf32, #tpu.memory_space<vmem>>) target(%dma_start3A_141 : memref<1000xf32, #tpu.memory_space<hbm>>) target_semaphore(%run_scoped3A_137 : memref<!tpu.dma_semaphore, #tpu.memory_space<semaphore_mem>>)
      %dma_wait3A = arith.constant 8000 : i32
      %dma_wait3A_144 = tpu.memref_slice %arg17[%dma_wait3A] : memref<10000xf32, #tpu.memory_space<vmem>> -> memref<1000xf32, #tpu.memory_space<vmem>>
      %dma_wait3A_145 = tpu.memref_slice %arg9[%add3A_121] : memref<320000xf32, #tpu.memory_space<hbm>> -> memref<1000xf32, #tpu.memory_space<hbm>>
      %dma_wait3A_146 = tpu.memref_slice %arg9[%add3A_121] : memref<320000xf32, #tpu.memory_space<hbm>> -> memref<1000xf32, #tpu.memory_space<hbm>>
      %dma_wait3A_147 = arith.constant 8000 : i32
      %dma_wait3A_148 = tpu.memref_slice %arg17[%dma_wait3A_147] : memref<10000xf32, #tpu.memory_space<vmem>> -> memref<1000xf32, #tpu.memory_space<vmem>>
      tpu.wait_dma2 semaphore(%run_scoped3A_137 : memref<!tpu.dma_semaphore, #tpu.memory_space<semaphore_mem>>) src(%dma_wait3A_148 : memref<1000xf32, #tpu.memory_space<vmem>>) dst(%dma_wait3A_146 : memref<1000xf32, #tpu.memory_space<hbm>>)
      tpu.yield
    }) : () -> ()
    %mul3A_122 = arith.constant 1000 : i32
    %mul3A_123 = arith.muli %add3A, %mul3A_122 : i32
    %add3A_124 = arith.constant 288000 : i32
    %add3A_125 = arith.addi %add3A_124, %mul3A_123 : i32
    "tpu.region"() ({
      %run_scoped3A_137 = tpu.sem_alloc : memref<!tpu.dma_semaphore, #tpu.memory_space<semaphore_mem>>
      %dma_start3A_138 = arith.constant 9000 : i32
      %dma_start3A_139 = tpu.memref_slice %arg17[%dma_start3A_138] : memref<10000xf32, #tpu.memory_space<vmem>> -> memref<1000xf32, #tpu.memory_space<vmem>>
      %dma_start3A_140 = tpu.memref_slice %arg9[%add3A_125] : memref<320000xf32, #tpu.memory_space<hbm>> -> memref<1000xf32, #tpu.memory_space<hbm>>
      %dma_start3A_141 = tpu.memref_slice %arg9[%add3A_125] : memref<320000xf32, #tpu.memory_space<hbm>> -> memref<1000xf32, #tpu.memory_space<hbm>>
      %dma_start3A_142 = arith.constant 9000 : i32
      %dma_start3A_143 = tpu.memref_slice %arg17[%dma_start3A_142] : memref<10000xf32, #tpu.memory_space<vmem>> -> memref<1000xf32, #tpu.memory_space<vmem>>
      tpu.enqueue_dma source(%dma_start3A_143 : memref<1000xf32, #tpu.memory_space<vmem>>) target(%dma_start3A_141 : memref<1000xf32, #tpu.memory_space<hbm>>) target_semaphore(%run_scoped3A_137 : memref<!tpu.dma_semaphore, #tpu.memory_space<semaphore_mem>>)
      %dma_wait3A = arith.constant 9000 : i32
      %dma_wait3A_144 = tpu.memref_slice %arg17[%dma_wait3A] : memref<10000xf32, #tpu.memory_space<vmem>> -> memref<1000xf32, #tpu.memory_space<vmem>>
      %dma_wait3A_145 = tpu.memref_slice %arg9[%add3A_125] : memref<320000xf32, #tpu.memory_space<hbm>> -> memref<1000xf32, #tpu.memory_space<hbm>>
      %dma_wait3A_146 = tpu.memref_slice %arg9[%add3A_125] : memref<320000xf32, #tpu.memory_space<hbm>> -> memref<1000xf32, #tpu.memory_space<hbm>>
      %dma_wait3A_147 = arith.constant 9000 : i32
      %dma_wait3A_148 = tpu.memref_slice %arg17[%dma_wait3A_147] : memref<10000xf32, #tpu.memory_space<vmem>> -> memref<1000xf32, #tpu.memory_space<vmem>>
      tpu.wait_dma2 semaphore(%run_scoped3A_137 : memref<!tpu.dma_semaphore, #tpu.memory_space<semaphore_mem>>) src(%dma_wait3A_148 : memref<1000xf32, #tpu.memory_space<vmem>>) dst(%dma_wait3A_146 : memref<1000xf32, #tpu.memory_space<hbm>>)
      tpu.yield
    }) : () -> ()
    %barrier3A_126 = arith.constant 0 : index
    tpu.barrier barrier_id(%barrier3A_126)
    %eq3A_127 = arith.constant 0 : i32
    %eq3A_128 = arith.cmpi eq, %arg0, %eq3A_127 : i32
    %convert_element_type3A_129 = arith.extui %eq3A_128 : i1 to i32
    %cond3A_130 = arith.constant 0 : i32
    %cond3A_131 = arith.cmpi ne, %convert_element_type3A_129, %cond3A_130 : i32
    scf.if %cond3A_131 {
      %lt3A = arith.constant 15 : i32
      %lt3A_137 = arith.cmpi slt, %arg1, %lt3A : i32
      %convert_element_type3A_138 = arith.extui %lt3A_137 : i1 to i32
      %cond3A_139 = arith.constant 0 : i32
      %cond3A_140 = arith.cmpi ne, %convert_element_type3A_138, %cond3A_139 : i32
      scf.if %cond3A_140 {
        %mul3A_146 = arith.constant 640 : i32
        %mul3A_147 = arith.muli %arg1, %mul3A_146 : i32
        %mul3A_148 = arith.constant 640 : i32
        %mul3A_149 = arith.muli %arg1, %mul3A_148 : i32
        "tpu.region"() ({
          %run_scoped3A_150 = tpu.sem_alloc : memref<!tpu.dma_semaphore, #tpu.memory_space<semaphore_mem>>
          %dma_start3A_151 = arith.constant 0 : i32
          %dma_start3A_152 = tpu.memref_slice %arg7[%mul3A_149, %dma_start3A_151] : memref<10000x128xf32, #tpu.memory_space<hbm>> -> memref<640x128xf32, #tpu.memory_space<hbm>>
          %dma_start3A_153 = arith.constant 0 : i32
          %dma_start3A_154 = tpu.memref_slice %arg18[%mul3A_147, %dma_start3A_153] : memref<10240x128xf32, #tpu.memory_space<vmem_shared>> -> memref<640x128xf32, #tpu.memory_space<vmem_shared>>
          tpu.enqueue_dma source(%dma_start3A_154 : memref<640x128xf32, #tpu.memory_space<vmem_shared>>) target(%dma_start3A_152 : memref<640x128xf32, #tpu.memory_space<hbm>>) target_semaphore(%run_scoped3A_150 : memref<!tpu.dma_semaphore, #tpu.memory_space<semaphore_mem>>)
          %dma_wait3A = arith.constant 0 : i32
          %dma_wait3A_155 = tpu.memref_slice %arg7[%mul3A_149, %dma_wait3A] : memref<10000x128xf32, #tpu.memory_space<hbm>> -> memref<640x128xf32, #tpu.memory_space<hbm>>
          %dma_wait3A_156 = arith.constant 0 : i32
          %dma_wait3A_157 = tpu.memref_slice %arg18[%mul3A_147, %dma_wait3A_156] : memref<10240x128xf32, #tpu.memory_space<vmem_shared>> -> memref<640x128xf32, #tpu.memory_space<vmem_shared>>
          tpu.wait_dma2 semaphore(%run_scoped3A_150 : memref<!tpu.dma_semaphore, #tpu.memory_space<semaphore_mem>>) src(%dma_wait3A_157 : memref<640x128xf32, #tpu.memory_space<vmem_shared>>) dst(%dma_wait3A_155 : memref<640x128xf32, #tpu.memory_space<hbm>>)
          tpu.yield
        }) : () -> ()
      } else {
      }
      %eq3A_141 = arith.constant 15 : i32
      %eq3A_142 = arith.cmpi eq, %arg1, %eq3A_141 : i32
      %convert_element_type3A_143 = arith.extui %eq3A_142 : i1 to i32
      %cond3A_144 = arith.constant 0 : i32
      %cond3A_145 = arith.cmpi ne, %convert_element_type3A_143, %cond3A_144 : i32
      scf.if %cond3A_145 {
        "tpu.region"() ({
          %run_scoped3A_146 = tpu.sem_alloc : memref<!tpu.dma_semaphore, #tpu.memory_space<semaphore_mem>>
          %dma_start3A_147 = arith.constant 9600 : i32
          %dma_start3A_148 = arith.constant 0 : i32
          %dma_start3A_149 = tpu.memref_slice %arg7[%dma_start3A_147, %dma_start3A_148] : memref<10000x128xf32, #tpu.memory_space<hbm>> -> memref<400x128xf32, #tpu.memory_space<hbm>>
          %dma_start3A_150 = arith.constant 9600 : i32
          %dma_start3A_151 = arith.constant 0 : i32
          %dma_start3A_152 = tpu.memref_slice %arg18[%dma_start3A_150, %dma_start3A_151] : memref<10240x128xf32, #tpu.memory_space<vmem_shared>> -> memref<400x128xf32, #tpu.memory_space<vmem_shared>>
          tpu.enqueue_dma source(%dma_start3A_152 : memref<400x128xf32, #tpu.memory_space<vmem_shared>>) target(%dma_start3A_149 : memref<400x128xf32, #tpu.memory_space<hbm>>) target_semaphore(%run_scoped3A_146 : memref<!tpu.dma_semaphore, #tpu.memory_space<semaphore_mem>>)
          %dma_wait3A = arith.constant 9600 : i32
          %dma_wait3A_153 = arith.constant 0 : i32
          %dma_wait3A_154 = tpu.memref_slice %arg7[%dma_wait3A, %dma_wait3A_153] : memref<10000x128xf32, #tpu.memory_space<hbm>> -> memref<400x128xf32, #tpu.memory_space<hbm>>
          %dma_wait3A_155 = arith.constant 9600 : i32
          %dma_wait3A_156 = arith.constant 0 : i32
          %dma_wait3A_157 = tpu.memref_slice %arg18[%dma_wait3A_155, %dma_wait3A_156] : memref<10240x128xf32, #tpu.memory_space<vmem_shared>> -> memref<400x128xf32, #tpu.memory_space<vmem_shared>>
          tpu.wait_dma2 semaphore(%run_scoped3A_146 : memref<!tpu.dma_semaphore, #tpu.memory_space<semaphore_mem>>) src(%dma_wait3A_157 : memref<400x128xf32, #tpu.memory_space<vmem_shared>>) dst(%dma_wait3A_154 : memref<400x128xf32, #tpu.memory_space<hbm>>)
          tpu.yield
        }) : () -> ()
      } else {
      }
    } else {
    }
    %eq3A_132 = arith.constant 1 : i32
    %eq3A_133 = arith.cmpi eq, %arg0, %eq3A_132 : i32
    %convert_element_type3A_134 = arith.extui %eq3A_133 : i1 to i32
    %cond3A_135 = arith.constant 0 : i32
    %cond3A_136 = arith.cmpi ne, %convert_element_type3A_134, %cond3A_135 : i32
    scf.if %cond3A_136 {
      %lt3A = arith.constant 15 : i32
      %lt3A_137 = arith.cmpi slt, %arg1, %lt3A : i32
      %convert_element_type3A_138 = arith.extui %lt3A_137 : i1 to i32
      %cond3A_139 = arith.constant 0 : i32
      %cond3A_140 = arith.cmpi ne, %convert_element_type3A_138, %cond3A_139 : i32
      scf.if %cond3A_140 {
        %mul3A_146 = arith.constant 640 : i32
        %mul3A_147 = arith.muli %arg1, %mul3A_146 : i32
        %mul3A_148 = arith.constant 640 : i32
        %mul3A_149 = arith.muli %arg1, %mul3A_148 : i32
        "tpu.region"() ({
          %run_scoped3A_150 = tpu.sem_alloc : memref<!tpu.dma_semaphore, #tpu.memory_space<semaphore_mem>>
          %dma_start3A_151 = arith.constant 0 : i32
          %dma_start3A_152 = tpu.memref_slice %arg8[%mul3A_149, %dma_start3A_151] : memref<10000x128xf32, #tpu.memory_space<hbm>> -> memref<640x128xf32, #tpu.memory_space<hbm>>
          %dma_start3A_153 = arith.constant 0 : i32
          %dma_start3A_154 = tpu.memref_slice %arg18[%mul3A_147, %dma_start3A_153] : memref<10240x128xf32, #tpu.memory_space<vmem_shared>> -> memref<640x128xf32, #tpu.memory_space<vmem_shared>>
          tpu.enqueue_dma source(%dma_start3A_154 : memref<640x128xf32, #tpu.memory_space<vmem_shared>>) target(%dma_start3A_152 : memref<640x128xf32, #tpu.memory_space<hbm>>) target_semaphore(%run_scoped3A_150 : memref<!tpu.dma_semaphore, #tpu.memory_space<semaphore_mem>>)
          %dma_wait3A = arith.constant 0 : i32
          %dma_wait3A_155 = tpu.memref_slice %arg8[%mul3A_149, %dma_wait3A] : memref<10000x128xf32, #tpu.memory_space<hbm>> -> memref<640x128xf32, #tpu.memory_space<hbm>>
          %dma_wait3A_156 = arith.constant 0 : i32
          %dma_wait3A_157 = tpu.memref_slice %arg18[%mul3A_147, %dma_wait3A_156] : memref<10240x128xf32, #tpu.memory_space<vmem_shared>> -> memref<640x128xf32, #tpu.memory_space<vmem_shared>>
          tpu.wait_dma2 semaphore(%run_scoped3A_150 : memref<!tpu.dma_semaphore, #tpu.memory_space<semaphore_mem>>) src(%dma_wait3A_157 : memref<640x128xf32, #tpu.memory_space<vmem_shared>>) dst(%dma_wait3A_155 : memref<640x128xf32, #tpu.memory_space<hbm>>)
          tpu.yield
        }) : () -> ()
      } else {
      }
      %eq3A_141 = arith.constant 15 : i32
      %eq3A_142 = arith.cmpi eq, %arg1, %eq3A_141 : i32
      %convert_element_type3A_143 = arith.extui %eq3A_142 : i1 to i32
      %cond3A_144 = arith.constant 0 : i32
      %cond3A_145 = arith.cmpi ne, %convert_element_type3A_143, %cond3A_144 : i32
      scf.if %cond3A_145 {
        "tpu.region"() ({
          %run_scoped3A_146 = tpu.sem_alloc : memref<!tpu.dma_semaphore, #tpu.memory_space<semaphore_mem>>
          %dma_start3A_147 = arith.constant 9600 : i32
          %dma_start3A_148 = arith.constant 0 : i32
          %dma_start3A_149 = tpu.memref_slice %arg8[%dma_start3A_147, %dma_start3A_148] : memref<10000x128xf32, #tpu.memory_space<hbm>> -> memref<400x128xf32, #tpu.memory_space<hbm>>
          %dma_start3A_150 = arith.constant 9600 : i32
          %dma_start3A_151 = arith.constant 0 : i32
          %dma_start3A_152 = tpu.memref_slice %arg18[%dma_start3A_150, %dma_start3A_151] : memref<10240x128xf32, #tpu.memory_space<vmem_shared>> -> memref<400x128xf32, #tpu.memory_space<vmem_shared>>
          tpu.enqueue_dma source(%dma_start3A_152 : memref<400x128xf32, #tpu.memory_space<vmem_shared>>) target(%dma_start3A_149 : memref<400x128xf32, #tpu.memory_space<hbm>>) target_semaphore(%run_scoped3A_146 : memref<!tpu.dma_semaphore, #tpu.memory_space<semaphore_mem>>)
          %dma_wait3A = arith.constant 9600 : i32
          %dma_wait3A_153 = arith.constant 0 : i32
          %dma_wait3A_154 = tpu.memref_slice %arg8[%dma_wait3A, %dma_wait3A_153] : memref<10000x128xf32, #tpu.memory_space<hbm>> -> memref<400x128xf32, #tpu.memory_space<hbm>>
          %dma_wait3A_155 = arith.constant 9600 : i32
          %dma_wait3A_156 = arith.constant 0 : i32
          %dma_wait3A_157 = tpu.memref_slice %arg18[%dma_wait3A_155, %dma_wait3A_156] : memref<10240x128xf32, #tpu.memory_space<vmem_shared>> -> memref<400x128xf32, #tpu.memory_space<vmem_shared>>
          tpu.wait_dma2 semaphore(%run_scoped3A_146 : memref<!tpu.dma_semaphore, #tpu.memory_space<semaphore_mem>>) src(%dma_wait3A_157 : memref<400x128xf32, #tpu.memory_space<vmem_shared>>) dst(%dma_wait3A_154 : memref<400x128xf32, #tpu.memory_space<hbm>>)
          tpu.yield
        }) : () -> ()
      } else {
      }
    } else {
    }
    return
  }
}

module attributes {stable_mosaic.version = 14 : i64} {
  func.func @_proj_body(%arg0: i32, %arg1: memref<2000x128xf32, #tpu.memory_space<vmem>>, %arg2: memref<128x512xf32, #tpu.memory_space<vmem>>, %arg3: memref<2000x128xf32, #tpu.memory_space<vmem>>, %arg4: memref<2000x128xf32, #tpu.memory_space<vmem>>, %arg5: memref<2000x128xf32, #tpu.memory_space<vmem>>, %arg6: memref<2000x128xf32, #tpu.memory_space<vmem>>) attributes {dimension_semantics = [#tpu.dimension_semantics<arbitrary>], iteration_bounds = array<i64: 5>, scalar_prefetch = 0 : i64, scratch_operands = 0 : i64, tpu.core_type = #tpu.core_type<tc>, window_params = [{transform_indices = @transform_0, window_bounds = array<i64: 2000, 128>}, {pipeline_mode = #tpu.pipeline_mode<synchronous>, transform_indices = @transform_1, window_bounds = array<i64: 128, 512>}, {transform_indices = @transform_2, window_bounds = array<i64: 2000, 128>}, {transform_indices = @transform_3, window_bounds = array<i64: 2000, 128>}, {transform_indices = @transform_4, window_bounds = array<i64: 2000, 128>}, {transform_indices = @transform_5, window_bounds = array<i64: 2000, 128>}]} {
    %get3A = arith.constant 0 : index
    %get3A_0 = arith.constant 0 : index
    %get3A_1 = vector.load %arg1[%get3A, %get3A_0] : memref<2000x128xf32, #tpu.memory_space<vmem>>, vector<2000x128xf32>
    %get3A_2 = arith.constant 0 : index
    %get3A_3 = arith.constant 0 : index
    %get3A_4 = vector.load %arg2[%get3A_2, %get3A_3] : memref<128x512xf32, #tpu.memory_space<vmem>>, vector<128x512xf32>
    %dot_general3A = arith.constant dense<0.000000e+00> : vector<2000x512xf32>
    %dot_general3A_5 = tpu.matmul %get3A_1, %get3A_4, %dot_general3A {dimension_numbers = #tpu.dot_dimension_numbers<[1], [0], [0], [1], [0, 0, 1, 1], [], []>, transpose_lhs_hint = false} : vector<2000x128xf32>, vector<128x512xf32>, vector<2000x512xf32> -> vector<2000x512xf32>
    %slice3A = vector.extract_strided_slice %dot_general3A_5 {offsets = [0, 0], sizes = [2000, 128], strides = [1, 1]} : vector<2000x512xf32> to vector<2000x128xf32>
    %swap3A = arith.constant 0 : index
    %swap3A_6 = arith.constant 0 : index
    %swap3A_7 = vector.load %arg3[%swap3A, %swap3A_6] : memref<2000x128xf32, #tpu.memory_space<vmem>>, vector<2000x128xf32>
    tpu.vector_store %arg3[%swap3A, %swap3A_6], %slice3A {strides = array<i32>} : memref<2000x128xf32, #tpu.memory_space<vmem>>, vector<2000x128xf32>,
    %slice3A_8 = vector.extract_strided_slice %dot_general3A_5 {offsets = [0, 128], sizes = [2000, 128], strides = [1, 1]} : vector<2000x512xf32> to vector<2000x128xf32>
    %swap3A_9 = arith.constant 0 : index
    %swap3A_10 = arith.constant 0 : index
    %swap3A_11 = vector.load %arg4[%swap3A_9, %swap3A_10] : memref<2000x128xf32, #tpu.memory_space<vmem>>, vector<2000x128xf32>
    tpu.vector_store %arg4[%swap3A_9, %swap3A_10], %slice3A_8 {strides = array<i32>} : memref<2000x128xf32, #tpu.memory_space<vmem>>, vector<2000x128xf32>,
    %slice3A_12 = vector.extract_strided_slice %dot_general3A_5 {offsets = [0, 256], sizes = [2000, 128], strides = [1, 1]} : vector<2000x512xf32> to vector<2000x128xf32>
    %swap3A_13 = arith.constant 0 : index
    %swap3A_14 = arith.constant 0 : index
    %swap3A_15 = vector.load %arg5[%swap3A_13, %swap3A_14] : memref<2000x128xf32, #tpu.memory_space<vmem>>, vector<2000x128xf32>
    tpu.vector_store %arg5[%swap3A_13, %swap3A_14], %slice3A_12 {strides = array<i32>} : memref<2000x128xf32, #tpu.memory_space<vmem>>, vector<2000x128xf32>,
    %slice3A_16 = vector.extract_strided_slice %dot_general3A_5 {offsets = [0, 384], sizes = [2000, 128], strides = [1, 1]} : vector<2000x512xf32> to vector<2000x128xf32>
    %swap3A_17 = arith.constant 0 : index
    %swap3A_18 = arith.constant 0 : index
    %swap3A_19 = vector.load %arg6[%swap3A_17, %swap3A_18] : memref<2000x128xf32, #tpu.memory_space<vmem>>, vector<2000x128xf32>
    tpu.vector_store %arg6[%swap3A_17, %swap3A_18], %slice3A_16 {strides = array<i32>} : memref<2000x128xf32, #tpu.memory_space<vmem>>, vector<2000x128xf32>,
    return
  }
  func.func @transform_0(%arg0: i32) -> (i32, i32) {
    %c0_i32 = arith.constant 0 : i32
    %c0_i32_0 = arith.constant 0 : i32
    return %arg0, %c0_i32 : i32, i32
  }
  func.func @transform_1(%arg0: i32) -> (i32, i32) {
    %c0_i32 = arith.constant 0 : i32
    %c0_i32_0 = arith.constant 0 : i32
    %c0_i32_1 = arith.constant 0 : i32
    return %c0_i32, %c0_i32_0 : i32, i32
  }
  func.func @transform_2(%arg0: i32) -> (i32, i32) {
    %c0_i32 = arith.constant 0 : i32
    %c0_i32_0 = arith.constant 0 : i32
    return %arg0, %c0_i32 : i32, i32
  }
  func.func @transform_3(%arg0: i32) -> (i32, i32) {
    %c0_i32 = arith.constant 0 : i32
    %c0_i32_0 = arith.constant 0 : i32
    return %arg0, %c0_i32 : i32, i32
  }
  func.func @transform_4(%arg0: i32) -> (i32, i32) {
    %c0_i32 = arith.constant 0 : i32
    %c0_i32_0 = arith.constant 0 : i32
    return %arg0, %c0_i32 : i32, i32
  }
  func.func @transform_5(%arg0: i32) -> (i32, i32) {
    %c0_i32 = arith.constant 0 : i32
    %c0_i32_0 = arith.constant 0 : i32
    return %arg0, %c0_i32 : i32, i32
  }
}

module attributes {stable_mosaic.version = 14 : i64} {
  func.func @_cell_body(%arg0: i32, %arg1: memref<2000x128xf32, #tpu.memory_space<vmem>>, %arg2: memref<2000x128xf32, #tpu.memory_space<vmem>>, %arg3: memref<2000x10xf32, #tpu.memory_space<vmem>>, %arg4: memref<4x64xf32, #tpu.memory_space<vmem>>, %arg5: memref<1x64xf32, #tpu.memory_space<vmem>>, %arg6: memref<64x64xf32, #tpu.memory_space<vmem>>, %arg7: memref<1x64xf32, #tpu.memory_space<vmem>>, %arg8: memref<64x1xf32, #tpu.memory_space<vmem>>, %arg9: memref<1x1xf32, #tpu.memory_space<vmem>>, %arg10: memref<64x32xf32, #tpu.memory_space<vmem>>, %arg11: memref<1x32xf32, #tpu.memory_space<vmem>>, %arg12: memref<64x32xf32, #tpu.memory_space<vmem>>, %arg13: memref<32x1xf32, #tpu.memory_space<vmem>>, %arg14: memref<6x64xf32, #tpu.memory_space<vmem>>, %arg15: memref<1x64xf32, #tpu.memory_space<vmem>>, %arg16: memref<64x64xf32, #tpu.memory_space<vmem>>, %arg17: memref<1x64xf32, #tpu.memory_space<vmem>>, %arg18: memref<64x64xf32, #tpu.memory_space<vmem>>, %arg19: memref<1x64xf32, #tpu.memory_space<vmem>>, %arg20: memref<2000x128xf32, #tpu.memory_space<vmem>>, %arg21: memref<1x32x2000xf32, #tpu.memory_space<vmem>>) attributes {dimension_semantics = [#tpu.dimension_semantics<arbitrary>], iteration_bounds = array<i64: 160>, scalar_prefetch = 0 : i64, scratch_operands = 0 : i64, tpu.core_type = #tpu.core_type<tc>, window_params = [{transform_indices = @transform_0, window_bounds = array<i64: 2000, 128>}, {transform_indices = @transform_1, window_bounds = array<i64: 2000, 128>}, {transform_indices = @transform_2, window_bounds = array<i64: 2000, 10>}, {pipeline_mode = #tpu.pipeline_mode<synchronous>, transform_indices = @transform_3, window_bounds = array<i64: 4, 64>}, {pipeline_mode = #tpu.pipeline_mode<synchronous>, transform_indices = @transform_4, window_bounds = array<i64: 1, 64>}, {pipeline_mode = #tpu.pipeline_mode<synchronous>, transform_indices = @transform_5, window_bounds = array<i64: 64, 64>}, {pipeline_mode = #tpu.pipeline_mode<synchronous>, transform_indices = @transform_6, window_bounds = array<i64: 1, 64>}, {pipeline_mode = #tpu.pipeline_mode<synchronous>, transform_indices = @transform_7, window_bounds = array<i64: 64, 1>}, {pipeline_mode = #tpu.pipeline_mode<synchronous>, transform_indices = @transform_8, window_bounds = array<i64: 1, 1>}, {pipeline_mode = #tpu.pipeline_mode<synchronous>, transform_indices = @transform_9, window_bounds = array<i64: 64, 32>}, {pipeline_mode = #tpu.pipeline_mode<synchronous>, transform_indices = @transform_10, window_bounds = array<i64: 1, 32>}, {pipeline_mode = #tpu.pipeline_mode<synchronous>, transform_indices = @transform_11, window_bounds = array<i64: 64, 32>}, {pipeline_mode = #tpu.pipeline_mode<synchronous>, transform_indices = @transform_12, window_bounds = array<i64: 32, 1>}, {pipeline_mode = #tpu.pipeline_mode<synchronous>, transform_indices = @transform_13, window_bounds = array<i64: 6, 64>}, {pipeline_mode = #tpu.pipeline_mode<synchronous>, transform_indices = @transform_14, window_bounds = array<i64: 1, 64>}, {pipeline_mode = #tpu.pipeline_mode<synchronous>, transform_indices = @transform_15, window_bounds = array<i64: 64, 64>}, {pipeline_mode = #tpu.pipeline_mode<synchronous>, transform_indices = @transform_16, window_bounds = array<i64: 1, 64>}, {pipeline_mode = #tpu.pipeline_mode<synchronous>, transform_indices = @transform_17, window_bounds = array<i64: 64, 64>}, {pipeline_mode = #tpu.pipeline_mode<synchronous>, transform_indices = @transform_18, window_bounds = array<i64: 1, 64>}, {transform_indices = @transform_19, window_bounds = array<i64: 2000, 128>}, {transform_indices = @transform_20, window_bounds = array<i64: 1, 32, 2000>}]} {
    %get3A = arith.constant 0 : index
    %get3A_0 = arith.constant 0 : index
    %get3A_1 = vector.load %arg1[%get3A, %get3A_0] : memref<2000x128xf32, #tpu.memory_space<vmem>>, vector<2000x128xf32>
    %get3A_2 = arith.constant 0 : index
    %get3A_3 = arith.constant 0 : index
    %get3A_4 = vector.load %arg2[%get3A_2, %get3A_3] : memref<2000x128xf32, #tpu.memory_space<vmem>>, vector<2000x128xf32>
    %add3A = arith.addf %get3A_1, %get3A_4 : vector<2000x128xf32>
    %slice3A = vector.extract_strided_slice %add3A {offsets = [0, 0], sizes = [2000, 64], strides = [1, 1]} : vector<2000x128xf32> to vector<2000x64xf32>
    %slice3A_5 = vector.extract_strided_slice %add3A {offsets = [0, 64], sizes = [2000, 64], strides = [1, 1]} : vector<2000x128xf32> to vector<2000x64xf32>
    %get3A_6 = arith.constant 0 : index
    %get3A_7 = arith.constant 0 : index
    %get3A_8 = vector.load %arg3[%get3A_6, %get3A_7] : memref<2000x10xf32, #tpu.memory_space<vmem>>, vector<2000x10xf32>
    %slice3A_9 = vector.extract_strided_slice %get3A_8 {offsets = [0, 6], sizes = [2000, 4], strides = [1, 1]} : vector<2000x10xf32> to vector<2000x4xf32>
    %get3A_10 = arith.constant 0 : index
    %get3A_11 = arith.constant 0 : index
    %get3A_12 = vector.load %arg4[%get3A_10, %get3A_11] : memref<4x64xf32, #tpu.memory_space<vmem>>, vector<4x64xf32>
    %dot_general3A = arith.constant dense<0.000000e+00> : vector<2000x64xf32>
    %dot_general3A_13 = tpu.matmul %slice3A_9, %get3A_12, %dot_general3A {dimension_numbers = #tpu.dot_dimension_numbers<[1], [0], [0], [1], [0, 0, 1, 1], [], []>, transpose_lhs_hint = false} : vector<2000x4xf32>, vector<4x64xf32>, vector<2000x64xf32> -> vector<2000x64xf32>
    %add3A_14 = arith.addf %slice3A, %dot_general3A_13 : vector<2000x64xf32>
    %get3A_15 = arith.constant 0 : index
    %get3A_16 = arith.constant 0 : index
    %get3A_17 = vector.load %arg5[%get3A_15, %get3A_16] : memref<1x64xf32, #tpu.memory_space<vmem>>, vector<1x64xf32>
    %add3A_18 = vector.broadcast %get3A_17 : vector<1x64xf32> to vector<2000x64xf32>
    %add3A_19 = arith.addf %add3A_14, %add3A_18 : vector<2000x64xf32>
    %ge3A = arith.constant 0.000000e+00 : f32
    %ge3A_20 = vector.broadcast %ge3A : f32 to vector<2000x64xf32>
    %ge3A_21 = arith.cmpf oge, %add3A_19, %ge3A_20 : vector<2000x64xf32>
    %mul3A = arith.constant 2.000000e-01 : f32
    %mul3A_22 = vector.broadcast %mul3A : f32 to vector<2000x64xf32>
    %mul3A_23 = arith.mulf %mul3A_22, %add3A_19 : vector<2000x64xf32>
    %select_n3A = arith.select %ge3A_21, %add3A_19, %mul3A_23 : vector<2000x64xi1>, vector<2000x64xf32>
    %get3A_24 = arith.constant 0 : index
    %get3A_25 = arith.constant 0 : index
    %get3A_26 = vector.load %arg6[%get3A_24, %get3A_25] : memref<64x64xf32, #tpu.memory_space<vmem>>, vector<64x64xf32>
    %dot_general3A_27 = arith.constant dense<0.000000e+00> : vector<2000x64xf32>
    %dot_general3A_28 = tpu.matmul %select_n3A, %get3A_26, %dot_general3A_27 {dimension_numbers = #tpu.dot_dimension_numbers<[1], [0], [0], [1], [0, 0, 1, 1], [], []>, transpose_lhs_hint = false} : vector<2000x64xf32>, vector<64x64xf32>, vector<2000x64xf32> -> vector<2000x64xf32>
    %get3A_29 = arith.constant 0 : index
    %get3A_30 = arith.constant 0 : index
    %get3A_31 = vector.load %arg7[%get3A_29, %get3A_30] : memref<1x64xf32, #tpu.memory_space<vmem>>, vector<1x64xf32>
    %add3A_32 = vector.broadcast %get3A_31 : vector<1x64xf32> to vector<2000x64xf32>
    %add3A_33 = arith.addf %dot_general3A_28, %add3A_32 : vector<2000x64xf32>
    %ge3A_34 = arith.constant 0.000000e+00 : f32
    %ge3A_35 = vector.broadcast %ge3A_34 : f32 to vector<2000x64xf32>
    %ge3A_36 = arith.cmpf oge, %add3A_33, %ge3A_35 : vector<2000x64xf32>
    %mul3A_37 = arith.constant 2.000000e-01 : f32
    %mul3A_38 = vector.broadcast %mul3A_37 : f32 to vector<2000x64xf32>
    %mul3A_39 = arith.mulf %mul3A_38, %add3A_33 : vector<2000x64xf32>
    %select_n3A_40 = arith.select %ge3A_36, %add3A_33, %mul3A_39 : vector<2000x64xi1>, vector<2000x64xf32>
    %get3A_41 = arith.constant 0 : index
    %get3A_42 = arith.constant 0 : index
    %get3A_43 = vector.load %arg8[%get3A_41, %get3A_42] : memref<64x1xf32, #tpu.memory_space<vmem>>, vector<64x1xf32>
    %dot_general3A_44 = arith.constant dense<0.000000e+00> : vector<2000x1xf32>
    %dot_general3A_45 = tpu.matmul %select_n3A_40, %get3A_43, %dot_general3A_44 {dimension_numbers = #tpu.dot_dimension_numbers<[1], [0], [0], [1], [0, 0, 1, 1], [], []>, transpose_lhs_hint = false} : vector<2000x64xf32>, vector<64x1xf32>, vector<2000x1xf32> -> vector<2000x1xf32>
    %get3A_46 = arith.constant 0 : index
    %get3A_47 = arith.constant 0 : index
    %get3A_48 = vector.load %arg9[%get3A_46, %get3A_47] : memref<1x1xf32, #tpu.memory_space<vmem>>, vector<1x1xf32>
    %add3A_49 = vector.broadcast %get3A_48 : vector<1x1xf32> to vector<2000x1xf32>
    %add3A_50 = arith.addf %dot_general3A_45, %add3A_49 : vector<2000x1xf32>
    %neg3A = arith.constant 0.000000e+00 : f32
    %neg3A_51 = vector.broadcast %neg3A : f32 to vector<2000x1xf32>
    %neg3A_52 = arith.subf %neg3A_51, %add3A_50 : vector<2000x1xf32>
    %exp3A = math.exp %neg3A_52 : vector<2000x1xf32>
    %add3A_53 = arith.constant 1.000000e+00 : f32
    %add3A_54 = vector.broadcast %add3A_53 : f32 to vector<2000x1xf32>
    %add3A_55 = arith.addf %add3A_54, %exp3A : vector<2000x1xf32>
    %div3A = arith.constant 1.000000e+00 : f32
    %div3A_56 = vector.broadcast %div3A : f32 to vector<2000x1xf32>
    %div3A_57 = arith.divf %div3A_56, %add3A_55 : vector<2000x1xf32>
    %get3A_58 = arith.constant 0 : index
    %get3A_59 = arith.constant 0 : index
    %get3A_60 = vector.load %arg10[%get3A_58, %get3A_59] : memref<64x32xf32, #tpu.memory_space<vmem>>, vector<64x32xf32>
    %dot_general3A_61 = arith.constant dense<0.000000e+00> : vector<2000x32xf32>
    %dot_general3A_62 = tpu.matmul %select_n3A_40, %get3A_60, %dot_general3A_61 {dimension_numbers = #tpu.dot_dimension_numbers<[1], [0], [0], [1], [0, 0, 1, 1], [], []>, transpose_lhs_hint = false} : vector<2000x64xf32>, vector<64x32xf32>, vector<2000x32xf32> -> vector<2000x32xf32>
    %get3A_63 = arith.constant 0 : index
    %get3A_64 = arith.constant 0 : index
    %get3A_65 = vector.load %arg11[%get3A_63, %get3A_64] : memref<1x32xf32, #tpu.memory_space<vmem>>, vector<1x32xf32>
    %add3A_66 = vector.broadcast %get3A_65 : vector<1x32xf32> to vector<2000x32xf32>
    %add3A_67 = arith.addf %dot_general3A_62, %add3A_66 : vector<2000x32xf32>
    %mul3A_68 = vector.broadcast %div3A_57 : vector<2000x1xf32> to vector<2000x32xf32>
    %mul3A_69 = arith.mulf %add3A_67, %mul3A_68 : vector<2000x32xf32>
    %get3A_70 = arith.constant 0 : index
    %get3A_71 = arith.constant 0 : index
    %get3A_72 = vector.load %arg12[%get3A_70, %get3A_71] : memref<64x32xf32, #tpu.memory_space<vmem>>, vector<64x32xf32>
    %dot_general3A_73 = arith.constant dense<0.000000e+00> : vector<32x2000xf32>
    %dot_general3A_74 = tpu.matmul %get3A_72, %select_n3A_40, %dot_general3A_73 {dimension_numbers = #tpu.dot_dimension_numbers<[0], [1], [1], [0], [0, 1, 1, 0], [], []>, transpose_lhs_hint = false} : vector<64x32xf32>, vector<2000x64xf32>, vector<32x2000xf32> -> vector<32x2000xf32>
    %get3A_75 = arith.constant 0 : index
    %get3A_76 = arith.constant 0 : index
    %get3A_77 = vector.load %arg13[%get3A_75, %get3A_76] : memref<32x1xf32, #tpu.memory_space<vmem>>, vector<32x1xf32>
    %add3A_78 = vector.broadcast %get3A_77 : vector<32x1xf32> to vector<32x2000xf32>
    %add3A_79 = arith.addf %dot_general3A_74, %add3A_78 : vector<32x2000xf32>
    %reshape3A = vector.shape_cast %div3A_57 : vector<2000x1xf32> to vector<1x2000xf32>
    %mul3A_80 = vector.broadcast %reshape3A : vector<1x2000xf32> to vector<32x2000xf32>
    %mul3A_81 = arith.mulf %add3A_79, %mul3A_80 : vector<32x2000xf32>
    %slice3A_82 = vector.extract_strided_slice %get3A_8 {offsets = [0, 0], sizes = [2000, 6], strides = [1, 1]} : vector<2000x10xf32> to vector<2000x6xf32>
    %get3A_83 = arith.constant 0 : index
    %get3A_84 = arith.constant 0 : index
    %get3A_85 = vector.load %arg14[%get3A_83, %get3A_84] : memref<6x64xf32, #tpu.memory_space<vmem>>, vector<6x64xf32>
    %dot_general3A_86 = arith.constant dense<0.000000e+00> : vector<2000x64xf32>
    %dot_general3A_87 = tpu.matmul %slice3A_82, %get3A_85, %dot_general3A_86 {dimension_numbers = #tpu.dot_dimension_numbers<[1], [0], [0], [1], [0, 0, 1, 1], [], []>, transpose_lhs_hint = false} : vector<2000x6xf32>, vector<6x64xf32>, vector<2000x64xf32> -> vector<2000x64xf32>
    %add3A_88 = arith.addf %slice3A_5, %dot_general3A_87 : vector<2000x64xf32>
    %get3A_89 = arith.constant 0 : index
    %get3A_90 = arith.constant 0 : index
    %get3A_91 = vector.load %arg15[%get3A_89, %get3A_90] : memref<1x64xf32, #tpu.memory_space<vmem>>, vector<1x64xf32>
    %add3A_92 = vector.broadcast %get3A_91 : vector<1x64xf32> to vector<2000x64xf32>
    %add3A_93 = arith.addf %add3A_88, %add3A_92 : vector<2000x64xf32>
    %ge3A_94 = arith.constant 0.000000e+00 : f32
    %ge3A_95 = vector.broadcast %ge3A_94 : f32 to vector<2000x64xf32>
    %ge3A_96 = arith.cmpf oge, %add3A_93, %ge3A_95 : vector<2000x64xf32>
    %mul3A_97 = arith.constant 2.000000e-01 : f32
    %mul3A_98 = vector.broadcast %mul3A_97 : f32 to vector<2000x64xf32>
    %mul3A_99 = arith.mulf %mul3A_98, %add3A_93 : vector<2000x64xf32>
    %select_n3A_100 = arith.select %ge3A_96, %add3A_93, %mul3A_99 : vector<2000x64xi1>, vector<2000x64xf32>
    %get3A_101 = arith.constant 0 : index
    %get3A_102 = arith.constant 0 : index
    %get3A_103 = vector.load %arg16[%get3A_101, %get3A_102] : memref<64x64xf32, #tpu.memory_space<vmem>>, vector<64x64xf32>
    %dot_general3A_104 = arith.constant dense<0.000000e+00> : vector<2000x64xf32>
    %dot_general3A_105 = tpu.matmul %select_n3A_100, %get3A_103, %dot_general3A_104 {dimension_numbers = #tpu.dot_dimension_numbers<[1], [0], [0], [1], [0, 0, 1, 1], [], []>, transpose_lhs_hint = false} : vector<2000x64xf32>, vector<64x64xf32>, vector<2000x64xf32> -> vector<2000x64xf32>
    %get3A_106 = arith.constant 0 : index
    %get3A_107 = arith.constant 0 : index
    %get3A_108 = vector.load %arg17[%get3A_106, %get3A_107] : memref<1x64xf32, #tpu.memory_space<vmem>>, vector<1x64xf32>
    %add3A_109 = vector.broadcast %get3A_108 : vector<1x64xf32> to vector<2000x64xf32>
    %add3A_110 = arith.addf %dot_general3A_105, %add3A_109 : vector<2000x64xf32>
    %ge3A_111 = arith.constant 0.000000e+00 : f32
    %ge3A_112 = vector.broadcast %ge3A_111 : f32 to vector<2000x64xf32>
    %ge3A_113 = arith.cmpf oge, %add3A_110, %ge3A_112 : vector<2000x64xf32>
    %mul3A_114 = arith.constant 2.000000e-01 : f32
    %mul3A_115 = vector.broadcast %mul3A_114 : f32 to vector<2000x64xf32>
    %mul3A_116 = arith.mulf %mul3A_115, %add3A_110 : vector<2000x64xf32>
    %select_n3A_117 = arith.select %ge3A_113, %add3A_110, %mul3A_116 : vector<2000x64xi1>, vector<2000x64xf32>
    %get3A_118 = arith.constant 0 : index
    %get3A_119 = arith.constant 0 : index
    %get3A_120 = vector.load %arg18[%get3A_118, %get3A_119] : memref<64x64xf32, #tpu.memory_space<vmem>>, vector<64x64xf32>
    %dot_general3A_121 = arith.constant dense<0.000000e+00> : vector<2000x64xf32>
    %dot_general3A_122 = tpu.matmul %select_n3A_117, %get3A_120, %dot_general3A_121 {dimension_numbers = #tpu.dot_dimension_numbers<[1], [0], [0], [1], [0, 0, 1, 1], [], []>, transpose_lhs_hint = false} : vector<2000x64xf32>, vector<64x64xf32>, vector<2000x64xf32> -> vector<2000x64xf32>
    %get3A_123 = arith.constant 0 : index
    %get3A_124 = arith.constant 0 : index
    %get3A_125 = vector.load %arg19[%get3A_123, %get3A_124] : memref<1x64xf32, #tpu.memory_space<vmem>>, vector<1x64xf32>
    %add3A_126 = vector.broadcast %get3A_125 : vector<1x64xf32> to vector<2000x64xf32>
    %add3A_127 = arith.addf %dot_general3A_122, %add3A_126 : vector<2000x64xf32>
    %broadcast_in_dim3A = arith.constant 1.000000e+00 : f32
    %broadcast_in_dim3A_128 = vector.broadcast %broadcast_in_dim3A : f32 to vector<2000x1xf32>
    %broadcast_in_dim3A_129 = arith.constant 0.000000e+00 : f32
    %broadcast_in_dim3A_130 = vector.broadcast %broadcast_in_dim3A_129 : f32 to vector<2000x31xf32>
    %concatenate3A = tpu.concatenate %mul3A_69, %add3A_127, %broadcast_in_dim3A_128, %broadcast_in_dim3A_130 in 1 : vector<2000x32xf32>, vector<2000x64xf32>, vector<2000x1xf32>, vector<2000x31xf32> -> vector<2000x128xf32>
    %swap3A = arith.constant 0 : index
    %swap3A_131 = arith.constant 0 : index
    %swap3A_132 = vector.load %arg20[%swap3A, %swap3A_131] : memref<2000x128xf32, #tpu.memory_space<vmem>>, vector<2000x128xf32>
    tpu.vector_store %arg20[%swap3A, %swap3A_131], %concatenate3A {strides = array<i32>} : memref<2000x128xf32, #tpu.memory_space<vmem>>, vector<2000x128xf32>,
    %reshape3A_133 = vector.shape_cast %mul3A_81 : vector<32x2000xf32> to vector<1x32x2000xf32>
    %swap3A_134 = arith.constant 0 : index
    %swap3A_135 = arith.constant 0 : index
    %swap3A_136 = arith.constant 0 : index
    %swap3A_137 = vector.load %arg21[%swap3A_134, %swap3A_135, %swap3A_136] : memref<1x32x2000xf32, #tpu.memory_space<vmem>>, vector<1x32x2000xf32>
    tpu.vector_store %arg21[%swap3A_134, %swap3A_135, %swap3A_136], %reshape3A_133 {strides = array<i32>} : memref<1x32x2000xf32, #tpu.memory_space<vmem>>, vector<1x32x2000xf32>,
    return
  }
  func.func @transform_0(%arg0: i32) -> (i32, i32) {
    %c0_i32 = arith.constant 0 : i32
    %c0_i32_0 = arith.constant 0 : i32
    return %arg0, %c0_i32 : i32, i32
  }
  func.func @transform_1(%arg0: i32) -> (i32, i32) {
    %c0_i32 = arith.constant 0 : i32
    %c0_i32_0 = arith.constant 0 : i32
    return %arg0, %c0_i32 : i32, i32
  }
  func.func @transform_2(%arg0: i32) -> (i32, i32) {
    %c0_i32 = arith.constant 0 : i32
    %c0_i32_0 = arith.constant 0 : i32
    return %arg0, %c0_i32 : i32, i32
  }
  func.func @transform_3(%arg0: i32) -> (i32, i32) {
    %c0_i32 = arith.constant 0 : i32
    %c0_i32_0 = arith.constant 0 : i32
    %c0_i32_1 = arith.constant 0 : i32
    return %c0_i32, %c0_i32_0 : i32, i32
  }
  func.func @transform_4(%arg0: i32) -> (i32, i32) {
    %c0_i32 = arith.constant 0 : i32
    %c0_i32_0 = arith.constant 0 : i32
    %c0_i32_1 = arith.constant 0 : i32
    return %c0_i32, %c0_i32_0 : i32, i32
  }
  func.func @transform_5(%arg0: i32) -> (i32, i32) {
    %c0_i32 = arith.constant 0 : i32
    %c0_i32_0 = arith.constant 0 : i32
    %c0_i32_1 = arith.constant 0 : i32
    return %c0_i32, %c0_i32_0 : i32, i32
  }
  func.func @transform_6(%arg0: i32) -> (i32, i32) {
    %c0_i32 = arith.constant 0 : i32
    %c0_i32_0 = arith.constant 0 : i32
    %c0_i32_1 = arith.constant 0 : i32
    return %c0_i32, %c0_i32_0 : i32, i32
  }
  func.func @transform_7(%arg0: i32) -> (i32, i32) {
    %c0_i32 = arith.constant 0 : i32
    %c0_i32_0 = arith.constant 0 : i32
    %c0_i32_1 = arith.constant 0 : i32
    return %c0_i32, %c0_i32_0 : i32, i32
  }
  func.func @transform_8(%arg0: i32) -> (i32, i32) {
    %c0_i32 = arith.constant 0 : i32
    %c0_i32_0 = arith.constant 0 : i32
    %c0_i32_1 = arith.constant 0 : i32
    return %c0_i32, %c0_i32_0 : i32, i32
  }
  func.func @transform_9(%arg0: i32) -> (i32, i32) {
    %c0_i32 = arith.constant 0 : i32
    %c0_i32_0 = arith.constant 0 : i32
    %c0_i32_1 = arith.constant 0 : i32
    return %c0_i32, %c0_i32_0 : i32, i32
  }
  func.func @transform_10(%arg0: i32) -> (i32, i32) {
    %c0_i32 = arith.constant 0 : i32
    %c0_i32_0 = arith.constant 0 : i32
    %c0_i32_1 = arith.constant 0 : i32
    return %c0_i32, %c0_i32_0 : i32, i32
  }
  func.func @transform_11(%arg0: i32) -> (i32, i32) {
    %c0_i32 = arith.constant 0 : i32
    %c0_i32_0 = arith.constant 0 : i32
    %c0_i32_1 = arith.constant 0 : i32
    return %c0_i32, %c0_i32_0 : i32, i32
  }
  func.func @transform_12(%arg0: i32) -> (i32, i32) {
    %c0_i32 = arith.constant 0 : i32
    %c0_i32_0 = arith.constant 0 : i32
    %c0_i32_1 = arith.constant 0 : i32
    return %c0_i32, %c0_i32_0 : i32, i32
  }
  func.func @transform_13(%arg0: i32) -> (i32, i32) {
    %c0_i32 = arith.constant 0 : i32
    %c0_i32_0 = arith.constant 0 : i32
    %c0_i32_1 = arith.constant 0 : i32
    return %c0_i32, %c0_i32_0 : i32, i32
  }
  func.func @transform_14(%arg0: i32) -> (i32, i32) {
    %c0_i32 = arith.constant 0 : i32
    %c0_i32_0 = arith.constant 0 : i32
    %c0_i32_1 = arith.constant 0 : i32
    return %c0_i32, %c0_i32_0 : i32, i32
  }
  func.func @transform_15(%arg0: i32) -> (i32, i32) {
    %c0_i32 = arith.constant 0 : i32
    %c0_i32_0 = arith.constant 0 : i32
    %c0_i32_1 = arith.constant 0 : i32
    return %c0_i32, %c0_i32_0 : i32, i32
  }
  func.func @transform_16(%arg0: i32) -> (i32, i32) {
    %c0_i32 = arith.constant 0 : i32
    %c0_i32_0 = arith.constant 0 : i32
    %c0_i32_1 = arith.constant 0 : i32
    return %c0_i32, %c0_i32_0 : i32, i32
  }
  func.func @transform_17(%arg0: i32) -> (i32, i32) {
    %c0_i32 = arith.constant 0 : i32
    %c0_i32_0 = arith.constant 0 : i32
    %c0_i32_1 = arith.constant 0 : i32
    return %c0_i32, %c0_i32_0 : i32, i32
  }
  func.func @transform_18(%arg0: i32) -> (i32, i32) {
    %c0_i32 = arith.constant 0 : i32
    %c0_i32_0 = arith.constant 0 : i32
    %c0_i32_1 = arith.constant 0 : i32
    return %c0_i32, %c0_i32_0 : i32, i32
  }
  func.func @transform_19(%arg0: i32) -> (i32, i32) {
    %c0_i32 = arith.constant 0 : i32
    %c0_i32_0 = arith.constant 0 : i32
    return %arg0, %c0_i32 : i32, i32
  }
  func.func @transform_20(%arg0: i32) -> (i32, i32, i32) {
    %c0_i32 = arith.constant 0 : i32
    %c0_i32_0 = arith.constant 0 : i32
    %c0_i32_1 = arith.constant 0 : i32
    return %arg0, %c0_i32, %c0_i32_0 : i32, i32, i32
  }
}

module attributes {stable_mosaic.version = 14 : i64} {
  func.func @_net_body(%arg0: i32, %arg1: memref<2000x128xf32, #tpu.memory_space<vmem>>, %arg2: memref<2000x128xf32, #tpu.memory_space<vmem>>, %arg3: memref<2000x16xf32, #tpu.memory_space<vmem>>, %arg4: memref<16x64xf32, #tpu.memory_space<vmem>>, %arg5: memref<1x64xf32, #tpu.memory_space<vmem>>, %arg6: memref<64x64xf32, #tpu.memory_space<vmem>>, %arg7: memref<1x64xf32, #tpu.memory_space<vmem>>, %arg8: memref<64x64xf32, #tpu.memory_space<vmem>>, %arg9: memref<1x64xf32, #tpu.memory_space<vmem>>, %arg10: memref<16x64xf32, #tpu.memory_space<vmem>>, %arg11: memref<1x64xf32, #tpu.memory_space<vmem>>, %arg12: memref<64x64xf32, #tpu.memory_space<vmem>>, %arg13: memref<1x64xf32, #tpu.memory_space<vmem>>, %arg14: memref<64x64xf32, #tpu.memory_space<vmem>>, %arg15: memref<1x64xf32, #tpu.memory_space<vmem>>, %arg16: memref<2000x128xf32, #tpu.memory_space<vmem>>) attributes {dimension_semantics = [#tpu.dimension_semantics<arbitrary>], iteration_bounds = array<i64: 160>, scalar_prefetch = 0 : i64, scratch_operands = 0 : i64, tpu.core_type = #tpu.core_type<tc>, window_params = [{transform_indices = @transform_0, window_bounds = array<i64: 2000, 128>}, {transform_indices = @transform_1, window_bounds = array<i64: 2000, 128>}, {transform_indices = @transform_2, window_bounds = array<i64: 2000, 16>}, {pipeline_mode = #tpu.pipeline_mode<synchronous>, transform_indices = @transform_3, window_bounds = array<i64: 16, 64>}, {pipeline_mode = #tpu.pipeline_mode<synchronous>, transform_indices = @transform_4, window_bounds = array<i64: 1, 64>}, {pipeline_mode = #tpu.pipeline_mode<synchronous>, transform_indices = @transform_5, window_bounds = array<i64: 64, 64>}, {pipeline_mode = #tpu.pipeline_mode<synchronous>, transform_indices = @transform_6, window_bounds = array<i64: 1, 64>}, {pipeline_mode = #tpu.pipeline_mode<synchronous>, transform_indices = @transform_7, window_bounds = array<i64: 64, 64>}, {pipeline_mode = #tpu.pipeline_mode<synchronous>, transform_indices = @transform_8, window_bounds = array<i64: 1, 64>}, {pipeline_mode = #tpu.pipeline_mode<synchronous>, transform_indices = @transform_9, window_bounds = array<i64: 16, 64>}, {pipeline_mode = #tpu.pipeline_mode<synchronous>, transform_indices = @transform_10, window_bounds = array<i64: 1, 64>}, {pipeline_mode = #tpu.pipeline_mode<synchronous>, transform_indices = @transform_11, window_bounds = array<i64: 64, 64>}, {pipeline_mode = #tpu.pipeline_mode<synchronous>, transform_indices = @transform_12, window_bounds = array<i64: 1, 64>}, {pipeline_mode = #tpu.pipeline_mode<synchronous>, transform_indices = @transform_13, window_bounds = array<i64: 64, 64>}, {pipeline_mode = #tpu.pipeline_mode<synchronous>, transform_indices = @transform_14, window_bounds = array<i64: 1, 64>}, {transform_indices = @transform_15, window_bounds = array<i64: 2000, 128>}]} {
    %get3A = arith.constant 0 : index
    %get3A_0 = arith.constant 0 : index
    %get3A_1 = vector.load %arg1[%get3A, %get3A_0] : memref<2000x128xf32, #tpu.memory_space<vmem>>, vector<2000x128xf32>
    %get3A_2 = arith.constant 0 : index
    %get3A_3 = arith.constant 0 : index
    %get3A_4 = vector.load %arg2[%get3A_2, %get3A_3] : memref<2000x128xf32, #tpu.memory_space<vmem>>, vector<2000x128xf32>
    %add3A = arith.addf %get3A_1, %get3A_4 : vector<2000x128xf32>
    %slice3A = vector.extract_strided_slice %add3A {offsets = [0, 0], sizes = [2000, 64], strides = [1, 1]} : vector<2000x128xf32> to vector<2000x64xf32>
    %slice3A_5 = vector.extract_strided_slice %add3A {offsets = [0, 64], sizes = [2000, 64], strides = [1, 1]} : vector<2000x128xf32> to vector<2000x64xf32>
    %get3A_6 = arith.constant 0 : index
    %get3A_7 = arith.constant 0 : index
    %get3A_8 = vector.load %arg3[%get3A_6, %get3A_7] : memref<2000x16xf32, #tpu.memory_space<vmem>>, vector<2000x16xf32>
    %get3A_9 = arith.constant 0 : index
    %get3A_10 = arith.constant 0 : index
    %get3A_11 = vector.load %arg4[%get3A_9, %get3A_10] : memref<16x64xf32, #tpu.memory_space<vmem>>, vector<16x64xf32>
    %dot_general3A = arith.constant dense<0.000000e+00> : vector<2000x64xf32>
    %dot_general3A_12 = tpu.matmul %get3A_8, %get3A_11, %dot_general3A {dimension_numbers = #tpu.dot_dimension_numbers<[1], [0], [0], [1], [0, 0, 1, 1], [], []>, transpose_lhs_hint = false} : vector<2000x16xf32>, vector<16x64xf32>, vector<2000x64xf32> -> vector<2000x64xf32>
    %add3A_13 = arith.addf %slice3A, %dot_general3A_12 : vector<2000x64xf32>
    %get3A_14 = arith.constant 0 : index
    %get3A_15 = arith.constant 0 : index
    %get3A_16 = vector.load %arg5[%get3A_14, %get3A_15] : memref<1x64xf32, #tpu.memory_space<vmem>>, vector<1x64xf32>
    %add3A_17 = vector.broadcast %get3A_16 : vector<1x64xf32> to vector<2000x64xf32>
    %add3A_18 = arith.addf %add3A_13, %add3A_17 : vector<2000x64xf32>
    %ge3A = arith.constant 0.000000e+00 : f32
    %ge3A_19 = vector.broadcast %ge3A : f32 to vector<2000x64xf32>
    %ge3A_20 = arith.cmpf oge, %add3A_18, %ge3A_19 : vector<2000x64xf32>
    %mul3A = arith.constant 2.000000e-01 : f32
    %mul3A_21 = vector.broadcast %mul3A : f32 to vector<2000x64xf32>
    %mul3A_22 = arith.mulf %mul3A_21, %add3A_18 : vector<2000x64xf32>
    %select_n3A = arith.select %ge3A_20, %add3A_18, %mul3A_22 : vector<2000x64xi1>, vector<2000x64xf32>
    %get3A_23 = arith.constant 0 : index
    %get3A_24 = arith.constant 0 : index
    %get3A_25 = vector.load %arg6[%get3A_23, %get3A_24] : memref<64x64xf32, #tpu.memory_space<vmem>>, vector<64x64xf32>
    %dot_general3A_26 = arith.constant dense<0.000000e+00> : vector<2000x64xf32>
    %dot_general3A_27 = tpu.matmul %select_n3A, %get3A_25, %dot_general3A_26 {dimension_numbers = #tpu.dot_dimension_numbers<[1], [0], [0], [1], [0, 0, 1, 1], [], []>, transpose_lhs_hint = false} : vector<2000x64xf32>, vector<64x64xf32>, vector<2000x64xf32> -> vector<2000x64xf32>
    %get3A_28 = arith.constant 0 : index
    %get3A_29 = arith.constant 0 : index
    %get3A_30 = vector.load %arg7[%get3A_28, %get3A_29] : memref<1x64xf32, #tpu.memory_space<vmem>>, vector<1x64xf32>
    %add3A_31 = vector.broadcast %get3A_30 : vector<1x64xf32> to vector<2000x64xf32>
    %add3A_32 = arith.addf %dot_general3A_27, %add3A_31 : vector<2000x64xf32>
    %ge3A_33 = arith.constant 0.000000e+00 : f32
    %ge3A_34 = vector.broadcast %ge3A_33 : f32 to vector<2000x64xf32>
    %ge3A_35 = arith.cmpf oge, %add3A_32, %ge3A_34 : vector<2000x64xf32>
    %mul3A_36 = arith.constant 2.000000e-01 : f32
    %mul3A_37 = vector.broadcast %mul3A_36 : f32 to vector<2000x64xf32>
    %mul3A_38 = arith.mulf %mul3A_37, %add3A_32 : vector<2000x64xf32>
    %select_n3A_39 = arith.select %ge3A_35, %add3A_32, %mul3A_38 : vector<2000x64xi1>, vector<2000x64xf32>
    %get3A_40 = arith.constant 0 : index
    %get3A_41 = arith.constant 0 : index
    %get3A_42 = vector.load %arg8[%get3A_40, %get3A_41] : memref<64x64xf32, #tpu.memory_space<vmem>>, vector<64x64xf32>
    %dot_general3A_43 = arith.constant dense<0.000000e+00> : vector<2000x64xf32>
    %dot_general3A_44 = tpu.matmul %select_n3A_39, %get3A_42, %dot_general3A_43 {dimension_numbers = #tpu.dot_dimension_numbers<[1], [0], [0], [1], [0, 0, 1, 1], [], []>, transpose_lhs_hint = false} : vector<2000x64xf32>, vector<64x64xf32>, vector<2000x64xf32> -> vector<2000x64xf32>
    %get3A_45 = arith.constant 0 : index
    %get3A_46 = arith.constant 0 : index
    %get3A_47 = vector.load %arg9[%get3A_45, %get3A_46] : memref<1x64xf32, #tpu.memory_space<vmem>>, vector<1x64xf32>
    %add3A_48 = vector.broadcast %get3A_47 : vector<1x64xf32> to vector<2000x64xf32>
    %add3A_49 = arith.addf %dot_general3A_44, %add3A_48 : vector<2000x64xf32>
    %get3A_50 = arith.constant 0 : index
    %get3A_51 = arith.constant 0 : index
    %get3A_52 = vector.load %arg10[%get3A_50, %get3A_51] : memref<16x64xf32, #tpu.memory_space<vmem>>, vector<16x64xf32>
    %dot_general3A_53 = arith.constant dense<0.000000e+00> : vector<2000x64xf32>
    %dot_general3A_54 = tpu.matmul %get3A_8, %get3A_52, %dot_general3A_53 {dimension_numbers = #tpu.dot_dimension_numbers<[1], [0], [0], [1], [0, 0, 1, 1], [], []>, transpose_lhs_hint = false} : vector<2000x16xf32>, vector<16x64xf32>, vector<2000x64xf32> -> vector<2000x64xf32>
    %add3A_55 = arith.addf %slice3A_5, %dot_general3A_54 : vector<2000x64xf32>
    %get3A_56 = arith.constant 0 : index
    %get3A_57 = arith.constant 0 : index
    %get3A_58 = vector.load %arg11[%get3A_56, %get3A_57] : memref<1x64xf32, #tpu.memory_space<vmem>>, vector<1x64xf32>
    %add3A_59 = vector.broadcast %get3A_58 : vector<1x64xf32> to vector<2000x64xf32>
    %add3A_60 = arith.addf %add3A_55, %add3A_59 : vector<2000x64xf32>
    %ge3A_61 = arith.constant 0.000000e+00 : f32
    %ge3A_62 = vector.broadcast %ge3A_61 : f32 to vector<2000x64xf32>
    %ge3A_63 = arith.cmpf oge, %add3A_60, %ge3A_62 : vector<2000x64xf32>
    %mul3A_64 = arith.constant 2.000000e-01 : f32
    %mul3A_65 = vector.broadcast %mul3A_64 : f32 to vector<2000x64xf32>
    %mul3A_66 = arith.mulf %mul3A_65, %add3A_60 : vector<2000x64xf32>
    %select_n3A_67 = arith.select %ge3A_63, %add3A_60, %mul3A_66 : vector<2000x64xi1>, vector<2000x64xf32>
    %get3A_68 = arith.constant 0 : index
    %get3A_69 = arith.constant 0 : index
    %get3A_70 = vector.load %arg12[%get3A_68, %get3A_69] : memref<64x64xf32, #tpu.memory_space<vmem>>, vector<64x64xf32>
    %dot_general3A_71 = arith.constant dense<0.000000e+00> : vector<2000x64xf32>
    %dot_general3A_72 = tpu.matmul %select_n3A_67, %get3A_70, %dot_general3A_71 {dimension_numbers = #tpu.dot_dimension_numbers<[1], [0], [0], [1], [0, 0, 1, 1], [], []>, transpose_lhs_hint = false} : vector<2000x64xf32>, vector<64x64xf32>, vector<2000x64xf32> -> vector<2000x64xf32>
    %get3A_73 = arith.constant 0 : index
    %get3A_74 = arith.constant 0 : index
    %get3A_75 = vector.load %arg13[%get3A_73, %get3A_74] : memref<1x64xf32, #tpu.memory_space<vmem>>, vector<1x64xf32>
    %add3A_76 = vector.broadcast %get3A_75 : vector<1x64xf32> to vector<2000x64xf32>
    %add3A_77 = arith.addf %dot_general3A_72, %add3A_76 : vector<2000x64xf32>
    %ge3A_78 = arith.constant 0.000000e+00 : f32
    %ge3A_79 = vector.broadcast %ge3A_78 : f32 to vector<2000x64xf32>
    %ge3A_80 = arith.cmpf oge, %add3A_77, %ge3A_79 : vector<2000x64xf32>
    %mul3A_81 = arith.constant 2.000000e-01 : f32
    %mul3A_82 = vector.broadcast %mul3A_81 : f32 to vector<2000x64xf32>
    %mul3A_83 = arith.mulf %mul3A_82, %add3A_77 : vector<2000x64xf32>
    %select_n3A_84 = arith.select %ge3A_80, %add3A_77, %mul3A_83 : vector<2000x64xi1>, vector<2000x64xf32>
    %get3A_85 = arith.constant 0 : index
    %get3A_86 = arith.constant 0 : index
    %get3A_87 = vector.load %arg14[%get3A_85, %get3A_86] : memref<64x64xf32, #tpu.memory_space<vmem>>, vector<64x64xf32>
    %dot_general3A_88 = arith.constant dense<0.000000e+00> : vector<2000x64xf32>
    %dot_general3A_89 = tpu.matmul %select_n3A_84, %get3A_87, %dot_general3A_88 {dimension_numbers = #tpu.dot_dimension_numbers<[1], [0], [0], [1], [0, 0, 1, 1], [], []>, transpose_lhs_hint = false} : vector<2000x64xf32>, vector<64x64xf32>, vector<2000x64xf32> -> vector<2000x64xf32>
    %get3A_90 = arith.constant 0 : index
    %get3A_91 = arith.constant 0 : index
    %get3A_92 = vector.load %arg15[%get3A_90, %get3A_91] : memref<1x64xf32, #tpu.memory_space<vmem>>, vector<1x64xf32>
    %add3A_93 = vector.broadcast %get3A_92 : vector<1x64xf32> to vector<2000x64xf32>
    %add3A_94 = arith.addf %dot_general3A_89, %add3A_93 : vector<2000x64xf32>
    %concatenate3A = tpu.concatenate %add3A_49, %add3A_94 in 1 : vector<2000x64xf32>, vector<2000x64xf32> -> vector<2000x128xf32>
    %swap3A = arith.constant 0 : index
    %swap3A_95 = arith.constant 0 : index
    %swap3A_96 = vector.load %arg16[%swap3A, %swap3A_95] : memref<2000x128xf32, #tpu.memory_space<vmem>>, vector<2000x128xf32>
    tpu.vector_store %arg16[%swap3A, %swap3A_95], %concatenate3A {strides = array<i32>} : memref<2000x128xf32, #tpu.memory_space<vmem>>, vector<2000x128xf32>,
    return
  }
  func.func @transform_0(%arg0: i32) -> (i32, i32) {
    %c0_i32 = arith.constant 0 : i32
    %c0_i32_0 = arith.constant 0 : i32
    return %arg0, %c0_i32 : i32, i32
  }
  func.func @transform_1(%arg0: i32) -> (i32, i32) {
    %c0_i32 = arith.constant 0 : i32
    %c0_i32_0 = arith.constant 0 : i32
    return %arg0, %c0_i32 : i32, i32
  }
  func.func @transform_2(%arg0: i32) -> (i32, i32) {
    %c0_i32 = arith.constant 0 : i32
    %c0_i32_0 = arith.constant 0 : i32
    return %arg0, %c0_i32 : i32, i32
  }
  func.func @transform_3(%arg0: i32) -> (i32, i32) {
    %c0_i32 = arith.constant 0 : i32
    %c0_i32_0 = arith.constant 0 : i32
    %c0_i32_1 = arith.constant 0 : i32
    return %c0_i32, %c0_i32_0 : i32, i32
  }
  func.func @transform_4(%arg0: i32) -> (i32, i32) {
    %c0_i32 = arith.constant 0 : i32
    %c0_i32_0 = arith.constant 0 : i32
    %c0_i32_1 = arith.constant 0 : i32
    return %c0_i32, %c0_i32_0 : i32, i32
  }
  func.func @transform_5(%arg0: i32) -> (i32, i32) {
    %c0_i32 = arith.constant 0 : i32
    %c0_i32_0 = arith.constant 0 : i32
    %c0_i32_1 = arith.constant 0 : i32
    return %c0_i32, %c0_i32_0 : i32, i32
  }
  func.func @transform_6(%arg0: i32) -> (i32, i32) {
    %c0_i32 = arith.constant 0 : i32
    %c0_i32_0 = arith.constant 0 : i32
    %c0_i32_1 = arith.constant 0 : i32
    return %c0_i32, %c0_i32_0 : i32, i32
  }
  func.func @transform_7(%arg0: i32) -> (i32, i32) {
    %c0_i32 = arith.constant 0 : i32
    %c0_i32_0 = arith.constant 0 : i32
    %c0_i32_1 = arith.constant 0 : i32
    return %c0_i32, %c0_i32_0 : i32, i32
  }
  func.func @transform_8(%arg0: i32) -> (i32, i32) {
    %c0_i32 = arith.constant 0 : i32
    %c0_i32_0 = arith.constant 0 : i32
    %c0_i32_1 = arith.constant 0 : i32
    return %c0_i32, %c0_i32_0 : i32, i32
  }
  func.func @transform_9(%arg0: i32) -> (i32, i32) {
    %c0_i32 = arith.constant 0 : i32
    %c0_i32_0 = arith.constant 0 : i32
    %c0_i32_1 = arith.constant 0 : i32
    return %c0_i32, %c0_i32_0 : i32, i32
  }
  func.func @transform_10(%arg0: i32) -> (i32, i32) {
    %c0_i32 = arith.constant 0 : i32
    %c0_i32_0 = arith.constant 0 : i32
    %c0_i32_1 = arith.constant 0 : i32
    return %c0_i32, %c0_i32_0 : i32, i32
  }
  func.func @transform_11(%arg0: i32) -> (i32, i32) {
    %c0_i32 = arith.constant 0 : i32
    %c0_i32_0 = arith.constant 0 : i32
    %c0_i32_1 = arith.constant 0 : i32
    return %c0_i32, %c0_i32_0 : i32, i32
  }
  func.func @transform_12(%arg0: i32) -> (i32, i32) {
    %c0_i32 = arith.constant 0 : i32
    %c0_i32_0 = arith.constant 0 : i32
    %c0_i32_1 = arith.constant 0 : i32
    return %c0_i32, %c0_i32_0 : i32, i32
  }
  func.func @transform_13(%arg0: i32) -> (i32, i32) {
    %c0_i32 = arith.constant 0 : i32
    %c0_i32_0 = arith.constant 0 : i32
    %c0_i32_1 = arith.constant 0 : i32
    return %c0_i32, %c0_i32_0 : i32, i32
  }
  func.func @transform_14(%arg0: i32) -> (i32, i32) {
    %c0_i32 = arith.constant 0 : i32
    %c0_i32_0 = arith.constant 0 : i32
    %c0_i32_1 = arith.constant 0 : i32
    return %c0_i32, %c0_i32_0 : i32, i32
  }
  func.func @transform_15(%arg0: i32) -> (i32, i32) {
    %c0_i32 = arith.constant 0 : i32
    %c0_i32_0 = arith.constant 0 : i32
    return %arg0, %c0_i32 : i32, i32
  }
}

module attributes {stable_mosaic.version = 14 : i64} {
  func.func @_final_body(%arg0: i32, %arg1: memref<1000x128xf32, #tpu.memory_space<vmem>>, %arg2: memref<1000x128xf32, #tpu.memory_space<vmem>>, %arg3: memref<1000x128xf32, #tpu.memory_space<vmem>>, %arg4: memref<1x32x1000xf32, #tpu.memory_space<vmem>>, %arg5: memref<128x64xf32, #tpu.memory_space<vmem>>, %arg6: memref<32x64xf32, #tpu.memory_space<vmem>>, %arg7: memref<32x64xf32, #tpu.memory_space<vmem>>, %arg8: memref<64x64xf32, #tpu.memory_space<vmem>>, %arg9: memref<64x64xf32, #tpu.memory_space<vmem>>, %arg10: memref<64x64xf32, #tpu.memory_space<vmem>>, %arg11: memref<1x64xf32, #tpu.memory_space<vmem>>, %arg12: memref<64x64xf32, #tpu.memory_space<vmem>>, %arg13: memref<1x64xf32, #tpu.memory_space<vmem>>, %arg14: memref<64x128xf32, #tpu.memory_space<vmem>>, %arg15: memref<1x128xf32, #tpu.memory_space<vmem>>, %arg16: memref<1000x128xf32, #tpu.memory_space<vmem>>) attributes {dimension_semantics = [#tpu.dimension_semantics<arbitrary>], iteration_bounds = array<i64: 10>, scalar_prefetch = 0 : i64, scratch_operands = 0 : i64, tpu.core_type = #tpu.core_type<tc>, window_params = [{transform_indices = @transform_0, window_bounds = array<i64: 1000, 128>}, {transform_indices = @transform_1, window_bounds = array<i64: 1000, 128>}, {transform_indices = @transform_2, window_bounds = array<i64: 1000, 128>}, {transform_indices = @transform_3, window_bounds = array<i64: 1, 32, 1000>}, {pipeline_mode = #tpu.pipeline_mode<synchronous>, transform_indices = @transform_4, window_bounds = array<i64: 128, 64>}, {pipeline_mode = #tpu.pipeline_mode<synchronous>, transform_indices = @transform_5, window_bounds = array<i64: 32, 64>}, {pipeline_mode = #tpu.pipeline_mode<synchronous>, transform_indices = @transform_6, window_bounds = array<i64: 32, 64>}, {pipeline_mode = #tpu.pipeline_mode<synchronous>, transform_indices = @transform_7, window_bounds = array<i64: 64, 64>}, {pipeline_mode = #tpu.pipeline_mode<synchronous>, transform_indices = @transform_8, window_bounds = array<i64: 64, 64>}, {pipeline_mode = #tpu.pipeline_mode<synchronous>, transform_indices = @transform_9, window_bounds = array<i64: 64, 64>}, {pipeline_mode = #tpu.pipeline_mode<synchronous>, transform_indices = @transform_10, window_bounds = array<i64: 1, 64>}, {pipeline_mode = #tpu.pipeline_mode<synchronous>, transform_indices = @transform_11, window_bounds = array<i64: 64, 64>}, {pipeline_mode = #tpu.pipeline_mode<synchronous>, transform_indices = @transform_12, window_bounds = array<i64: 1, 64>}, {pipeline_mode = #tpu.pipeline_mode<synchronous>, transform_indices = @transform_13, window_bounds = array<i64: 64, 128>}, {pipeline_mode = #tpu.pipeline_mode<synchronous>, transform_indices = @transform_14, window_bounds = array<i64: 1, 128>}, {transform_indices = @transform_15, window_bounds = array<i64: 1000, 128>}]} {
    %get3A = arith.constant 0 : index
    %get3A_0 = arith.constant 0 : index
    %get3A_1 = vector.load %arg2[%get3A, %get3A_0] : memref<1000x128xf32, #tpu.memory_space<vmem>>, vector<1000x128xf32>
    %slice3A = vector.extract_strided_slice %get3A_1 {offsets = [0, 96], sizes = [1000, 1], strides = [1, 1]} : vector<1000x128xf32> to vector<1000x1xf32>
    %max3A = arith.constant 1.000000e+00 : f32
    %max3A_2 = vector.broadcast %max3A : f32 to vector<1000x1xf32>
    %max3A_3 = arith.maximumf %slice3A, %max3A_2 : vector<1000x1xf32>
    %div3A = arith.constant 1.000000e+00 : f32
    %div3A_4 = vector.broadcast %div3A : f32 to vector<1000x1xf32>
    %div3A_5 = arith.divf %div3A_4, %max3A_3 : vector<1000x1xf32>
    %slice3A_6 = vector.extract_strided_slice %get3A_1 {offsets = [0, 0], sizes = [1000, 32], strides = [1, 1]} : vector<1000x128xf32> to vector<1000x32xf32>
    %slice3A_7 = vector.extract_strided_slice %get3A_1 {offsets = [0, 32], sizes = [1000, 64], strides = [1, 1]} : vector<1000x128xf32> to vector<1000x64xf32>
    %mul3A = vector.broadcast %div3A_5 : vector<1000x1xf32> to vector<1000x64xf32>
    %mul3A_8 = arith.mulf %slice3A_7, %mul3A : vector<1000x64xf32>
    %get3A_9 = arith.constant 0 : index
    %get3A_10 = arith.constant 0 : index
    %get3A_11 = vector.load %arg3[%get3A_9, %get3A_10] : memref<1000x128xf32, #tpu.memory_space<vmem>>, vector<1000x128xf32>
    %slice3A_12 = vector.extract_strided_slice %get3A_1 {offsets = [0, 97], sizes = [1000, 1], strides = [1, 1]} : vector<1000x128xf32> to vector<1000x1xf32>
    %max3A_13 = arith.constant 1.000000e+00 : f32
    %max3A_14 = vector.broadcast %max3A_13 : f32 to vector<1000x1xf32>
    %max3A_15 = arith.maximumf %slice3A_12, %max3A_14 : vector<1000x1xf32>
    %div3A_16 = arith.constant 1.000000e+00 : f32
    %div3A_17 = vector.broadcast %div3A_16 : f32 to vector<1000x1xf32>
    %div3A_18 = arith.divf %div3A_17, %max3A_15 : vector<1000x1xf32>
    %slice3A_19 = vector.extract_strided_slice %get3A_11 {offsets = [0, 0], sizes = [1000, 64], strides = [1, 1]} : vector<1000x128xf32> to vector<1000x64xf32>
    %mul3A_20 = vector.broadcast %div3A_18 : vector<1000x1xf32> to vector<1000x64xf32>
    %mul3A_21 = arith.mulf %slice3A_19, %mul3A_20 : vector<1000x64xf32>
    %slice3A_22 = vector.extract_strided_slice %get3A_11 {offsets = [0, 64], sizes = [1000, 64], strides = [1, 1]} : vector<1000x128xf32> to vector<1000x64xf32>
    %mul3A_23 = vector.broadcast %div3A_18 : vector<1000x1xf32> to vector<1000x64xf32>
    %mul3A_24 = arith.mulf %slice3A_22, %mul3A_23 : vector<1000x64xf32>
    %get3A_25 = arith.constant 0 : index
    %get3A_26 = arith.constant 0 : index
    %get3A_27 = arith.constant 0 : index
    %get3A_28 = vector.load %arg4[%get3A_25, %get3A_26, %get3A_27] : memref<1x32x1000xf32, #tpu.memory_space<vmem>>, vector<1x32x1000xf32>
    %get3A_29 = vector.shape_cast %get3A_28 : vector<1x32x1000xf32> to vector<32x1000xf32>
    %get3A_30 = arith.constant 0 : index
    %get3A_31 = arith.constant 0 : index
    %get3A_32 = vector.load %arg7[%get3A_30, %get3A_31] : memref<32x64xf32, #tpu.memory_space<vmem>>, vector<32x64xf32>
    %dot_general3A = arith.constant dense<0.000000e+00> : vector<1000x64xf32>
    %dot_general3A_33 = tpu.matmul %get3A_29, %get3A_32, %dot_general3A {dimension_numbers = #tpu.dot_dimension_numbers<[0], [0], [1], [1], [0, 1, 1, 1], [], []>, transpose_lhs_hint = false} : vector<32x1000xf32>, vector<32x64xf32>, vector<1000x64xf32> -> vector<1000x64xf32>
    %gt3A = arith.constant 0.000000e+00 : f32
    %gt3A_34 = vector.broadcast %gt3A : f32 to vector<1000x1xf32>
    %gt3A_35 = arith.cmpf ogt, %slice3A, %gt3A_34 : vector<1000x1xf32>
    %jit3A = arith.constant 0.000000e+00 : f32
    %broadcast_in_dim3A = vector.shape_cast %gt3A_35 : vector<1000x1xi1> to vector<1000x1xi1>
    %broadcast_in_dim3A_36 = vector.broadcast %broadcast_in_dim3A : vector<1000x1xi1> to vector<1000x64xi1>
    %broadcast_in_dim3A_37 = vector.broadcast %jit3A : f32 to vector<1000x64xf32>
    %select_n3A = arith.select %broadcast_in_dim3A_36, %dot_general3A_33, %broadcast_in_dim3A_37 : vector<1000x64xi1>, vector<1000x64xf32>
    %get3A_38 = arith.constant 0 : index
    %get3A_39 = arith.constant 0 : index
    %get3A_40 = vector.load %arg1[%get3A_38, %get3A_39] : memref<1000x128xf32, #tpu.memory_space<vmem>>, vector<1000x128xf32>
    %get3A_41 = arith.constant 0 : index
    %get3A_42 = arith.constant 0 : index
    %get3A_43 = vector.load %arg5[%get3A_41, %get3A_42] : memref<128x64xf32, #tpu.memory_space<vmem>>, vector<128x64xf32>
    %dot_general3A_44 = arith.constant dense<0.000000e+00> : vector<1000x64xf32>
    %dot_general3A_45 = tpu.matmul %get3A_40, %get3A_43, %dot_general3A_44 {dimension_numbers = #tpu.dot_dimension_numbers<[1], [0], [0], [1], [0, 0, 1, 1], [], []>, transpose_lhs_hint = false} : vector<1000x128xf32>, vector<128x64xf32>, vector<1000x64xf32> -> vector<1000x64xf32>
    %get3A_46 = arith.constant 0 : index
    %get3A_47 = arith.constant 0 : index
    %get3A_48 = vector.load %arg6[%get3A_46, %get3A_47] : memref<32x64xf32, #tpu.memory_space<vmem>>, vector<32x64xf32>
    %dot_general3A_49 = arith.constant dense<0.000000e+00> : vector<1000x64xf32>
    %dot_general3A_50 = tpu.matmul %slice3A_6, %get3A_48, %dot_general3A_49 {dimension_numbers = #tpu.dot_dimension_numbers<[1], [0], [0], [1], [0, 0, 1, 1], [], []>, transpose_lhs_hint = false} : vector<1000x32xf32>, vector<32x64xf32>, vector<1000x64xf32> -> vector<1000x64xf32>
    %add3A = arith.addf %dot_general3A_45, %dot_general3A_50 : vector<1000x64xf32>
    %add3A_51 = arith.addf %add3A, %select_n3A : vector<1000x64xf32>
    %get3A_52 = arith.constant 0 : index
    %get3A_53 = arith.constant 0 : index
    %get3A_54 = vector.load %arg8[%get3A_52, %get3A_53] : memref<64x64xf32, #tpu.memory_space<vmem>>, vector<64x64xf32>
    %dot_general3A_55 = arith.constant dense<0.000000e+00> : vector<1000x64xf32>
    %dot_general3A_56 = tpu.matmul %mul3A_8, %get3A_54, %dot_general3A_55 {dimension_numbers = #tpu.dot_dimension_numbers<[1], [0], [0], [1], [0, 0, 1, 1], [], []>, transpose_lhs_hint = false} : vector<1000x64xf32>, vector<64x64xf32>, vector<1000x64xf32> -> vector<1000x64xf32>
    %add3A_57 = arith.addf %add3A_51, %dot_general3A_56 : vector<1000x64xf32>
    %get3A_58 = arith.constant 0 : index
    %get3A_59 = arith.constant 0 : index
    %get3A_60 = vector.load %arg9[%get3A_58, %get3A_59] : memref<64x64xf32, #tpu.memory_space<vmem>>, vector<64x64xf32>
    %dot_general3A_61 = arith.constant dense<0.000000e+00> : vector<1000x64xf32>
    %dot_general3A_62 = tpu.matmul %mul3A_21, %get3A_60, %dot_general3A_61 {dimension_numbers = #tpu.dot_dimension_numbers<[1], [0], [0], [1], [0, 0, 1, 1], [], []>, transpose_lhs_hint = false} : vector<1000x64xf32>, vector<64x64xf32>, vector<1000x64xf32> -> vector<1000x64xf32>
    %add3A_63 = arith.addf %add3A_57, %dot_general3A_62 : vector<1000x64xf32>
    %get3A_64 = arith.constant 0 : index
    %get3A_65 = arith.constant 0 : index
    %get3A_66 = vector.load %arg10[%get3A_64, %get3A_65] : memref<64x64xf32, #tpu.memory_space<vmem>>, vector<64x64xf32>
    %dot_general3A_67 = arith.constant dense<0.000000e+00> : vector<1000x64xf32>
    %dot_general3A_68 = tpu.matmul %mul3A_24, %get3A_66, %dot_general3A_67 {dimension_numbers = #tpu.dot_dimension_numbers<[1], [0], [0], [1], [0, 0, 1, 1], [], []>, transpose_lhs_hint = false} : vector<1000x64xf32>, vector<64x64xf32>, vector<1000x64xf32> -> vector<1000x64xf32>
    %add3A_69 = arith.addf %add3A_63, %dot_general3A_68 : vector<1000x64xf32>
    %get3A_70 = arith.constant 0 : index
    %get3A_71 = arith.constant 0 : index
    %get3A_72 = vector.load %arg11[%get3A_70, %get3A_71] : memref<1x64xf32, #tpu.memory_space<vmem>>, vector<1x64xf32>
    %add3A_73 = vector.broadcast %get3A_72 : vector<1x64xf32> to vector<1000x64xf32>
    %add3A_74 = arith.addf %add3A_69, %add3A_73 : vector<1000x64xf32>
    %ge3A = arith.constant 0.000000e+00 : f32
    %ge3A_75 = vector.broadcast %ge3A : f32 to vector<1000x64xf32>
    %ge3A_76 = arith.cmpf oge, %add3A_74, %ge3A_75 : vector<1000x64xf32>
    %mul3A_77 = arith.constant 2.000000e-01 : f32
    %mul3A_78 = vector.broadcast %mul3A_77 : f32 to vector<1000x64xf32>
    %mul3A_79 = arith.mulf %mul3A_78, %add3A_74 : vector<1000x64xf32>
    %select_n3A_80 = arith.select %ge3A_76, %add3A_74, %mul3A_79 : vector<1000x64xi1>, vector<1000x64xf32>
    %get3A_81 = arith.constant 0 : index
    %get3A_82 = arith.constant 0 : index
    %get3A_83 = vector.load %arg12[%get3A_81, %get3A_82] : memref<64x64xf32, #tpu.memory_space<vmem>>, vector<64x64xf32>
    %dot_general3A_84 = arith.constant dense<0.000000e+00> : vector<1000x64xf32>
    %dot_general3A_85 = tpu.matmul %select_n3A_80, %get3A_83, %dot_general3A_84 {dimension_numbers = #tpu.dot_dimension_numbers<[1], [0], [0], [1], [0, 0, 1, 1], [], []>, transpose_lhs_hint = false} : vector<1000x64xf32>, vector<64x64xf32>, vector<1000x64xf32> -> vector<1000x64xf32>
    %get3A_86 = arith.constant 0 : index
    %get3A_87 = arith.constant 0 : index
    %get3A_88 = vector.load %arg13[%get3A_86, %get3A_87] : memref<1x64xf32, #tpu.memory_space<vmem>>, vector<1x64xf32>
    %add3A_89 = vector.broadcast %get3A_88 : vector<1x64xf32> to vector<1000x64xf32>
    %add3A_90 = arith.addf %dot_general3A_85, %add3A_89 : vector<1000x64xf32>
    %ge3A_91 = arith.constant 0.000000e+00 : f32
    %ge3A_92 = vector.broadcast %ge3A_91 : f32 to vector<1000x64xf32>
    %ge3A_93 = arith.cmpf oge, %add3A_90, %ge3A_92 : vector<1000x64xf32>
    %mul3A_94 = arith.constant 2.000000e-01 : f32
    %mul3A_95 = vector.broadcast %mul3A_94 : f32 to vector<1000x64xf32>
    %mul3A_96 = arith.mulf %mul3A_95, %add3A_90 : vector<1000x64xf32>
    %select_n3A_97 = arith.select %ge3A_93, %add3A_90, %mul3A_96 : vector<1000x64xi1>, vector<1000x64xf32>
    %get3A_98 = arith.constant 0 : index
    %get3A_99 = arith.constant 0 : index
    %get3A_100 = vector.load %arg14[%get3A_98, %get3A_99] : memref<64x128xf32, #tpu.memory_space<vmem>>, vector<64x128xf32>
    %dot_general3A_101 = arith.constant dense<0.000000e+00> : vector<1000x128xf32>
    %dot_general3A_102 = tpu.matmul %select_n3A_97, %get3A_100, %dot_general3A_101 {dimension_numbers = #tpu.dot_dimension_numbers<[1], [0], [0], [1], [0, 0, 1, 1], [], []>, transpose_lhs_hint = false} : vector<1000x64xf32>, vector<64x128xf32>, vector<1000x128xf32> -> vector<1000x128xf32>
    %get3A_103 = arith.constant 0 : index
    %get3A_104 = arith.constant 0 : index
    %get3A_105 = vector.load %arg15[%get3A_103, %get3A_104] : memref<1x128xf32, #tpu.memory_space<vmem>>, vector<1x128xf32>
    %add3A_106 = vector.broadcast %get3A_105 : vector<1x128xf32> to vector<1000x128xf32>
    %add3A_107 = arith.addf %dot_general3A_102, %add3A_106 : vector<1000x128xf32>
    %swap3A = arith.constant 0 : index
    %swap3A_108 = arith.constant 0 : index
    %swap3A_109 = vector.load %arg16[%swap3A, %swap3A_108] : memref<1000x128xf32, #tpu.memory_space<vmem>>, vector<1000x128xf32>
    tpu.vector_store %arg16[%swap3A, %swap3A_108], %add3A_107 {strides = array<i32>} : memref<1000x128xf32, #tpu.memory_space<vmem>>, vector<1000x128xf32>,
    return
  }
  func.func @transform_0(%arg0: i32) -> (i32, i32) {
    %c0_i32 = arith.constant 0 : i32
    %c0_i32_0 = arith.constant 0 : i32
    return %arg0, %c0_i32 : i32, i32
  }
  func.func @transform_1(%arg0: i32) -> (i32, i32) {
    %c0_i32 = arith.constant 0 : i32
    %c0_i32_0 = arith.constant 0 : i32
    return %arg0, %c0_i32 : i32, i32
  }
  func.func @transform_2(%arg0: i32) -> (i32, i32) {
    %c0_i32 = arith.constant 0 : i32
    %c0_i32_0 = arith.constant 0 : i32
    return %arg0, %c0_i32 : i32, i32
  }
  func.func @transform_3(%arg0: i32) -> (i32, i32, i32) {
    %c0_i32 = arith.constant 0 : i32
    %c0_i32_0 = arith.constant 0 : i32
    %c0_i32_1 = arith.constant 0 : i32
    return %arg0, %c0_i32, %c0_i32_0 : i32, i32, i32
  }
  func.func @transform_4(%arg0: i32) -> (i32, i32) {
    %c0_i32 = arith.constant 0 : i32
    %c0_i32_0 = arith.constant 0 : i32
    %c0_i32_1 = arith.constant 0 : i32
    return %c0_i32, %c0_i32_0 : i32, i32
  }
  func.func @transform_5(%arg0: i32) -> (i32, i32) {
    %c0_i32 = arith.constant 0 : i32
    %c0_i32_0 = arith.constant 0 : i32
    %c0_i32_1 = arith.constant 0 : i32
    return %c0_i32, %c0_i32_0 : i32, i32
  }
  func.func @transform_6(%arg0: i32) -> (i32, i32) {
    %c0_i32 = arith.constant 0 : i32
    %c0_i32_0 = arith.constant 0 : i32
    %c0_i32_1 = arith.constant 0 : i32
    return %c0_i32, %c0_i32_0 : i32, i32
  }
  func.func @transform_7(%arg0: i32) -> (i32, i32) {
    %c0_i32 = arith.constant 0 : i32
    %c0_i32_0 = arith.constant 0 : i32
    %c0_i32_1 = arith.constant 0 : i32
    return %c0_i32, %c0_i32_0 : i32, i32
  }
  func.func @transform_8(%arg0: i32) -> (i32, i32) {
    %c0_i32 = arith.constant 0 : i32
    %c0_i32_0 = arith.constant 0 : i32
    %c0_i32_1 = arith.constant 0 : i32
    return %c0_i32, %c0_i32_0 : i32, i32
  }
  func.func @transform_9(%arg0: i32) -> (i32, i32) {
    %c0_i32 = arith.constant 0 : i32
    %c0_i32_0 = arith.constant 0 : i32
    %c0_i32_1 = arith.constant 0 : i32
    return %c0_i32, %c0_i32_0 : i32, i32
  }
  func.func @transform_10(%arg0: i32) -> (i32, i32) {
    %c0_i32 = arith.constant 0 : i32
    %c0_i32_0 = arith.constant 0 : i32
    %c0_i32_1 = arith.constant 0 : i32
    return %c0_i32, %c0_i32_0 : i32, i32
  }
  func.func @transform_11(%arg0: i32) -> (i32, i32) {
    %c0_i32 = arith.constant 0 : i32
    %c0_i32_0 = arith.constant 0 : i32
    %c0_i32_1 = arith.constant 0 : i32
    return %c0_i32, %c0_i32_0 : i32, i32
  }
  func.func @transform_12(%arg0: i32) -> (i32, i32) {
    %c0_i32 = arith.constant 0 : i32
    %c0_i32_0 = arith.constant 0 : i32
    %c0_i32_1 = arith.constant 0 : i32
    return %c0_i32, %c0_i32_0 : i32, i32
  }
  func.func @transform_13(%arg0: i32) -> (i32, i32) {
    %c0_i32 = arith.constant 0 : i32
    %c0_i32_0 = arith.constant 0 : i32
    %c0_i32_1 = arith.constant 0 : i32
    return %c0_i32, %c0_i32_0 : i32, i32
  }
  func.func @transform_14(%arg0: i32) -> (i32, i32) {
    %c0_i32 = arith.constant 0 : i32
    %c0_i32_0 = arith.constant 0 : i32
    %c0_i32_1 = arith.constant 0 : i32
    return %c0_i32, %c0_i32_0 : i32, i32
  }
  func.func @transform_15(%arg0: i32) -> (i32, i32) {
    %c0_i32 = arith.constant 0 : i32
    %c0_i32_0 = arith.constant 0 : i32
    return %arg0, %c0_i32 : i32, i32
  }
}

</mosaic_0001>

<sc_bundles>
// kernel: kernel.11.cloned.1.call-start
scs
__scs_entry_jumppad:
0x0: {  	(pc) =	sbr.rel $0x88, $3  }
0x1: {  	(tag) =	ssettag $0x0;
	lr =	simm.s32 $0x1  }
0x2: {  	[smem:$0x3F7E] =	sst lr;
	_ =	strace $0xD0000000  }
0x3: {  	_ = 	snop  }
0x4: {  	_ = 	snop  }
0x5: {  	_ = 	snop  }
0x6: {  	_ = 	snop  }
0x7: {  	_ = 	snop  }
__scs_overlays_trampoline_lowered:
0x8: {  	[smem:$0x3F8D] =	sst s0  }
0x9: {  	[smem:$0x3F8E] =	sst s1  }
0xa: {  	[smem:$0x3F8F] =	sst s2  }
0xb: {  	[smem:$0x3F90] =	sst s3  }
0xc: {  	[smem:$0x3F91] =	sst s4  }
0xd: {  	[smem:$0x3F92] =	sst s5  }
0xe: {  	[smem:$0x3F93] =	sst s6  }
0xf: {  	[smem:$0x3F94] =	sst s7  }
0x10: {  	[smem:$0x3F95] =	sst s8  }
0x11: {  	[smem:$0x3F96] =	sst s9;
	s0 =	simm.s32 @!p0 $0x0  }
0x12: {  	s1 =	sld [smem:$0x3F7C];
	s0 =	simm.s32 @p0 $0x1  }
0x13: {  	[smem:$0x3F97] =	sst s0;
	s0 =	simm.s32 @!p1 $0x0  }
0x14: {  	s2 =	sld [smem:$0x3F7B];
	s0 =	simm.s32 @p1 $0x1  }
0x15: {  	[smem:$0x3F98] =	sst s0;
	s0 =	simm.s32 @!p2 $0x0  }
0x16: {  	s3 =	sld [smem:$0x3FDB];
	s0 =	simm.s32 @p2 $0x1  }
0x17: {  	s4 =	simm.s32 $0x1BF5;
	[smem:$0x3F9A] =	sst s0  }
0x18: {  	s0 =	sld [smem:$0x3F7D];
	_ =	swait.ge [sflag:s4], $0x0  }
0x19: {  	s7 =	sld [smem:$0x3F7E]  }
0x1a: {  	s8 =	sadd.s32 $0xFFFFE003, lr  }
0x1b: {  	s9 =	sadd.s32 $0xFFFFFEF7, lr;
	s5 =	simm.s32 $0xFFFFFFFF;
	p2 =	slt.u32 s8, $0xFFFFF086  }
0x1c: {  	p1 =	slt.u32 s9, $0xF7A;
	s5 =	simm.s32 @!p2 $0x0  }
0x1d: {  	s5 =	simm.s32 @p1 $0x1;
	p0 =	seq.s32 s7, s2  }
0x1e: {  	s7 =	smul.u32 @!p0 $0xF7A, s2;
	p2 =	seq.s32 @!p0 s5, $0x0  }
0x1f: {  	s9 =	smul.u32 $0xF7A, s1;
	s8 =	simm.s32 @!p0 $0x1BF5;
	p2 =	por !p2, p0  }
0x20: {  	[sflag:s8] =	ssyncset.s32 @!p0 $0xFFFFF086;
	s6 =	sadd.s32 @!p0 s3, s7;
	s7 =	simm.s32 @!p0 $0x108  }
0x21: {  	s3 =	sadd.s32 s3, s9;
	s6 =	sadd.s32 @!p0 $0x88, s6;
	s7 =	simm.s32 @p2 $0x1082  }
0x22: {  	[simem:s7], [sflag:s8] =	dma.local @!p0 [hbm:s6], $0xF7A  }
0x23: {  	s9 =	sor.u32 $0xD0000000, s2;
	s6 =	simm.s32 $0x108;
	_ =	swait.ge @!p0 [sflag:s8], $0x0  }
0x24: {  	s3 =	sadd.s32 $0x88, s3;
	s6 =	simm.s32 @!p1 $0x1082;
	[sflag:s4] =	ssyncset.s32 $0xFFFFF086  }
0x25: {  	[simem:s6], [sflag:s4] =	dma.local [hbm:s3], $0xF7A  }
0x26: {  	[smem:$0x3F7E] =	sst s1;
	(tag) =	ssettag s2;
	_ =	strace s9  }
0x27: {  	s1 =	sld [smem:$0x3F8E]  }
0x28: {  	s2 =	sld [smem:$0x3F8F]  }
0x29: {  	s4 =	sld [smem:$0x3F91]  }
0x2a: {  	p0 =	seq.s32 s5, $0x0;
	s5 =	sld [smem:$0x3F92]  }
0x2b: {  	s6 =	sld [smem:$0x3F93]  }
0x2c: {  	s7 =	sld [smem:$0x3F94]  }
0x2d: {  	s3 =	simm.s32 $0x108;
	s8 =	sld [smem:$0x3F95]  }
0x2e: {  	s3 =	simm.s32 @!p0 $0x1082;
	s9 =	sld [smem:$0x3F96]  }
0x2f: {  	lr =	sadd.s32 s0, s3;
	s0 =	sld [smem:$0x3F8D]  }
0x30: {  	s3 =	sld [smem:$0x3F90]  }
0x31: {  	[smem:$0x3F99] =	sst s10  }
0x32: {  	s10 =	sld [smem:$0x3F97];
	_ =	sdelay $0x3  }
0x33: {  	p0 =	seq.s32 s10, $0x1;
	s10 =	sld [smem:$0x3F99];
	_ =	sdelay $0x3  }
0x34: {  	[smem:$0x3F99] =	sst s10  }
0x35: {  	s10 =	sld [smem:$0x3F98];
	_ =	sdelay $0x3  }
0x36: {  	p1 =	seq.s32 s10, $0x1;
	s10 =	sld [smem:$0x3F99];
	_ =	sdelay $0x3  }
0x37: {  	[smem:$0x3F99] =	sst s10  }
0x38: {  	s10 =	sld [smem:$0x3F9A]  }
0x39: {  	_ = 	snop;
	(pc) =	sbr.ind lr, $3  }
0x3a: {  	_ = 	snop  }
0x3b: {  	_ = 	snop  }
0x3c: {  	p2 =	seq.s32 s10, $0x1;
	s10 =	sld [smem:$0x3F99]  }
0x3d: {  	_ =	shalt  }
0x3e: {  	_ =	shalt  }
0x3f: {  	_ =	shalt  }
0x40: {  	_ =	shalt  }
0x41: {  	_ =	shalt  }
0x42: {  	_ =	shalt  }
0x43: {  	_ =	shalt  }
0x44: {  	_ =	shalt  }
0x45: {  	_ =	shalt  }
0x46: {  	_ =	shalt  }
0x47: {  	_ =	shalt  }
0x48: {  	_ =	shalt  }
0x49: {  	_ =	shalt  }
0x4a: {  	_ =	shalt  }
0x4b: {  	_ =	shalt  }
0x4c: {  	_ =	shalt  }
0x4d: {  	_ =	shalt  }
0x4e: {  	_ =	shalt  }
0x4f: {  	_ =	shalt  }
0x50: {  	_ =	shalt  }
0x51: {  	_ =	shalt  }
0x52: {  	_ =	shalt  }
0x53: {  	_ =	shalt  }
0x54: {  	_ =	shalt  }
0x55: {  	_ =	shalt  }
0x56: {  	_ =	shalt  }
0x57: {  	_ =	shalt  }
0x58: {  	_ =	shalt  }
0x59: {  	_ =	shalt  }
0x5a: {  	_ =	shalt  }
0x5b: {  	_ =	shalt  }
0x5c: {  	_ =	shalt  }
0x5d: {  	_ =	shalt  }
0x5e: {  	_ =	shalt  }
0x5f: {  	_ =	shalt  }
0x60: {  	_ =	shalt  }
0x61: {  	_ =	shalt  }
0x62: {  	_ =	shalt  }
0x63: {  	_ =	shalt  }
0x64: {  	_ =	shalt  }
0x65: {  	_ =	shalt  }
0x66: {  	_ =	shalt  }
0x67: {  	_ =	shalt  }
0x68: {  	_ =	shalt  }
0x69: {  	_ =	shalt  }
0x6a: {  	_ =	shalt  }
0x6b: {  	_ =	shalt  }
0x6c: {  	_ =	shalt  }
0x6d: {  	_ =	shalt  }
0x6e: {  	_ =	shalt  }
0x6f: {  	_ =	shalt  }
0x70: {  	_ =	shalt  }
0x71: {  	_ =	shalt  }
0x72: {  	_ =	shalt  }
0x73: {  	_ =	shalt  }
0x74: {  	_ =	shalt  }
0x75: {  	_ =	shalt  }
0x76: {  	_ =	shalt  }
0x77: {  	_ =	shalt  }
0x78: {  	_ =	shalt  }
0x79: {  	_ =	shalt  }
0x7a: {  	_ =	shalt  }
0x7b: {  	_ =	shalt  }
0x7c: {  	_ =	shalt  }
0x7d: {  	_ =	shalt  }
0x7e: {  	_ =	shalt  }
0x7f: {  	_ =	shalt  }
0x80: {  	_ =	shalt  }
0x81: {  	_ =	shalt  }
0x82: {  	_ =	shalt  }
0x83: {  	_ =	shalt  }
0x84: {  	_ =	shalt  }
0x85: {  	_ =	shalt  }
0x86: {  	_ =	shalt  }
0x87: {  	_ =	shalt  }
.Lfunc_end0:
.L_simem_size_0:
called_computation.1_lowered:
.L_overlay_start_0:
0x88: {  	s2 =	sld [smem:$0x3FD9]  }
0x89: {  	s3 =	sld [smem:$0x3FFE];
	_ =	sdelay $0x1  }
0x8a: {  	s1 =	srdreg.scid  }
0x8b: {  	s0 =	sand.u32 $0x1, s1  }
0x8c: {  	s17 =	sshll.u32 s0, $0xA;
	s2 =	sadd.s32 s3, s2  }
0x8d: {  	s2 =	sadd.s32 s2, s17  }
0x8e: {  	[smem:$0x3FA5] =	sst s2  }
0x8f: {  	_ = 	snop  }
0x90: {  	s2 =	sld [smem:$0x3FD0];
	(tm) =	ssettm $0x1  }
0x91: {  	s18 =	sld [smem:$0x3FFB];
	_ =	sdelay $0x3  }
0x92: {  	_ =	strace s18  }
0x93: {  	s3 =	sld [smem:$0x3FFC];
	_ =	sdelay $0x3  }
0x94: {  	_ =	strace s3  }
0x95: {  	s3 =	sld [smem:$0x3FFD];
	_ =	sdelay $0x3  }
0x96: {  	_ =	strace s3  }
0x97: {  	_ =	strace $0x8FFFFFFF  }
0x98: {  	s19 =	sld [smem:$0x3FDB];
	_ =	sdelay $0x1  }
0x99: {  	s4 =	simm.s32 $_scs_section_size  }
0x9a: {  	s5 =	simm.s32 $_size__tile_overlayer_lowered;
	s6 =	simm.s32 $_tile_overlayer_lowered  }
0x9b: {  	s22 =	simm.s32 $0x1BFF;
	s21 =	sshll.u32 s6, $0x1;
	s3 =	sadd.s32 s4, s19  }
0x9c: {  	s7 =	simm.s32 $0x0;
	s20 =	sshll.u32 s5, $0x1;
	s5 =	sadd.s32 s21, s3  }
0x9d: {  	[timem:s7], [sflag:s22] =	dma.local [hbm:s5], s20  }
0x9e: {  	_ =	swait.ge [sflag:s22], s20  }
0x9f: {  	s4 =	ssub.s32 $0x0, s20;
	[sflag:s22] =	ssyncset.done $0x0  }
0xa0: {  	[sflag:s22] =	ssyncadd.s32 s4;
	_ =	sdelay $0x1  }
0xa1: {  	s23 =	simm.s32 $0x1B8B  }
0xa2: {  	_ =	swait.ge [sflag:s23], $0x1  }
0xa3: {  	[sflag:s23] =	ssyncset.done $0x0  }
0xa4: {  	s25 =	simm.s32 $0x1B8E;
	s24 =	sld [smem:$0x3FFE];
	[sflag:s23] =	ssyncadd.s32 $0xFFFFFFFF  }
0xa5: {  	s26 =	simm.s32 $execute0_lowered;
	[smem:$0x3FD2] =	sst s25  }
0xa6: {  	s5 =	sshll.u32 s26, $0x1;
	_ =	strace $0x80000049;
	[dreg:$0x1] =	wrdreg $0xFFFFFFFF  }
0xa7: {  	s28 =	simm.s32 $_size_execute0_lowered;
	s3 =	sadd.s32 s3, s5;
	[dreg:$0x0] =	wrdreg $0x0  }
0xa8: {  	s5 =	sshll.u32 s28, $0x1;
	[dreg:$0x2] =	wrdreg s3  }
0xa9: {  	[dreg:$0x3] =	wrdreg s5  }
0xaa: {  	[dreg:$0x4] =	wrdreg $0xC0  }
0xab: {  	_ =	task [dreg:s7], $0x5FFFF  }
0xac: {  	[dreg:$0x1] =	wrdreg $0xFFFFFFFF  }
0xad: {  	[dreg:$0x0] =	wrdreg $0x60  }
0xae: {  	[dreg:$0x2] =	wrdreg s24  }
0xaf: {  	[dreg:$0x3] =	wrdreg s2  }
0xb0: {  	[dreg:$0x4] =	wrdreg $0x98800  }
0xb1: {  	[dreg:$0x5] =	wrdreg $0x9  }
0xb2: {  	_ =	task.clear_ibuf [dreg:s7], $0x6FFFF;
	_ =	strace $0x90000049  }
0xb3: {  	s29 =	simm.s32 $0x9;
	_ =	strace $0x8000004B  }
0xb4: {  	_ =	swait.ge [sflag:s29], $0x1  }
0xb5: {  	[sflag:s29] =	ssyncadd.s32 $0xFFFFFFFF  }
0xb6: {  	_ =	strace $0x9000004B  }
0xb7: {  	_ =	sfence  }
0xb8: {  	s30 =	sld [smem:$0x0];
	_ =	sdelay $0x2  }
0xb9: {  	s31 =	sshll.u32 s1, $0xD;
	s1 =	sshrl.u32 s1, $0x2  }
0xba: {  	s3 =	sand.u32 $0x4000, s31;
	s1 =	sadd.s32 s1, s30  }
0xbb: {  	s0 =	sor.u32 s3, s0;
	s1 =	sshll.u32 s1, $0x11  }
0xbc: {  	s0 =	sor.u32 s1, s0  }
0xbd: {  	s0 =	sadd.s32 $0x8F2B, s0  }
0xbe: {  	[sflag:s0] =	ssyncadd.remote.s32 $0x1  }
0xbf: {  	_ =	sfence.sel $0xFFFF  }
0xc0: {  	[dreg:$0x0] =	wrdreg $0xFFFFFFFF;
	(pc) =	sbr.abs _section_cstart, $3  }
0xc1: {  	[dreg:$0x1] =	wrdreg $0xFFFFFFFF  }
0xc2: {  	_ =	task.clear_ibuf [dreg:s7], $0x2FFFF;
	_ =	strace $0x9FFFFFFF  }
0xc3: {  	(tm) =	ssettm $0x7FFFFFFF  }
tec
execute0_lowered:
.L_overlay_start_1:
0x0: {  	(tag) =	ssettag $0x1  }
0x1: {  	s1 =	rddreg [dreg:$0x0]  }
0x2: {  	s0 =	rddreg [dreg:$0x1]  }
0x3: {  	s2 =	rddreg [dreg:$0x2]  }
0x4: {  	s3 =	simm.s32 $0x0;
	s20 =	stileid.u32;
	s4 =	srdreg.scid  }
0x5: {  	[smem:$0x7FF] =	sst s3;
	s10 =	smul.u32 $0x2800, s20  }
0x6: {  	s8 =	sand.u32 $0x1, s4;
	s23 =	sshll.u32 s20, $0x1;
	s7 =	smul.u32 $0x50000, s20  }
0x7: {  	s9 =	sadd.s32 $0x1F31400, s1;
	s12 =	sadd.s32 $0xA5000, s1;
	s15 =	smul.u32 $0x4E20, s20  }
0x8: {  	s4 =	sadd.s32 $0x9B200, s1;
	s13 =	sadd.s32 $0x91400, s1;
	s17 =	smul.u32 $0x4E200, s20  }
0x9: {  	_ =	strace $0x8000004A;
	s11 =	sor.u32 s8, s23;
	s14 =	ssub.s32 $0x2, s8  }
0xa: {  	p0 =	sne.s32 s8, $0x0;
	s6 =	smul.u32 $0x3E8, s11;
	s16 =	sshrl.u32 s14, $0x1  }
0xb: {  	s7 =	sshrl.u32 s7, $0x2;
	s24 =	sshrl.u32 s15, $0x3;
	s15 =	sadd.s32 $0x50, s15  }
0xc: {  	p2 =	seq.s32 @p0 s20, $0xF;
	p4 =	seq.s32 @!p0 s20, $0xF;
	s25 =	sadd.s32 s13, s24  }
0xd: {  	s22 =	sadd.s32 s7, s2;
	s19 =	sshll.u32 s15, $0x4;
	[dreg:$0x5] =	wrdreg s25  }
0xe: {  	s15 =	sshrl.u32 s15, $0x3;
	s26 =	sadd.s32 s12, s19;
	[dreg:$0x4] =	wrdreg s22  }
0xf: {  	s7 =	sadd.s32 s12, s17;
	s12 =	sadd.s32 s13, s15;
	[dreg:$0x6] =	wrdreg s26  }
0x10: {  	s14 =	ssub.s32 s14, s16;
	s21 =	sadd.s32 s9, s19;
	[dreg:$0x7] =	wrdreg s12  }
0x11: {  	s6 =	sshrl.u32 s6, $0x3;
	s23 =	sadd.s32 s4, s15;
	[dreg:$0x9] =	wrdreg s21  }
0x12: {  	s14 =	smax.u32 s14, $0x1;
	s18 =	sadd.s32 s6, s1;
	[dreg:$0xa] =	wrdreg s23  }
0x13: {  	s12 =	sadd.s32 s9, s17;
	s17 =	sadd.s32 s4, s24;
	[dreg:$0x1b] =	wrdreg s14  }
0x14: {  	s9 =	smul.u32 $0x9C4, s20;
	s20 =	sadd.s32 $0xC800, s22;
	[dreg:$0x8] =	wrdreg s17  }
0x15: {  	s25 =	sadd.s32 $0x8200, s18;
	[smem:$0x7F8] =	sst s20  }
0x16: {  	s26 =	sadd.s32 $0x91A0, s18;
	[dreg:$0xb] =	wrdreg s25  }
0x17: {  	s8 =	sadd.s32 $0xA140, s18;
	[dreg:$0xc] =	wrdreg s26  }
0x18: {  	s28 =	simm.s32 $0x80;
	s15 =	sadd.s32 $0xB0E0, s18;
	[dreg:$0xd] =	wrdreg s8  }
0x19: {  	s29 =	simm.s32 $0x1;
	s16 =	sadd.s32 $0xC080, s18;
	[dreg:$0xf] =	wrdreg s15  }
0x1a: {  	s30 =	simm.s32 $0x3;
	s17 =	sadd.s32 $0xD020, s18;
	[dreg:$0x10] =	wrdreg s16  }
0x1b: {  	v0 =	vimm.s32 $0xEDCBA987;
	s11 =	smul.u32 $0x7D0, s11;
	s19 =	sadd.s32 $0xDFC0, s18;
	[dreg:$0x11] =	wrdreg s17  }
0x1c: {  	v1 =	vimm.s32 $0x65432100;
	v3 =	vimm.s32 $0x54321000;
	v5 =	vimm.s32 $0xE40000;
	s5 =	sadd.s32 $0x142D000, s1;
	s21 =	sadd.s32 $0xEF60, s18;
	[dreg:$0x12] =	wrdreg s19  }
0x1d: {  	vm0 =	vcmask $0x704;
	v6 =	vimm.s32 $0xFFEDCBA9;
	v7 =	vimm.s32 $0x87654321;
	s24 =	sshrl.u32 s11, $0x3;
	s23 =	sadd.s32 $0xFF00, s18;
	[dreg:$0x13] =	wrdreg s21  }
0x1e: {  	v8 =	vimm.s32 $0x7060504;
	v9 =	vimm.s32 $0xFFFEDCBA;
	v10 =	vimm.s32 $0x98765432;
	s6 =	sadd.s32 s5, s24;
	s24 =	sadd.s32 $0x10EA0, s18;
	[dreg:$0x14] =	wrdreg s23  }
0x1f: {  	vm1 =	vcmask $0x3F30;
	s31 =	simm.s32 $0x50;
	v2 =	vunpack.c.l.s4.s8 v0;
	v0 =	vimm.s32 $0xDCBA9876;
	s18 =	sadd.s32 $0x7800, s22;
	[dreg:$0x15] =	wrdreg s24  }
0x20: {  	vm14 =	vcmask $0x1F00;
	v1 =	vunpack.c.l.s4.s8 v1;
	v4 =	vunpack.c.l.s4.s8 v0;
	p1 =	por !p2, !p0;
	p2 =	por p2, !p0;
	[dreg:$0x1f] =	wrdreg s18  }
0x21: {  	v3 =	vunpack.c.l.s4.s8 v3;
	v5 =	vunpack.c.l.s2.s4 v5;
	v2 =	vunpack.c.0.s8.s32 v2;
	p3 =	por !p4, p0;
	s26 =	sadd.s32 $0x9B2FA, s1;
	[dreg:$0xe] =	wrdreg s6  }
0x22: {  	v6 =	vunpack.c.l.s4.s8 v6;
	v1 =	vunpack.c.0.s8.s32 v1;
	v4 =	vunpack.c.0.s8.s32 v4;
	s25 =	sadd.s32 s10, s1;
	s1 =	sadd.s32 $0x37800, s1;
	[dreg:$0x17] =	wrdreg s26  }
0x23: {  	v7 =	vunpack.c.l.s4.s8 v7;
	v3 =	vunpack.c.0.s8.s32 v3;
	p4 =	por p4, p0;
	v2 =	vand.u32 $0xF, v2;
	s10 =	sadd.s32 s0, s10;
	[dreg:$0x18] =	wrdreg s1  }
0x24: {  	v1 =	vcombine.low v1, v2;
	v2 =	vand.u32 $0xF, v4;
	v4 =	vunpack.c.l.s4.s8 v5;
	s20 =	simm.s32 $0x0;
	s0 =	sadd.s32 $0x25800, s0;
	[dreg:$0x19] =	wrdreg s10  }
0x25: {  	v8 =	vunpack.c.0.s8.s32 v8;
	v2 =	vcombine.low v3, v2;
	v3 =	vimm.s32 $0x32100000;
	s13 =	sadd.s32 s9, s13;
	s16 =	sadd.s32 $0x2800, s22;
	[dreg:$0x1a] =	wrdreg s0  }
0x26: {  	s15 =	sadd.s32 s9, s4;
	v5 =	vunpack.c.l.s4.s8 v3;
	v3 =	vimm.s32 $0xBA987654;
	v4 =	vunpack.c.0.s8.s32 v4;
	s17 =	sadd.s32 $0x5000, s22;
	[dreg:$0x1d] =	wrdreg s16  }
0x27: {  	v6 =	vunpack.c.0.s8.s32 v6;
	v7 =	vunpack.c.0.s8.s32 v7;
	s19 =	sadd.s32 $0xA000, s22;
	s21 =	sadd.s32 $0xF000, s22;
	[dreg:$0x1e] =	wrdreg s17;
	v3 =	vunpack.c.l.s4.s8 v3  }
0x28: {  	v9 =	vunpack.c.l.s4.s8 v9;
	v10 =	vunpack.c.l.s4.s8 v10;
	s23 =	sadd.s32 $0x11800, s22;
	s24 =	sadd.s32 $0x1F40, s6;
	[smem:$0x7F7] =	sst s19;
	v4 =	vand.u32 $0x3, v4  }
0x29: {  	s9 =	simm.s32 $0x4;
	s18 =	simm.s32 $0x8;
	[smem:$0x7F9] =	sst s21;
	v11 =	vunpack.c.0.s8.s32 v3;
	v3 =	vsel vm1, v8, v4;
	v8 =	vcombine.low v7, v6  }
0x2a: {  	s8 =	sadd.s32 $0x12000, s25;
	s0 =	sadd.s32 $0x1E, s15;
	[smem:$0x7FA] =	sst s23;
	v6 =	vunpack.c.0.s8.s32 v9;
	v7 =	vunpack.c.0.s8.s32 v10;
	v9 =	vimm.s32 $0xFEDCBA98  }
0x2b: {  	vm15 =	vcmask $0x2F20;
	v0 =	vimm.f32 $0.0e+00;
	[smem:$0x7FB] =	sst s24;
	s25 =	sadd.s32 $0x12C000, s2;
	s26 =	sadd.s32 $0x1E, s13;
	v9 =	vunpack.c.l.s4.s8 v9  }
.Ltmp0:
0x2c: {  	s24 =	simm.s32 $0x100;
	[dreg:$0x16] =	wrdreg s8;
	v10 =	vand.u32 $0xF, v11;
	v11 =	vcombine.low v7, v6;
	v6 =	vimm.s32 $0xF0E0D0C;
	(pc) =	sbr.rel .LBB2_1-.Ltmp0, $4  }
0x2d: {  	s19 =	simm.s32 $0x5900;
	s15 =	simm.s32 $0x6900;
	[dreg:$0x1c] =	wrdreg s0;
	v5 =	vunpack.c.0.s8.s32 v5;
	v6 =	vunpack.c.0.s8.s32 v6;
	v9 =	vunpack.c.0.s8.s32 v9  }
0x2e: {  	s10 =	simm.s32 $0x7;
	s16 =	simm.s32 $0x7100;
	[smem:$0x7FC] =	sst s25;
	v4 =	vsel vm0, $0x3F800000, v0;
	v8 =	vand.u32 $0xF, v8;
	v7 =	vnsel vm14, $0xF, v10  }
0x2f: {  	s17 =	simm.s32 $0x6;
	[smem:$0x7FD] =	sst s26;
	s25 =	simm.s32 $0x9;
	v5 =	vcombine.low v5, v10;
	v6 =	vsel vm15, v6, v7;
	v10 =	vand.u32 $0xF, v9  }
0x30: {  	s26 =	simm.s32 $0x2900;
	s0 =	simm.s32 $0x2;
	s8 =	simm.s32 $0x5;
	v7 =	vimm.f32 $-Inf;
	v9 =	vand.u32 $0xF, v11;
	v10 =	vnsel vm14, $0xF, v10  }
.LBB2_23:
0x31: {  	s1 =	rddreg [dreg:$0xb]  }
0x32: {  	[hbm4b:s1+s3] =	stream.linear.scatter [tilespmem:s16], [sflag:$0x9], $0x3E8, $0x38;
	[tilespmem:$0x1D880] =	vst v63  }
0x33: {  	_ =	swait.ge [sflag:s25], $0x3E8  }
0x34: {  	[sflag:s25] =	ssyncset.done $0x0  }
0x35: {  	s6 =	simm.s32 $0x74E8;
	s23 =	rddreg [dreg:$0xc];
	[sflag:s25] =	ssyncadd.s32 $0xFFFFFC18  }
0x36: {  	[hbm4b:s23+s3] =	stream.linear.scatter [tilespmem:s6], [sflag:$0x9], $0x3E8, $0x38;
	[tilespmem:$0x1D880] =	vst v63  }
0x37: {  	_ =	swait.ge [sflag:s25], $0x3E8  }
0x38: {  	[sflag:s25] =	ssyncset.done $0x0  }
0x39: {  	s21 =	simm.s32 $0x78D0;
	s14 =	rddreg [dreg:$0xd];
	[sflag:s25] =	ssyncadd.s32 $0xFFFFFC18  }
0x3a: {  	[hbm4b:s14+s3] =	stream.linear.scatter [tilespmem:s21], [sflag:$0x9], $0x3E8, $0x38;
	[tilespmem:$0x1D880] =	vst v63  }
0x3b: {  	_ =	swait.ge [sflag:s25], $0x3E8  }
0x3c: {  	[sflag:s25] =	ssyncset.done $0x0  }
0x3d: {  	s23 =	simm.s32 $0x7CB8;
	s22 =	rddreg [dreg:$0xf];
	[sflag:s25] =	ssyncadd.s32 $0xFFFFFC18  }
0x3e: {  	[hbm4b:s22+s3] =	stream.linear.scatter [tilespmem:s23], [sflag:$0x9], $0x3E8, $0x38;
	[tilespmem:$0x1D880] =	vst v63  }
0x3f: {  	_ =	swait.ge [sflag:s25], $0x3E8  }
0x40: {  	[sflag:s25] =	ssyncset.done $0x0  }
0x41: {  	s21 =	simm.s32 $0x80A0;
	s14 =	rddreg [dreg:$0x10];
	[sflag:s25] =	ssyncadd.s32 $0xFFFFFC18  }
0x42: {  	[hbm4b:s14+s3] =	stream.linear.scatter [tilespmem:s21], [sflag:$0x9], $0x3E8, $0x38;
	[tilespmem:$0x1D880] =	vst v63  }
0x43: {  	_ =	swait.ge [sflag:s25], $0x3E8  }
0x44: {  	[sflag:s25] =	ssyncset.done $0x0  }
0x45: {  	s23 =	simm.s32 $0x8488;
	s22 =	rddreg [dreg:$0x11];
	[sflag:s25] =	ssyncadd.s32 $0xFFFFFC18  }
0x46: {  	[hbm4b:s22+s3] =	stream.linear.scatter [tilespmem:s23], [sflag:$0x9], $0x3E8, $0x38;
	[tilespmem:$0x1D880] =	vst v63  }
0x47: {  	_ =	swait.ge [sflag:s25], $0x3E8  }
0x48: {  	[sflag:s25] =	ssyncset.done $0x0  }
0x49: {  	s21 =	simm.s32 $0x8870;
	s14 =	rddreg [dreg:$0x12];
	[sflag:s25] =	ssyncadd.s32 $0xFFFFFC18  }
0x4a: {  	[hbm4b:s14+s3] =	stream.linear.scatter [tilespmem:s21], [sflag:$0x9], $0x3E8, $0x38;
	[tilespmem:$0x1D880] =	vst v63  }
0x4b: {  	_ =	swait.ge [sflag:s25], $0x3E8  }
0x4c: {  	[sflag:s25] =	ssyncset.done $0x0  }
0x4d: {  	s23 =	simm.s32 $0x8C58;
	s22 =	rddreg [dreg:$0x13];
	[sflag:s25] =	ssyncadd.s32 $0xFFFFFC18  }
0x4e: {  	[hbm4b:s22+s3] =	stream.linear.scatter [tilespmem:s23], [sflag:$0x9], $0x3E8, $0x38;
	[tilespmem:$0x1D880] =	vst v63  }
0x4f: {  	_ =	swait.ge [sflag:s25], $0x3E8  }
0x50: {  	[sflag:s25] =	ssyncset.done $0x0  }
0x51: {  	s14 =	simm.s32 $0x9040;
	s6 =	rddreg [dreg:$0x14];
	[sflag:s25] =	ssyncadd.s32 $0xFFFFFC18  }
0x52: {  	[hbm4b:s6+s3] =	stream.linear.scatter [tilespmem:s14], [sflag:$0x9], $0x3E8, $0x38;
	[tilespmem:$0x1D880] =	vst v63  }
0x53: {  	_ =	swait.ge [sflag:s25], $0x3E8  }
0x54: {  	[sflag:s25] =	ssyncset.done $0x0  }
0x55: {  	s22 =	simm.s32 $0x9428;
	s21 =	rddreg [dreg:$0x15];
	[sflag:s25] =	ssyncadd.s32 $0xFFFFFC18  }
0x56: {  	[hbm4b:s21+s3] =	stream.linear.scatter [tilespmem:s22], [sflag:$0x9], $0x3E8, $0x38;
	[tilespmem:$0x1D880] =	vst v63  }
0x57: {  	_ =	swait.ge [sflag:s25], $0x3E8  }
0x58: {  	[sflag:s25] =	ssyncset.done $0x0  }
0x59: {  	[sflag:s25] =	ssyncadd.s32 $0xFFFFFC18  }
0x5a: {  	[bflag:$0x0] =	sbarrier.arrive $0xFFFF  }
0x5b: {  	s23 =	sld [smem:$0x7FC];
	_ =	sdelay $0x2  }
0x5c: {  	s6 =	simm.s32 @!p1 $0x1FC9;
	s14 =	rddreg [dreg:$0x18];
	s1 =	sshrl.u32 @!p1 s23, $0x3  }
0x5d: {  	[hbm:s14], [sflag:s6] =	dma.local @!p1 [spmem:s1], $0x1900  }
0x5e: {  	s1 =	simm.s32 @!p1 $0x9  }
0x5f: {  	_ =	swait.ge @!p1 [sflag:s1], $0x1900  }
0x60: {  	s21 =	stileid.u32;
	s22 =	rddreg [dreg:$0x4]  }
0x61: {  	s6 =	sshll.u32 @!p2 s21, $0x6;
	[sflag:s1] =	ssyncset.done @!p1 $0x0;
	s14 =	rddreg [dreg:$0x16]  }
0x62: {  	[sflag:s1] =	ssyncadd.s32 @!p1 $0xFFFFE700;
	s1 =	sor.u32 @!p2 $0x1C09, s6;
	s6 =	sshrl.u32 @!p2 s22, $0x3  }
0x63: {  	[hbm:s14], [sflag:s1] =	dma.local @!p2 [spmem:s6], $0x2800  }
0x64: {  	s1 =	simm.s32 @!p2 $0x9  }
0x65: {  	_ =	swait.ge @!p2 [sflag:s1], $0x2800  }
0x66: {  	s6 =	simm.s32 @!p3 $0x1FC9;
	[sflag:s1] =	ssyncset.done @!p2 $0x0  }
0x67: {  	s14 =	rddreg [dreg:$0x1a];
	[sflag:s1] =	ssyncadd.s32 @!p2 $0xFFFFD800;
	s1 =	sshrl.u32 @!p3 s23, $0x3  }
0x68: {  	[hbm:s14], [sflag:s6] =	dma.local @!p3 [spmem:s1], $0x1900  }
0x69: {  	s1 =	simm.s32 @!p3 $0x9  }
0x6a: {  	_ =	swait.ge @!p3 [sflag:s1], $0x1900  }
0x6b: {  	s6 =	sshll.u32 @!p4 s21, $0x6;
	[sflag:s1] =	ssyncset.done @!p3 $0x0;
	s21 =	rddreg [dreg:$0x19]  }
0x6c: {  	[sflag:s1] =	ssyncadd.s32 @!p3 $0xFFFFE700;
	s1 =	sor.u32 @!p4 $0x1C09, s6;
	s6 =	sshrl.u32 @!p4 s22, $0x3  }
0x6d: {  	[hbm:s21], [sflag:s1] =	dma.local @!p4 [spmem:s6], $0x2800  }
0x6e: {  	s1 =	simm.s32 @!p4 $0x9  }
0x6f: {  	_ =	swait.ge @!p4 [sflag:s1], $0x2800  }
0x70: {  	s20 =	sadd.s32 $0x1, s20;
	s23 =	rddreg [dreg:$0x1b]  }
0x71: {  	p5 =	sne.s32 s20, s23  }
.Ltmp1:
0x72: {  	_ = 	snop;
	(pc) =	sbr.rel @!p5 .LBB2_24-.Ltmp1, $3  }
0x73: {  	_ =	sdelay $0x1  }
0x74: {  	[sflag:s1] =	ssyncset.done @!p4 $0x0  }
0x75: {  	s14 =	stileid.u32;
	[sflag:s1] =	ssyncadd.s32 @!p4 $0xFFFFD800  }
.LBB2_1:
0x76: {  	s1 =	simm.s32 $0x0;
	s14 =	simm.s32 $0x200  }
.LBB2_2:
0x77: {  	p5 =	sne.s32 s14, $0x9E00;
	[tilespmem:s1+$0x170] =	vst v0  }
0x78: {  	[tilespmem:s1+$0x100] =	vst v0  }
0x79: {  	[tilespmem:s1+$0x110] =	vst v0  }
.Ltmp2:
0x7a: {  	[tilespmem:s1+$0x120] =	vst v0;
	(pc) =	sbr.rel @p5 .LBB2_2-.Ltmp2, $4  }
0x7b: {  	[tilespmem:s1+$0x130] =	vst v0  }
0x7c: {  	[tilespmem:s1+$0x140] =	vst v0  }
0x7d: {  	[tilespmem:s1+$0x150] =	vst v0  }
0x7e: {  	[tilespmem:s1+$0x160] =	vst v0;
	s1 =	sshra.s32 s14, $0x2;
	s14 =	sadd.s32 $0x200, s14  }
0x7f: {  	[tilespmem:s1+$0x170] =	vst v0  }
0x80: {  	[tilespmem:s1+$0x100] =	vst v0  }
0x81: {  	[tilespmem:s1+$0x110] =	vst v0  }
0x82: {  	[tilespmem:s1+$0x120] =	vst v0  }
0x83: {  	[tilespmem:s1+$0x130] =	vst v0  }
0x84: {  	[tilespmem:s1+$0x140] =	vst v0  }
0x85: {  	[tilespmem:s1+$0x150] =	vst v0  }
0x86: {  	[tilespmem:s1+$0x160] =	vst v0  }
0x87: {  	[spmem:s22] =	stream.linear.scatter [tilespmem:s24], [sflag:$0x9], $0x2800, $0x38;
	[tilespmem:$0x1D880] =	vst v63  }
0x88: {  	_ =	swait.ge [sflag:s25], $0x2800  }
0x89: {  	[sflag:s25] =	ssyncset.done $0x0  }
0x8a: {  	s22 =	rddreg [dreg:$0x1d];
	[sflag:s25] =	ssyncadd.s32 $0xFFFFD800  }
0x8b: {  	[spmem:s22] =	stream.linear.scatter [tilespmem:s24], [sflag:$0x9], $0x2800, $0x38;
	[tilespmem:$0x1D880] =	vst v63  }
0x8c: {  	_ =	swait.ge [sflag:s25], $0x2800  }
0x8d: {  	[sflag:s25] =	ssyncset.done $0x0  }
0x8e: {  	s23 =	rddreg [dreg:$0x1e];
	[sflag:s25] =	ssyncadd.s32 $0xFFFFD800  }
0x8f: {  	[spmem:s23] =	stream.linear.scatter [tilespmem:s24], [sflag:$0x9], $0x2800, $0x38;
	[tilespmem:$0x1D880] =	vst v63  }
0x90: {  	_ =	swait.ge [sflag:s25], $0x2800  }
0x91: {  	[sflag:s25] =	ssyncset.done $0x0  }
0x92: {  	s6 =	rddreg [dreg:$0x1f];
	[sflag:s25] =	ssyncadd.s32 $0xFFFFD800  }
0x93: {  	[spmem:s6] =	stream.linear.scatter [tilespmem:s24], [sflag:$0x9], $0x2800, $0x38;
	[tilespmem:$0x1D880] =	vst v63  }
0x94: {  	_ =	swait.ge [sflag:s25], $0x2800  }
0x95: {  	s14 =	sld [smem:$0x7F7]  }
0x96: {  	[sflag:s25] =	ssyncset.done $0x0  }
0x97: {  	[sflag:s25] =	ssyncadd.s32 $0xFFFFD800  }
0x98: {  	[spmem:s14] =	stream.linear.scatter [tilespmem:s24], [sflag:$0x9], $0x2800, $0x38;
	[tilespmem:$0x1D880] =	vst v63  }
0x99: {  	_ =	swait.ge [sflag:s25], $0x2800  }
0x9a: {  	s21 =	sld [smem:$0x7F8]  }
0x9b: {  	[sflag:s25] =	ssyncset.done $0x0  }
0x9c: {  	[sflag:s25] =	ssyncadd.s32 $0xFFFFD800  }
0x9d: {  	[spmem:s21] =	stream.linear.scatter [tilespmem:s24], [sflag:$0x9], $0x2800, $0x38;
	[tilespmem:$0x1D880] =	vst v63  }
0x9e: {  	_ =	swait.ge [sflag:s25], $0x2800  }
0x9f: {  	s22 =	sld [smem:$0x7F9]  }
0xa0: {  	[sflag:s25] =	ssyncset.done $0x0  }
0xa1: {  	[sflag:s25] =	ssyncadd.s32 $0xFFFFD800  }
0xa2: {  	[spmem:s22] =	stream.linear.scatter [tilespmem:s24], [sflag:$0x9], $0x2800, $0x38;
	[tilespmem:$0x1D880] =	vst v63  }
0xa3: {  	_ =	swait.ge [sflag:s25], $0x2800  }
0xa4: {  	s23 =	sld [smem:$0x7FA]  }
0xa5: {  	[sflag:s25] =	ssyncset.done $0x0  }
0xa6: {  	[sflag:s25] =	ssyncadd.s32 $0xFFFFD800  }
0xa7: {  	[spmem:s23] =	stream.linear.scatter [tilespmem:s24], [sflag:$0x9], $0x2800, $0x38;
	[tilespmem:$0x1D880] =	vst v63  }
.Ltmp3:
0xa8: {  	_ =	swait.ge [sflag:s25], $0x2800;
	(pc) =	sbr.rel @p0 .LBB2_11-.Ltmp3, $4  }
0xa9: {  	[sflag:s25] =	ssyncset.done $0x0  }
0xaa: {  	[sflag:s25] =	ssyncadd.s32 $0xFFFFD800  }
0xab: {  	[bflag:$0x0] =	sbarrier.arrive $0xFFFF  }
0xac: {  	s1 =	simm.s32 $0x0  }
0xad: {  	[tilespmem:s24], [sflag:$0x1] =	stream.linear.gather [hbm4b:s12+s1], $0x2800, $0x38;
	[tilespmem:$0x1D880] =	vst v63  }
0xae: {  	s6 =	rddreg [dreg:$0x8]  }
0xaf: {  	[tilespmem:s1], [sflag:$0x3] =	stream.linear.gather [hbm4b:s6+s1], $0x50, $0x38;
	[tilespmem:$0x1D880] =	vst v63  }
0xb0: {  	s14 =	rddreg [dreg:$0x9]  }
0xb1: {  	[tilespmem:s26], [sflag:$0x2] =	stream.linear.gather [hbm4b:s14+s1], $0x2800, $0x38;
	[tilespmem:$0x1D880] =	vst v63  }
0xb2: {  	s21 =	rddreg [dreg:$0xa]  }
0xb3: {  	[tilespmem:s28], [sflag:$0x4] =	stream.linear.gather [hbm4b:s21+s1], $0x50, $0x38;
	[tilespmem:$0x1D880] =	vst v63  }
0xb4: {  	_ =	swait.ge [sflag:s29], $0x2800  }
0xb5: {  	[sflag:s29] =	ssyncset.done $0x0  }
0xb6: {  	[sflag:s29] =	ssyncadd.s32 $0xFFFFD800  }
0xb7: {  	_ =	swait.ge [sflag:s30], $0x50  }
0xb8: {  	[sflag:s30] =	ssyncset.done $0x0  }
0xb9: {  	[sflag:s30] =	ssyncadd.s32 $0xFFFFFFB0  }
0xba: {  	[spmem:s2] =	stream.indirect.scatter.add.f32 [tilespmem:s24], [sflag:$0x9], $0x80, s3, s31, $0xb8;
	[tilespmem:$0x1D880] =	vst v63  }
0xbb: {  	_ =	swait.ge [sflag:s25], $0x2800  }
0xbc: {  	s22 =	sadd.s32 $0x0, s12;
	[sflag:s25] =	ssyncset.done $0x0  }
0xbd: {  	s14 =	sadd.s32 $0xA00, s22;
	s21 =	rddreg [dreg:$0x1c];
	[sflag:s25] =	ssyncadd.s32 $0xFFFFD800  }
0xbe: {  	[tilespmem:s24], [sflag:$0x1] =	stream.linear.gather [hbm4b:s14+s3], $0x2800, $0x38;
	[tilespmem:$0x1D880] =	vst v63  }
0xbf: {  	s23 =	sadd.s32 $0xFFFFFFF6, s21  }
0xc0: {  	[tilespmem:s3], [sflag:$0x3] =	stream.linear.gather [hbm4b:s23+s3], $0x50, $0x38;
	[tilespmem:$0x1D880] =	vst v63  }
0xc1: {  	_ =	swait.ge [sflag:s0], $0x2800  }
0xc2: {  	[sflag:s0] =	ssyncset.done $0x0  }
0xc3: {  	[sflag:s0] =	ssyncadd.s32 $0xFFFFD800  }
0xc4: {  	_ =	swait.ge [sflag:s9], $0x50  }
0xc5: {  	[sflag:s9] =	ssyncset.done $0x0  }
0xc6: {  	[sflag:s9] =	ssyncadd.s32 $0xFFFFFFB0  }
0xc7: {  	[spmem:s2] =	stream.indirect.scatter.add.f32 [tilespmem:s26], [sflag:$0x9], $0x80, s28, s31, $0xb8;
	[tilespmem:$0x1D880] =	vst v63  }
0xc8: {  	_ =	swait.ge [sflag:s25], $0x2800  }
0xc9: {  	[sflag:s25] =	ssyncset.done $0x0  }
0xca: {  	s1 =	sadd.s32 $0xF00, s22;
	[sflag:s25] =	ssyncadd.s32 $0xFFFFD800  }
0xcb: {  	[tilespmem:s26], [sflag:$0x2] =	stream.linear.gather [hbm4b:s1+s3], $0x2800, $0x38;
	[tilespmem:$0x1D880] =	vst v63  }
0xcc: {  	s14 =	sadd.s32 $0x14, s21;
	s1 =	simm.s32 $0xA00  }
.LBB2_5:
0xcd: {  	[tilespmem:s28], [sflag:$0x4] =	stream.linear.gather [hbm4b:s21+s3], $0x50, $0x38;
	[tilespmem:$0x1D880] =	vst v63  }
0xce: {  	s23 =	smov.u32 s1;
	s21 =	smov.u32 s14  }
0xcf: {  	p5 =	sne.s32 s1, $0x4CE00;
	s1 =	sadd.s32 $0xA00, s1;
	_ =	swait.ge [sflag:s29], $0x2800  }
0xd0: {  	[sflag:s29] =	ssyncset.done $0x0  }
0xd1: {  	[sflag:s29] =	ssyncadd.s32 $0xFFFFD800  }
0xd2: {  	_ =	swait.ge [sflag:s30], $0x50  }
0xd3: {  	[sflag:s30] =	ssyncset.done $0x0  }
0xd4: {  	[sflag:s30] =	ssyncadd.s32 $0xFFFFFFB0  }
0xd5: {  	[spmem:s2] =	stream.indirect.scatter.add.f32 [tilespmem:s24], [sflag:$0x9], $0x80, s3, s31, $0xb8;
	[tilespmem:$0x1D880] =	vst v63  }
0xd6: {  	_ =	swait.ge [sflag:s25], $0x2800  }
0xd7: {  	s23 =	sadd.s32 s23, s12;
	[sflag:s25] =	ssyncset.done $0x0  }
0xd8: {  	s22 =	sadd.s32 $0xA00, s23;
	[sflag:s25] =	ssyncadd.s32 $0xFFFFD800  }
0xd9: {  	[tilespmem:s24], [sflag:$0x1] =	stream.linear.gather [hbm4b:s22+s3], $0x2800, $0x38;
	[tilespmem:$0x1D880] =	vst v63  }
0xda: {  	s22 =	sadd.s32 $0xFFFFFFF6, s14  }
0xdb: {  	[tilespmem:s3], [sflag:$0x3] =	stream.linear.gather [hbm4b:s22+s3], $0x50, $0x38;
	[tilespmem:$0x1D880] =	vst v63  }
0xdc: {  	_ =	swait.ge [sflag:s0], $0x2800  }
0xdd: {  	[sflag:s0] =	ssyncset.done $0x0  }
0xde: {  	[sflag:s0] =	ssyncadd.s32 $0xFFFFD800  }
0xdf: {  	_ =	swait.ge [sflag:s9], $0x50  }
0xe0: {  	[sflag:s9] =	ssyncset.done $0x0  }
0xe1: {  	[sflag:s9] =	ssyncadd.s32 $0xFFFFFFB0  }
0xe2: {  	[spmem:s2] =	stream.indirect.scatter.add.f32 [tilespmem:s26], [sflag:$0x9], $0x80, s28, s31, $0xb8;
	[tilespmem:$0x1D880] =	vst v63  }
.Ltmp4:
0xe3: {  	_ =	swait.ge [sflag:s25], $0x2800;
	(pc) =	sbr.rel @p5 .LBB2_5-.Ltmp4, $4  }
0xe4: {  	[sflag:s25] =	ssyncset.done $0x0  }
0xe5: {  	s22 =	sadd.s32 $0xF00, s23;
	[sflag:s25] =	ssyncadd.s32 $0xFFFFD800  }
0xe6: {  	[tilespmem:s26], [sflag:$0x2] =	stream.linear.gather [hbm4b:s22+s3], $0x2800, $0x38;
	[tilespmem:$0x1D880] =	vst v63  }
0xe7: {  	s14 =	sadd.s32 $0x14, s14  }
0xe8: {  	[tilespmem:s28], [sflag:$0x4] =	stream.linear.gather [hbm4b:s21+s3], $0x50, $0x38;
	[tilespmem:$0x1D880] =	vst v63  }
0xe9: {  	_ =	swait.ge [sflag:s29], $0x2800  }
0xea: {  	[sflag:s29] =	ssyncset.done $0x0  }
0xeb: {  	[sflag:s29] =	ssyncadd.s32 $0xFFFFD800  }
0xec: {  	_ =	swait.ge [sflag:s30], $0x50  }
0xed: {  	[sflag:s30] =	ssyncset.done $0x0  }
0xee: {  	s1 =	simm.s32 $0x0;
	[sflag:s30] =	ssyncadd.s32 $0xFFFFFFB0  }
0xef: {  	[spmem:s2] =	stream.indirect.scatter.add.f32 [tilespmem:s24], [sflag:$0x9], $0x80, s1, s31, $0xb8;
	[tilespmem:$0x1D880] =	vst v63  }
0xf0: {  	_ =	swait.ge [sflag:s25], $0x2800  }
0xf1: {  	[sflag:s25] =	ssyncset.done $0x0  }
0xf2: {  	[sflag:s25] =	ssyncadd.s32 $0xFFFFD800  }
0xf3: {  	_ =	swait.ge [sflag:s0], $0x2800  }
0xf4: {  	[sflag:s0] =	ssyncset.done $0x0  }
0xf5: {  	[sflag:s0] =	ssyncadd.s32 $0xFFFFD800  }
0xf6: {  	_ =	swait.ge [sflag:s9], $0x50  }
0xf7: {  	[sflag:s9] =	ssyncset.done $0x0  }
0xf8: {  	[sflag:s9] =	ssyncadd.s32 $0xFFFFFFB0  }
0xf9: {  	[spmem:s2] =	stream.indirect.scatter.add.f32 [tilespmem:s26], [sflag:$0x9], $0x80, s28, s31, $0xb8;
	[tilespmem:$0x1D880] =	vst v63  }
0xfa: {  	_ =	swait.ge [sflag:s25], $0x2800  }
0xfb: {  	[sflag:s25] =	ssyncset.done $0x0  }
0xfc: {  	s14 =	simm.s32 $0x200;
	s1 =	simm.s32 $0x0;
	[sflag:s25] =	ssyncadd.s32 $0xFFFFD800  }
.LBB2_7:
0xfd: {  	p5 =	sne.s32 s14, $0x9E00;
	[tilespmem:s1+$0x170] =	vst v0  }
0xfe: {  	[tilespmem:s1+$0x100] =	vst v0  }
0xff: {  	[tilespmem:s1+$0x110] =	vst v0  }
.Ltmp5:
0x100: {  	[tilespmem:s1+$0x120] =	vst v0;
	(pc) =	sbr.rel @p5 .LBB2_7-.Ltmp5, $4  }
0x101: {  	[tilespmem:s1+$0x130] =	vst v0  }
0x102: {  	[tilespmem:s1+$0x140] =	vst v0  }
0x103: {  	[tilespmem:s1+$0x150] =	vst v0  }
0x104: {  	[tilespmem:s1+$0x160] =	vst v4;
	s1 =	sshra.s32 s14, $0x2;
	s14 =	sadd.s32 $0x200, s14  }
0x105: {  	[tilespmem:s1+$0x170] =	vst v0  }
0x106: {  	[tilespmem:s1+$0x100] =	vst v0  }
0x107: {  	[tilespmem:s1+$0x110] =	vst v0  }
0x108: {  	[tilespmem:s1+$0x120] =	vst v0  }
0x109: {  	[tilespmem:s1+$0x130] =	vst v0  }
0x10a: {  	[tilespmem:s1+$0x140] =	vst v0  }
0x10b: {  	[tilespmem:s1+$0x150] =	vst v0  }
0x10c: {  	[tilespmem:s1+$0x160] =	vst v4;
	s21 =	rddreg [dreg:$0x5]  }
0x10d: {  	[tilespmem:s3], [sflag:$0x3] =	stream.linear.gather [hbm4b:s21+s3], $0x50, $0x38;
	[tilespmem:$0x1D880] =	vst v63  }
0x10e: {  	s22 =	rddreg [dreg:$0x7]  }
0x10f: {  	[tilespmem:s28], [sflag:$0x4] =	stream.linear.gather [hbm4b:s22+s3], $0x50, $0x38;
	[tilespmem:$0x1D880] =	vst v63  }
0x110: {  	_ =	swait.ge [sflag:s30], $0x50  }
0x111: {  	[sflag:s30] =	ssyncset.done $0x0  }
0x112: {  	[sflag:s30] =	ssyncadd.s32 $0xFFFFFFB0  }
0x113: {  	[spmem:s2] =	stream.indirect.scatter.add.f32 [tilespmem:s24], [sflag:$0x9], $0x80, s3, s31, $0xb8;
	[tilespmem:$0x1D880] =	vst v63  }
0x114: {  	_ =	swait.ge [sflag:s25], $0x2800  }
0x115: {  	s14 =	sadd.s32 $0xFFFFF650, s13;
	[sflag:s25] =	ssyncset.done $0x0  }
0x116: {  	s23 =	sadd.s32 $0x9C4, s14;
	[sflag:s25] =	ssyncadd.s32 $0xFFFFD800  }
0x117: {  	[tilespmem:s3], [sflag:$0x3] =	stream.linear.gather [hbm4b:s23+s3], $0x50, $0x38;
	[tilespmem:$0x1D880] =	vst v63  }
0x118: {  	_ =	swait.ge [sflag:s9], $0x50  }
0x119: {  	[sflag:s9] =	ssyncset.done $0x0  }
0x11a: {  	[sflag:s9] =	ssyncadd.s32 $0xFFFFFFB0  }
0x11b: {  	[spmem:s2] =	stream.indirect.scatter.add.f32 [tilespmem:s24], [sflag:$0x9], $0x80, s28, s31, $0xb8;
	[tilespmem:$0x1D880] =	vst v63  }
0x11c: {  	_ =	swait.ge [sflag:s25], $0x2800  }
0x11d: {  	[sflag:s25] =	ssyncset.done $0x0  }
0x11e: {  	s1 =	simm.s32 $0xFFFFF664;
	s14 =	sadd.s32 $0x9CE, s14;
	[sflag:s25] =	ssyncadd.s32 $0xFFFFD800  }
.LBB2_9:
0x11f: {  	[tilespmem:s28], [sflag:$0x4] =	stream.linear.gather [hbm4b:s14+s3], $0x50, $0x38;
	[tilespmem:$0x1D880] =	vst v63  }
0x120: {  	s14 =	smov.u32 s1  }
0x121: {  	p5 =	sne.s32 s1, $0xFFFFFFEC;
	s1 =	sadd.s32 $0x14, s1;
	_ =	swait.ge [sflag:s30], $0x50  }
0x122: {  	[sflag:s30] =	ssyncset.done $0x0  }
0x123: {  	[sflag:s30] =	ssyncadd.s32 $0xFFFFFFB0  }
0x124: {  	[spmem:s2] =	stream.indirect.scatter.add.f32 [tilespmem:s24], [sflag:$0x9], $0x80, s3, s31, $0xb8;
	[tilespmem:$0x1D880] =	vst v63  }
0x125: {  	_ =	swait.ge [sflag:s25], $0x2800  }
0x126: {  	s14 =	sadd.s32 s14, s13;
	[sflag:s25] =	ssyncset.done $0x0  }
0x127: {  	s21 =	sadd.s32 $0x9C4, s14;
	[sflag:s25] =	ssyncadd.s32 $0xFFFFD800  }
0x128: {  	[tilespmem:s3], [sflag:$0x3] =	stream.linear.gather [hbm4b:s21+s3], $0x50, $0x38;
	[tilespmem:$0x1D880] =	vst v63  }
0x129: {  	_ =	swait.ge [sflag:s9], $0x50  }
0x12a: {  	[sflag:s9] =	ssyncset.done $0x0  }
.Ltmp6:
0x12b: {  	[sflag:s9] =	ssyncadd.s32 $0xFFFFFFB0;
	(pc) =	sbr.rel @p5 .LBB2_9-.Ltmp6, $4  }
0x12c: {  	[spmem:s2] =	stream.indirect.scatter.add.f32 [tilespmem:s24], [sflag:$0x9], $0x80, s28, s31, $0xb8;
	[tilespmem:$0x1D880] =	vst v63  }
0x12d: {  	_ =	swait.ge [sflag:s25], $0x2800  }
0x12e: {  	[sflag:s25] =	ssyncset.done $0x0  }
0x12f: {  	s14 =	sadd.s32 $0x9CE, s14;
	[sflag:s25] =	ssyncadd.s32 $0xFFFFD800  }
0x130: {  	[tilespmem:s28], [sflag:$0x4] =	stream.linear.gather [hbm4b:s14+s3], $0x50, $0x38;
	[tilespmem:$0x1D880] =	vst v63  }
.Ltmp7:
0x131: {  	_ = 	snop;
	(pc) =	sbr.rel .LBB2_14-.Ltmp7, $4  }
0x132: {  	_ =	swait.ge [sflag:s30], $0x50  }
0x133: {  	[sflag:s30] =	ssyncset.done $0x0  }
0x134: {  	s1 =	simm.s32 $0x100;
	s14 =	simm.s32 $0x9;
	[sflag:s30] =	ssyncadd.s32 $0xFFFFFFB0  }
0x135: {  	[spmem:s2] =	stream.indirect.scatter.add.f32 [tilespmem:s1], [sflag:$0x9], $0x80, s3, s31, $0xb8;
	[tilespmem:$0x1D880] =	vst v63  }
.LBB2_11:
0x136: {  	[tilespmem:s24], [sflag:$0x1] =	stream.linear.gather [hbm4b:s7+s1], $0x2800, $0x38;
	[tilespmem:$0x1D880] =	vst v63  }
0x137: {  	s6 =	rddreg [dreg:$0x5]  }
0x138: {  	[tilespmem:s1], [sflag:$0x3] =	stream.linear.gather [hbm4b:s6+s1], $0x50, $0x38;
	[tilespmem:$0x1D880] =	vst v63  }
0x139: {  	s14 =	rddreg [dreg:$0x6]  }
0x13a: {  	[tilespmem:s26], [sflag:$0x2] =	stream.linear.gather [hbm4b:s14+s1], $0x2800, $0x38;
	[tilespmem:$0x1D880] =	vst v63  }
0x13b: {  	s21 =	rddreg [dreg:$0x7]  }
0x13c: {  	[tilespmem:s28], [sflag:$0x4] =	stream.linear.gather [hbm4b:s21+s1], $0x50, $0x38;
	[tilespmem:$0x1D880] =	vst v63  }
0x13d: {  	_ =	swait.ge [sflag:s29], $0x2800  }
0x13e: {  	[sflag:s29] =	ssyncset.done $0x0  }
0x13f: {  	[sflag:s29] =	ssyncadd.s32 $0xFFFFD800  }
0x140: {  	_ =	swait.ge [sflag:s30], $0x50  }
0x141: {  	[sflag:s30] =	ssyncset.done $0x0  }
0x142: {  	[sflag:s30] =	ssyncadd.s32 $0xFFFFFFB0  }
0x143: {  	[spmem:s2] =	stream.indirect.scatter.add.f32 [tilespmem:s24], [sflag:$0x9], $0x80, s3, s31, $0xb8;
	[tilespmem:$0x1D880] =	vst v63  }
0x144: {  	_ =	swait.ge [sflag:s25], $0x2800  }
0x145: {  	s22 =	sadd.s32 $0x0, s7;
	[sflag:s25] =	ssyncset.done $0x0;
	s21 =	sld [smem:$0x7FD]  }
0x146: {  	s14 =	sadd.s32 $0xA00, s22;
	[sflag:s25] =	ssyncadd.s32 $0xFFFFD800  }
0x147: {  	[tilespmem:s24], [sflag:$0x1] =	stream.linear.gather [hbm4b:s14+s3], $0x2800, $0x38;
	[tilespmem:$0x1D880] =	vst v63  }
0x148: {  	s23 =	sadd.s32 $0xFFFFFFF6, s21  }
0x149: {  	[tilespmem:s3], [sflag:$0x3] =	stream.linear.gather [hbm4b:s23+s3], $0x50, $0x38;
	[tilespmem:$0x1D880] =	vst v63  }
0x14a: {  	_ =	swait.ge [sflag:s0], $0x2800  }
0x14b: {  	[sflag:s0] =	ssyncset.done $0x0  }
0x14c: {  	[sflag:s0] =	ssyncadd.s32 $0xFFFFD800  }
0x14d: {  	_ =	swait.ge [sflag:s9], $0x50  }
0x14e: {  	[sflag:s9] =	ssyncset.done $0x0  }
0x14f: {  	[sflag:s9] =	ssyncadd.s32 $0xFFFFFFB0  }
0x150: {  	[spmem:s2] =	stream.indirect.scatter.add.f32 [tilespmem:s26], [sflag:$0x9], $0x80, s28, s31, $0xb8;
	[tilespmem:$0x1D880] =	vst v63  }
0x151: {  	_ =	swait.ge [sflag:s25], $0x2800  }
0x152: {  	[sflag:s25] =	ssyncset.done $0x0  }
0x153: {  	s1 =	sadd.s32 $0xF00, s22;
	[sflag:s25] =	ssyncadd.s32 $0xFFFFD800  }
0x154: {  	[tilespmem:s26], [sflag:$0x2] =	stream.linear.gather [hbm4b:s1+s3], $0x2800, $0x38;
	[tilespmem:$0x1D880] =	vst v63  }
0x155: {  	s14 =	sadd.s32 $0x14, s21;
	s1 =	simm.s32 $0xA00  }
.LBB2_12:
0x156: {  	[tilespmem:s28], [sflag:$0x4] =	stream.linear.gather [hbm4b:s21+s3], $0x50, $0x38;
	[tilespmem:$0x1D880] =	vst v63  }
0x157: {  	s22 =	smov.u32 s1;
	s21 =	smov.u32 s14  }
0x158: {  	p5 =	sne.s32 s1, $0x4CE00;
	s1 =	sadd.s32 $0xA00, s1;
	_ =	swait.ge [sflag:s29], $0x2800  }
0x159: {  	[sflag:s29] =	ssyncset.done $0x0  }
0x15a: {  	[sflag:s29] =	ssyncadd.s32 $0xFFFFD800  }
0x15b: {  	_ =	swait.ge [sflag:s30], $0x50  }
0x15c: {  	[sflag:s30] =	ssyncset.done $0x0  }
0x15d: {  	[sflag:s30] =	ssyncadd.s32 $0xFFFFFFB0  }
0x15e: {  	[spmem:s2] =	stream.indirect.scatter.add.f32 [tilespmem:s24], [sflag:$0x9], $0x80, s3, s31, $0xb8;
	[tilespmem:$0x1D880] =	vst v63  }
0x15f: {  	_ =	swait.ge [sflag:s25], $0x2800  }
0x160: {  	s22 =	sadd.s32 s22, s7;
	[sflag:s25] =	ssyncset.done $0x0  }
0x161: {  	s23 =	sadd.s32 $0xA00, s22;
	[sflag:s25] =	ssyncadd.s32 $0xFFFFD800  }
0x162: {  	[tilespmem:s24], [sflag:$0x1] =	stream.linear.gather [hbm4b:s23+s3], $0x2800, $0x38;
	[tilespmem:$0x1D880] =	vst v63  }
0x163: {  	s23 =	sadd.s32 $0xFFFFFFF6, s14  }
0x164: {  	[tilespmem:s3], [sflag:$0x3] =	stream.linear.gather [hbm4b:s23+s3], $0x50, $0x38;
	[tilespmem:$0x1D880] =	vst v63  }
0x165: {  	_ =	swait.ge [sflag:s0], $0x2800  }
0x166: {  	[sflag:s0] =	ssyncset.done $0x0  }
0x167: {  	[sflag:s0] =	ssyncadd.s32 $0xFFFFD800  }
0x168: {  	_ =	swait.ge [sflag:s9], $0x50  }
0x169: {  	[sflag:s9] =	ssyncset.done $0x0  }
0x16a: {  	[sflag:s9] =	ssyncadd.s32 $0xFFFFFFB0  }
0x16b: {  	[spmem:s2] =	stream.indirect.scatter.add.f32 [tilespmem:s26], [sflag:$0x9], $0x80, s28, s31, $0xb8;
	[tilespmem:$0x1D880] =	vst v63  }
.Ltmp8:
0x16c: {  	_ =	swait.ge [sflag:s25], $0x2800;
	(pc) =	sbr.rel @p5 .LBB2_12-.Ltmp8, $4  }
0x16d: {  	[sflag:s25] =	ssyncset.done $0x0  }
0x16e: {  	s22 =	sadd.s32 $0xF00, s22;
	[sflag:s25] =	ssyncadd.s32 $0xFFFFD800  }
0x16f: {  	[tilespmem:s26], [sflag:$0x2] =	stream.linear.gather [hbm4b:s22+s3], $0x2800, $0x38;
	[tilespmem:$0x1D880] =	vst v63  }
0x170: {  	s14 =	sadd.s32 $0x14, s14  }
0x171: {  	[tilespmem:s28], [sflag:$0x4] =	stream.linear.gather [hbm4b:s21+s3], $0x50, $0x38;
	[tilespmem:$0x1D880] =	vst v63  }
0x172: {  	_ =	swait.ge [sflag:s29], $0x2800  }
0x173: {  	[sflag:s29] =	ssyncset.done $0x0  }
0x174: {  	[sflag:s29] =	ssyncadd.s32 $0xFFFFD800  }
0x175: {  	_ =	swait.ge [sflag:s30], $0x50  }
0x176: {  	[sflag:s30] =	ssyncset.done $0x0  }
0x177: {  	[sflag:s30] =	ssyncadd.s32 $0xFFFFFFB0  }
0x178: {  	[spmem:s2] =	stream.indirect.scatter.add.f32 [tilespmem:s24], [sflag:$0x9], $0x80, s3, s31, $0xb8;
	[tilespmem:$0x1D880] =	vst v63  }
0x179: {  	_ =	swait.ge [sflag:s25], $0x2800  }
0x17a: {  	[sflag:s25] =	ssyncset.done $0x0  }
0x17b: {  	s1 =	simm.s32 $0x2900;
	s14 =	simm.s32 $0x2;
	[sflag:s25] =	ssyncadd.s32 $0xFFFFD800  }
.LBB2_14:
0x17c: {  	_ =	swait.ge [sflag:s14], $0x2800  }
0x17d: {  	[sflag:s14] =	ssyncset.done $0x0  }
0x17e: {  	[sflag:s14] =	ssyncadd.s32 $0xFFFFD800  }
0x17f: {  	_ =	swait.ge [sflag:s9], $0x50  }
0x180: {  	[sflag:s9] =	ssyncset.done $0x0  }
0x181: {  	[sflag:s9] =	ssyncadd.s32 $0xFFFFFFB0  }
0x182: {  	[spmem:s2] =	stream.indirect.scatter.add.f32 [tilespmem:s1], [sflag:$0x9], $0x80, s28, s31, $0xb8;
	[tilespmem:$0x1D880] =	vst v63  }
0x183: {  	_ =	swait.ge [sflag:s25], $0x2800  }
0x184: {  	[sflag:s25] =	ssyncset.done $0x0  }
0x185: {  	s14 =	simm.s32 $0x0;
	s1 =	simm.s32 $0x40;
	[sflag:s25] =	ssyncadd.s32 $0xFFFFD800  }
.LBB2_15:
0x186: {  	p5 =	sne.s32 s1, $0x9C00;
	[tilespmem:s14+$0x7100] =	vst v7;
	s14 =	smov.u32 s1;
	s1 =	sadd.s32 $0x40, s1  }
.Ltmp9:
0x187: {  	(pc) =	sbr.rel @p5 .LBB2_15-.Ltmp9, $2  }
0x188: {  	_ =	sdelay $0x2  }
0x189: {  	s14 =	sshra.s32 s14, $0x2  }
0x18a: {  	[tilespmem:s14+$0x7100] =	vst v7;
	s21 =	simm.s32 $0x0;
	s1 =	rddreg [dreg:$0xe];
	s6 =	simm.s32 $0x5100  }
0x18b: {  	[tilespmem:s6], [sflag:$0x5] =	stream.linear.gather [hbm4b:s1+s21], $0x7D0, $0x38;
	[tilespmem:$0x1D880] =	vst v63  }
0x18c: {  	s14 =	simm.s32 $0x6100;
	s22 =	sld [smem:$0x7FB]  }
0x18d: {  	[tilespmem:s14], [sflag:$0x7] =	stream.linear.gather [hbm4b:s4+s21], $0x7D0, $0x38;
	[tilespmem:$0x1D880] =	vst v63  }
0x18e: {  	_ = 	snop  }
0x18f: {  	[tilespmem:s19], [sflag:$0x6] =	stream.linear.gather [hbm4b:s22+s21], $0x7D0, $0x38;
	[tilespmem:$0x1D880] =	vst v63  }
0x190: {  	s23 =	rddreg [dreg:$0x17]  }
0x191: {  	[tilespmem:s15], [sflag:$0x8] =	stream.linear.gather [hbm4b:s23+s21], $0x7D0, $0x38;
	[tilespmem:$0x1D880] =	vst v63  }
.LBB2_17:
0x192: {  	_ =	swait.ge [sflag:s8], $0x7D0  }
0x193: {  	[sflag:s8] =	ssyncset.done $0x0  }
0x194: {  	[sflag:s8] =	ssyncadd.s32 $0xFFFFF830  }
0x195: {  	_ =	swait.ge [sflag:s10], $0x7D0  }
0x196: {  	[sflag:s10] =	ssyncset.done $0x0  }
0x197: {  	s14 =	simm.s32 $0x0;
	s1 =	simm.s32 $0x40;
	[sflag:s10] =	ssyncadd.s32 $0xFFFFF830  }
.LBB2_18:
0x198: {  	p5 =	sne.s32 s1, $0x1F00;
	v11 =	vld [tilespmem:s14+$0x6100]  }
0x199: {  	v12 =	vld [tilespmem:s14+$0x5100];
	_ =	sdelay $0x3  }
0x19a: {  	v11 =	vxor.u32 $0x80000000, v11  }
0x19b: {  	(xrf1) =	vsort.ascd.msk.u32 $0xffff, v11, v12;
	_ =	sdelay $0xd  }
0x19c: {  	v11, v12, _ =	vpop (xrf1)  }
0x19d: {  	v11 =	vxor.u32 $0x80000000, v11  }
0x19e: {  	v14 =	vperm.xlane v12, v1;
	v13 =	vperm.xlane v11, v1;
	_ =	sdelay $0x1  }
0x19f: {  	vm0 =	veq.s32 v13, v11;
	v13 =	vmax.f32 v12, v14  }
0x1a0: {  	v12 =	vsel vm0, v13, v12  }
0x1a1: {  	v13 =	vperm.xlane v11, v2;
	v14 =	vperm.xlane v12, v2;
	_ =	sdelay $0x1  }
0x1a2: {  	vm0 =	veq.s32 v13, v11;
	v13 =	vmax.f32 v12, v14  }
0x1a3: {  	v12 =	vsel vm0, v13, v12  }
0x1a4: {  	v13 =	vperm.xlane v11, v5;
	v14 =	vperm.xlane v12, v5;
	_ =	sdelay $0x1  }
0x1a5: {  	vm0 =	veq.s32 v13, v11;
	v13 =	vmax.f32 v12, v14  }
0x1a6: {  	v12 =	vsel vm0, v13, v12  }
0x1a7: {  	v13 =	vperm.xlane v11, v3;
	v14 =	vperm.xlane v12, v3;
	_ =	sdelay $0x1  }
0x1a8: {  	vm0 =	veq.s32 v13, v11;
	v13 =	vmax.f32 v12, v14  }
0x1a9: {  	v12 =	vsel vm0, v13, v12  }
0x1aa: {  	v13 =	vperm.xlane v11, v8;
	v14 =	vperm.xlane v12, v8;
	_ =	sdelay $0x1  }
0x1ab: {  	vm0 =	veq.s32 v13, v11;
	v13 =	vmax.f32 v12, v14  }
0x1ac: {  	v12 =	vsel vm0, v13, v12  }
0x1ad: {  	v13 =	vperm.xlane v11, v9;
	v14 =	vperm.xlane v12, v9;
	_ =	sdelay $0x1  }
0x1ae: {  	vm0 =	veq.s32 v13, v11;
	v13 =	vmax.f32 v12, v14  }
0x1af: {  	v12 =	vsel vm0, v13, v12  }
0x1b0: {  	v13 =	vperm.xlane v11, v6;
	v14 =	vperm.xlane v12, v6;
	_ =	sdelay $0x1  }
0x1b1: {  	vm0 =	veq.s32 v13, v11;
	v13 =	vmax.f32 v12, v14;
	v14 =	vld.idx.msk [tilespmem:v11+s16+$0x0], $0xffff  }
0x1b2: {  	v12 =	vsel vm0, v13, v12  }
0x1b3: {  	v13 =	vperm.xlane v11, v10;
	v15 =	vperm.xlane v12, v10  }
.Ltmp10:
0x1b4: {  	(pc) =	sbr.rel @p5 .LBB2_18-.Ltmp10, $4  }
0x1b5: {  	vm0 =	veq.s32 v13, v11;
	v13 =	vmax.f32 v12, v15  }
0x1b6: {  	v12 =	vsel vm0, v13, v12  }
0x1b7: {  	v12 =	vmax.f32 v14, v12  }
0x1b8: {  	s14 =	sshra.s32 s1, $0x2;
	s1 =	sadd.s32 $0x40, s1;
	[tilespmem:v11+s16+$0x0] =	vst.idx.msk $0xffff, v12  }
0x1b9: {  	v11 =	vld [tilespmem:s14+$0x6100]  }
0x1ba: {  	v12 =	vld [tilespmem:s14+$0x5100];
	_ =	sdelay $0x3  }
0x1bb: {  	v11 =	vxor.u32 $0x80000000, v11  }
0x1bc: {  	(xrf1) =	vsort.ascd.msk.u32 $0xffff, v11, v12;
	_ =	sdelay $0xd  }
0x1bd: {  	v11, v12, _ =	vpop (xrf1)  }
0x1be: {  	v11 =	vxor.u32 $0x80000000, v11  }
0x1bf: {  	v14 =	vperm.xlane v12, v1;
	v13 =	vperm.xlane v11, v1;
	_ =	sdelay $0x1  }
0x1c0: {  	v42 =	vmax.f32 v12, v14;
	vm0 =	veq.s32 v13, v11  }
0x1c1: {  	v12 =	vsel vm0, v42, v12  }
0x1c2: {  	v43 =	vperm.xlane v11, v2;
	v44 =	vperm.xlane v12, v2;
	_ =	sdelay $0x1  }
0x1c3: {  	vm9 =	veq.s32 v43, v11;
	v45 =	vmax.f32 v12, v44  }
0x1c4: {  	v12 =	vsel vm9, v45, v12  }
0x1c5: {  	v46 =	vperm.xlane v11, v5;
	v47 =	vperm.xlane v12, v5;
	_ =	sdelay $0x1  }
0x1c6: {  	vm10 =	veq.s32 v46, v11;
	v48 =	vmax.f32 v12, v47  }
0x1c7: {  	v12 =	vsel vm10, v48, v12  }
0x1c8: {  	v49 =	vperm.xlane v11, v3;
	v50 =	vperm.xlane v12, v3;
	_ =	sdelay $0x1  }
0x1c9: {  	vm11 =	veq.s32 v49, v11;
	v51 =	vmax.f32 v12, v50  }
0x1ca: {  	v12 =	vsel vm11, v51, v12  }
0x1cb: {  	v52 =	vperm.xlane v11, v8;
	v53 =	vperm.xlane v12, v8;
	_ =	sdelay $0x1  }
0x1cc: {  	vm12 =	veq.s32 v52, v11;
	v54 =	vmax.f32 v12, v53  }
0x1cd: {  	v12 =	vsel vm12, v54, v12  }
0x1ce: {  	v55 =	vperm.xlane v11, v9;
	v56 =	vperm.xlane v12, v9;
	_ =	sdelay $0x1  }
0x1cf: {  	vm13 =	veq.s32 v55, v11;
	v57 =	vmax.f32 v12, v56  }
0x1d0: {  	v12 =	vsel vm13, v57, v12  }
0x1d1: {  	v58 =	vperm.xlane v11, v6;
	v59 =	vperm.xlane v12, v6;
	_ =	sdelay $0x1  }
0x1d2: {  	vm14 =	veq.s32 v58, v11;
	v60 =	vmax.f32 v12, v59  }
0x1d3: {  	s1 =	sshll.u32 s21, $0x1;
	p5 =	seq.s32 s21, $0x4F;
	v61 =	vld.idx.msk [tilespmem:v11+s16+$0x0], $0xffff;
	v12 =	vsel vm14, v60, v12  }
0x1d4: {  	s14 =	sadd.s32 @!p5 $0x2, s1;
	v62 =	vperm.xlane v11, v10;
	v15 =	vperm.xlane v12, v10  }
0x1d5: {  	s22 =	smul.u32 @!p5 $0xFA00, s14  }
0x1d6: {  	vm15 =	veq.s32 v62, v11;
	v63 =	vmax.f32 v12, v15  }
0x1d7: {  	s22 =	sadd.s32 @!p5 s11, s22;
	v12 =	vsel vm15, v63, v12  }
0x1d8: {  	s23 =	simm.s32 @!p5 $0x0;
	s22 =	sshrl.u32 @!p5 s22, $0x3;
	v12 =	vmax.f32 v61, v12  }
0x1d9: {  	s6 =	simm.s32 @!p5 $0x5100;
	s14 =	smul.u32 @!p5 $0xFA, s14;
	s22 =	sadd.s32 @!p5 s5, s22;
	[tilespmem:v11+s16+$0x0] =	vst.idx.msk $0xffff, v12  }
0x1da: {  	[tilespmem:s6], [sflag:$0x5] =	stream.linear.gather @!p5 [hbm4b:s22+s23], $0x7D0, $0x38;
	[tilespmem:$0x1D880] =	vst v63  }
0x1db: {  	s6 =	sadd.s32 @!p5 s4, s14;
	s14 =	simm.s32 @!p5 $0x6100  }
0x1dc: {  	[tilespmem:s14], [sflag:$0x7] =	stream.linear.gather @!p5 [hbm4b:s6+s23], $0x7D0, $0x38;
	[tilespmem:$0x1D880] =	vst v63  }
0x1dd: {  	_ =	swait.ge [sflag:s17], $0x7D0  }
0x1de: {  	[sflag:s17] =	ssyncset.done $0x0  }
0x1df: {  	[sflag:s17] =	ssyncadd.s32 $0xFFFFF830  }
0x1e0: {  	_ =	swait.ge [sflag:s18], $0x7D0  }
0x1e1: {  	[sflag:s18] =	ssyncset.done $0x0  }
0x1e2: {  	s23 =	simm.s32 $0x0;
	s14 =	simm.s32 $0x40;
	[sflag:s18] =	ssyncadd.s32 $0xFFFFF830  }
.LBB2_20:
0x1e3: {  	p6 =	sne.s32 s14, $0x1F00;
	v11 =	vld [tilespmem:s23+$0x6900]  }
0x1e4: {  	v12 =	vld [tilespmem:s23+$0x5900];
	_ =	sdelay $0x3  }
0x1e5: {  	v11 =	vxor.u32 $0x80000000, v11  }
0x1e6: {  	(xrf1) =	vsort.ascd.msk.u32 $0xffff, v11, v12;
	_ =	sdelay $0xd  }
0x1e7: {  	v11, v12, _ =	vpop (xrf1)  }
0x1e8: {  	v11 =	vxor.u32 $0x80000000, v11  }
0x1e9: {  	v14 =	vperm.xlane v12, v1;
	v13 =	vperm.xlane v11, v1;
	_ =	sdelay $0x1  }
0x1ea: {  	vm0 =	veq.s32 v13, v11;
	v13 =	vmax.f32 v12, v14  }
0x1eb: {  	v12 =	vsel vm0, v13, v12  }
0x1ec: {  	v13 =	vperm.xlane v11, v2;
	v14 =	vperm.xlane v12, v2;
	_ =	sdelay $0x1  }
0x1ed: {  	vm0 =	veq.s32 v13, v11;
	v13 =	vmax.f32 v12, v14  }
0x1ee: {  	v12 =	vsel vm0, v13, v12  }
0x1ef: {  	v13 =	vperm.xlane v11, v5;
	v14 =	vperm.xlane v12, v5;
	_ =	sdelay $0x1  }
0x1f0: {  	vm0 =	veq.s32 v13, v11;
	v13 =	vmax.f32 v12, v14  }
0x1f1: {  	v12 =	vsel vm0, v13, v12  }
0x1f2: {  	v13 =	vperm.xlane v11, v3;
	v14 =	vperm.xlane v12, v3;
	_ =	sdelay $0x1  }
0x1f3: {  	vm0 =	veq.s32 v13, v11;
	v13 =	vmax.f32 v12, v14  }
0x1f4: {  	v12 =	vsel vm0, v13, v12  }
0x1f5: {  	v13 =	vperm.xlane v11, v8;
	v14 =	vperm.xlane v12, v8;
	_ =	sdelay $0x1  }
0x1f6: {  	vm0 =	veq.s32 v13, v11;
	v13 =	vmax.f32 v12, v14  }
0x1f7: {  	v12 =	vsel vm0, v13, v12  }
0x1f8: {  	v13 =	vperm.xlane v11, v9;
	v14 =	vperm.xlane v12, v9;
	_ =	sdelay $0x1  }
0x1f9: {  	vm0 =	veq.s32 v13, v11;
	v13 =	vmax.f32 v12, v14  }
0x1fa: {  	v12 =	vsel vm0, v13, v12  }
0x1fb: {  	v13 =	vperm.xlane v11, v6;
	v14 =	vperm.xlane v12, v6;
	_ =	sdelay $0x1  }
0x1fc: {  	vm0 =	veq.s32 v13, v11;
	v13 =	vmax.f32 v12, v14;
	v14 =	vld.idx.msk [tilespmem:v11+s16+$0x0], $0xffff  }
0x1fd: {  	v12 =	vsel vm0, v13, v12  }
0x1fe: {  	v13 =	vperm.xlane v11, v10;
	v15 =	vperm.xlane v12, v10  }
.Ltmp11:
0x1ff: {  	(pc) =	sbr.rel @p6 .LBB2_20-.Ltmp11, $4  }
0x200: {  	vm0 =	veq.s32 v13, v11;
	v13 =	vmax.f32 v12, v15  }
0x201: {  	v12 =	vsel vm0, v13, v12  }
0x202: {  	v12 =	vmax.f32 v14, v12  }
0x203: {  	s23 =	sshra.s32 s14, $0x2;
	s14 =	sadd.s32 $0x40, s14;
	[tilespmem:v11+s16+$0x0] =	vst.idx.msk $0xffff, v12  }
0x204: {  	v11 =	vld [tilespmem:s23+$0x6900]  }
0x205: {  	v12 =	vld [tilespmem:s23+$0x5900];
	_ =	sdelay $0x3  }
0x206: {  	v11 =	vxor.u32 $0x80000000, v11  }
0x207: {  	(xrf1) =	vsort.ascd.msk.u32 $0xffff, v11, v12;
	_ =	sdelay $0xd  }
0x208: {  	v11, v12, _ =	vpop (xrf1)  }
0x209: {  	v11 =	vxor.u32 $0x80000000, v11  }
0x20a: {  	v14 =	vperm.xlane v12, v1;
	v13 =	vperm.xlane v11, v1;
	_ =	sdelay $0x1  }
0x20b: {  	v42 =	vmax.f32 v12, v14;
	vm0 =	veq.s32 v13, v11  }
0x20c: {  	v12 =	vsel vm0, v42, v12  }
0x20d: {  	v43 =	vperm.xlane v11, v2;
	v44 =	vperm.xlane v12, v2;
	_ =	sdelay $0x1  }
0x20e: {  	vm9 =	veq.s32 v43, v11;
	v45 =	vmax.f32 v12, v44  }
0x20f: {  	v12 =	vsel vm9, v45, v12  }
0x210: {  	v46 =	vperm.xlane v11, v5;
	v47 =	vperm.xlane v12, v5;
	_ =	sdelay $0x1  }
0x211: {  	vm10 =	veq.s32 v46, v11;
	v48 =	vmax.f32 v12, v47  }
0x212: {  	v12 =	vsel vm10, v48, v12  }
0x213: {  	v49 =	vperm.xlane v11, v3;
	v50 =	vperm.xlane v12, v3;
	_ =	sdelay $0x1  }
0x214: {  	vm11 =	veq.s32 v49, v11;
	v51 =	vmax.f32 v12, v50  }
0x215: {  	v12 =	vsel vm11, v51, v12  }
0x216: {  	v52 =	vperm.xlane v11, v8;
	v53 =	vperm.xlane v12, v8;
	_ =	sdelay $0x1  }
0x217: {  	vm12 =	veq.s32 v52, v11;
	v54 =	vmax.f32 v12, v53  }
0x218: {  	v12 =	vsel vm12, v54, v12  }
0x219: {  	v55 =	vperm.xlane v11, v9;
	v56 =	vperm.xlane v12, v9;
	_ =	sdelay $0x1  }
0x21a: {  	vm13 =	veq.s32 v55, v11;
	v57 =	vmax.f32 v12, v56  }
0x21b: {  	v12 =	vsel vm13, v57, v12  }
0x21c: {  	v58 =	vperm.xlane v11, v6;
	v59 =	vperm.xlane v12, v6;
	_ =	sdelay $0x1  }
0x21d: {  	vm14 =	veq.s32 v58, v11;
	v60 =	vmax.f32 v12, v59  }
0x21e: {  	v61 =	vld.idx.msk [tilespmem:v11+s16+$0x0], $0xffff;
	v12 =	vsel vm14, v60, v12  }
0x21f: {  	v62 =	vperm.xlane v11, v10;
	v15 =	vperm.xlane v12, v10  }
.Ltmp12:
0x220: {  	_ = 	snop;
	(pc) =	sbr.rel @p5 .LBB2_23-.Ltmp12, $4  }
0x221: {  	vm15 =	veq.s32 v62, v11;
	v63 =	vmax.f32 v12, v15  }
0x222: {  	v12 =	vsel vm15, v63, v12  }
0x223: {  	v12 =	vmax.f32 v61, v12  }
0x224: {  	[tilespmem:v11+s16+$0x0] =	vst.idx.msk $0xffff, v12  }
0x225: {  	s1 =	sadd.s32 $0x3, s1  }
0x226: {  	s6 =	smul.u32 $0xFA00, s1;
	_ =	sdelay $0x1  }
0x227: {  	s6 =	sadd.s32 s11, s6  }
.Ltmp13:
0x228: {  	s6 =	sshrl.u32 s6, $0x3;
	(pc) =	sbr.rel .LBB2_17-.Ltmp13, $4  }
0x229: {  	s1 =	smul.u32 $0xFA, s1;
	s6 =	sadd.s32 s5, s6  }
0x22a: {  	[tilespmem:s19], [sflag:$0x6] =	stream.linear.gather [hbm4b:s6+s3], $0x7D0, $0x38;
	[tilespmem:$0x1D880] =	vst v63  }
0x22b: {  	s21 =	sadd.s32 $0x1, s21;
	s1 =	sadd.s32 s4, s1  }
0x22c: {  	[tilespmem:s15], [sflag:$0x8] =	stream.linear.gather [hbm4b:s1+s3], $0x7D0, $0x38;
	[tilespmem:$0x1D880] =	vst v63  }
.LBB2_24:
0x22d: {  	_ =	sfence.sel $0x180000  }
0x22e: {  	[bflag:$0x0] =	sbarrier.arrive $0xFFFF  }
0x22f: {  	_ =	strace $0x9000004A  }
0x230: {  	[bflag:$0x2] =	sbarrier.arrive $0xFFFF  }
0x231: {  	p0 =	sne.s32 s14, $0x0;
	s0 =	rddreg [dreg:$0x3]  }
0x232: {  	s0 =	sadd.s32 @!p0 $0x100000, s0  }
0x233: {  	[sflag:s0] =	ssyncadd.tile.s32 @!p0 $0x1;
	_ =	shalt  }
.Lfunc_end2:
_tile_overlayer_lowered:
.L_overlay_start_2:
0x234: {  	(tag) =	ssettag $0x2  }
0x235: {  	s0 =	rddreg [dreg:$0x0];
	s2 =	stileid.u32  }
0x236: {  	s1 =	rddreg [dreg:$0x1];
	p0 =	sne.s32 s2, $0x0  }
0x237: {  	s3 =	rddreg [dreg:$0x2];
	[bflag:$0x3] =	sbarrier.arrive $0xFFFF;
	s2 =	simm.s32 @!p0 $0x1C09  }
0x238: {  	[timem:s3], [sflag:s2] =	dma.local @!p0 [hbm:s0], s1  }
0x239: {  	s0 =	simm.s32 @!p0 $0x9  }
0x23a: {  	_ =	swait.ge @!p0 [sflag:s0], s1  }
0x23b: {  	s1 =	ssub.s32 @!p0 $0x0, s1;
	[sflag:s0] =	ssyncset.done @!p0 $0x0  }
0x23c: {  	[sflag:s0] =	ssyncadd.s32 @!p0 s1  }
0x23d: {  	[bflag:$0x3] =	sbarrier.arrive $0xFFFF  }
0x23e: {  	_ =	shalt  }

// kernel: kernel.8.cloned.1.call-start
scs
__scs_entry_jumppad:
0x0: {  	(pc) =	sbr.rel $0x88, $3  }
0x1: {  	(tag) =	ssettag $0x0;
	lr =	simm.s32 $0x1  }
0x2: {  	[smem:$0x3F7E] =	sst lr;
	_ =	strace $0xD0000000  }
0x3: {  	_ = 	snop  }
0x4: {  	_ = 	snop  }
0x5: {  	_ = 	snop  }
0x6: {  	_ = 	snop  }
0x7: {  	_ = 	snop  }
__scs_overlays_trampoline_lowered:
0x8: {  	[smem:$0x3F8D] =	sst s0  }
0x9: {  	[smem:$0x3F8E] =	sst s1  }
0xa: {  	[smem:$0x3F8F] =	sst s2  }
0xb: {  	[smem:$0x3F90] =	sst s3  }
0xc: {  	[smem:$0x3F91] =	sst s4  }
0xd: {  	[smem:$0x3F92] =	sst s5  }
0xe: {  	[smem:$0x3F93] =	sst s6  }
0xf: {  	[smem:$0x3F94] =	sst s7  }
0x10: {  	[smem:$0x3F95] =	sst s8  }
0x11: {  	[smem:$0x3F96] =	sst s9;
	s0 =	simm.s32 @!p0 $0x0  }
0x12: {  	s1 =	sld [smem:$0x3F7C];
	s0 =	simm.s32 @p0 $0x1  }
0x13: {  	[smem:$0x3F97] =	sst s0;
	s0 =	simm.s32 @!p1 $0x0  }
0x14: {  	s2 =	sld [smem:$0x3F7B];
	s0 =	simm.s32 @p1 $0x1  }
0x15: {  	[smem:$0x3F98] =	sst s0;
	s0 =	simm.s32 @!p2 $0x0  }
0x16: {  	s3 =	sld [smem:$0x3FDB];
	s0 =	simm.s32 @p2 $0x1  }
0x17: {  	s4 =	simm.s32 $0x1BF5;
	[smem:$0x3F9A] =	sst s0  }
0x18: {  	s0 =	sld [smem:$0x3F7D];
	_ =	swait.ge [sflag:s4], $0x0  }
0x19: {  	s7 =	sld [smem:$0x3F7E]  }
0x1a: {  	s8 =	sadd.s32 $0xFFFFE003, lr  }
0x1b: {  	s9 =	sadd.s32 $0xFFFFFEF7, lr;
	s5 =	simm.s32 $0xFFFFFFFF;
	p2 =	slt.u32 s8, $0xFFFFF086  }
0x1c: {  	p1 =	slt.u32 s9, $0xF7A;
	s5 =	simm.s32 @!p2 $0x0  }
0x1d: {  	s5 =	simm.s32 @p1 $0x1;
	p0 =	seq.s32 s7, s2  }
0x1e: {  	s7 =	smul.u32 @!p0 $0xF7A, s2;
	p2 =	seq.s32 @!p0 s5, $0x0  }
0x1f: {  	s9 =	smul.u32 $0xF7A, s1;
	s8 =	simm.s32 @!p0 $0x1BF5;
	p2 =	por !p2, p0  }
0x20: {  	[sflag:s8] =	ssyncset.s32 @!p0 $0xFFFFF086;
	s6 =	sadd.s32 @!p0 s3, s7;
	s7 =	simm.s32 @!p0 $0x108  }
0x21: {  	s3 =	sadd.s32 s3, s9;
	s6 =	sadd.s32 @!p0 $0x88, s6;
	s7 =	simm.s32 @p2 $0x1082  }
0x22: {  	[simem:s7], [sflag:s8] =	dma.local @!p0 [hbm:s6], $0xF7A  }
0x23: {  	s9 =	sor.u32 $0xD0000000, s2;
	s6 =	simm.s32 $0x108;
	_ =	swait.ge @!p0 [sflag:s8], $0x0  }
0x24: {  	s3 =	sadd.s32 $0x88, s3;
	s6 =	simm.s32 @!p1 $0x1082;
	[sflag:s4] =	ssyncset.s32 $0xFFFFF086  }
0x25: {  	[simem:s6], [sflag:s4] =	dma.local [hbm:s3], $0xF7A  }
0x26: {  	[smem:$0x3F7E] =	sst s1;
	(tag) =	ssettag s2;
	_ =	strace s9  }
0x27: {  	s1 =	sld [smem:$0x3F8E]  }
0x28: {  	s2 =	sld [smem:$0x3F8F]  }
0x29: {  	s4 =	sld [smem:$0x3F91]  }
0x2a: {  	p0 =	seq.s32 s5, $0x0;
	s5 =	sld [smem:$0x3F92]  }
0x2b: {  	s6 =	sld [smem:$0x3F93]  }
0x2c: {  	s7 =	sld [smem:$0x3F94]  }
0x2d: {  	s3 =	simm.s32 $0x108;
	s8 =	sld [smem:$0x3F95]  }
0x2e: {  	s3 =	simm.s32 @!p0 $0x1082;
	s9 =	sld [smem:$0x3F96]  }
0x2f: {  	lr =	sadd.s32 s0, s3;
	s0 =	sld [smem:$0x3F8D]  }
0x30: {  	s3 =	sld [smem:$0x3F90]  }
0x31: {  	[smem:$0x3F99] =	sst s10  }
0x32: {  	s10 =	sld [smem:$0x3F97];
	_ =	sdelay $0x3  }
0x33: {  	p0 =	seq.s32 s10, $0x1;
	s10 =	sld [smem:$0x3F99];
	_ =	sdelay $0x3  }
0x34: {  	[smem:$0x3F99] =	sst s10  }
0x35: {  	s10 =	sld [smem:$0x3F98];
	_ =	sdelay $0x3  }
0x36: {  	p1 =	seq.s32 s10, $0x1;
	s10 =	sld [smem:$0x3F99];
	_ =	sdelay $0x3  }
0x37: {  	[smem:$0x3F99] =	sst s10  }
0x38: {  	s10 =	sld [smem:$0x3F9A]  }
0x39: {  	_ = 	snop;
	(pc) =	sbr.ind lr, $3  }
0x3a: {  	_ = 	snop  }
0x3b: {  	_ = 	snop  }
0x3c: {  	p2 =	seq.s32 s10, $0x1;
	s10 =	sld [smem:$0x3F99]  }
0x3d: {  	_ =	shalt  }
0x3e: {  	_ =	shalt  }
0x3f: {  	_ =	shalt  }
0x40: {  	_ =	shalt  }
0x41: {  	_ =	shalt  }
0x42: {  	_ =	shalt  }
0x43: {  	_ =	shalt  }
0x44: {  	_ =	shalt  }
0x45: {  	_ =	shalt  }
0x46: {  	_ =	shalt  }
0x47: {  	_ =	shalt  }
0x48: {  	_ =	shalt  }
0x49: {  	_ =	shalt  }
0x4a: {  	_ =	shalt  }
0x4b: {  	_ =	shalt  }
0x4c: {  	_ =	shalt  }
0x4d: {  	_ =	shalt  }
0x4e: {  	_ =	shalt  }
0x4f: {  	_ =	shalt  }
0x50: {  	_ =	shalt  }
0x51: {  	_ =	shalt  }
0x52: {  	_ =	shalt  }
0x53: {  	_ =	shalt  }
0x54: {  	_ =	shalt  }
0x55: {  	_ =	shalt  }
0x56: {  	_ =	shalt  }
0x57: {  	_ =	shalt  }
0x58: {  	_ =	shalt  }
0x59: {  	_ =	shalt  }
0x5a: {  	_ =	shalt  }
0x5b: {  	_ =	shalt  }
0x5c: {  	_ =	shalt  }
0x5d: {  	_ =	shalt  }
0x5e: {  	_ =	shalt  }
0x5f: {  	_ =	shalt  }
0x60: {  	_ =	shalt  }
0x61: {  	_ =	shalt  }
0x62: {  	_ =	shalt  }
0x63: {  	_ =	shalt  }
0x64: {  	_ =	shalt  }
0x65: {  	_ =	shalt  }
0x66: {  	_ =	shalt  }
0x67: {  	_ =	shalt  }
0x68: {  	_ =	shalt  }
0x69: {  	_ =	shalt  }
0x6a: {  	_ =	shalt  }
0x6b: {  	_ =	shalt  }
0x6c: {  	_ =	shalt  }
0x6d: {  	_ =	shalt  }
0x6e: {  	_ =	shalt  }
0x6f: {  	_ =	shalt  }
0x70: {  	_ =	shalt  }
0x71: {  	_ =	shalt  }
0x72: {  	_ =	shalt  }
0x73: {  	_ =	shalt  }
0x74: {  	_ =	shalt  }
0x75: {  	_ =	shalt  }
0x76: {  	_ =	shalt  }
0x77: {  	_ =	shalt  }
0x78: {  	_ =	shalt  }
0x79: {  	_ =	shalt  }
0x7a: {  	_ =	shalt  }
0x7b: {  	_ =	shalt  }
0x7c: {  	_ =	shalt  }
0x7d: {  	_ =	shalt  }
0x7e: {  	_ =	shalt  }
0x7f: {  	_ =	shalt  }
0x80: {  	_ =	shalt  }
0x81: {  	_ =	shalt  }
0x82: {  	_ =	shalt  }
0x83: {  	_ =	shalt  }
0x84: {  	_ =	shalt  }
0x85: {  	_ =	shalt  }
0x86: {  	_ =	shalt  }
0x87: {  	_ =	shalt  }
.Lfunc_end0:
.L_simem_size_0:
called_computation_lowered:
.L_overlay_start_0:
0x88: {  	s2 =	sld [smem:$0x3FD9]  }
0x89: {  	s3 =	sld [smem:$0x3FFE];
	_ =	sdelay $0x1  }
0x8a: {  	s1 =	srdreg.scid  }
0x8b: {  	s0 =	sand.u32 $0x1, s1  }
0x8c: {  	s17 =	sshll.u32 s0, $0xA;
	s2 =	sadd.s32 s3, s2  }
0x8d: {  	s2 =	sadd.s32 s2, s17  }
0x8e: {  	[smem:$0x3FA5] =	sst s2  }
0x8f: {  	_ = 	snop  }
0x90: {  	s2 =	sld [smem:$0x3FD0];
	(tm) =	ssettm $0x1  }
0x91: {  	s18 =	sld [smem:$0x3FFB];
	_ =	sdelay $0x3  }
0x92: {  	_ =	strace s18  }
0x93: {  	s3 =	sld [smem:$0x3FFC];
	_ =	sdelay $0x3  }
0x94: {  	_ =	strace s3  }
0x95: {  	s3 =	sld [smem:$0x3FFD];
	_ =	sdelay $0x3  }
0x96: {  	_ =	strace s3  }
0x97: {  	_ =	strace $0x8FFFFFFF  }
0x98: {  	s19 =	sld [smem:$0x3FDB];
	_ =	sdelay $0x1  }
0x99: {  	s4 =	simm.s32 $_scs_section_size  }
0x9a: {  	s5 =	simm.s32 $_size__tile_overlayer_lowered;
	s6 =	simm.s32 $_tile_overlayer_lowered  }
0x9b: {  	s22 =	simm.s32 $0x1BFF;
	s21 =	sshll.u32 s6, $0x1;
	s3 =	sadd.s32 s4, s19  }
0x9c: {  	s7 =	simm.s32 $0x0;
	s20 =	sshll.u32 s5, $0x1;
	s5 =	sadd.s32 s21, s3  }
0x9d: {  	[timem:s7], [sflag:s22] =	dma.local [hbm:s5], s20  }
0x9e: {  	_ =	swait.ge [sflag:s22], s20  }
0x9f: {  	s4 =	ssub.s32 $0x0, s20;
	[sflag:s22] =	ssyncset.done $0x0  }
0xa0: {  	[sflag:s22] =	ssyncadd.s32 s4;
	_ =	sdelay $0x1  }
0xa1: {  	s23 =	simm.s32 $0x1B8B  }
0xa2: {  	_ =	swait.ge [sflag:s23], $0x1  }
0xa3: {  	[sflag:s23] =	ssyncset.done $0x0  }
0xa4: {  	s25 =	simm.s32 $0x1B8E;
	s24 =	sld [smem:$0x3FFE];
	[sflag:s23] =	ssyncadd.s32 $0xFFFFFFFF  }
0xa5: {  	s26 =	simm.s32 $execute0_lowered;
	[smem:$0x3FD2] =	sst s25  }
0xa6: {  	s5 =	sshll.u32 s26, $0x1;
	_ =	strace $0x80000046;
	[dreg:$0x1] =	wrdreg $0xFFFFFFFF  }
0xa7: {  	s28 =	simm.s32 $_size_execute0_lowered;
	s3 =	sadd.s32 s3, s5;
	[dreg:$0x0] =	wrdreg $0x0  }
0xa8: {  	s5 =	sshll.u32 s28, $0x1;
	[dreg:$0x2] =	wrdreg s3  }
0xa9: {  	[dreg:$0x3] =	wrdreg s5  }
0xaa: {  	[dreg:$0x4] =	wrdreg $0xC0  }
0xab: {  	_ =	task [dreg:s7], $0x5FFFF  }
0xac: {  	[dreg:$0x1] =	wrdreg $0xFFFFFFFF  }
0xad: {  	[dreg:$0x0] =	wrdreg $0x60  }
0xae: {  	[dreg:$0x2] =	wrdreg s2  }
0xaf: {  	[dreg:$0x3] =	wrdreg s24  }
0xb0: {  	[dreg:$0x4] =	wrdreg $0x9  }
0xb1: {  	_ =	task.clear_ibuf [dreg:s7], $0x5FFFF;
	_ =	strace $0x90000046  }
0xb2: {  	s29 =	simm.s32 $0x9;
	_ =	strace $0x80000048  }
0xb3: {  	_ =	swait.ge [sflag:s29], $0x1  }
0xb4: {  	[sflag:s29] =	ssyncadd.s32 $0xFFFFFFFF  }
0xb5: {  	_ =	strace $0x90000048  }
0xb6: {  	_ =	sfence  }
0xb7: {  	s30 =	sld [smem:$0x0];
	_ =	sdelay $0x2  }
0xb8: {  	s31 =	sshll.u32 s1, $0xD;
	s1 =	sshrl.u32 s1, $0x2  }
0xb9: {  	s3 =	sand.u32 $0x4000, s31;
	s1 =	sadd.s32 s1, s30  }
0xba: {  	s0 =	sor.u32 s3, s0;
	s1 =	sshll.u32 s1, $0x11  }
0xbb: {  	s0 =	sor.u32 s1, s0  }
0xbc: {  	s0 =	sadd.s32 $0x8F2B, s0  }
0xbd: {  	[sflag:s0] =	ssyncadd.remote.s32 $0x1  }
0xbe: {  	_ =	sfence.sel $0xFFFF  }
0xbf: {  	[dreg:$0x0] =	wrdreg $0xFFFFFFFF;
	(pc) =	sbr.abs _section_cstart, $3  }
0xc0: {  	[dreg:$0x1] =	wrdreg $0xFFFFFFFF  }
0xc1: {  	_ =	task.clear_ibuf [dreg:s7], $0x2FFFF;
	_ =	strace $0x9FFFFFFF  }
0xc2: {  	(tm) =	ssettm $0x7FFFFFFF  }
0xc3: {  	_ =	shalt  }
tec
execute0_lowered:
.L_overlay_start_1:
0x0: {  	(tag) =	ssettag $0x1  }
0x1: {  	s22 =	rddreg [dreg:$0x0]  }
0x2: {  	s0 =	rddreg [dreg:$0x1];
	s2 =	simm.s32 $0x0  }
0x3: {  	[smem:$0x7FF] =	sst s2  }
0x4: {  	s3 =	sadd.s32 $0x56600, s0;
	s4 =	sadd.s32 $0x8200, s0;
	s5 =	sadd.s32 $0x2F400, s0  }
0x5: {  	s1 =	sadd.s32 $0x87600, s0;
	s13 =	sadd.s32 $0x9B200, s0;
	s7 =	sadd.s32 $0xA5000, s0  }
0x6: {  	s8 =	sadd.s32 $0x587000, s0;
	_ =	strace $0x80000047;
	[dreg:$0xb] =	wrdreg s7  }
0x7: {  	s15 =	sadd.s32 $0x7D800, s0;
	s10 =	sadd.s32 $0xA69000, s0;
	[dreg:$0xc] =	wrdreg s8  }
0x8: {  	s16 =	sadd.s32 $0x91400, s0;
	s0 =	sadd.s32 $0xF4B000, s0;
	[dreg:$0xd] =	wrdreg s10  }
0x9: {  	[dreg:$0xe] =	wrdreg s0  }
0xa: {  	[dreg:$0x7] =	wrdreg s1  }
0xb: {  	s6 =	srdreg.scid;
	[dreg:$0x8] =	wrdreg s13  }
0xc: {  	s14 =	stileid.u32;
	[dreg:$0x9] =	wrdreg s15  }
0xd: {  	s18 =	smul.u32 $0x9C4, s14;
	[dreg:$0xa] =	wrdreg s16  }
0xe: {  	s28 =	simm.s32 $0x4400;
	s6 =	sand.u32 $0x1, s6;
	[smem:$0x7FC] =	sst s3  }
0xf: {  	s9 =	smul.u32 $0x4E20, s14;
	[smem:$0x7FD] =	sst s4;
	s12 =	sadd.s32 s18, s13  }
0x10: {  	s21 =	smul.u32 $0x271000, s14;
	s24 =	sadd.s32 s18, s1;
	[dreg:$0x3] =	wrdreg s12  }
0x11: {  	s10 =	sshrl.u32 s9, $0x3;
	s7 =	sadd.s32 s18, s15;
	[dreg:$0x4] =	wrdreg s24  }
0x12: {  	s25 =	ssub.s32 $0x2, s6;
	s19 =	sadd.s32 s1, s10;
	[dreg:$0x6] =	wrdreg s7  }
0x13: {  	s8 =	sshrl.u32 s21, $0x3;
	s20 =	sadd.s32 s13, s10;
	[dreg:$0xf] =	wrdreg s19  }
0x14: {  	s26 =	sshrl.u32 s25, $0x1;
	s17 =	sadd.s32 $0x4C800, s8;
	[dreg:$0x10] =	wrdreg s20  }
0x15: {  	s0 =	ssub.s32 s25, s26;
	s25 =	sadd.s32 s18, s16;
	[dreg:$0x11] =	wrdreg s17  }
0x16: {  	s29 =	simm.s32 $0x10400;
	s26 =	sadd.s32 $0x4D000, s8;
	[dreg:$0x5] =	wrdreg s25  }
0x17: {  	s9 =	sadd.s32 $0x4E00, s9;
	s8 =	sadd.s32 $0x4D800, s8;
	[dreg:$0x12] =	wrdreg s26  }
0x18: {  	s30 =	simm.s32 $0x100;
	s12 =	sshrl.u32 s9, $0x3;
	[dreg:$0x13] =	wrdreg s8  }
0x19: {  	s31 =	simm.s32 $0x0;
	s18 =	sadd.s32 s15, s10;
	[dreg:$0x14] =	wrdreg s12  }
0x1a: {  	p0 =	seq.s32 s6, $0x1;
	s6 =	sadd.s32 s16, s10;
	[dreg:$0x16] =	wrdreg s18  }
0x1b: {  	s23 =	sadd.s32 $0x10, s10;
	s17 =	sshll.u32 s9, $0x4;
	[dreg:$0x17] =	wrdreg s6  }
0x1c: {  	s11 =	sadd.s32 $0x20, s10;
	s19 =	sadd.s32 s1, s23;
	[dreg:$0x15] =	wrdreg s17  }
0x1d: {  	s7 =	simm.s32 $0x1;
	s20 =	sadd.s32 s13, s23;
	[dreg:$0x18] =	wrdreg s19  }
0x1e: {  	s10 =	simm.s32 $0x2;
	s21 =	sadd.s32 s15, s23;
	[dreg:$0x19] =	wrdreg s20  }
0x1f: {  	s23 =	sadd.s32 s16, s23;
	s1 =	sadd.s32 s1, s11;
	[dreg:$0x1a] =	wrdreg s21  }
0x20: {  	s24 =	sadd.s32 s13, s11;
	s25 =	sadd.s32 s15, s11;
	[dreg:$0x1b] =	wrdreg s23  }
0x21: {  	s26 =	sadd.s32 s16, s11;
	s0 =	smax.u32 s0, $0x1;
	[dreg:$0x1c] =	wrdreg s1  }
0x22: {  	s15 =	smul.u32 $0x4E200, s14;
	s16 =	simm.s32 $0x7;
	[dreg:$0x1d] =	wrdreg s24  }
.Ltmp0:
0x23: {  	s6 =	simm.s32 $0x14400;
	[dreg:$0x1e] =	wrdreg s25;
	(pc) =	sbr.rel .LBB2_1-.Ltmp0, $4  }
0x24: {  	s9 =	simm.s32 $0x4;
	s8 =	simm.s32 $0x5;
	[dreg:$0x1f] =	wrdreg s26  }
0x25: {  	s11 =	simm.s32 $0x3;
	s12 =	simm.s32 $0x6;
	[smem:$0x7FB] =	sst s0  }
0x26: {  	s21 =	simm.s32 $0x180;
	s23 =	simm.s32 $0x80;
	s24 =	simm.s32 $0x400  }
0x27: {  	s25 =	simm.s32 $0xC400;
	s26 =	simm.s32 $0x200;
	s0 =	simm.s32 $0x8400  }
.LBB2_7:
0x28: {  	[tilespmem:s3], [sflag:$0x3] =	stream.indirect.gather [hbm4b:s5+s23], $0x80, s0, s23, $0xb8;
	[tilespmem:$0x18400] =	vst v63  }
0x29: {  	s14 =	rddreg [dreg:$0xd]  }
0x2a: {  	s13 =	rddreg [dreg:$0xe]  }
0x2b: {  	s20 =	rddreg [dreg:$0x9]  }
0x2c: {  	s19 =	rddreg [dreg:$0xa]  }
0x2d: {  	s3 =	sld [smem:$0x7FC]  }
0x2e: {  	s17 =	smov.u32 s4;
	s22 =	rddreg [dreg:$0x0]  }
0x2f: {  	s18 =	smov.u32 s5;
	s6 =	simm.s32 $0x14400;
	s31 =	sld [smem:$0x7FA]  }
.LBB2_8:
0x30: {  	_ =	swait.ge [sflag:s7], $0x4000  }
0x31: {  	[sflag:s7] =	ssyncset.done $0x0  }
0x32: {  	[sflag:s7] =	ssyncadd.s32 $0xFFFFC000  }
0x33: {  	_ =	swait.ge [sflag:s7], $0x4000  }
0x34: {  	[sflag:s7] =	ssyncset.done $0x0;
	s21 =	rddreg [dreg:$0x11]  }
0x35: {  	s24 =	simm.s32 $0x400;
	s1 =	sadd.s32 s14, s21;
	[sflag:s7] =	ssyncadd.s32 $0xFFFFC000  }
0x36: {  	[hbm4b:s1+s2] =	stream.linear.scatter [tilespmem:s24], [sflag:$0x4], $0x4000, $0x38;
	[tilespmem:$0x18400] =	vst v63  }
0x37: {  	s25 =	simm.s32 $0xC400;
	s21 =	sadd.s32 s13, s21  }
0x38: {  	[hbm4b:s21+s2] =	stream.linear.scatter [tilespmem:s25], [sflag:$0x4], $0x4000, $0x38;
	[tilespmem:$0x18400] =	vst v63  }
0x39: {  	_ =	swait.ge [sflag:s9], $0x4000  }
0x3a: {  	[sflag:s9] =	ssyncset.done $0x0  }
0x3b: {  	[sflag:s9] =	ssyncadd.s32 $0xFFFFC000  }
0x3c: {  	_ =	swait.ge [sflag:s9], $0x4000  }
0x3d: {  	[sflag:s9] =	ssyncset.done $0x0  }
0x3e: {  	[sflag:s9] =	ssyncadd.s32 $0xFFFFC000  }
0x3f: {  	_ =	swait.ge [sflag:s10], $0x4000  }
0x40: {  	[sflag:s10] =	ssyncset.done $0x0  }
0x41: {  	[sflag:s10] =	ssyncadd.s32 $0xFFFFC000  }
0x42: {  	_ =	swait.ge [sflag:s10], $0x4000  }
0x43: {  	[sflag:s10] =	ssyncset.done $0x0;
	s26 =	rddreg [dreg:$0x12]  }
0x44: {  	s28 =	simm.s32 $0x4400;
	s0 =	sadd.s32 s14, s26;
	[sflag:s10] =	ssyncadd.s32 $0xFFFFC000  }
0x45: {  	[hbm4b:s0+s2] =	stream.linear.scatter [tilespmem:s28], [sflag:$0x5], $0x4000, $0x38;
	[tilespmem:$0x18400] =	vst v63  }
0x46: {  	s29 =	simm.s32 $0x10400;
	s21 =	sadd.s32 s13, s26  }
0x47: {  	[hbm4b:s21+s2] =	stream.linear.scatter [tilespmem:s29], [sflag:$0x5], $0x4000, $0x38;
	[tilespmem:$0x18400] =	vst v63  }
0x48: {  	_ =	swait.ge [sflag:s8], $0x4000  }
0x49: {  	[sflag:s8] =	ssyncset.done $0x0  }
0x4a: {  	[sflag:s8] =	ssyncadd.s32 $0xFFFFC000  }
0x4b: {  	_ =	swait.ge [sflag:s8], $0x4000  }
0x4c: {  	[sflag:s8] =	ssyncset.done $0x0  }
0x4d: {  	[sflag:s8] =	ssyncadd.s32 $0xFFFFC000  }
0x4e: {  	_ =	swait.ge [sflag:s11], $0x4000  }
0x4f: {  	[sflag:s11] =	ssyncset.done $0x0  }
0x50: {  	[sflag:s11] =	ssyncadd.s32 $0xFFFFC000  }
0x51: {  	_ =	swait.ge [sflag:s11], $0x4000  }
0x52: {  	[sflag:s11] =	ssyncset.done $0x0;
	s21 =	rddreg [dreg:$0x13]  }
0x53: {  	s0 =	simm.s32 $0x8400;
	s26 =	sadd.s32 s14, s21;
	[sflag:s11] =	ssyncadd.s32 $0xFFFFC000  }
0x54: {  	[hbm4b:s26+s2] =	stream.linear.scatter [tilespmem:s0], [sflag:$0x6], $0x4000, $0x38;
	[tilespmem:$0x18400] =	vst v63  }
0x55: {  	s21 =	sadd.s32 s13, s21  }
0x56: {  	[hbm4b:s21+s2] =	stream.linear.scatter [tilespmem:s6], [sflag:$0x6], $0x4000, $0x38;
	[tilespmem:$0x18400] =	vst v63  }
0x57: {  	_ =	swait.ge [sflag:s12], $0x4000  }
0x58: {  	[sflag:s12] =	ssyncset.done $0x0  }
0x59: {  	[sflag:s12] =	ssyncadd.s32 $0xFFFFC000  }
0x5a: {  	_ =	swait.ge [sflag:s12], $0x4000  }
0x5b: {  	[sflag:s12] =	ssyncset.done $0x0;
	s21 =	rddreg [dreg:$0x14]  }
0x5c: {  	s26 =	sadd.s32 s20, s21;
	[sflag:s12] =	ssyncadd.s32 $0xFFFFC000;
	s20 =	simm.s32 $0x300  }
0x5d: {  	[tilespmem:s20], [sflag:$0x7] =	stream.linear.gather [hbm4b:s26+s2], $0x20, $0x38;
	[tilespmem:$0x18400] =	vst v63  }
0x5e: {  	_ =	swait.ge [sflag:s16], $0x20  }
0x5f: {  	[sflag:s16] =	ssyncset.done $0x0  }
0x60: {  	s19 =	sadd.s32 s19, s21;
	s21 =	simm.s32 $0x380;
	[sflag:s16] =	ssyncadd.s32 $0xFFFFFFE0  }
0x61: {  	[tilespmem:s21], [sflag:$0x7] =	stream.linear.gather [hbm4b:s19+s2], $0x20, $0x38;
	[tilespmem:$0x18400] =	vst v63  }
0x62: {  	_ =	swait.ge [sflag:s16], $0x20  }
0x63: {  	[sflag:s16] =	ssyncset.done $0x0  }
0x64: {  	s26 =	simm.s32 $0x20;
	[sflag:s16] =	ssyncadd.s32 $0xFFFFFFE0  }
0x65: {  	[tilespmem:s24], [sflag:$0x1] =	stream.indirect.gather [hbm4b:s17+s26], $0x80, s20, s26, $0xb8;
	[tilespmem:$0x18400] =	vst v63  }
0x66: {  	_ = 	snop  }
0x67: {  	[tilespmem:s25], [sflag:$0x1] =	stream.indirect.gather [hbm4b:s18+s26], $0x80, s21, s26, $0xb8;
	[tilespmem:$0x18400] =	vst v63  }
0x68: {  	_ =	swait.ge [sflag:s7], $0x1000  }
0x69: {  	[sflag:s7] =	ssyncset.done $0x0  }
0x6a: {  	[sflag:s7] =	ssyncadd.s32 $0xFFFFF000  }
0x6b: {  	_ =	swait.ge [sflag:s7], $0x1000  }
0x6c: {  	[sflag:s7] =	ssyncset.done $0x0;
	s19 =	rddreg [dreg:$0x15]  }
0x6d: {  	s20 =	sadd.s32 s14, s19;
	[sflag:s7] =	ssyncadd.s32 $0xFFFFF000  }
0x6e: {  	[hbm4b:s20+s2] =	stream.linear.scatter [tilespmem:s24], [sflag:$0x7], $0x1000, $0x38;
	[tilespmem:$0x18400] =	vst v63  }
0x6f: {  	_ =	swait.ge [sflag:s16], $0x1000  }
0x70: {  	[sflag:s16] =	ssyncset.done $0x0  }
0x71: {  	s21 =	sadd.s32 s13, s19;
	[sflag:s16] =	ssyncadd.s32 $0xFFFFF000  }
0x72: {  	[hbm4b:s21+s2] =	stream.linear.scatter [tilespmem:s25], [sflag:$0x7], $0x1000, $0x38;
	[tilespmem:$0x18400] =	vst v63  }
0x73: {  	_ =	swait.ge [sflag:s16], $0x1000  }
0x74: {  	s26 =	sld [smem:$0x7FB];
	_ =	sdelay $0x1  }
0x75: {  	s31 =	sadd.s32 $0x1, s31  }
0x76: {  	p1 =	sne.s32 s31, s26  }
.Ltmp1:
0x77: {  	_ = 	snop;
	(pc) =	sbr.rel @!p1 .LBB2_9-.Ltmp1, $3  }
0x78: {  	_ =	sdelay $0x1  }
0x79: {  	s30 =	simm.s32 $0x100;
	[sflag:s16] =	ssyncset.done $0x0  }
0x7a: {  	s21 =	simm.s32 $0x180;
	[sflag:s16] =	ssyncadd.s32 $0xFFFFF000;
	s26 =	simm.s32 $0x200  }
.LBB2_1:
.Ltmp2:
0x7b: {  	(pc) =	sbr.rel @!p0 .LBB2_2-.Ltmp2, $2  }
0x7c: {  	_ =	sdelay $0x2  }
0x7d: {  	[smem:$0x7FA] =	sst s31  }
0x7e: {  	s1 =	simm.s32 $0x0;
	s13 =	rddreg [dreg:$0x16]  }
0x7f: {  	[tilespmem:s1], [sflag:$0x7] =	stream.linear.gather [hbm4b:s13+s1], $0x80, $0x38;
	[tilespmem:$0x18400] =	vst v63  }
0x80: {  	_ =	swait.ge [sflag:s16], $0x80  }
0x81: {  	[sflag:s16] =	ssyncset.done $0x0  }
0x82: {  	s20 =	rddreg [dreg:$0x17];
	[sflag:s16] =	ssyncadd.s32 $0xFFFFFF80  }
0x83: {  	[tilespmem:s21], [sflag:$0x7] =	stream.linear.gather [hbm4b:s20+s1], $0x80, $0x38;
	[tilespmem:$0x18400] =	vst v63  }
0x84: {  	_ =	swait.ge [sflag:s16], $0x80  }
0x85: {  	[sflag:s16] =	ssyncset.done $0x0  }
0x86: {  	[sflag:s16] =	ssyncadd.s32 $0xFFFFFF80  }
0x87: {  	[tilespmem:s24], [sflag:$0x1] =	stream.indirect.gather [hbm4b:s4+s23], $0x80, s1, s23, $0xb8;
	[tilespmem:$0x18400] =	vst v63  }
0x88: {  	_ = 	snop  }
0x89: {  	[tilespmem:s25], [sflag:$0x1] =	stream.indirect.gather [hbm4b:s5+s23], $0x80, s21, s23, $0xb8;
	[tilespmem:$0x18400] =	vst v63  }
0x8a: {  	s22 =	rddreg [dreg:$0x1a]  }
0x8b: {  	[tilespmem:s23], [sflag:$0x7] =	stream.linear.gather [hbm4b:s22+s1], $0x80, $0x38;
	[tilespmem:$0x18400] =	vst v63  }
0x8c: {  	_ =	swait.ge [sflag:s16], $0x80  }
0x8d: {  	[sflag:s16] =	ssyncset.done $0x0  }
0x8e: {  	s3 =	rddreg [dreg:$0x1b];
	[sflag:s16] =	ssyncadd.s32 $0xFFFFFF80  }
0x8f: {  	[tilespmem:s26], [sflag:$0x7] =	stream.linear.gather [hbm4b:s3+s1], $0x80, $0x38;
	[tilespmem:$0x18400] =	vst v63  }
0x90: {  	_ =	swait.ge [sflag:s16], $0x80  }
0x91: {  	[sflag:s16] =	ssyncset.done $0x0  }
0x92: {  	[sflag:s16] =	ssyncadd.s32 $0xFFFFFF80  }
0x93: {  	[tilespmem:s28], [sflag:$0x2] =	stream.indirect.gather [hbm4b:s4+s23], $0x80, s23, s23, $0xb8;
	[tilespmem:$0x18400] =	vst v63  }
0x94: {  	_ = 	snop  }
0x95: {  	[tilespmem:s29], [sflag:$0x2] =	stream.indirect.gather [hbm4b:s5+s23], $0x80, s26, s23, $0xb8;
	[tilespmem:$0x18400] =	vst v63  }
0x96: {  	s14 =	rddreg [dreg:$0x1e]  }
0x97: {  	[tilespmem:s30], [sflag:$0x7] =	stream.linear.gather [hbm4b:s14+s1], $0x80, $0x38;
	[tilespmem:$0x18400] =	vst v63  }
0x98: {  	_ =	swait.ge [sflag:s16], $0x80  }
0x99: {  	[sflag:s16] =	ssyncset.done $0x0  }
0x9a: {  	s3 =	simm.s32 $0x280;
	s17 =	rddreg [dreg:$0x1f];
	[sflag:s16] =	ssyncadd.s32 $0xFFFFFF80  }
0x9b: {  	[tilespmem:s3], [sflag:$0x7] =	stream.linear.gather [hbm4b:s17+s1], $0x80, $0x38;
	[tilespmem:$0x18400] =	vst v63  }
0x9c: {  	_ =	swait.ge [sflag:s16], $0x80  }
0x9d: {  	[sflag:s16] =	ssyncset.done $0x0  }
0x9e: {  	[sflag:s16] =	ssyncadd.s32 $0xFFFFFF80  }
0x9f: {  	[tilespmem:s0], [sflag:$0x3] =	stream.indirect.gather [hbm4b:s4+s23], $0x80, s30, s23, $0xb8;
	[tilespmem:$0x18400] =	vst v63  }
0xa0: {  	_ = 	snop  }
0xa1: {  	[tilespmem:s6], [sflag:$0x3] =	stream.indirect.gather [hbm4b:s5+s23], $0x80, s3, s23, $0xb8;
	[tilespmem:$0x18400] =	vst v63  }
0xa2: {  	_ =	swait.ge [sflag:s7], $0x4000  }
0xa3: {  	[sflag:s7] =	ssyncset.done $0x0  }
0xa4: {  	[sflag:s7] =	ssyncadd.s32 $0xFFFFC000  }
0xa5: {  	_ =	swait.ge [sflag:s7], $0x4000  }
0xa6: {  	s18 =	rddreg [dreg:$0x6]  }
0xa7: {  	[sflag:s7] =	ssyncset.done $0x0;
	s19 =	rddreg [dreg:$0xd]  }
0xa8: {  	s20 =	rddreg [dreg:$0xe];
	[sflag:s7] =	ssyncadd.s32 $0xFFFFC000;
	s13 =	sadd.s32 s19, s15  }
0xa9: {  	[hbm4b:s13+s2] =	stream.linear.scatter [tilespmem:s24], [sflag:$0x4], $0x4000, $0x38;
	[tilespmem:$0x18400] =	vst v63  }
0xaa: {  	s14 =	sadd.s32 s20, s15;
	s1 =	sadd.s32 $0x0, s18  }
0xab: {  	[hbm4b:s14+s2] =	stream.linear.scatter [tilespmem:s25], [sflag:$0x4], $0x4000, $0x38;
	[tilespmem:$0x18400] =	vst v63  }
0xac: {  	s17 =	sadd.s32 $0x30, s1  }
0xad: {  	[tilespmem:s2], [sflag:$0x7] =	stream.linear.gather [hbm4b:s17+s2], $0x80, $0x38;
	[tilespmem:$0x18400] =	vst v63  }
0xae: {  	_ =	swait.ge [sflag:s16], $0x80  }
0xaf: {  	s22 =	rddreg [dreg:$0x5]  }
0xb0: {  	[sflag:s16] =	ssyncset.done $0x0;
	s17 =	sadd.s32 $0x0, s22  }
0xb1: {  	[sflag:s16] =	ssyncadd.s32 $0xFFFFFF80;
	s18 =	sadd.s32 $0x30, s17  }
0xb2: {  	[tilespmem:s21], [sflag:$0x7] =	stream.linear.gather [hbm4b:s18+s2], $0x80, $0x38;
	[tilespmem:$0x18400] =	vst v63  }
0xb3: {  	_ =	swait.ge [sflag:s16], $0x80  }
0xb4: {  	[sflag:s16] =	ssyncset.done $0x0  }
0xb5: {  	[sflag:s16] =	ssyncadd.s32 $0xFFFFFF80  }
0xb6: {  	_ =	swait.ge [sflag:s9], $0x4000  }
0xb7: {  	[sflag:s9] =	ssyncset.done $0x0  }
0xb8: {  	[sflag:s9] =	ssyncadd.s32 $0xFFFFC000  }
0xb9: {  	_ =	swait.ge [sflag:s9], $0x4000  }
0xba: {  	[sflag:s9] =	ssyncset.done $0x0  }
0xbb: {  	[sflag:s9] =	ssyncadd.s32 $0xFFFFC000  }
0xbc: {  	[tilespmem:s24], [sflag:$0x1] =	stream.indirect.gather [hbm4b:s4+s23], $0x80, s2, s23, $0xb8;
	[tilespmem:$0x18400] =	vst v63  }
0xbd: {  	_ = 	snop  }
0xbe: {  	[tilespmem:s25], [sflag:$0x1] =	stream.indirect.gather [hbm4b:s5+s23], $0x80, s21, s23, $0xb8;
	[tilespmem:$0x18400] =	vst v63  }
0xbf: {  	_ =	swait.ge [sflag:s10], $0x4000  }
0xc0: {  	[sflag:s10] =	ssyncset.done $0x0  }
0xc1: {  	[sflag:s10] =	ssyncadd.s32 $0xFFFFC000  }
0xc2: {  	_ =	swait.ge [sflag:s10], $0x4000  }
0xc3: {  	[sflag:s10] =	ssyncset.done $0x0  }
0xc4: {  	s25 =	sadd.s32 $0x800, s13;
	[sflag:s10] =	ssyncadd.s32 $0xFFFFC000  }
0xc5: {  	[hbm4b:s25+s2] =	stream.linear.scatter [tilespmem:s28], [sflag:$0x5], $0x4000, $0x38;
	[tilespmem:$0x18400] =	vst v63  }
0xc6: {  	s21 =	sadd.s32 $0x800, s14  }
0xc7: {  	[hbm4b:s21+s2] =	stream.linear.scatter [tilespmem:s29], [sflag:$0x5], $0x4000, $0x38;
	[tilespmem:$0x18400] =	vst v63  }
0xc8: {  	s22 =	sadd.s32 $0x40, s1  }
0xc9: {  	[tilespmem:s23], [sflag:$0x7] =	stream.linear.gather [hbm4b:s22+s2], $0x80, $0x38;
	[tilespmem:$0x18400] =	vst v63  }
0xca: {  	_ =	swait.ge [sflag:s16], $0x80  }
0xcb: {  	[sflag:s16] =	ssyncset.done $0x0  }
0xcc: {  	s24 =	sadd.s32 $0x40, s17;
	[sflag:s16] =	ssyncadd.s32 $0xFFFFFF80  }
0xcd: {  	[tilespmem:s26], [sflag:$0x7] =	stream.linear.gather [hbm4b:s24+s2], $0x80, $0x38;
	[tilespmem:$0x18400] =	vst v63  }
0xce: {  	_ =	swait.ge [sflag:s16], $0x80  }
0xcf: {  	[sflag:s16] =	ssyncset.done $0x0  }
0xd0: {  	[sflag:s16] =	ssyncadd.s32 $0xFFFFFF80  }
0xd1: {  	_ =	swait.ge [sflag:s8], $0x4000  }
0xd2: {  	[sflag:s8] =	ssyncset.done $0x0  }
0xd3: {  	[sflag:s8] =	ssyncadd.s32 $0xFFFFC000  }
0xd4: {  	_ =	swait.ge [sflag:s8], $0x4000  }
0xd5: {  	[sflag:s8] =	ssyncset.done $0x0  }
0xd6: {  	[sflag:s8] =	ssyncadd.s32 $0xFFFFC000  }
0xd7: {  	[tilespmem:s28], [sflag:$0x2] =	stream.indirect.gather [hbm4b:s4+s23], $0x80, s23, s23, $0xb8;
	[tilespmem:$0x18400] =	vst v63  }
0xd8: {  	_ = 	snop  }
0xd9: {  	[tilespmem:s29], [sflag:$0x2] =	stream.indirect.gather [hbm4b:s5+s23], $0x80, s26, s23, $0xb8;
	[tilespmem:$0x18400] =	vst v63  }
0xda: {  	_ =	swait.ge [sflag:s11], $0x4000  }
0xdb: {  	[sflag:s11] =	ssyncset.done $0x0  }
0xdc: {  	[sflag:s11] =	ssyncadd.s32 $0xFFFFC000  }
0xdd: {  	_ =	swait.ge [sflag:s11], $0x4000  }
0xde: {  	[sflag:s11] =	ssyncset.done $0x0  }
0xdf: {  	s13 =	sadd.s32 $0x1000, s13;
	[sflag:s11] =	ssyncadd.s32 $0xFFFFC000  }
0xe0: {  	[hbm4b:s13+s2] =	stream.linear.scatter [tilespmem:s0], [sflag:$0x6], $0x4000, $0x38;
	[tilespmem:$0x18400] =	vst v63  }
0xe1: {  	s25 =	sadd.s32 $0x1000, s14  }
0xe2: {  	[hbm4b:s25+s2] =	stream.linear.scatter [tilespmem:s6], [sflag:$0x6], $0x4000, $0x38;
	[tilespmem:$0x18400] =	vst v63  }
0xe3: {  	s1 =	sadd.s32 $0x50, s1  }
0xe4: {  	[tilespmem:s30], [sflag:$0x7] =	stream.linear.gather [hbm4b:s1+s2], $0x80, $0x38;
	[tilespmem:$0x18400] =	vst v63  }
0xe5: {  	_ =	swait.ge [sflag:s16], $0x80  }
0xe6: {  	[sflag:s16] =	ssyncset.done $0x0  }
0xe7: {  	s26 =	sadd.s32 $0x50, s17;
	[sflag:s16] =	ssyncadd.s32 $0xFFFFFF80  }
0xe8: {  	[tilespmem:s3], [sflag:$0x7] =	stream.linear.gather [hbm4b:s26+s2], $0x80, $0x38;
	[tilespmem:$0x18400] =	vst v63  }
0xe9: {  	_ =	swait.ge [sflag:s16], $0x80  }
0xea: {  	[sflag:s16] =	ssyncset.done $0x0  }
0xeb: {  	[sflag:s16] =	ssyncadd.s32 $0xFFFFFF80  }
0xec: {  	_ =	swait.ge [sflag:s12], $0x4000  }
0xed: {  	s31 =	simm.s32 $0x100;
	s18 =	smov.u32 s20;
	[sflag:s12] =	ssyncset.done $0x0  }
0xee: {  	s14 =	simm.s32 $0x30;
	s24 =	simm.s32 $0x180;
	[sflag:s12] =	ssyncadd.s32 $0xFFFFC000  }
0xef: {  	s28 =	simm.s32 $0x200;
	s17 =	smov.u32 s19;
	_ =	swait.ge [sflag:s12], $0x4000  }
0xf0: {  	s29 =	simm.s32 $0x4400;
	s6 =	simm.s32 $0x8400;
	[sflag:s12] =	ssyncset.done $0x0  }
0xf1: {  	s25 =	simm.s32 $0x400;
	s3 =	simm.s32 $0x14400;
	[sflag:s12] =	ssyncadd.s32 $0xFFFFC000  }
0xf2: {  	[tilespmem:s0], [sflag:$0x3] =	stream.indirect.gather [hbm4b:s4+s23], $0x80, s30, s23, $0xb8;
	[tilespmem:$0x18400] =	vst v63  }
0xf3: {  	s26 =	simm.s32 $0xC400;
	s0 =	simm.s32 $0x280;
	s30 =	simm.s32 $0x10400  }
.LBB2_6:
0xf4: {  	[tilespmem:s3], [sflag:$0x3] =	stream.indirect.gather [hbm4b:s5+s23], $0x80, s0, s23, $0xb8;
	[tilespmem:$0x18400] =	vst v63  }
0xf5: {  	_ =	swait.ge [sflag:s7], $0x4000  }
0xf6: {  	[sflag:s7] =	ssyncset.done $0x0  }
0xf7: {  	[sflag:s7] =	ssyncadd.s32 $0xFFFFC000  }
0xf8: {  	s17 =	sadd.s32 $0x1800, s17;
	_ =	swait.ge [sflag:s7], $0x4000  }
0xf9: {  	s18 =	sadd.s32 $0x1800, s18;
	s1 =	smov.u32 s14;
	[sflag:s7] =	ssyncset.done $0x0  }
0xfa: {  	s21 =	sadd.s32 s17, s15;
	s13 =	rddreg [dreg:$0x6];
	[sflag:s7] =	ssyncadd.s32 $0xFFFFC000  }
0xfb: {  	[hbm4b:s21+s2] =	stream.linear.scatter [tilespmem:s25], [sflag:$0x4], $0x4000, $0x38;
	[tilespmem:$0x18400] =	vst v63  }
0xfc: {  	s19 =	sadd.s32 s18, s15;
	s20 =	sadd.s32 s1, s13  }
0xfd: {  	[hbm4b:s19+s2] =	stream.linear.scatter [tilespmem:s26], [sflag:$0x4], $0x4000, $0x38;
	[tilespmem:$0x18400] =	vst v63  }
0xfe: {  	s13 =	sadd.s32 $0x30, s20  }
0xff: {  	[tilespmem:s2], [sflag:$0x7] =	stream.linear.gather [hbm4b:s13+s2], $0x80, $0x38;
	[tilespmem:$0x18400] =	vst v63  }
0x100: {  	_ =	swait.ge [sflag:s16], $0x80  }
0x101: {  	s22 =	rddreg [dreg:$0x5]  }
0x102: {  	[sflag:s16] =	ssyncset.done $0x0;
	s13 =	sadd.s32 s1, s22  }
0x103: {  	[sflag:s16] =	ssyncadd.s32 $0xFFFFFF80;
	s1 =	sadd.s32 $0x30, s13  }
0x104: {  	[tilespmem:s24], [sflag:$0x7] =	stream.linear.gather [hbm4b:s1+s2], $0x80, $0x38;
	[tilespmem:$0x18400] =	vst v63  }
0x105: {  	_ =	swait.ge [sflag:s16], $0x80  }
0x106: {  	[sflag:s16] =	ssyncset.done $0x0  }
0x107: {  	[sflag:s16] =	ssyncadd.s32 $0xFFFFFF80  }
0x108: {  	_ =	swait.ge [sflag:s9], $0x4000  }
0x109: {  	[sflag:s9] =	ssyncset.done $0x0  }
0x10a: {  	[sflag:s9] =	ssyncadd.s32 $0xFFFFC000  }
0x10b: {  	_ =	swait.ge [sflag:s9], $0x4000  }
0x10c: {  	[sflag:s9] =	ssyncset.done $0x0  }
0x10d: {  	[sflag:s9] =	ssyncadd.s32 $0xFFFFC000  }
0x10e: {  	[tilespmem:s25], [sflag:$0x1] =	stream.indirect.gather [hbm4b:s4+s23], $0x80, s2, s23, $0xb8;
	[tilespmem:$0x18400] =	vst v63  }
0x10f: {  	_ = 	snop  }
0x110: {  	[tilespmem:s26], [sflag:$0x1] =	stream.indirect.gather [hbm4b:s5+s23], $0x80, s24, s23, $0xb8;
	[tilespmem:$0x18400] =	vst v63  }
0x111: {  	_ =	swait.ge [sflag:s10], $0x4000  }
0x112: {  	[sflag:s10] =	ssyncset.done $0x0  }
0x113: {  	[sflag:s10] =	ssyncadd.s32 $0xFFFFC000  }
0x114: {  	_ =	swait.ge [sflag:s10], $0x4000  }
0x115: {  	[sflag:s10] =	ssyncset.done $0x0  }
0x116: {  	s1 =	sadd.s32 $0x800, s21;
	[sflag:s10] =	ssyncadd.s32 $0xFFFFC000  }
0x117: {  	[hbm4b:s1+s2] =	stream.linear.scatter [tilespmem:s29], [sflag:$0x5], $0x4000, $0x38;
	[tilespmem:$0x18400] =	vst v63  }
0x118: {  	s22 =	sadd.s32 $0x800, s19  }
0x119: {  	[hbm4b:s22+s2] =	stream.linear.scatter [tilespmem:s30], [sflag:$0x5], $0x4000, $0x38;
	[tilespmem:$0x18400] =	vst v63  }
0x11a: {  	s1 =	sadd.s32 $0x40, s20  }
0x11b: {  	[tilespmem:s23], [sflag:$0x7] =	stream.linear.gather [hbm4b:s1+s2], $0x80, $0x38;
	[tilespmem:$0x18400] =	vst v63  }
0x11c: {  	_ =	swait.ge [sflag:s16], $0x80  }
0x11d: {  	[sflag:s16] =	ssyncset.done $0x0  }
0x11e: {  	s22 =	sadd.s32 $0x40, s13;
	[sflag:s16] =	ssyncadd.s32 $0xFFFFFF80  }
0x11f: {  	[tilespmem:s28], [sflag:$0x7] =	stream.linear.gather [hbm4b:s22+s2], $0x80, $0x38;
	[tilespmem:$0x18400] =	vst v63  }
0x120: {  	_ =	swait.ge [sflag:s16], $0x80  }
0x121: {  	[sflag:s16] =	ssyncset.done $0x0  }
0x122: {  	[sflag:s16] =	ssyncadd.s32 $0xFFFFFF80  }
0x123: {  	_ =	swait.ge [sflag:s8], $0x4000  }
0x124: {  	[sflag:s8] =	ssyncset.done $0x0  }
0x125: {  	[sflag:s8] =	ssyncadd.s32 $0xFFFFC000  }
0x126: {  	_ =	swait.ge [sflag:s8], $0x4000  }
0x127: {  	[sflag:s8] =	ssyncset.done $0x0  }
0x128: {  	[sflag:s8] =	ssyncadd.s32 $0xFFFFC000  }
0x129: {  	[tilespmem:s29], [sflag:$0x2] =	stream.indirect.gather [hbm4b:s4+s23], $0x80, s23, s23, $0xb8;
	[tilespmem:$0x18400] =	vst v63  }
0x12a: {  	_ = 	snop  }
0x12b: {  	[tilespmem:s30], [sflag:$0x2] =	stream.indirect.gather [hbm4b:s5+s23], $0x80, s28, s23, $0xb8;
	[tilespmem:$0x18400] =	vst v63  }
0x12c: {  	_ =	swait.ge [sflag:s11], $0x4000  }
0x12d: {  	[sflag:s11] =	ssyncset.done $0x0  }
0x12e: {  	[sflag:s11] =	ssyncadd.s32 $0xFFFFC000  }
0x12f: {  	_ =	swait.ge [sflag:s11], $0x4000  }
0x130: {  	[sflag:s11] =	ssyncset.done $0x0  }
0x131: {  	s22 =	sadd.s32 $0x1000, s21;
	[sflag:s11] =	ssyncadd.s32 $0xFFFFC000  }
0x132: {  	[hbm4b:s22+s2] =	stream.linear.scatter [tilespmem:s6], [sflag:$0x6], $0x4000, $0x38;
	[tilespmem:$0x18400] =	vst v63  }
0x133: {  	s19 =	sadd.s32 $0x1000, s19  }
0x134: {  	[hbm4b:s19+s2] =	stream.linear.scatter [tilespmem:s3], [sflag:$0x6], $0x4000, $0x38;
	[tilespmem:$0x18400] =	vst v63  }
0x135: {  	s21 =	sadd.s32 $0x50, s20  }
0x136: {  	[tilespmem:s31], [sflag:$0x7] =	stream.linear.gather [hbm4b:s21+s2], $0x80, $0x38;
	[tilespmem:$0x18400] =	vst v63  }
0x137: {  	_ =	swait.ge [sflag:s16], $0x80  }
0x138: {  	[sflag:s16] =	ssyncset.done $0x0  }
0x139: {  	s22 =	sadd.s32 $0x50, s13;
	[sflag:s16] =	ssyncadd.s32 $0xFFFFFF80  }
0x13a: {  	[tilespmem:s0], [sflag:$0x7] =	stream.linear.gather [hbm4b:s22+s2], $0x80, $0x38;
	[tilespmem:$0x18400] =	vst v63  }
0x13b: {  	_ =	swait.ge [sflag:s16], $0x80  }
0x13c: {  	[sflag:s16] =	ssyncset.done $0x0  }
0x13d: {  	[sflag:s16] =	ssyncadd.s32 $0xFFFFFF80  }
0x13e: {  	_ =	swait.ge [sflag:s12], $0x4000  }
0x13f: {  	p1 =	sne.s32 s14, $0x960;
	[sflag:s12] =	ssyncset.done $0x0  }
.Ltmp3:
0x140: {  	[sflag:s12] =	ssyncadd.s32 $0xFFFFC000;
	(pc) =	sbr.rel @p1 .LBB2_6-.Ltmp3, $4  }
0x141: {  	_ =	swait.ge [sflag:s12], $0x4000  }
0x142: {  	[sflag:s12] =	ssyncset.done $0x0  }
0x143: {  	s14 =	sadd.s32 $0x30, s14;
	[sflag:s12] =	ssyncadd.s32 $0xFFFFC000  }
0x144: {  	[tilespmem:s6], [sflag:$0x3] =	stream.indirect.gather [hbm4b:s4+s23], $0x80, s31, s23, $0xb8;
	[tilespmem:$0x18400] =	vst v63  }
.Ltmp4:
0x145: {  	_ = 	snop;
	(pc) =	sbr.rel .LBB2_7-.Ltmp4, $1  }
0x146: {  	_ =	sdelay $0x3  }
.LBB2_2:
0x147: {  	s13 =	simm.s32 $0x0;
	s1 =	rddreg [dreg:$0xf]  }
0x148: {  	[tilespmem:s13], [sflag:$0x7] =	stream.linear.gather [hbm4b:s1+s13], $0x80, $0x38;
	[tilespmem:$0x18400] =	vst v63  }
0x149: {  	_ =	swait.ge [sflag:s16], $0x80  }
0x14a: {  	[sflag:s16] =	ssyncset.done $0x0  }
0x14b: {  	s19 =	rddreg [dreg:$0x10];
	[sflag:s16] =	ssyncadd.s32 $0xFFFFFF80  }
0x14c: {  	[tilespmem:s21], [sflag:$0x7] =	stream.linear.gather [hbm4b:s19+s13], $0x80, $0x38;
	[tilespmem:$0x18400] =	vst v63  }
0x14d: {  	_ =	swait.ge [sflag:s16], $0x80  }
0x14e: {  	[sflag:s16] =	ssyncset.done $0x0  }
0x14f: {  	[sflag:s16] =	ssyncadd.s32 $0xFFFFFF80  }
0x150: {  	[tilespmem:s24], [sflag:$0x1] =	stream.indirect.gather [hbm4b:s22+s23], $0x80, s13, s23, $0xb8;
	[tilespmem:$0x18400] =	vst v63  }
0x151: {  	_ = 	snop  }
0x152: {  	[tilespmem:s25], [sflag:$0x1] =	stream.indirect.gather [hbm4b:s3+s23], $0x80, s21, s23, $0xb8;
	[tilespmem:$0x18400] =	vst v63  }
0x153: {  	s20 =	rddreg [dreg:$0x18]  }
0x154: {  	[tilespmem:s23], [sflag:$0x7] =	stream.linear.gather [hbm4b:s20+s13], $0x80, $0x38;
	[tilespmem:$0x18400] =	vst v63  }
0x155: {  	_ =	swait.ge [sflag:s16], $0x80  }
0x156: {  	[sflag:s16] =	ssyncset.done $0x0  }
0x157: {  	s4 =	rddreg [dreg:$0x19];
	[sflag:s16] =	ssyncadd.s32 $0xFFFFFF80  }
0x158: {  	[tilespmem:s26], [sflag:$0x7] =	stream.linear.gather [hbm4b:s4+s13], $0x80, $0x38;
	[tilespmem:$0x18400] =	vst v63  }
0x159: {  	_ =	swait.ge [sflag:s16], $0x80  }
0x15a: {  	[sflag:s16] =	ssyncset.done $0x0  }
0x15b: {  	[sflag:s16] =	ssyncadd.s32 $0xFFFFFF80  }
0x15c: {  	[tilespmem:s28], [sflag:$0x2] =	stream.indirect.gather [hbm4b:s22+s23], $0x80, s23, s23, $0xb8;
	[tilespmem:$0x18400] =	vst v63  }
0x15d: {  	_ = 	snop  }
0x15e: {  	[tilespmem:s29], [sflag:$0x2] =	stream.indirect.gather [hbm4b:s3+s23], $0x80, s26, s23, $0xb8;
	[tilespmem:$0x18400] =	vst v63  }
0x15f: {  	s14 =	rddreg [dreg:$0x1c]  }
0x160: {  	[tilespmem:s30], [sflag:$0x7] =	stream.linear.gather [hbm4b:s14+s13], $0x80, $0x38;
	[tilespmem:$0x18400] =	vst v63  }
0x161: {  	_ =	swait.ge [sflag:s16], $0x80  }
0x162: {  	[sflag:s16] =	ssyncset.done $0x0  }
0x163: {  	s4 =	simm.s32 $0x280;
	s17 =	rddreg [dreg:$0x1d];
	[sflag:s16] =	ssyncadd.s32 $0xFFFFFF80  }
0x164: {  	[tilespmem:s4], [sflag:$0x7] =	stream.linear.gather [hbm4b:s17+s13], $0x80, $0x38;
	[tilespmem:$0x18400] =	vst v63  }
0x165: {  	_ =	swait.ge [sflag:s16], $0x80  }
0x166: {  	[sflag:s16] =	ssyncset.done $0x0  }
0x167: {  	[sflag:s16] =	ssyncadd.s32 $0xFFFFFF80  }
0x168: {  	[tilespmem:s0], [sflag:$0x3] =	stream.indirect.gather [hbm4b:s22+s23], $0x80, s30, s23, $0xb8;
	[tilespmem:$0x18400] =	vst v63  }
0x169: {  	_ = 	snop  }
0x16a: {  	[tilespmem:s6], [sflag:$0x3] =	stream.indirect.gather [hbm4b:s3+s23], $0x80, s4, s23, $0xb8;
	[tilespmem:$0x18400] =	vst v63  }
0x16b: {  	_ =	swait.ge [sflag:s7], $0x4000  }
0x16c: {  	[sflag:s7] =	ssyncset.done $0x0  }
0x16d: {  	[sflag:s7] =	ssyncadd.s32 $0xFFFFC000  }
0x16e: {  	_ =	swait.ge [sflag:s7], $0x4000  }
0x16f: {  	s18 =	rddreg [dreg:$0x4]  }
0x170: {  	[sflag:s7] =	ssyncset.done $0x0;
	s1 =	rddreg [dreg:$0xb]  }
0x171: {  	s20 =	rddreg [dreg:$0xc];
	[sflag:s7] =	ssyncadd.s32 $0xFFFFC000;
	s14 =	sadd.s32 s1, s15  }
0x172: {  	[hbm4b:s14+s2] =	stream.linear.scatter [tilespmem:s24], [sflag:$0x4], $0x4000, $0x38;
	[tilespmem:$0x18400] =	vst v63  }
0x173: {  	s17 =	sadd.s32 s20, s15;
	s13 =	sadd.s32 $0x0, s18  }
0x174: {  	[hbm4b:s17+s2] =	stream.linear.scatter [tilespmem:s25], [sflag:$0x4], $0x4000, $0x38;
	[tilespmem:$0x18400] =	vst v63  }
0x175: {  	s18 =	sadd.s32 $0x30, s13  }
0x176: {  	[tilespmem:s2], [sflag:$0x7] =	stream.linear.gather [hbm4b:s18+s2], $0x80, $0x38;
	[tilespmem:$0x18400] =	vst v63  }
0x177: {  	_ =	swait.ge [sflag:s16], $0x80  }
0x178: {  	s19 =	rddreg [dreg:$0x3]  }
0x179: {  	[sflag:s16] =	ssyncset.done $0x0;
	s18 =	sadd.s32 $0x0, s19  }
0x17a: {  	[sflag:s16] =	ssyncadd.s32 $0xFFFFFF80;
	s19 =	sadd.s32 $0x30, s18  }
0x17b: {  	[tilespmem:s21], [sflag:$0x7] =	stream.linear.gather [hbm4b:s19+s2], $0x80, $0x38;
	[tilespmem:$0x18400] =	vst v63  }
0x17c: {  	_ =	swait.ge [sflag:s16], $0x80  }
0x17d: {  	[sflag:s16] =	ssyncset.done $0x0  }
0x17e: {  	[sflag:s16] =	ssyncadd.s32 $0xFFFFFF80  }
0x17f: {  	_ =	swait.ge [sflag:s9], $0x4000  }
0x180: {  	[sflag:s9] =	ssyncset.done $0x0  }
0x181: {  	[sflag:s9] =	ssyncadd.s32 $0xFFFFC000  }
0x182: {  	_ =	swait.ge [sflag:s9], $0x4000  }
0x183: {  	[sflag:s9] =	ssyncset.done $0x0  }
0x184: {  	[sflag:s9] =	ssyncadd.s32 $0xFFFFC000  }
0x185: {  	[tilespmem:s24], [sflag:$0x1] =	stream.indirect.gather [hbm4b:s22+s23], $0x80, s2, s23, $0xb8;
	[tilespmem:$0x18400] =	vst v63  }
0x186: {  	_ = 	snop  }
0x187: {  	[tilespmem:s25], [sflag:$0x1] =	stream.indirect.gather [hbm4b:s3+s23], $0x80, s21, s23, $0xb8;
	[tilespmem:$0x18400] =	vst v63  }
0x188: {  	_ =	swait.ge [sflag:s10], $0x4000  }
0x189: {  	[sflag:s10] =	ssyncset.done $0x0  }
0x18a: {  	[sflag:s10] =	ssyncadd.s32 $0xFFFFC000  }
0x18b: {  	_ =	swait.ge [sflag:s10], $0x4000  }
0x18c: {  	[sflag:s10] =	ssyncset.done $0x0  }
0x18d: {  	s24 =	sadd.s32 $0x800, s14;
	[sflag:s10] =	ssyncadd.s32 $0xFFFFC000  }
0x18e: {  	[hbm4b:s24+s2] =	stream.linear.scatter [tilespmem:s28], [sflag:$0x5], $0x4000, $0x38;
	[tilespmem:$0x18400] =	vst v63  }
0x18f: {  	s25 =	sadd.s32 $0x800, s17  }
0x190: {  	[hbm4b:s25+s2] =	stream.linear.scatter [tilespmem:s29], [sflag:$0x5], $0x4000, $0x38;
	[tilespmem:$0x18400] =	vst v63  }
0x191: {  	s21 =	sadd.s32 $0x40, s13  }
0x192: {  	[tilespmem:s23], [sflag:$0x7] =	stream.linear.gather [hbm4b:s21+s2], $0x80, $0x38;
	[tilespmem:$0x18400] =	vst v63  }
0x193: {  	_ =	swait.ge [sflag:s16], $0x80  }
0x194: {  	[sflag:s16] =	ssyncset.done $0x0  }
0x195: {  	s24 =	sadd.s32 $0x40, s18;
	[sflag:s16] =	ssyncadd.s32 $0xFFFFFF80  }
0x196: {  	[tilespmem:s26], [sflag:$0x7] =	stream.linear.gather [hbm4b:s24+s2], $0x80, $0x38;
	[tilespmem:$0x18400] =	vst v63  }
0x197: {  	_ =	swait.ge [sflag:s16], $0x80  }
0x198: {  	[sflag:s16] =	ssyncset.done $0x0  }
0x199: {  	[sflag:s16] =	ssyncadd.s32 $0xFFFFFF80  }
0x19a: {  	_ =	swait.ge [sflag:s8], $0x4000  }
0x19b: {  	[sflag:s8] =	ssyncset.done $0x0  }
0x19c: {  	[sflag:s8] =	ssyncadd.s32 $0xFFFFC000  }
0x19d: {  	_ =	swait.ge [sflag:s8], $0x4000  }
0x19e: {  	[sflag:s8] =	ssyncset.done $0x0  }
0x19f: {  	[sflag:s8] =	ssyncadd.s32 $0xFFFFC000  }
0x1a0: {  	[tilespmem:s28], [sflag:$0x2] =	stream.indirect.gather [hbm4b:s22+s23], $0x80, s23, s23, $0xb8;
	[tilespmem:$0x18400] =	vst v63  }
0x1a1: {  	_ = 	snop  }
0x1a2: {  	[tilespmem:s29], [sflag:$0x2] =	stream.indirect.gather [hbm4b:s3+s23], $0x80, s26, s23, $0xb8;
	[tilespmem:$0x18400] =	vst v63  }
0x1a3: {  	_ =	swait.ge [sflag:s11], $0x4000  }
0x1a4: {  	[sflag:s11] =	ssyncset.done $0x0  }
0x1a5: {  	[sflag:s11] =	ssyncadd.s32 $0xFFFFC000  }
0x1a6: {  	_ =	swait.ge [sflag:s11], $0x4000  }
0x1a7: {  	[sflag:s11] =	ssyncset.done $0x0  }
0x1a8: {  	s14 =	sadd.s32 $0x1000, s14;
	[sflag:s11] =	ssyncadd.s32 $0xFFFFC000  }
0x1a9: {  	[hbm4b:s14+s2] =	stream.linear.scatter [tilespmem:s0], [sflag:$0x6], $0x4000, $0x38;
	[tilespmem:$0x18400] =	vst v63  }
0x1aa: {  	s25 =	sadd.s32 $0x1000, s17  }
0x1ab: {  	[hbm4b:s25+s2] =	stream.linear.scatter [tilespmem:s6], [sflag:$0x6], $0x4000, $0x38;
	[tilespmem:$0x18400] =	vst v63  }
0x1ac: {  	s13 =	sadd.s32 $0x50, s13  }
0x1ad: {  	[tilespmem:s30], [sflag:$0x7] =	stream.linear.gather [hbm4b:s13+s2], $0x80, $0x38;
	[tilespmem:$0x18400] =	vst v63  }
0x1ae: {  	_ =	swait.ge [sflag:s16], $0x80  }
0x1af: {  	[sflag:s16] =	ssyncset.done $0x0  }
0x1b0: {  	s26 =	sadd.s32 $0x50, s18;
	[sflag:s16] =	ssyncadd.s32 $0xFFFFFF80  }
0x1b1: {  	[tilespmem:s4], [sflag:$0x7] =	stream.linear.gather [hbm4b:s26+s2], $0x80, $0x38;
	[tilespmem:$0x18400] =	vst v63  }
0x1b2: {  	_ =	swait.ge [sflag:s16], $0x80  }
0x1b3: {  	[sflag:s16] =	ssyncset.done $0x0  }
0x1b4: {  	[sflag:s16] =	ssyncadd.s32 $0xFFFFFF80  }
0x1b5: {  	_ =	swait.ge [sflag:s12], $0x4000  }
0x1b6: {  	s31 =	simm.s32 $0x100;
	s17 =	smov.u32 s1;
	[sflag:s12] =	ssyncset.done $0x0  }
0x1b7: {  	s24 =	simm.s32 $0x180;
	s28 =	simm.s32 $0x200;
	[sflag:s12] =	ssyncadd.s32 $0xFFFFC000  }
0x1b8: {  	s18 =	smov.u32 s20;
	s29 =	simm.s32 $0x4400;
	_ =	swait.ge [sflag:s12], $0x4000  }
0x1b9: {  	s14 =	simm.s32 $0x30;
	s6 =	simm.s32 $0x8400;
	[sflag:s12] =	ssyncset.done $0x0  }
0x1ba: {  	s25 =	simm.s32 $0x400;
	s4 =	simm.s32 $0x14400;
	[sflag:s12] =	ssyncadd.s32 $0xFFFFC000  }
0x1bb: {  	[tilespmem:s0], [sflag:$0x3] =	stream.indirect.gather [hbm4b:s22+s23], $0x80, s30, s23, $0xb8;
	[tilespmem:$0x18400] =	vst v63  }
0x1bc: {  	s26 =	simm.s32 $0xC400;
	s0 =	simm.s32 $0x280;
	s30 =	simm.s32 $0x10400  }
.LBB2_3:
0x1bd: {  	[tilespmem:s4], [sflag:$0x3] =	stream.indirect.gather [hbm4b:s3+s23], $0x80, s0, s23, $0xb8;
	[tilespmem:$0x18400] =	vst v63  }
0x1be: {  	_ =	swait.ge [sflag:s7], $0x4000  }
0x1bf: {  	[sflag:s7] =	ssyncset.done $0x0  }
0x1c0: {  	[sflag:s7] =	ssyncadd.s32 $0xFFFFC000  }
0x1c1: {  	s17 =	sadd.s32 $0x1800, s17;
	_ =	swait.ge [sflag:s7], $0x4000  }
0x1c2: {  	s18 =	sadd.s32 $0x1800, s18;
	s13 =	smov.u32 s14;
	[sflag:s7] =	ssyncset.done $0x0  }
0x1c3: {  	s21 =	sadd.s32 s17, s15;
	s20 =	rddreg [dreg:$0x4];
	[sflag:s7] =	ssyncadd.s32 $0xFFFFC000  }
0x1c4: {  	[hbm4b:s21+s2] =	stream.linear.scatter [tilespmem:s25], [sflag:$0x4], $0x4000, $0x38;
	[tilespmem:$0x18400] =	vst v63  }
0x1c5: {  	s19 =	sadd.s32 s18, s15;
	s20 =	sadd.s32 s13, s20  }
0x1c6: {  	[hbm4b:s19+s2] =	stream.linear.scatter [tilespmem:s26], [sflag:$0x4], $0x4000, $0x38;
	[tilespmem:$0x18400] =	vst v63  }
0x1c7: {  	s1 =	sadd.s32 $0x30, s20  }
0x1c8: {  	[tilespmem:s2], [sflag:$0x7] =	stream.linear.gather [hbm4b:s1+s2], $0x80, $0x38;
	[tilespmem:$0x18400] =	vst v63  }
0x1c9: {  	_ =	swait.ge [sflag:s16], $0x80  }
0x1ca: {  	s1 =	rddreg [dreg:$0x3]  }
0x1cb: {  	[sflag:s16] =	ssyncset.done $0x0;
	s13 =	sadd.s32 s13, s1  }
0x1cc: {  	[sflag:s16] =	ssyncadd.s32 $0xFFFFFF80;
	s1 =	sadd.s32 $0x30, s13  }
0x1cd: {  	[tilespmem:s24], [sflag:$0x7] =	stream.linear.gather [hbm4b:s1+s2], $0x80, $0x38;
	[tilespmem:$0x18400] =	vst v63  }
0x1ce: {  	_ =	swait.ge [sflag:s16], $0x80  }
0x1cf: {  	[sflag:s16] =	ssyncset.done $0x0  }
0x1d0: {  	[sflag:s16] =	ssyncadd.s32 $0xFFFFFF80  }
0x1d1: {  	_ =	swait.ge [sflag:s9], $0x4000  }
0x1d2: {  	[sflag:s9] =	ssyncset.done $0x0  }
0x1d3: {  	[sflag:s9] =	ssyncadd.s32 $0xFFFFC000  }
0x1d4: {  	_ =	swait.ge [sflag:s9], $0x4000  }
0x1d5: {  	[sflag:s9] =	ssyncset.done $0x0  }
0x1d6: {  	[sflag:s9] =	ssyncadd.s32 $0xFFFFC000  }
0x1d7: {  	[tilespmem:s25], [sflag:$0x1] =	stream.indirect.gather [hbm4b:s22+s23], $0x80, s2, s23, $0xb8;
	[tilespmem:$0x18400] =	vst v63  }
0x1d8: {  	_ = 	snop  }
0x1d9: {  	[tilespmem:s26], [sflag:$0x1] =	stream.indirect.gather [hbm4b:s3+s23], $0x80, s24, s23, $0xb8;
	[tilespmem:$0x18400] =	vst v63  }
0x1da: {  	_ =	swait.ge [sflag:s10], $0x4000  }
0x1db: {  	[sflag:s10] =	ssyncset.done $0x0  }
0x1dc: {  	[sflag:s10] =	ssyncadd.s32 $0xFFFFC000  }
0x1dd: {  	_ =	swait.ge [sflag:s10], $0x4000  }
0x1de: {  	[sflag:s10] =	ssyncset.done $0x0  }
0x1df: {  	s1 =	sadd.s32 $0x800, s21;
	[sflag:s10] =	ssyncadd.s32 $0xFFFFC000  }
0x1e0: {  	[hbm4b:s1+s2] =	stream.linear.scatter [tilespmem:s29], [sflag:$0x5], $0x4000, $0x38;
	[tilespmem:$0x18400] =	vst v63  }
0x1e1: {  	s22 =	sadd.s32 $0x800, s19  }
0x1e2: {  	[hbm4b:s22+s2] =	stream.linear.scatter [tilespmem:s30], [sflag:$0x5], $0x4000, $0x38;
	[tilespmem:$0x18400] =	vst v63  }
0x1e3: {  	s1 =	sadd.s32 $0x40, s20  }
0x1e4: {  	[tilespmem:s23], [sflag:$0x7] =	stream.linear.gather [hbm4b:s1+s2], $0x80, $0x38;
	[tilespmem:$0x18400] =	vst v63  }
0x1e5: {  	s22 =	rddreg [dreg:$0x0];
	_ =	swait.ge [sflag:s16], $0x80  }
0x1e6: {  	[sflag:s16] =	ssyncset.done $0x0  }
0x1e7: {  	s1 =	sadd.s32 $0x40, s13;
	[sflag:s16] =	ssyncadd.s32 $0xFFFFFF80  }
0x1e8: {  	[tilespmem:s28], [sflag:$0x7] =	stream.linear.gather [hbm4b:s1+s2], $0x80, $0x38;
	[tilespmem:$0x18400] =	vst v63  }
0x1e9: {  	_ =	swait.ge [sflag:s16], $0x80  }
0x1ea: {  	[sflag:s16] =	ssyncset.done $0x0  }
0x1eb: {  	[sflag:s16] =	ssyncadd.s32 $0xFFFFFF80  }
0x1ec: {  	_ =	swait.ge [sflag:s8], $0x4000  }
0x1ed: {  	[sflag:s8] =	ssyncset.done $0x0  }
0x1ee: {  	[sflag:s8] =	ssyncadd.s32 $0xFFFFC000  }
0x1ef: {  	_ =	swait.ge [sflag:s8], $0x4000  }
0x1f0: {  	[sflag:s8] =	ssyncset.done $0x0  }
0x1f1: {  	[sflag:s8] =	ssyncadd.s32 $0xFFFFC000  }
0x1f2: {  	[tilespmem:s29], [sflag:$0x2] =	stream.indirect.gather [hbm4b:s22+s23], $0x80, s23, s23, $0xb8;
	[tilespmem:$0x18400] =	vst v63  }
0x1f3: {  	_ = 	snop  }
0x1f4: {  	[tilespmem:s30], [sflag:$0x2] =	stream.indirect.gather [hbm4b:s3+s23], $0x80, s28, s23, $0xb8;
	[tilespmem:$0x18400] =	vst v63  }
0x1f5: {  	_ =	swait.ge [sflag:s11], $0x4000  }
0x1f6: {  	[sflag:s11] =	ssyncset.done $0x0  }
0x1f7: {  	[sflag:s11] =	ssyncadd.s32 $0xFFFFC000  }
0x1f8: {  	_ =	swait.ge [sflag:s11], $0x4000  }
0x1f9: {  	[sflag:s11] =	ssyncset.done $0x0  }
0x1fa: {  	s21 =	sadd.s32 $0x1000, s21;
	[sflag:s11] =	ssyncadd.s32 $0xFFFFC000  }
0x1fb: {  	[hbm4b:s21+s2] =	stream.linear.scatter [tilespmem:s6], [sflag:$0x6], $0x4000, $0x38;
	[tilespmem:$0x18400] =	vst v63  }
0x1fc: {  	s19 =	sadd.s32 $0x1000, s19  }
0x1fd: {  	[hbm4b:s19+s2] =	stream.linear.scatter [tilespmem:s4], [sflag:$0x6], $0x4000, $0x38;
	[tilespmem:$0x18400] =	vst v63  }
0x1fe: {  	s20 =	sadd.s32 $0x50, s20  }
0x1ff: {  	[tilespmem:s31], [sflag:$0x7] =	stream.linear.gather [hbm4b:s20+s2], $0x80, $0x38;
	[tilespmem:$0x18400] =	vst v63  }
0x200: {  	_ =	swait.ge [sflag:s16], $0x80  }
0x201: {  	[sflag:s16] =	ssyncset.done $0x0  }
0x202: {  	s21 =	sadd.s32 $0x50, s13;
	[sflag:s16] =	ssyncadd.s32 $0xFFFFFF80  }
0x203: {  	[tilespmem:s0], [sflag:$0x7] =	stream.linear.gather [hbm4b:s21+s2], $0x80, $0x38;
	[tilespmem:$0x18400] =	vst v63  }
0x204: {  	_ =	swait.ge [sflag:s16], $0x80  }
0x205: {  	[sflag:s16] =	ssyncset.done $0x0  }
0x206: {  	[sflag:s16] =	ssyncadd.s32 $0xFFFFFF80  }
0x207: {  	_ =	swait.ge [sflag:s12], $0x4000  }
0x208: {  	p1 =	seq.s32 s14, $0x960;
	[sflag:s12] =	ssyncset.done $0x0  }
.Ltmp5:
0x209: {  	[sflag:s12] =	ssyncadd.s32 $0xFFFFC000;
	(pc) =	sbr.rel @!p1 .LBB2_3-.Ltmp5, $4  }
0x20a: {  	_ =	swait.ge [sflag:s12], $0x4000  }
0x20b: {  	[sflag:s12] =	ssyncset.done $0x0  }
0x20c: {  	s14 =	sadd.s32 $0x30, s14;
	[sflag:s12] =	ssyncadd.s32 $0xFFFFC000  }
0x20d: {  	[tilespmem:s6], [sflag:$0x3] =	stream.indirect.gather [hbm4b:s22+s23], $0x80, s31, s23, $0xb8;
	[tilespmem:$0x18400] =	vst v63  }
0x20e: {  	[tilespmem:s4], [sflag:$0x3] =	stream.indirect.gather [hbm4b:s3+s23], $0x80, s0, s23, $0xb8;
	[tilespmem:$0x18400] =	vst v63  }
0x20f: {  	s14 =	rddreg [dreg:$0xb]  }
.Ltmp6:
0x210: {  	s13 =	rddreg [dreg:$0xc];
	(pc) =	sbr.rel .LBB2_8-.Ltmp6, $4  }
0x211: {  	s20 =	rddreg [dreg:$0x7]  }
0x212: {  	s19 =	rddreg [dreg:$0x8]  }
0x213: {  	s17 =	smov.u32 s22;
	s4 =	sld [smem:$0x7FD]  }
0x214: {  	s18 =	smov.u32 s3;
	s6 =	simm.s32 $0x14400;
	s31 =	sld [smem:$0x7FA]  }
.LBB2_9:
0x215: {  	_ =	sfence.sel $0x180000  }
0x216: {  	[bflag:$0x0] =	sbarrier.arrive $0xFFFF  }
0x217: {  	_ =	strace $0x90000047  }
0x218: {  	s0 =	stileid.u32;
	[bflag:$0x2] =	sbarrier.arrive $0xFFFF  }
0x219: {  	p0 =	sne.s32 s0, $0x0;
	s0 =	rddreg [dreg:$0x2]  }
0x21a: {  	s0 =	sadd.s32 @!p0 $0x100000, s0  }
0x21b: {  	[sflag:s0] =	ssyncadd.tile.s32 @!p0 $0x1;
	_ =	shalt  }
.Lfunc_end2:
_tile_overlayer_lowered:
.L_overlay_start_2:
0x21c: {  	(tag) =	ssettag $0x2  }
0x21d: {  	s0 =	rddreg [dreg:$0x0];
	s2 =	stileid.u32  }
0x21e: {  	s1 =	rddreg [dreg:$0x1];
	p0 =	sne.s32 s2, $0x0  }
0x21f: {  	s3 =	rddreg [dreg:$0x2];
	[bflag:$0x3] =	sbarrier.arrive $0xFFFF;
	s2 =	simm.s32 @!p0 $0x1C07  }
0x220: {  	[timem:s3], [sflag:s2] =	dma.local @!p0 [hbm:s0], s1  }
0x221: {  	s0 =	simm.s32 @!p0 $0x7  }
0x222: {  	_ =	swait.ge @!p0 [sflag:s0], s1  }
0x223: {  	s1 =	ssub.s32 @!p0 $0x0, s1;
	[sflag:s0] =	ssyncset.done @!p0 $0x0  }
0x224: {  	[sflag:s0] =	ssyncadd.s32 @!p0 s1  }
0x225: {  	[bflag:$0x3] =	sbarrier.arrive $0xFFFF  }
0x226: {  	_ =	shalt  }

</sc_bundles>
